<compile_context>
chip_gen: v7x
topology: tpu7x:2x2x1
jax: 0.10.2.dev20260603
libtpu: 0.0.44.dev20260713+nightly
codegen_flags: <defaults>
</compile_context>

<pallas_src>
import functools

import jax
import jax.numpy as jnp
from jax import lax
from jax.experimental import pallas as pl
from jax.experimental.pallas import tpu as pltpu
from jax.experimental.pallas import tpu_sc as plsc

SS = 2048
DD = 768
EE = 8
TT = 256
PAD = SS * 2 + EE * TT
NB = PAD // TT
NW = 32
CHUNK = SS // NW
HALF = CHUNK // 2
LANES = 16


def _router_body(flat_ref, rw_ref, probs_ref, w0_ref, w1_ref, d0_ref,
                 d1_ref, blk_ref):
    f32 = jnp.float32
    i32 = jnp.int32
    flat = flat_ref[...]
    rw = rw_ref[...]

    logits = lax.dot_general(flat, rw, (((1,), (1,)), ((), ())),
                             preferred_element_type=f32)
    m = jnp.max(logits, axis=1, keepdims=True)
    ex = jnp.exp(logits - m)
    p = ex / jnp.sum(ex, axis=1, keepdims=True)
    probs_ref[...] = p

    iota_e = lax.broadcasted_iota(i32, (SS, EE), 1)
    v0 = jnp.max(p, axis=1, keepdims=True)
    i0 = jnp.min(jnp.where(p == v0, iota_e, EE), axis=1, keepdims=True)
    oh0 = (iota_e == i0).astype(f32)
    pm = p - 2.0 * oh0
    v1 = jnp.max(pm, axis=1, keepdims=True)
    i1 = jnp.min(jnp.where(pm == v1, iota_e, EE), axis=1, keepdims=True)
    oh1 = (iota_e == i1).astype(f32)

    s = v0 + v1
    ones = jnp.ones((1, LANES), f32)
    w0_ref[...] = (v0 / s) * ones
    w1_ref[...] = (v1 / s) * ones

    c0 = jnp.sum(oh0, axis=0, keepdims=True)
    counts = (c0 + jnp.sum(oh1, axis=0, keepdims=True)).astype(i32)
    pc = ((counts + (TT - 1)) // TT) * TT
    po = jnp.concatenate([jnp.zeros((1, 1), i32), pc[:, :EE - 1]], axis=1)
    k = 1
    while k < EE:
        po = po + jnp.concatenate(
            [jnp.zeros((1, k), i32), po[:, :EE - k]], axis=1)
        k *= 2
    ends = po + pc

    bstart = lax.broadcasted_iota(i32, (NB, EE), 0) * TT
    blk = jnp.sum((bstart >= ends).astype(i32), axis=1, keepdims=True)
    blk_ref[...] = jnp.minimum(blk, EE - 1)

    def _cumsum0(a):
        k = 1
        while k < SS:
            a = a + jnp.concatenate(
                [jnp.zeros((k, EE), a.dtype), a[:SS - k]], axis=0)
            k *= 2
        return a

    r0 = _cumsum0(oh0) - oh0
    r1 = _cumsum0(oh1) - oh1
    po_f = po.astype(f32)
    dest0 = jnp.sum((po_f + r0) * oh0, axis=1, keepdims=True)
    dest1 = jnp.sum((po_f + c0 + r1) * oh1, axis=1, keepdims=True)
    d0_ref[...] = dest0.astype(i32)
    d1_ref[...] = dest1.astype(i32)


def _router(flat, router_w):
    f32 = jnp.float32
    i32 = jnp.int32
    out_shapes = (
        jax.ShapeDtypeStruct((SS, EE), f32),
        jax.ShapeDtypeStruct((SS, LANES), f32),
        jax.ShapeDtypeStruct((SS, LANES), f32),
        jax.ShapeDtypeStruct((SS, 1), i32),
        jax.ShapeDtypeStruct((SS, 1), i32),
        jax.ShapeDtypeStruct((NB, 1), i32),
    )
    return pl.pallas_call(_router_body, out_shape=out_shapes)(flat, router_w)


def _mm_body(blk_ref, x_ref, w1_ref, b1_ref, w2_ref, b2_ref, y_ref,
             w1c_ref, w2c_ref):
    f32 = jnp.float32
    bf16 = jnp.bfloat16
    i = pl.program_id(0)
    prev = blk_ref[jnp.maximum(i - 1, 0)]
    changed = jnp.logical_or(i == 0, blk_ref[i] != prev)

    @pl.when(changed)
    def _cast_weights():
        w1c_ref[...] = w1_ref[0].astype(bf16)
        w2c_ref[...] = w2_ref[0].astype(bf16)

    xb = x_ref[...].astype(bf16)
    h = lax.dot_general(xb, w1c_ref[...], (((1,), (1,)), ((), ())),
                        preferred_element_type=f32)
    h = jnp.maximum(h + b1_ref[0], 0.0)
    y = lax.dot_general(h.astype(bf16), w2c_ref[...], (((1,), (1,)), ((), ())),
                        preferred_element_type=f32)
    y_ref[...] = y + b2_ref[0]


def _grouped_mm(blk, xs, w1, b1, w2, b2):
    grid_spec = pltpu.PrefetchScalarGridSpec(
        num_scalar_prefetch=1,
        grid=(NB,),
        in_specs=[
            pl.BlockSpec((TT, DD), lambda i, blk_ref: (i, 0)),
            pl.BlockSpec((1, DD, DD), lambda i, blk_ref: (blk_ref[i], 0, 0)),
            pl.BlockSpec((1, 1, DD), lambda i, blk_ref: (blk_ref[i], 0, 0)),
            pl.BlockSpec((1, DD, DD), lambda i, blk_ref: (blk_ref[i], 0, 0)),
            pl.BlockSpec((1, 1, DD), lambda i, blk_ref: (blk_ref[i], 0, 0)),
        ],
        out_specs=pl.BlockSpec((TT, DD), lambda i, blk_ref: (i, 0)),
        scratch_shapes=[
            pltpu.VMEM((DD, DD), jnp.bfloat16),
            pltpu.VMEM((DD, DD), jnp.bfloat16),
        ],
    )
    return pl.pallas_call(
        _mm_body,
        grid_spec=grid_spec,
        out_shape=jax.ShapeDtypeStruct((PAD, DD), jnp.float32),
    )(blk, xs, w1, b1.reshape(EE, 1, DD), w2, b2.reshape(EE, 1, DD))


def _sc_scatter_body(flat_hbm, d0_hbm, d1_hbm, xs_hbm, i0_v, i1_v, rows_v,
                     s0, s1):
    wid = lax.axis_index("s") * 2 + lax.axis_index("c")
    base = wid * CHUNK
    pltpu.sync_copy(flat_hbm.at[pl.ds(base, CHUNK)], rows_v)
    pltpu.sync_copy(d0_hbm.at[pl.ds(base, CHUNK)], i0_v)
    pltpu.sync_copy(d1_hbm.at[pl.ds(base, CHUNK)], i1_v)
    c0 = pltpu.async_copy(rows_v, xs_hbm.at[i0_v], s0)
    c1 = pltpu.async_copy(rows_v, xs_hbm.at[i1_v], s1)
    c0.wait()
    c1.wait()


def _sc_scatter(flat, dest0, dest1):
    mesh = plsc.VectorSubcoreMesh(core_axis_name="c", subcore_axis_name="s")
    kfn = functools.partial(
        pl.kernel,
        out_type=jax.ShapeDtypeStruct((PAD, DD), jnp.float32),
        mesh=mesh,
        scratch_types=[
            pltpu.VMEM((CHUNK,), jnp.int32),
            pltpu.VMEM((CHUNK,), jnp.int32),
            pltpu.VMEM((CHUNK, DD), jnp.float32),
            pltpu.SemaphoreType.DMA,
            pltpu.SemaphoreType.DMA,
        ],
    )(_sc_scatter_body)
    return kfn(flat, dest0, dest1)


def _sc_combine_body(flat_hbm, y_hbm, d0_hbm, d1_hbm, w0_hbm, w1_hbm,
                     out_hbm, idx_v, wv_v, acc_v, y_v, sem):
    wid = lax.axis_index("s") * 2 + lax.axis_index("c")
    base = wid * CHUNK
    pltpu.sync_copy(flat_hbm.at[pl.ds(base, CHUNK)], acc_v)
    for d_hbm, w_hbm in ((d0_hbm, w0_hbm), (d1_hbm, w1_hbm)):
        pltpu.sync_copy(d_hbm.at[pl.ds(base, CHUNK)], idx_v)
        pltpu.sync_copy(w_hbm.at[pl.ds(base, CHUNK)], wv_v)
        pltpu.async_copy(y_hbm.at[idx_v], y_v, sem).wait()

        def tok_body(t, carry):
            wb = wv_v[t, :]
            for c in range(DD // LANES):
                sl = pl.ds(c * LANES, LANES)
                acc_v[t, sl] = acc_v[t, sl] + wb * y_v[t, sl]
            return carry

        lax.fori_loop(0, CHUNK, tok_body, 0)
    pltpu.sync_copy(acc_v, out_hbm.at[pl.ds(base, CHUNK)])


def _sc_combine(flat, y, dest0, dest1, w0, w1):
    mesh = plsc.VectorSubcoreMesh(core_axis_name="c", subcore_axis_name="s")
    kfn = functools.partial(
        pl.kernel,
        out_type=jax.ShapeDtypeStruct((SS, DD), jnp.float32),
        mesh=mesh,
        scratch_types=[
            pltpu.VMEM((CHUNK,), jnp.int32),
            pltpu.VMEM((CHUNK, LANES), jnp.float32),
            pltpu.VMEM((CHUNK, DD), jnp.float32),
            pltpu.VMEM((CHUNK, DD), jnp.float32),
            pltpu.SemaphoreType.DMA,
        ],
    )(_sc_combine_body)
    return kfn(flat, y, dest0, dest1, w0, w1)


@jax.jit
def kernel(hidden_states, router_w, W1, b1, W2, b2):
    Bb, Ss, Dd = hidden_states.shape
    flat = hidden_states.reshape(Ss, Dd)
    probs, w0, w1, d0, d1, blk = _router(flat, router_w)
    d0 = d0.reshape(SS)
    d1 = d1.reshape(SS)
    blk = blk.reshape(NB)
    xs = _sc_scatter(flat, d0, d1)
    y = _grouped_mm(blk, xs, W1, b1, W2, b2)
    out = _sc_combine(flat, y, d0, d1, w0, w1)
    return out.reshape(Bb, Ss, Dd), probs.reshape(Bb, Ss, EE)

# --- scband reference (transcript-rebuilt; emitter-appended) ---
"""Pipeline reference for scband-fake-flex-olmo-sparse-mlp-11793980194917 (READ-ONLY COPY).

The authoritative reference and input builder live on the scoring server;
editing this copy changes nothing except your own understanding.
"""

import jax, jax.numpy as jnp
import numpy as np

B, S, D, E, K = 1, 2048, 768, 8, 2


def setup_inputs(seed: int = 0) -> dict:
    key = jax.random.key(seed)
    ks = jax.random.split(key, 6)
    hidden_states = jax.random.normal(ks[0], (B, S, D), dtype=jnp.float32)
    router_w = jax.random.normal(ks[1], (E, D), dtype=jnp.float32) * 0.02
    W1 = jax.random.normal(ks[2], (E, D, D), dtype=jnp.float32) * (1.0 / np.sqrt(D))
    b1 = jnp.zeros((E, D), dtype=jnp.float32)
    W2 = jax.random.normal(ks[3], (E, D, D), dtype=jnp.float32) * (1.0 / np.sqrt(D))
    b2 = jnp.zeros((E, D), dtype=jnp.float32)
    return {
        "hidden_states": hidden_states,
        "router_w": router_w,
        "W1": W1,
        "b1": b1,
        "W2": W2,
        "b2": b2,
    }


def reference(hidden_states, router_w, W1, b1, W2, b2):
    Bb, Ss, Dd = hidden_states.shape
    # ---- Router (FakeFlexOlmoRouter) ----
    flat = hidden_states.reshape(-1, Dd)
    router_logits = flat @ router_w.T  # [B*S, E]
    router_probs = jax.nn.softmax(router_logits.astype(jnp.float32), axis=-1)
    top_values, top_indices = jax.lax.top_k(router_probs, K)
    # norm_topk_prob = True
    top_values = top_values / jnp.sum(top_values, axis=-1, keepdims=True)
    router_probs_r = router_probs.reshape(Bb, Ss, E)
    top_values = top_values.reshape(Bb, Ss, K).astype(router_probs.dtype)
    top_indices = top_indices.reshape(Bb, Ss, K)
    # ---- Experts (FakeFlexOlmoExperts): every expert runs on every token ----
    # expert_hidden[e] = Linear2(ReLU(Linear1(h)))
    h1 = jax.nn.relu(jnp.einsum('bsd,eod->bseo', hidden_states, W1) + b1[None, None, :, :])
    h2 = jnp.einsum('bseh,eoh->bseo', h1, W2) + b2[None, None, :, :]  # [B,S,E,D]
    # weights per expert: sum over top-k slots where top_k_index == expert_idx
    onehot = jax.nn.one_hot(top_indices, E, dtype=top_values.dtype)  # [B,S,K,E]
    w_e = jnp.einsum('bsk,bske->bse', top_values, onehot)  # [B,S,E]
    moe_output = jnp.einsum('bsed,bse->bsd', h2, w_e)
    return hidden_states + moe_output, router_probs_r

if __name__ == "__main__":
    import jax
    _d = setup_inputs()
    print(jax.jit(kernel)(*tuple(_d.values())))

</pallas_src>

<mosaic_0001>
#map = affine_map<(d0, d1) -> (0, 0)>
#map1 = affine_map<(d0, d1) -> (0)>
module attributes {stable_mosaic.version = 14 : i64} {
  func.func @_sc_scatter_body(%arg0: i32, %arg1: i32, %arg2: memref<2048x768xf32, #tpu.memory_space<hbm>>, %arg3: memref<2048xi32, #tpu.memory_space<hbm>>, %arg4: memref<2048xi32, #tpu.memory_space<hbm>>, %arg5: memref<6144x768xf32, #tpu.memory_space<hbm>>, %arg6: memref<64xi32, #tpu.memory_space<vmem>>, %arg7: memref<64xi32, #tpu.memory_space<vmem>>, %arg8: memref<64x768xf32, #tpu.memory_space<vmem>>, %arg9: memref<!tpu.dma_semaphore, #tpu.memory_space<semaphore_mem>>, %arg10: memref<!tpu.dma_semaphore, #tpu.memory_space<semaphore_mem>>) attributes {dimension_semantics = [#tpu.dimension_semantics<core_parallel>, #tpu.dimension_semantics<subcore_parallel>], iteration_bounds = array<i64: 2, 16>, scalar_prefetch = 0 : i64, scratch_operands = 5 : i64, tpu.core_type = #tpu.core_type<sc_vector_subcore>, window_params = [{transform_indices = #map}, {transform_indices = #map1}, {transform_indices = #map1}, {transform_indices = #map}]} {
    %mul3A = arith.constant 2 : i32
    %mul3A_0 = arith.muli %arg1, %mul3A : i32
    %add3A = arith.addi %mul3A_0, %arg0 : i32
    %mul3A_1 = arith.constant 64 : i32
    %mul3A_2 = arith.muli %add3A, %mul3A_1 : i32
    "tpu.region"() ({
      %run_scoped3A = tpu.sem_alloc : memref<!tpu.dma_semaphore, #tpu.memory_space<semaphore_mem>>
      %dma_start3A_13 = arith.constant 0 : i32
      %dma_start3A_14 = tpu.memref_slice %arg2[%mul3A_2, %dma_start3A_13] : memref<2048x768xf32, #tpu.memory_space<hbm>> -> memref<64x768xf32, #tpu.memory_space<hbm>>
      %dma_start3A_15 = arith.constant 0 : i32
      %dma_start3A_16 = tpu.memref_slice %arg2[%mul3A_2, %dma_start3A_15] : memref<2048x768xf32, #tpu.memory_space<hbm>> -> memref<64x768xf32, #tpu.memory_space<hbm>>
      tpu.enqueue_dma source(%dma_start3A_16 : memref<64x768xf32, #tpu.memory_space<hbm>>) target(%arg8 : memref<64x768xf32, #tpu.memory_space<vmem>>) target_semaphore(%run_scoped3A : memref<!tpu.dma_semaphore, #tpu.memory_space<semaphore_mem>>)
      %dma_wait3A_17 = arith.constant 0 : i32
      %dma_wait3A_18 = tpu.memref_slice %arg2[%mul3A_2, %dma_wait3A_17] : memref<2048x768xf32, #tpu.memory_space<hbm>> -> memref<64x768xf32, #tpu.memory_space<hbm>>
      %dma_wait3A_19 = arith.constant 0 : i32
      %dma_wait3A_20 = tpu.memref_slice %arg2[%mul3A_2, %dma_wait3A_19] : memref<2048x768xf32, #tpu.memory_space<hbm>> -> memref<64x768xf32, #tpu.memory_space<hbm>>
      tpu.wait_dma2 semaphore(%run_scoped3A : memref<!tpu.dma_semaphore, #tpu.memory_space<semaphore_mem>>) src(%dma_wait3A_20 : memref<64x768xf32, #tpu.memory_space<hbm>>) dst(%arg8 : memref<64x768xf32, #tpu.memory_space<vmem>>)
      tpu.yield
    }) : () -> ()
    "tpu.region"() ({
      %run_scoped3A = tpu.sem_alloc : memref<!tpu.dma_semaphore, #tpu.memory_space<semaphore_mem>>
      %dma_start3A_13 = tpu.memref_slice %arg3[%mul3A_2] : memref<2048xi32, #tpu.memory_space<hbm>> -> memref<64xi32, #tpu.memory_space<hbm>>
      %dma_start3A_14 = tpu.memref_slice %arg3[%mul3A_2] : memref<2048xi32, #tpu.memory_space<hbm>> -> memref<64xi32, #tpu.memory_space<hbm>>
      tpu.enqueue_dma source(%dma_start3A_14 : memref<64xi32, #tpu.memory_space<hbm>>) target(%arg6 : memref<64xi32, #tpu.memory_space<vmem>>) target_semaphore(%run_scoped3A : memref<!tpu.dma_semaphore, #tpu.memory_space<semaphore_mem>>)
      %dma_wait3A_15 = tpu.memref_slice %arg3[%mul3A_2] : memref<2048xi32, #tpu.memory_space<hbm>> -> memref<64xi32, #tpu.memory_space<hbm>>
      %dma_wait3A_16 = tpu.memref_slice %arg3[%mul3A_2] : memref<2048xi32, #tpu.memory_space<hbm>> -> memref<64xi32, #tpu.memory_space<hbm>>
      tpu.wait_dma2 semaphore(%run_scoped3A : memref<!tpu.dma_semaphore, #tpu.memory_space<semaphore_mem>>) src(%dma_wait3A_16 : memref<64xi32, #tpu.memory_space<hbm>>) dst(%arg6 : memref<64xi32, #tpu.memory_space<vmem>>)
      tpu.yield
    }) : () -> ()
    "tpu.region"() ({
      %run_scoped3A = tpu.sem_alloc : memref<!tpu.dma_semaphore, #tpu.memory_space<semaphore_mem>>
      %dma_start3A_13 = tpu.memref_slice %arg4[%mul3A_2] : memref<2048xi32, #tpu.memory_space<hbm>> -> memref<64xi32, #tpu.memory_space<hbm>>
      %dma_start3A_14 = tpu.memref_slice %arg4[%mul3A_2] : memref<2048xi32, #tpu.memory_space<hbm>> -> memref<64xi32, #tpu.memory_space<hbm>>
      tpu.enqueue_dma source(%dma_start3A_14 : memref<64xi32, #tpu.memory_space<hbm>>) target(%arg7 : memref<64xi32, #tpu.memory_space<vmem>>) target_semaphore(%run_scoped3A : memref<!tpu.dma_semaphore, #tpu.memory_space<semaphore_mem>>)
      %dma_wait3A_15 = tpu.memref_slice %arg4[%mul3A_2] : memref<2048xi32, #tpu.memory_space<hbm>> -> memref<64xi32, #tpu.memory_space<hbm>>
      %dma_wait3A_16 = tpu.memref_slice %arg4[%mul3A_2] : memref<2048xi32, #tpu.memory_space<hbm>> -> memref<64xi32, #tpu.memory_space<hbm>>
      tpu.wait_dma2 semaphore(%run_scoped3A : memref<!tpu.dma_semaphore, #tpu.memory_space<semaphore_mem>>) src(%dma_wait3A_16 : memref<64xi32, #tpu.memory_space<hbm>>) dst(%arg7 : memref<64xi32, #tpu.memory_space<vmem>>)
      tpu.yield
    }) : () -> ()
    %dma_start3A = arith.constant 0 : i32
    %dma_start3A_3 = arith.constant 0 : i32
    %dma_start3A_4 = tpu.memref_slice %arg5[%dma_start3A, %dma_start3A_3] : memref<6144x768xf32, #tpu.memory_space<hbm>> -> memref<6144x768xf32, #tpu.memory_space<hbm>>
    tpu.enqueue_indirect_dma source(%arg8 : memref<64x768xf32, #tpu.memory_space<vmem>>) target(%dma_start3A_4 : memref<6144x768xf32, #tpu.memory_space<hbm>>) offsets(%arg6 : memref<64xi32, #tpu.memory_space<vmem>>) semaphore(%arg9 : memref<!tpu.dma_semaphore, #tpu.memory_space<semaphore_mem>>)
    %dma_start3A_5 = arith.constant 0 : i32
    %dma_start3A_6 = arith.constant 0 : i32
    %dma_start3A_7 = tpu.memref_slice %arg5[%dma_start3A_5, %dma_start3A_6] : memref<6144x768xf32, #tpu.memory_space<hbm>> -> memref<6144x768xf32, #tpu.memory_space<hbm>>
    tpu.enqueue_indirect_dma source(%arg8 : memref<64x768xf32, #tpu.memory_space<vmem>>) target(%dma_start3A_7 : memref<6144x768xf32, #tpu.memory_space<hbm>>) offsets(%arg7 : memref<64xi32, #tpu.memory_space<vmem>>) semaphore(%arg10 : memref<!tpu.dma_semaphore, #tpu.memory_space<semaphore_mem>>)
    %dma_wait3A = arith.constant 0 : i32
    %dma_wait3A_8 = arith.constant 0 : i32
    %dma_wait3A_9 = tpu.memref_slice %arg5[%dma_wait3A, %dma_wait3A_8] : memref<6144x768xf32, #tpu.memory_space<hbm>> -> memref<6144x768xf32, #tpu.memory_space<hbm>>
    tpu.wait_indirect_dma semaphore(%arg9 : memref<!tpu.dma_semaphore, #tpu.memory_space<semaphore_mem>>) src(%arg8 : memref<64x768xf32, #tpu.memory_space<vmem>>) dst(%dma_wait3A_9 : memref<6144x768xf32, #tpu.memory_space<hbm>>)
    %dma_wait3A_10 = arith.constant 0 : i32
    %dma_wait3A_11 = arith.constant 0 : i32
    %dma_wait3A_12 = tpu.memref_slice %arg5[%dma_wait3A_10, %dma_wait3A_11] : memref<6144x768xf32, #tpu.memory_space<hbm>> -> memref<6144x768xf32, #tpu.memory_space<hbm>>
    tpu.wait_indirect_dma semaphore(%arg10 : memref<!tpu.dma_semaphore, #tpu.memory_space<semaphore_mem>>) src(%arg8 : memref<64x768xf32, #tpu.memory_space<vmem>>) dst(%dma_wait3A_12 : memref<6144x768xf32, #tpu.memory_space<hbm>>)
    return
  }
}

#map = affine_map<(d0, d1) -> (0, 0)>
#map1 = affine_map<(d0, d1) -> (0)>
module attributes {stable_mosaic.version = 14 : i64} {
  func.func @_sc_combine_body(%arg0: i32, %arg1: i32, %arg2: memref<2048x768xf32, #tpu.memory_space<hbm>>, %arg3: memref<6144x768xf32, #tpu.memory_space<hbm>>, %arg4: memref<2048xi32, #tpu.memory_space<hbm>>, %arg5: memref<2048xi32, #tpu.memory_space<hbm>>, %arg6: memref<2048x16xf32, #tpu.memory_space<hbm>>, %arg7: memref<2048x16xf32, #tpu.memory_space<hbm>>, %arg8: memref<2048x768xf32, #tpu.memory_space<hbm>>, %arg9: memref<64xi32, #tpu.memory_space<vmem>>, %arg10: memref<64x16xf32, #tpu.memory_space<vmem>>, %arg11: memref<64x768xf32, #tpu.memory_space<vmem>>, %arg12: memref<64x768xf32, #tpu.memory_space<vmem>>, %arg13: memref<!tpu.dma_semaphore, #tpu.memory_space<semaphore_mem>>) attributes {dimension_semantics = [#tpu.dimension_semantics<core_parallel>, #tpu.dimension_semantics<subcore_parallel>], iteration_bounds = array<i64: 2, 16>, scalar_prefetch = 0 : i64, scratch_operands = 5 : i64, tpu.core_type = #tpu.core_type<sc_vector_subcore>, window_params = [{transform_indices = #map}, {transform_indices = #map}, {transform_indices = #map1}, {transform_indices = #map1}, {transform_indices = #map}, {transform_indices = #map}, {transform_indices = #map}]} {
    %mul3A = arith.constant 2 : i32
    %mul3A_0 = arith.muli %arg1, %mul3A : i32
    %add3A = arith.addi %mul3A_0, %arg0 : i32
    %mul3A_1 = arith.constant 64 : i32
    %mul3A_2 = arith.muli %add3A, %mul3A_1 : i32
    "tpu.region"() ({
      %run_scoped3A = tpu.sem_alloc : memref<!tpu.dma_semaphore, #tpu.memory_space<semaphore_mem>>
      %dma_start3A_24 = arith.constant 0 : i32
      %dma_start3A_25 = tpu.memref_slice %arg2[%mul3A_2, %dma_start3A_24] : memref<2048x768xf32, #tpu.memory_space<hbm>> -> memref<64x768xf32, #tpu.memory_space<hbm>>
      %dma_start3A_26 = arith.constant 0 : i32
      %dma_start3A_27 = tpu.memref_slice %arg2[%mul3A_2, %dma_start3A_26] : memref<2048x768xf32, #tpu.memory_space<hbm>> -> memref<64x768xf32, #tpu.memory_space<hbm>>
      tpu.enqueue_dma source(%dma_start3A_27 : memref<64x768xf32, #tpu.memory_space<hbm>>) target(%arg11 : memref<64x768xf32, #tpu.memory_space<vmem>>) target_semaphore(%run_scoped3A : memref<!tpu.dma_semaphore, #tpu.memory_space<semaphore_mem>>)
      %dma_wait3A_28 = arith.constant 0 : i32
      %dma_wait3A_29 = tpu.memref_slice %arg2[%mul3A_2, %dma_wait3A_28] : memref<2048x768xf32, #tpu.memory_space<hbm>> -> memref<64x768xf32, #tpu.memory_space<hbm>>
      %dma_wait3A_30 = arith.constant 0 : i32
      %dma_wait3A_31 = tpu.memref_slice %arg2[%mul3A_2, %dma_wait3A_30] : memref<2048x768xf32, #tpu.memory_space<hbm>> -> memref<64x768xf32, #tpu.memory_space<hbm>>
      tpu.wait_dma2 semaphore(%run_scoped3A : memref<!tpu.dma_semaphore, #tpu.memory_space<semaphore_mem>>) src(%dma_wait3A_31 : memref<64x768xf32, #tpu.memory_space<hbm>>) dst(%arg11 : memref<64x768xf32, #tpu.memory_space<vmem>>)
      tpu.yield
    }) : () -> ()
    "tpu.region"() ({
      %run_scoped3A = tpu.sem_alloc : memref<!tpu.dma_semaphore, #tpu.memory_space<semaphore_mem>>
      %dma_start3A_24 = tpu.memref_slice %arg4[%mul3A_2] : memref<2048xi32, #tpu.memory_space<hbm>> -> memref<64xi32, #tpu.memory_space<hbm>>
      %dma_start3A_25 = tpu.memref_slice %arg4[%mul3A_2] : memref<2048xi32, #tpu.memory_space<hbm>> -> memref<64xi32, #tpu.memory_space<hbm>>
      tpu.enqueue_dma source(%dma_start3A_25 : memref<64xi32, #tpu.memory_space<hbm>>) target(%arg9 : memref<64xi32, #tpu.memory_space<vmem>>) target_semaphore(%run_scoped3A : memref<!tpu.dma_semaphore, #tpu.memory_space<semaphore_mem>>)
      %dma_wait3A_26 = tpu.memref_slice %arg4[%mul3A_2] : memref<2048xi32, #tpu.memory_space<hbm>> -> memref<64xi32, #tpu.memory_space<hbm>>
      %dma_wait3A_27 = tpu.memref_slice %arg4[%mul3A_2] : memref<2048xi32, #tpu.memory_space<hbm>> -> memref<64xi32, #tpu.memory_space<hbm>>
      tpu.wait_dma2 semaphore(%run_scoped3A : memref<!tpu.dma_semaphore, #tpu.memory_space<semaphore_mem>>) src(%dma_wait3A_27 : memref<64xi32, #tpu.memory_space<hbm>>) dst(%arg9 : memref<64xi32, #tpu.memory_space<vmem>>)
      tpu.yield
    }) : () -> ()
    "tpu.region"() ({
      %run_scoped3A = tpu.sem_alloc : memref<!tpu.dma_semaphore, #tpu.memory_space<semaphore_mem>>
      %dma_start3A_24 = arith.constant 0 : i32
      %dma_start3A_25 = tpu.memref_slice %arg6[%mul3A_2, %dma_start3A_24] : memref<2048x16xf32, #tpu.memory_space<hbm>> -> memref<64x16xf32, #tpu.memory_space<hbm>>
      %dma_start3A_26 = arith.constant 0 : i32
      %dma_start3A_27 = tpu.memref_slice %arg6[%mul3A_2, %dma_start3A_26] : memref<2048x16xf32, #tpu.memory_space<hbm>> -> memref<64x16xf32, #tpu.memory_space<hbm>>
      tpu.enqueue_dma source(%dma_start3A_27 : memref<64x16xf32, #tpu.memory_space<hbm>>) target(%arg10 : memref<64x16xf32, #tpu.memory_space<vmem>>) target_semaphore(%run_scoped3A : memref<!tpu.dma_semaphore, #tpu.memory_space<semaphore_mem>>)
      %dma_wait3A_28 = arith.constant 0 : i32
      %dma_wait3A_29 = tpu.memref_slice %arg6[%mul3A_2, %dma_wait3A_28] : memref<2048x16xf32, #tpu.memory_space<hbm>> -> memref<64x16xf32, #tpu.memory_space<hbm>>
      %dma_wait3A_30 = arith.constant 0 : i32
      %dma_wait3A_31 = tpu.memref_slice %arg6[%mul3A_2, %dma_wait3A_30] : memref<2048x16xf32, #tpu.memory_space<hbm>> -> memref<64x16xf32, #tpu.memory_space<hbm>>
      tpu.wait_dma2 semaphore(%run_scoped3A : memref<!tpu.dma_semaphore, #tpu.memory_space<semaphore_mem>>) src(%dma_wait3A_31 : memref<64x16xf32, #tpu.memory_space<hbm>>) dst(%arg10 : memref<64x16xf32, #tpu.memory_space<vmem>>)
      tpu.yield
    }) : () -> ()
    %dma_start3A = arith.constant 0 : i32
    %dma_start3A_3 = arith.constant 0 : i32
    %dma_start3A_4 = tpu.memref_slice %arg3[%dma_start3A, %dma_start3A_3] : memref<6144x768xf32, #tpu.memory_space<hbm>> -> memref<6144x768xf32, #tpu.memory_space<hbm>>
    tpu.enqueue_indirect_dma source(%dma_start3A_4 : memref<6144x768xf32, #tpu.memory_space<hbm>>) target(%arg12 : memref<64x768xf32, #tpu.memory_space<vmem>>) offsets(%arg9 : memref<64xi32, #tpu.memory_space<vmem>>) semaphore(%arg13 : memref<!tpu.dma_semaphore, #tpu.memory_space<semaphore_mem>>)
    %dma_wait3A = arith.constant 0 : i32
    %dma_wait3A_5 = arith.constant 0 : i32
    %dma_wait3A_6 = tpu.memref_slice %arg3[%dma_wait3A, %dma_wait3A_5] : memref<6144x768xf32, #tpu.memory_space<hbm>> -> memref<6144x768xf32, #tpu.memory_space<hbm>>
    tpu.wait_indirect_dma semaphore(%arg13 : memref<!tpu.dma_semaphore, #tpu.memory_space<semaphore_mem>>) src(%dma_wait3A_6 : memref<6144x768xf32, #tpu.memory_space<hbm>>) dst(%arg12 : memref<64x768xf32, #tpu.memory_space<vmem>>)
    %scan3A = arith.constant 0 : i32
    %scan3A_7 = arith.constant 0 : i32
    %scan3A_8 = arith.constant 64 : i32
    %scan3A_9 = arith.addi %scan3A_7, %scan3A_8 : i32
    %scan3A_10 = arith.constant 1 : i32
    scf.for %scan3A_24 = %scan3A_7 to %scan3A_9 step %scan3A_10  : i32 {
      %get3A = arith.index_cast %scan3A_24 : i32 to index
      %get3A_25 = arith.constant 0 : index
      %get3A_26 = tpu.vector_load %arg10[%get3A, %get3A_25] {strides = array<i32>} : memref<64x16xf32, #tpu.memory_space<vmem>>, vector<1x16xf32>,
      %get3A_27 = vector.shape_cast %get3A_26 : vector<1x16xf32> to vector<16xf32>
      %get3A_28 = arith.index_cast %scan3A_24 : i32 to index
      %get3A_29 = arith.constant 0 : index
      %get3A_30 = tpu.vector_load %arg11[%get3A_28, %get3A_29] {strides = array<i32>} : memref<64x768xf32, #tpu.memory_space<vmem>>, vector<1x16xf32>,
      %get3A_31 = vector.shape_cast %get3A_30 : vector<1x16xf32> to vector<16xf32>
      %get3A_32 = arith.index_cast %scan3A_24 : i32 to index
      %get3A_33 = arith.constant 0 : index
      %get3A_34 = tpu.vector_load %arg12[%get3A_32, %get3A_33] {strides = array<i32>} : memref<64x768xf32, #tpu.memory_space<vmem>>, vector<1x16xf32>,
      %get3A_35 = vector.shape_cast %get3A_34 : vector<1x16xf32> to vector<16xf32>
      %mul3A_36 = arith.mulf %get3A_27, %get3A_35 : vector<16xf32>
      %add3A_37 = arith.addf %get3A_31, %mul3A_36 : vector<16xf32>
      %swap3A = arith.index_cast %scan3A_24 : i32 to index
      %swap3A_38 = arith.constant 0 : index
      %swap3A_39 = tpu.vector_load %arg11[%swap3A, %swap3A_38] {strides = array<i32>} : memref<64x768xf32, #tpu.memory_space<vmem>>, vector<1x16xf32>,
      %swap3A_40 = vector.shape_cast %swap3A_39 : vector<1x16xf32> to vector<16xf32>
      %swap3A_41 = vector.shape_cast %add3A_37 : vector<16xf32> to vector<1x16xf32>
      tpu.vector_store %arg11[%swap3A, %swap3A_38], %swap3A_41 {strides = array<i32>} : memref<64x768xf32, #tpu.memory_space<vmem>>, vector<1x16xf32>,
      %get3A_42 = arith.index_cast %scan3A_24 : i32 to index
      %get3A_43 = arith.constant 16 : index
      %get3A_44 = tpu.vector_load %arg11[%get3A_42, %get3A_43] {strides = array<i32>} : memref<64x768xf32, #tpu.memory_space<vmem>>, vector<1x16xf32>,
      %get3A_45 = vector.shape_cast %get3A_44 : vector<1x16xf32> to vector<16xf32>
      %get3A_46 = arith.index_cast %scan3A_24 : i32 to index
      %get3A_47 = arith.constant 16 : index
      %get3A_48 = tpu.vector_load %arg12[%get3A_46, %get3A_47] {strides = array<i32>} : memref<64x768xf32, #tpu.memory_space<vmem>>, vector<1x16xf32>,
      %get3A_49 = vector.shape_cast %get3A_48 : vector<1x16xf32> to vector<16xf32>
      %mul3A_50 = arith.mulf %get3A_27, %get3A_49 : vector<16xf32>
      %add3A_51 = arith.addf %get3A_45, %mul3A_50 : vector<16xf32>
      %swap3A_52 = arith.index_cast %scan3A_24 : i32 to index
      %swap3A_53 = arith.constant 16 : index
      %swap3A_54 = tpu.vector_load %arg11[%swap3A_52, %swap3A_53] {strides = array<i32>} : memref<64x768xf32, #tpu.memory_space<vmem>>, vector<1x16xf32>,
      %swap3A_55 = vector.shape_cast %swap3A_54 : vector<1x16xf32> to vector<16xf32>
      %swap3A_56 = vector.shape_cast %add3A_51 : vector<16xf32> to vector<1x16xf32>
      tpu.vector_store %arg11[%swap3A_52, %swap3A_53], %swap3A_56 {strides = array<i32>} : memref<64x768xf32, #tpu.memory_space<vmem>>, vector<1x16xf32>,
      %get3A_57 = arith.index_cast %scan3A_24 : i32 to index
      %get3A_58 = arith.constant 32 : index
      %get3A_59 = tpu.vector_load %arg11[%get3A_57, %get3A_58] {strides = array<i32>} : memref<64x768xf32, #tpu.memory_space<vmem>>, vector<1x16xf32>,
      %get3A_60 = vector.shape_cast %get3A_59 : vector<1x16xf32> to vector<16xf32>
      %get3A_61 = arith.index_cast %scan3A_24 : i32 to index
      %get3A_62 = arith.constant 32 : index
      %get3A_63 = tpu.vector_load %arg12[%get3A_61, %get3A_62] {strides = array<i32>} : memref<64x768xf32, #tpu.memory_space<vmem>>, vector<1x16xf32>,
      %get3A_64 = vector.shape_cast %get3A_63 : vector<1x16xf32> to vector<16xf32>
      %mul3A_65 = arith.mulf %get3A_27, %get3A_64 : vector<16xf32>
      %add3A_66 = arith.addf %get3A_60, %mul3A_65 : vector<16xf32>
      %swap3A_67 = arith.index_cast %scan3A_24 : i32 to index
      %swap3A_68 = arith.constant 32 : index
      %swap3A_69 = tpu.vector_load %arg11[%swap3A_67, %swap3A_68] {strides = array<i32>} : memref<64x768xf32, #tpu.memory_space<vmem>>, vector<1x16xf32>,
      %swap3A_70 = vector.shape_cast %swap3A_69 : vector<1x16xf32> to vector<16xf32>
      %swap3A_71 = vector.shape_cast %add3A_66 : vector<16xf32> to vector<1x16xf32>
      tpu.vector_store %arg11[%swap3A_67, %swap3A_68], %swap3A_71 {strides = array<i32>} : memref<64x768xf32, #tpu.memory_space<vmem>>, vector<1x16xf32>,
      %get3A_72 = arith.index_cast %scan3A_24 : i32 to index
      %get3A_73 = arith.constant 48 : index
      %get3A_74 = tpu.vector_load %arg11[%get3A_72, %get3A_73] {strides = array<i32>} : memref<64x768xf32, #tpu.memory_space<vmem>>, vector<1x16xf32>,
      %get3A_75 = vector.shape_cast %get3A_74 : vector<1x16xf32> to vector<16xf32>
      %get3A_76 = arith.index_cast %scan3A_24 : i32 to index
      %get3A_77 = arith.constant 48 : index
      %get3A_78 = tpu.vector_load %arg12[%get3A_76, %get3A_77] {strides = array<i32>} : memref<64x768xf32, #tpu.memory_space<vmem>>, vector<1x16xf32>,
      %get3A_79 = vector.shape_cast %get3A_78 : vector<1x16xf32> to vector<16xf32>
      %mul3A_80 = arith.mulf %get3A_27, %get3A_79 : vector<16xf32>
      %add3A_81 = arith.addf %get3A_75, %mul3A_80 : vector<16xf32>
      %swap3A_82 = arith.index_cast %scan3A_24 : i32 to index
      %swap3A_83 = arith.constant 48 : index
      %swap3A_84 = tpu.vector_load %arg11[%swap3A_82, %swap3A_83] {strides = array<i32>} : memref<64x768xf32, #tpu.memory_space<vmem>>, vector<1x16xf32>,
      %swap3A_85 = vector.shape_cast %swap3A_84 : vector<1x16xf32> to vector<16xf32>
      %swap3A_86 = vector.shape_cast %add3A_81 : vector<16xf32> to vector<1x16xf32>
      tpu.vector_store %arg11[%swap3A_82, %swap3A_83], %swap3A_86 {strides = array<i32>} : memref<64x768xf32, #tpu.memory_space<vmem>>, vector<1x16xf32>,
      %get3A_87 = arith.index_cast %scan3A_24 : i32 to index
      %get3A_88 = arith.constant 64 : index
      %get3A_89 = tpu.vector_load %arg11[%get3A_87, %get3A_88] {strides = array<i32>} : memref<64x768xf32, #tpu.memory_space<vmem>>, vector<1x16xf32>,
      %get3A_90 = vector.shape_cast %get3A_89 : vector<1x16xf32> to vector<16xf32>
      %get3A_91 = arith.index_cast %scan3A_24 : i32 to index
      %get3A_92 = arith.constant 64 : index
      %get3A_93 = tpu.vector_load %arg12[%get3A_91, %get3A_92] {strides = array<i32>} : memref<64x768xf32, #tpu.memory_space<vmem>>, vector<1x16xf32>,
      %get3A_94 = vector.shape_cast %get3A_93 : vector<1x16xf32> to vector<16xf32>
      %mul3A_95 = arith.mulf %get3A_27, %get3A_94 : vector<16xf32>
      %add3A_96 = arith.addf %get3A_90, %mul3A_95 : vector<16xf32>
      %swap3A_97 = arith.index_cast %scan3A_24 : i32 to index
      %swap3A_98 = arith.constant 64 : index
      %swap3A_99 = tpu.vector_load %arg11[%swap3A_97, %swap3A_98] {strides = array<i32>} : memref<64x768xf32, #tpu.memory_space<vmem>>, vector<1x16xf32>,
      %swap3A_100 = vector.shape_cast %swap3A_99 : vector<1x16xf32> to vector<16xf32>
      %swap3A_101 = vector.shape_cast %add3A_96 : vector<16xf32> to vector<1x16xf32>
      tpu.vector_store %arg11[%swap3A_97, %swap3A_98], %swap3A_101 {strides = array<i32>} : memref<64x768xf32, #tpu.memory_space<vmem>>, vector<1x16xf32>,
      %get3A_102 = arith.index_cast %scan3A_24 : i32 to index
      %get3A_103 = arith.constant 80 : index
      %get3A_104 = tpu.vector_load %arg11[%get3A_102, %get3A_103] {strides = array<i32>} : memref<64x768xf32, #tpu.memory_space<vmem>>, vector<1x16xf32>,
      %get3A_105 = vector.shape_cast %get3A_104 : vector<1x16xf32> to vector<16xf32>
      %get3A_106 = arith.index_cast %scan3A_24 : i32 to index
      %get3A_107 = arith.constant 80 : index
      %get3A_108 = tpu.vector_load %arg12[%get3A_106, %get3A_107] {strides = array<i32>} : memref<64x768xf32, #tpu.memory_space<vmem>>, vector<1x16xf32>,
      %get3A_109 = vector.shape_cast %get3A_108 : vector<1x16xf32> to vector<16xf32>
      %mul3A_110 = arith.mulf %get3A_27, %get3A_109 : vector<16xf32>
      %add3A_111 = arith.addf %get3A_105, %mul3A_110 : vector<16xf32>
      %swap3A_112 = arith.index_cast %scan3A_24 : i32 to index
      %swap3A_113 = arith.constant 80 : index
      %swap3A_114 = tpu.vector_load %arg11[%swap3A_112, %swap3A_113] {strides = array<i32>} : memref<64x768xf32, #tpu.memory_space<vmem>>, vector<1x16xf32>,
      %swap3A_115 = vector.shape_cast %swap3A_114 : vector<1x16xf32> to vector<16xf32>
      %swap3A_116 = vector.shape_cast %add3A_111 : vector<16xf32> to vector<1x16xf32>
      tpu.vector_store %arg11[%swap3A_112, %swap3A_113], %swap3A_116 {strides = array<i32>} : memref<64x768xf32, #tpu.memory_space<vmem>>, vector<1x16xf32>,
      %get3A_117 = arith.index_cast %scan3A_24 : i32 to index
      %get3A_118 = arith.constant 96 : index
      %get3A_119 = tpu.vector_load %arg11[%get3A_117, %get3A_118] {strides = array<i32>} : memref<64x768xf32, #tpu.memory_space<vmem>>, vector<1x16xf32>,
      %get3A_120 = vector.shape_cast %get3A_119 : vector<1x16xf32> to vector<16xf32>
      %get3A_121 = arith.index_cast %scan3A_24 : i32 to index
      %get3A_122 = arith.constant 96 : index
      %get3A_123 = tpu.vector_load %arg12[%get3A_121, %get3A_122] {strides = array<i32>} : memref<64x768xf32, #tpu.memory_space<vmem>>, vector<1x16xf32>,
      %get3A_124 = vector.shape_cast %get3A_123 : vector<1x16xf32> to vector<16xf32>
      %mul3A_125 = arith.mulf %get3A_27, %get3A_124 : vector<16xf32>
      %add3A_126 = arith.addf %get3A_120, %mul3A_125 : vector<16xf32>
      %swap3A_127 = arith.index_cast %scan3A_24 : i32 to index
      %swap3A_128 = arith.constant 96 : index
      %swap3A_129 = tpu.vector_load %arg11[%swap3A_127, %swap3A_128] {strides = array<i32>} : memref<64x768xf32, #tpu.memory_space<vmem>>, vector<1x16xf32>,
      %swap3A_130 = vector.shape_cast %swap3A_129 : vector<1x16xf32> to vector<16xf32>
      %swap3A_131 = vector.shape_cast %add3A_126 : vector<16xf32> to vector<1x16xf32>
      tpu.vector_store %arg11[%swap3A_127, %swap3A_128], %swap3A_131 {strides = array<i32>} : memref<64x768xf32, #tpu.memory_space<vmem>>, vector<1x16xf32>,
      %get3A_132 = arith.index_cast %scan3A_24 : i32 to index
      %get3A_133 = arith.constant 112 : index
      %get3A_134 = tpu.vector_load %arg11[%get3A_132, %get3A_133] {strides = array<i32>} : memref<64x768xf32, #tpu.memory_space<vmem>>, vector<1x16xf32>,
      %get3A_135 = vector.shape_cast %get3A_134 : vector<1x16xf32> to vector<16xf32>
      %get3A_136 = arith.index_cast %scan3A_24 : i32 to index
      %get3A_137 = arith.constant 112 : index
      %get3A_138 = tpu.vector_load %arg12[%get3A_136, %get3A_137] {strides = array<i32>} : memref<64x768xf32, #tpu.memory_space<vmem>>, vector<1x16xf32>,
      %get3A_139 = vector.shape_cast %get3A_138 : vector<1x16xf32> to vector<16xf32>
      %mul3A_140 = arith.mulf %get3A_27, %get3A_139 : vector<16xf32>
      %add3A_141 = arith.addf %get3A_135, %mul3A_140 : vector<16xf32>
      %swap3A_142 = arith.index_cast %scan3A_24 : i32 to index
      %swap3A_143 = arith.constant 112 : index
      %swap3A_144 = tpu.vector_load %arg11[%swap3A_142, %swap3A_143] {strides = array<i32>} : memref<64x768xf32, #tpu.memory_space<vmem>>, vector<1x16xf32>,
      %swap3A_145 = vector.shape_cast %swap3A_144 : vector<1x16xf32> to vector<16xf32>
      %swap3A_146 = vector.shape_cast %add3A_141 : vector<16xf32> to vector<1x16xf32>
      tpu.vector_store %arg11[%swap3A_142, %swap3A_143], %swap3A_146 {strides = array<i32>} : memref<64x768xf32, #tpu.memory_space<vmem>>, vector<1x16xf32>,
      %get3A_147 = arith.index_cast %scan3A_24 : i32 to index
      %get3A_148 = arith.constant 128 : index
      %get3A_149 = tpu.vector_load %arg11[%get3A_147, %get3A_148] {strides = array<i32>} : memref<64x768xf32, #tpu.memory_space<vmem>>, vector<1x16xf32>,
      %get3A_150 = vector.shape_cast %get3A_149 : vector<1x16xf32> to vector<16xf32>
      %get3A_151 = arith.index_cast %scan3A_24 : i32 to index
      %get3A_152 = arith.constant 128 : index
      %get3A_153 = tpu.vector_load %arg12[%get3A_151, %get3A_152] {strides = array<i32>} : memref<64x768xf32, #tpu.memory_space<vmem>>, vector<1x16xf32>,
      %get3A_154 = vector.shape_cast %get3A_153 : vector<1x16xf32> to vector<16xf32>
      %mul3A_155 = arith.mulf %get3A_27, %get3A_154 : vector<16xf32>
      %add3A_156 = arith.addf %get3A_150, %mul3A_155 : vector<16xf32>
      %swap3A_157 = arith.index_cast %scan3A_24 : i32 to index
      %swap3A_158 = arith.constant 128 : index
      %swap3A_159 = tpu.vector_load %arg11[%swap3A_157, %swap3A_158] {strides = array<i32>} : memref<64x768xf32, #tpu.memory_space<vmem>>, vector<1x16xf32>,
      %swap3A_160 = vector.shape_cast %swap3A_159 : vector<1x16xf32> to vector<16xf32>
      %swap3A_161 = vector.shape_cast %add3A_156 : vector<16xf32> to vector<1x16xf32>
      tpu.vector_store %arg11[%swap3A_157, %swap3A_158], %swap3A_161 {strides = array<i32>} : memref<64x768xf32, #tpu.memory_space<vmem>>, vector<1x16xf32>,
      %get3A_162 = arith.index_cast %scan3A_24 : i32 to index
      %get3A_163 = arith.constant 144 : index
      %get3A_164 = tpu.vector_load %arg11[%get3A_162, %get3A_163] {strides = array<i32>} : memref<64x768xf32, #tpu.memory_space<vmem>>, vector<1x16xf32>,
      %get3A_165 = vector.shape_cast %get3A_164 : vector<1x16xf32> to vector<16xf32>
      %get3A_166 = arith.index_cast %scan3A_24 : i32 to index
      %get3A_167 = arith.constant 144 : index
      %get3A_168 = tpu.vector_load %arg12[%get3A_166, %get3A_167] {strides = array<i32>} : memref<64x768xf32, #tpu.memory_space<vmem>>, vector<1x16xf32>,
      %get3A_169 = vector.shape_cast %get3A_168 : vector<1x16xf32> to vector<16xf32>
      %mul3A_170 = arith.mulf %get3A_27, %get3A_169 : vector<16xf32>
      %add3A_171 = arith.addf %get3A_165, %mul3A_170 : vector<16xf32>
      %swap3A_172 = arith.index_cast %scan3A_24 : i32 to index
      %swap3A_173 = arith.constant 144 : index
      %swap3A_174 = tpu.vector_load %arg11[%swap3A_172, %swap3A_173] {strides = array<i32>} : memref<64x768xf32, #tpu.memory_space<vmem>>, vector<1x16xf32>,
      %swap3A_175 = vector.shape_cast %swap3A_174 : vector<1x16xf32> to vector<16xf32>
      %swap3A_176 = vector.shape_cast %add3A_171 : vector<16xf32> to vector<1x16xf32>
      tpu.vector_store %arg11[%swap3A_172, %swap3A_173], %swap3A_176 {strides = array<i32>} : memref<64x768xf32, #tpu.memory_space<vmem>>, vector<1x16xf32>,
      %get3A_177 = arith.index_cast %scan3A_24 : i32 to index
      %get3A_178 = arith.constant 160 : index
      %get3A_179 = tpu.vector_load %arg11[%get3A_177, %get3A_178] {strides = array<i32>} : memref<64x768xf32, #tpu.memory_space<vmem>>, vector<1x16xf32>,
      %get3A_180 = vector.shape_cast %get3A_179 : vector<1x16xf32> to vector<16xf32>
      %get3A_181 = arith.index_cast %scan3A_24 : i32 to index
      %get3A_182 = arith.constant 160 : index
      %get3A_183 = tpu.vector_load %arg12[%get3A_181, %get3A_182] {strides = array<i32>} : memref<64x768xf32, #tpu.memory_space<vmem>>, vector<1x16xf32>,
      %get3A_184 = vector.shape_cast %get3A_183 : vector<1x16xf32> to vector<16xf32>
      %mul3A_185 = arith.mulf %get3A_27, %get3A_184 : vector<16xf32>
      %add3A_186 = arith.addf %get3A_180, %mul3A_185 : vector<16xf32>
      %swap3A_187 = arith.index_cast %scan3A_24 : i32 to index
      %swap3A_188 = arith.constant 160 : index
      %swap3A_189 = tpu.vector_load %arg11[%swap3A_187, %swap3A_188] {strides = array<i32>} : memref<64x768xf32, #tpu.memory_space<vmem>>, vector<1x16xf32>,
      %swap3A_190 = vector.shape_cast %swap3A_189 : vector<1x16xf32> to vector<16xf32>
      %swap3A_191 = vector.shape_cast %add3A_186 : vector<16xf32> to vector<1x16xf32>
      tpu.vector_store %arg11[%swap3A_187, %swap3A_188], %swap3A_191 {strides = array<i32>} : memref<64x768xf32, #tpu.memory_space<vmem>>, vector<1x16xf32>,
      %get3A_192 = arith.index_cast %scan3A_24 : i32 to index
      %get3A_193 = arith.constant 176 : index
      %get3A_194 = tpu.vector_load %arg11[%get3A_192, %get3A_193] {strides = array<i32>} : memref<64x768xf32, #tpu.memory_space<vmem>>, vector<1x16xf32>,
      %get3A_195 = vector.shape_cast %get3A_194 : vector<1x16xf32> to vector<16xf32>
      %get3A_196 = arith.index_cast %scan3A_24 : i32 to index
      %get3A_197 = arith.constant 176 : index
      %get3A_198 = tpu.vector_load %arg12[%get3A_196, %get3A_197] {strides = array<i32>} : memref<64x768xf32, #tpu.memory_space<vmem>>, vector<1x16xf32>,
      %get3A_199 = vector.shape_cast %get3A_198 : vector<1x16xf32> to vector<16xf32>
      %mul3A_200 = arith.mulf %get3A_27, %get3A_199 : vector<16xf32>
      %add3A_201 = arith.addf %get3A_195, %mul3A_200 : vector<16xf32>
      %swap3A_202 = arith.index_cast %scan3A_24 : i32 to index
      %swap3A_203 = arith.constant 176 : index
      %swap3A_204 = tpu.vector_load %arg11[%swap3A_202, %swap3A_203] {strides = array<i32>} : memref<64x768xf32, #tpu.memory_space<vmem>>, vector<1x16xf32>,
      %swap3A_205 = vector.shape_cast %swap3A_204 : vector<1x16xf32> to vector<16xf32>
      %swap3A_206 = vector.shape_cast %add3A_201 : vector<16xf32> to vector<1x16xf32>
      tpu.vector_store %arg11[%swap3A_202, %swap3A_203], %swap3A_206 {strides = array<i32>} : memref<64x768xf32, #tpu.memory_space<vmem>>, vector<1x16xf32>,
      %get3A_207 = arith.index_cast %scan3A_24 : i32 to index
      %get3A_208 = arith.constant 192 : index
      %get3A_209 = tpu.vector_load %arg11[%get3A_207, %get3A_208] {strides = array<i32>} : memref<64x768xf32, #tpu.memory_space<vmem>>, vector<1x16xf32>,
      %get3A_210 = vector.shape_cast %get3A_209 : vector<1x16xf32> to vector<16xf32>
      %get3A_211 = arith.index_cast %scan3A_24 : i32 to index
      %get3A_212 = arith.constant 192 : index
      %get3A_213 = tpu.vector_load %arg12[%get3A_211, %get3A_212] {strides = array<i32>} : memref<64x768xf32, #tpu.memory_space<vmem>>, vector<1x16xf32>,
      %get3A_214 = vector.shape_cast %get3A_213 : vector<1x16xf32> to vector<16xf32>
      %mul3A_215 = arith.mulf %get3A_27, %get3A_214 : vector<16xf32>
      %add3A_216 = arith.addf %get3A_210, %mul3A_215 : vector<16xf32>
      %swap3A_217 = arith.index_cast %scan3A_24 : i32 to index
      %swap3A_218 = arith.constant 192 : index
      %swap3A_219 = tpu.vector_load %arg11[%swap3A_217, %swap3A_218] {strides = array<i32>} : memref<64x768xf32, #tpu.memory_space<vmem>>, vector<1x16xf32>,
      %swap3A_220 = vector.shape_cast %swap3A_219 : vector<1x16xf32> to vector<16xf32>
      %swap3A_221 = vector.shape_cast %add3A_216 : vector<16xf32> to vector<1x16xf32>
      tpu.vector_store %arg11[%swap3A_217, %swap3A_218], %swap3A_221 {strides = array<i32>} : memref<64x768xf32, #tpu.memory_space<vmem>>, vector<1x16xf32>,
      %get3A_222 = arith.index_cast %scan3A_24 : i32 to index
      %get3A_223 = arith.constant 208 : index
      %get3A_224 = tpu.vector_load %arg11[%get3A_222, %get3A_223] {strides = array<i32>} : memref<64x768xf32, #tpu.memory_space<vmem>>, vector<1x16xf32>,
      %get3A_225 = vector.shape_cast %get3A_224 : vector<1x16xf32> to vector<16xf32>
      %get3A_226 = arith.index_cast %scan3A_24 : i32 to index
      %get3A_227 = arith.constant 208 : index
      %get3A_228 = tpu.vector_load %arg12[%get3A_226, %get3A_227] {strides = array<i32>} : memref<64x768xf32, #tpu.memory_space<vmem>>, vector<1x16xf32>,
      %get3A_229 = vector.shape_cast %get3A_228 : vector<1x16xf32> to vector<16xf32>
      %mul3A_230 = arith.mulf %get3A_27, %get3A_229 : vector<16xf32>
      %add3A_231 = arith.addf %get3A_225, %mul3A_230 : vector<16xf32>
      %swap3A_232 = arith.index_cast %scan3A_24 : i32 to index
      %swap3A_233 = arith.constant 208 : index
      %swap3A_234 = tpu.vector_load %arg11[%swap3A_232, %swap3A_233] {strides = array<i32>} : memref<64x768xf32, #tpu.memory_space<vmem>>, vector<1x16xf32>,
      %swap3A_235 = vector.shape_cast %swap3A_234 : vector<1x16xf32> to vector<16xf32>
      %swap3A_236 = vector.shape_cast %add3A_231 : vector<16xf32> to vector<1x16xf32>
      tpu.vector_store %arg11[%swap3A_232, %swap3A_233], %swap3A_236 {strides = array<i32>} : memref<64x768xf32, #tpu.memory_space<vmem>>, vector<1x16xf32>,
      %get3A_237 = arith.index_cast %scan3A_24 : i32 to index
      %get3A_238 = arith.constant 224 : index
      %get3A_239 = tpu.vector_load %arg11[%get3A_237, %get3A_238] {strides = array<i32>} : memref<64x768xf32, #tpu.memory_space<vmem>>, vector<1x16xf32>,
      %get3A_240 = vector.shape_cast %get3A_239 : vector<1x16xf32> to vector<16xf32>
      %get3A_241 = arith.index_cast %scan3A_24 : i32 to index
      %get3A_242 = arith.constant 224 : index
      %get3A_243 = tpu.vector_load %arg12[%get3A_241, %get3A_242] {strides = array<i32>} : memref<64x768xf32, #tpu.memory_space<vmem>>, vector<1x16xf32>,
      %get3A_244 = vector.shape_cast %get3A_243 : vector<1x16xf32> to vector<16xf32>
      %mul3A_245 = arith.mulf %get3A_27, %get3A_244 : vector<16xf32>
      %add3A_246 = arith.addf %get3A_240, %mul3A_245 : vector<16xf32>
      %swap3A_247 = arith.index_cast %scan3A_24 : i32 to index
      %swap3A_248 = arith.constant 224 : index
      %swap3A_249 = tpu.vector_load %arg11[%swap3A_247, %swap3A_248] {strides = array<i32>} : memref<64x768xf32, #tpu.memory_space<vmem>>, vector<1x16xf32>,
      %swap3A_250 = vector.shape_cast %swap3A_249 : vector<1x16xf32> to vector<16xf32>
      %swap3A_251 = vector.shape_cast %add3A_246 : vector<16xf32> to vector<1x16xf32>
      tpu.vector_store %arg11[%swap3A_247, %swap3A_248], %swap3A_251 {strides = array<i32>} : memref<64x768xf32, #tpu.memory_space<vmem>>, vector<1x16xf32>,
      %get3A_252 = arith.index_cast %scan3A_24 : i32 to index
      %get3A_253 = arith.constant 240 : index
      %get3A_254 = tpu.vector_load %arg11[%get3A_252, %get3A_253] {strides = array<i32>} : memref<64x768xf32, #tpu.memory_space<vmem>>, vector<1x16xf32>,
      %get3A_255 = vector.shape_cast %get3A_254 : vector<1x16xf32> to vector<16xf32>
      %get3A_256 = arith.index_cast %scan3A_24 : i32 to index
      %get3A_257 = arith.constant 240 : index
      %get3A_258 = tpu.vector_load %arg12[%get3A_256, %get3A_257] {strides = array<i32>} : memref<64x768xf32, #tpu.memory_space<vmem>>, vector<1x16xf32>,
      %get3A_259 = vector.shape_cast %get3A_258 : vector<1x16xf32> to vector<16xf32>
      %mul3A_260 = arith.mulf %get3A_27, %get3A_259 : vector<16xf32>
      %add3A_261 = arith.addf %get3A_255, %mul3A_260 : vector<16xf32>
      %swap3A_262 = arith.index_cast %scan3A_24 : i32 to index
      %swap3A_263 = arith.constant 240 : index
      %swap3A_264 = tpu.vector_load %arg11[%swap3A_262, %swap3A_263] {strides = array<i32>} : memref<64x768xf32, #tpu.memory_space<vmem>>, vector<1x16xf32>,
      %swap3A_265 = vector.shape_cast %swap3A_264 : vector<1x16xf32> to vector<16xf32>
      %swap3A_266 = vector.shape_cast %add3A_261 : vector<16xf32> to vector<1x16xf32>
      tpu.vector_store %arg11[%swap3A_262, %swap3A_263], %swap3A_266 {strides = array<i32>} : memref<64x768xf32, #tpu.memory_space<vmem>>, vector<1x16xf32>,
      %get3A_267 = arith.index_cast %scan3A_24 : i32 to index
      %get3A_268 = arith.constant 256 : index
      %get3A_269 = tpu.vector_load %arg11[%get3A_267, %get3A_268] {strides = array<i32>} : memref<64x768xf32, #tpu.memory_space<vmem>>, vector<1x16xf32>,
      %get3A_270 = vector.shape_cast %get3A_269 : vector<1x16xf32> to vector<16xf32>
      %get3A_271 = arith.index_cast %scan3A_24 : i32 to index
      %get3A_272 = arith.constant 256 : index
      %get3A_273 = tpu.vector_load %arg12[%get3A_271, %get3A_272] {strides = array<i32>} : memref<64x768xf32, #tpu.memory_space<vmem>>, vector<1x16xf32>,
      %get3A_274 = vector.shape_cast %get3A_273 : vector<1x16xf32> to vector<16xf32>
      %mul3A_275 = arith.mulf %get3A_27, %get3A_274 : vector<16xf32>
      %add3A_276 = arith.addf %get3A_270, %mul3A_275 : vector<16xf32>
      %swap3A_277 = arith.index_cast %scan3A_24 : i32 to index
      %swap3A_278 = arith.constant 256 : index
      %swap3A_279 = tpu.vector_load %arg11[%swap3A_277, %swap3A_278] {strides = array<i32>} : memref<64x768xf32, #tpu.memory_space<vmem>>, vector<1x16xf32>,
      %swap3A_280 = vector.shape_cast %swap3A_279 : vector<1x16xf32> to vector<16xf32>
      %swap3A_281 = vector.shape_cast %add3A_276 : vector<16xf32> to vector<1x16xf32>
      tpu.vector_store %arg11[%swap3A_277, %swap3A_278], %swap3A_281 {strides = array<i32>} : memref<64x768xf32, #tpu.memory_space<vmem>>, vector<1x16xf32>,
      %get3A_282 = arith.index_cast %scan3A_24 : i32 to index
      %get3A_283 = arith.constant 272 : index
      %get3A_284 = tpu.vector_load %arg11[%get3A_282, %get3A_283] {strides = array<i32>} : memref<64x768xf32, #tpu.memory_space<vmem>>, vector<1x16xf32>,
      %get3A_285 = vector.shape_cast %get3A_284 : vector<1x16xf32> to vector<16xf32>
      %get3A_286 = arith.index_cast %scan3A_24 : i32 to index
      %get3A_287 = arith.constant 272 : index
      %get3A_288 = tpu.vector_load %arg12[%get3A_286, %get3A_287] {strides = array<i32>} : memref<64x768xf32, #tpu.memory_space<vmem>>, vector<1x16xf32>,
      %get3A_289 = vector.shape_cast %get3A_288 : vector<1x16xf32> to vector<16xf32>
      %mul3A_290 = arith.mulf %get3A_27, %get3A_289 : vector<16xf32>
      %add3A_291 = arith.addf %get3A_285, %mul3A_290 : vector<16xf32>
      %swap3A_292 = arith.index_cast %scan3A_24 : i32 to index
      %swap3A_293 = arith.constant 272 : index
      %swap3A_294 = tpu.vector_load %arg11[%swap3A_292, %swap3A_293] {strides = array<i32>} : memref<64x768xf32, #tpu.memory_space<vmem>>, vector<1x16xf32>,
      %swap3A_295 = vector.shape_cast %swap3A_294 : vector<1x16xf32> to vector<16xf32>
      %swap3A_296 = vector.shape_cast %add3A_291 : vector<16xf32> to vector<1x16xf32>
      tpu.vector_store %arg11[%swap3A_292, %swap3A_293], %swap3A_296 {strides = array<i32>} : memref<64x768xf32, #tpu.memory_space<vmem>>, vector<1x16xf32>,
      %get3A_297 = arith.index_cast %scan3A_24 : i32 to index
      %get3A_298 = arith.constant 288 : index
      %get3A_299 = tpu.vector_load %arg11[%get3A_297, %get3A_298] {strides = array<i32>} : memref<64x768xf32, #tpu.memory_space<vmem>>, vector<1x16xf32>,
      %get3A_300 = vector.shape_cast %get3A_299 : vector<1x16xf32> to vector<16xf32>
      %get3A_301 = arith.index_cast %scan3A_24 : i32 to index
      %get3A_302 = arith.constant 288 : index
      %get3A_303 = tpu.vector_load %arg12[%get3A_301, %get3A_302] {strides = array<i32>} : memref<64x768xf32, #tpu.memory_space<vmem>>, vector<1x16xf32>,
      %get3A_304 = vector.shape_cast %get3A_303 : vector<1x16xf32> to vector<16xf32>
      %mul3A_305 = arith.mulf %get3A_27, %get3A_304 : vector<16xf32>
      %add3A_306 = arith.addf %get3A_300, %mul3A_305 : vector<16xf32>
      %swap3A_307 = arith.index_cast %scan3A_24 : i32 to index
      %swap3A_308 = arith.constant 288 : index
      %swap3A_309 = tpu.vector_load %arg11[%swap3A_307, %swap3A_308] {strides = array<i32>} : memref<64x768xf32, #tpu.memory_space<vmem>>, vector<1x16xf32>,
      %swap3A_310 = vector.shape_cast %swap3A_309 : vector<1x16xf32> to vector<16xf32>
      %swap3A_311 = vector.shape_cast %add3A_306 : vector<16xf32> to vector<1x16xf32>
      tpu.vector_store %arg11[%swap3A_307, %swap3A_308], %swap3A_311 {strides = array<i32>} : memref<64x768xf32, #tpu.memory_space<vmem>>, vector<1x16xf32>,
      %get3A_312 = arith.index_cast %scan3A_24 : i32 to index
      %get3A_313 = arith.constant 304 : index
      %get3A_314 = tpu.vector_load %arg11[%get3A_312, %get3A_313] {strides = array<i32>} : memref<64x768xf32, #tpu.memory_space<vmem>>, vector<1x16xf32>,
      %get3A_315 = vector.shape_cast %get3A_314 : vector<1x16xf32> to vector<16xf32>
      %get3A_316 = arith.index_cast %scan3A_24 : i32 to index
      %get3A_317 = arith.constant 304 : index
      %get3A_318 = tpu.vector_load %arg12[%get3A_316, %get3A_317] {strides = array<i32>} : memref<64x768xf32, #tpu.memory_space<vmem>>, vector<1x16xf32>,
      %get3A_319 = vector.shape_cast %get3A_318 : vector<1x16xf32> to vector<16xf32>
      %mul3A_320 = arith.mulf %get3A_27, %get3A_319 : vector<16xf32>
      %add3A_321 = arith.addf %get3A_315, %mul3A_320 : vector<16xf32>
      %swap3A_322 = arith.index_cast %scan3A_24 : i32 to index
      %swap3A_323 = arith.constant 304 : index
      %swap3A_324 = tpu.vector_load %arg11[%swap3A_322, %swap3A_323] {strides = array<i32>} : memref<64x768xf32, #tpu.memory_space<vmem>>, vector<1x16xf32>,
      %swap3A_325 = vector.shape_cast %swap3A_324 : vector<1x16xf32> to vector<16xf32>
      %swap3A_326 = vector.shape_cast %add3A_321 : vector<16xf32> to vector<1x16xf32>
      tpu.vector_store %arg11[%swap3A_322, %swap3A_323], %swap3A_326 {strides = array<i32>} : memref<64x768xf32, #tpu.memory_space<vmem>>, vector<1x16xf32>,
      %get3A_327 = arith.index_cast %scan3A_24 : i32 to index
      %get3A_328 = arith.constant 320 : index
      %get3A_329 = tpu.vector_load %arg11[%get3A_327, %get3A_328] {strides = array<i32>} : memref<64x768xf32, #tpu.memory_space<vmem>>, vector<1x16xf32>,
      %get3A_330 = vector.shape_cast %get3A_329 : vector<1x16xf32> to vector<16xf32>
      %get3A_331 = arith.index_cast %scan3A_24 : i32 to index
      %get3A_332 = arith.constant 320 : index
      %get3A_333 = tpu.vector_load %arg12[%get3A_331, %get3A_332] {strides = array<i32>} : memref<64x768xf32, #tpu.memory_space<vmem>>, vector<1x16xf32>,
      %get3A_334 = vector.shape_cast %get3A_333 : vector<1x16xf32> to vector<16xf32>
      %mul3A_335 = arith.mulf %get3A_27, %get3A_334 : vector<16xf32>
      %add3A_336 = arith.addf %get3A_330, %mul3A_335 : vector<16xf32>
      %swap3A_337 = arith.index_cast %scan3A_24 : i32 to index
      %swap3A_338 = arith.constant 320 : index
      %swap3A_339 = tpu.vector_load %arg11[%swap3A_337, %swap3A_338] {strides = array<i32>} : memref<64x768xf32, #tpu.memory_space<vmem>>, vector<1x16xf32>,
      %swap3A_340 = vector.shape_cast %swap3A_339 : vector<1x16xf32> to vector<16xf32>
      %swap3A_341 = vector.shape_cast %add3A_336 : vector<16xf32> to vector<1x16xf32>
      tpu.vector_store %arg11[%swap3A_337, %swap3A_338], %swap3A_341 {strides = array<i32>} : memref<64x768xf32, #tpu.memory_space<vmem>>, vector<1x16xf32>,
      %get3A_342 = arith.index_cast %scan3A_24 : i32 to index
      %get3A_343 = arith.constant 336 : index
      %get3A_344 = tpu.vector_load %arg11[%get3A_342, %get3A_343] {strides = array<i32>} : memref<64x768xf32, #tpu.memory_space<vmem>>, vector<1x16xf32>,
      %get3A_345 = vector.shape_cast %get3A_344 : vector<1x16xf32> to vector<16xf32>
      %get3A_346 = arith.index_cast %scan3A_24 : i32 to index
      %get3A_347 = arith.constant 336 : index
      %get3A_348 = tpu.vector_load %arg12[%get3A_346, %get3A_347] {strides = array<i32>} : memref<64x768xf32, #tpu.memory_space<vmem>>, vector<1x16xf32>,
      %get3A_349 = vector.shape_cast %get3A_348 : vector<1x16xf32> to vector<16xf32>
      %mul3A_350 = arith.mulf %get3A_27, %get3A_349 : vector<16xf32>
      %add3A_351 = arith.addf %get3A_345, %mul3A_350 : vector<16xf32>
      %swap3A_352 = arith.index_cast %scan3A_24 : i32 to index
      %swap3A_353 = arith.constant 336 : index
      %swap3A_354 = tpu.vector_load %arg11[%swap3A_352, %swap3A_353] {strides = array<i32>} : memref<64x768xf32, #tpu.memory_space<vmem>>, vector<1x16xf32>,
      %swap3A_355 = vector.shape_cast %swap3A_354 : vector<1x16xf32> to vector<16xf32>
      %swap3A_356 = vector.shape_cast %add3A_351 : vector<16xf32> to vector<1x16xf32>
      tpu.vector_store %arg11[%swap3A_352, %swap3A_353], %swap3A_356 {strides = array<i32>} : memref<64x768xf32, #tpu.memory_space<vmem>>, vector<1x16xf32>,
      %get3A_357 = arith.index_cast %scan3A_24 : i32 to index
      %get3A_358 = arith.constant 352 : index
      %get3A_359 = tpu.vector_load %arg11[%get3A_357, %get3A_358] {strides = array<i32>} : memref<64x768xf32, #tpu.memory_space<vmem>>, vector<1x16xf32>,
      %get3A_360 = vector.shape_cast %get3A_359 : vector<1x16xf32> to vector<16xf32>
      %get3A_361 = arith.index_cast %scan3A_24 : i32 to index
      %get3A_362 = arith.constant 352 : index
      %get3A_363 = tpu.vector_load %arg12[%get3A_361, %get3A_362] {strides = array<i32>} : memref<64x768xf32, #tpu.memory_space<vmem>>, vector<1x16xf32>,
      %get3A_364 = vector.shape_cast %get3A_363 : vector<1x16xf32> to vector<16xf32>
      %mul3A_365 = arith.mulf %get3A_27, %get3A_364 : vector<16xf32>
      %add3A_366 = arith.addf %get3A_360, %mul3A_365 : vector<16xf32>
      %swap3A_367 = arith.index_cast %scan3A_24 : i32 to index
      %swap3A_368 = arith.constant 352 : index
      %swap3A_369 = tpu.vector_load %arg11[%swap3A_367, %swap3A_368] {strides = array<i32>} : memref<64x768xf32, #tpu.memory_space<vmem>>, vector<1x16xf32>,
      %swap3A_370 = vector.shape_cast %swap3A_369 : vector<1x16xf32> to vector<16xf32>
      %swap3A_371 = vector.shape_cast %add3A_366 : vector<16xf32> to vector<1x16xf32>
      tpu.vector_store %arg11[%swap3A_367, %swap3A_368], %swap3A_371 {strides = array<i32>} : memref<64x768xf32, #tpu.memory_space<vmem>>, vector<1x16xf32>,
      %get3A_372 = arith.index_cast %scan3A_24 : i32 to index
      %get3A_373 = arith.constant 368 : index
      %get3A_374 = tpu.vector_load %arg11[%get3A_372, %get3A_373] {strides = array<i32>} : memref<64x768xf32, #tpu.memory_space<vmem>>, vector<1x16xf32>,
      %get3A_375 = vector.shape_cast %get3A_374 : vector<1x16xf32> to vector<16xf32>
      %get3A_376 = arith.index_cast %scan3A_24 : i32 to index
      %get3A_377 = arith.constant 368 : index
      %get3A_378 = tpu.vector_load %arg12[%get3A_376, %get3A_377] {strides = array<i32>} : memref<64x768xf32, #tpu.memory_space<vmem>>, vector<1x16xf32>,
      %get3A_379 = vector.shape_cast %get3A_378 : vector<1x16xf32> to vector<16xf32>
      %mul3A_380 = arith.mulf %get3A_27, %get3A_379 : vector<16xf32>
      %add3A_381 = arith.addf %get3A_375, %mul3A_380 : vector<16xf32>
      %swap3A_382 = arith.index_cast %scan3A_24 : i32 to index
      %swap3A_383 = arith.constant 368 : index
      %swap3A_384 = tpu.vector_load %arg11[%swap3A_382, %swap3A_383] {strides = array<i32>} : memref<64x768xf32, #tpu.memory_space<vmem>>, vector<1x16xf32>,
      %swap3A_385 = vector.shape_cast %swap3A_384 : vector<1x16xf32> to vector<16xf32>
      %swap3A_386 = vector.shape_cast %add3A_381 : vector<16xf32> to vector<1x16xf32>
      tpu.vector_store %arg11[%swap3A_382, %swap3A_383], %swap3A_386 {strides = array<i32>} : memref<64x768xf32, #tpu.memory_space<vmem>>, vector<1x16xf32>,
      %get3A_387 = arith.index_cast %scan3A_24 : i32 to index
      %get3A_388 = arith.constant 384 : index
      %get3A_389 = tpu.vector_load %arg11[%get3A_387, %get3A_388] {strides = array<i32>} : memref<64x768xf32, #tpu.memory_space<vmem>>, vector<1x16xf32>,
      %get3A_390 = vector.shape_cast %get3A_389 : vector<1x16xf32> to vector<16xf32>
      %get3A_391 = arith.index_cast %scan3A_24 : i32 to index
      %get3A_392 = arith.constant 384 : index
      %get3A_393 = tpu.vector_load %arg12[%get3A_391, %get3A_392] {strides = array<i32>} : memref<64x768xf32, #tpu.memory_space<vmem>>, vector<1x16xf32>,
      %get3A_394 = vector.shape_cast %get3A_393 : vector<1x16xf32> to vector<16xf32>
      %mul3A_395 = arith.mulf %get3A_27, %get3A_394 : vector<16xf32>
      %add3A_396 = arith.addf %get3A_390, %mul3A_395 : vector<16xf32>
      %swap3A_397 = arith.index_cast %scan3A_24 : i32 to index
      %swap3A_398 = arith.constant 384 : index
      %swap3A_399 = tpu.vector_load %arg11[%swap3A_397, %swap3A_398] {strides = array<i32>} : memref<64x768xf32, #tpu.memory_space<vmem>>, vector<1x16xf32>,
      %swap3A_400 = vector.shape_cast %swap3A_399 : vector<1x16xf32> to vector<16xf32>
      %swap3A_401 = vector.shape_cast %add3A_396 : vector<16xf32> to vector<1x16xf32>
      tpu.vector_store %arg11[%swap3A_397, %swap3A_398], %swap3A_401 {strides = array<i32>} : memref<64x768xf32, #tpu.memory_space<vmem>>, vector<1x16xf32>,
      %get3A_402 = arith.index_cast %scan3A_24 : i32 to index
      %get3A_403 = arith.constant 400 : index
      %get3A_404 = tpu.vector_load %arg11[%get3A_402, %get3A_403] {strides = array<i32>} : memref<64x768xf32, #tpu.memory_space<vmem>>, vector<1x16xf32>,
      %get3A_405 = vector.shape_cast %get3A_404 : vector<1x16xf32> to vector<16xf32>
      %get3A_406 = arith.index_cast %scan3A_24 : i32 to index
      %get3A_407 = arith.constant 400 : index
      %get3A_408 = tpu.vector_load %arg12[%get3A_406, %get3A_407] {strides = array<i32>} : memref<64x768xf32, #tpu.memory_space<vmem>>, vector<1x16xf32>,
      %get3A_409 = vector.shape_cast %get3A_408 : vector<1x16xf32> to vector<16xf32>
      %mul3A_410 = arith.mulf %get3A_27, %get3A_409 : vector<16xf32>
      %add3A_411 = arith.addf %get3A_405, %mul3A_410 : vector<16xf32>
      %swap3A_412 = arith.index_cast %scan3A_24 : i32 to index
      %swap3A_413 = arith.constant 400 : index
      %swap3A_414 = tpu.vector_load %arg11[%swap3A_412, %swap3A_413] {strides = array<i32>} : memref<64x768xf32, #tpu.memory_space<vmem>>, vector<1x16xf32>,
      %swap3A_415 = vector.shape_cast %swap3A_414 : vector<1x16xf32> to vector<16xf32>
      %swap3A_416 = vector.shape_cast %add3A_411 : vector<16xf32> to vector<1x16xf32>
      tpu.vector_store %arg11[%swap3A_412, %swap3A_413], %swap3A_416 {strides = array<i32>} : memref<64x768xf32, #tpu.memory_space<vmem>>, vector<1x16xf32>,
      %get3A_417 = arith.index_cast %scan3A_24 : i32 to index
      %get3A_418 = arith.constant 416 : index
      %get3A_419 = tpu.vector_load %arg11[%get3A_417, %get3A_418] {strides = array<i32>} : memref<64x768xf32, #tpu.memory_space<vmem>>, vector<1x16xf32>,
      %get3A_420 = vector.shape_cast %get3A_419 : vector<1x16xf32> to vector<16xf32>
      %get3A_421 = arith.index_cast %scan3A_24 : i32 to index
      %get3A_422 = arith.constant 416 : index
      %get3A_423 = tpu.vector_load %arg12[%get3A_421, %get3A_422] {strides = array<i32>} : memref<64x768xf32, #tpu.memory_space<vmem>>, vector<1x16xf32>,
      %get3A_424 = vector.shape_cast %get3A_423 : vector<1x16xf32> to vector<16xf32>
      %mul3A_425 = arith.mulf %get3A_27, %get3A_424 : vector<16xf32>
      %add3A_426 = arith.addf %get3A_420, %mul3A_425 : vector<16xf32>
      %swap3A_427 = arith.index_cast %scan3A_24 : i32 to index
      %swap3A_428 = arith.constant 416 : index
      %swap3A_429 = tpu.vector_load %arg11[%swap3A_427, %swap3A_428] {strides = array<i32>} : memref<64x768xf32, #tpu.memory_space<vmem>>, vector<1x16xf32>,
      %swap3A_430 = vector.shape_cast %swap3A_429 : vector<1x16xf32> to vector<16xf32>
      %swap3A_431 = vector.shape_cast %add3A_426 : vector<16xf32> to vector<1x16xf32>
      tpu.vector_store %arg11[%swap3A_427, %swap3A_428], %swap3A_431 {strides = array<i32>} : memref<64x768xf32, #tpu.memory_space<vmem>>, vector<1x16xf32>,
      %get3A_432 = arith.index_cast %scan3A_24 : i32 to index
      %get3A_433 = arith.constant 432 : index
      %get3A_434 = tpu.vector_load %arg11[%get3A_432, %get3A_433] {strides = array<i32>} : memref<64x768xf32, #tpu.memory_space<vmem>>, vector<1x16xf32>,
      %get3A_435 = vector.shape_cast %get3A_434 : vector<1x16xf32> to vector<16xf32>
      %get3A_436 = arith.index_cast %scan3A_24 : i32 to index
      %get3A_437 = arith.constant 432 : index
      %get3A_438 = tpu.vector_load %arg12[%get3A_436, %get3A_437] {strides = array<i32>} : memref<64x768xf32, #tpu.memory_space<vmem>>, vector<1x16xf32>,
      %get3A_439 = vector.shape_cast %get3A_438 : vector<1x16xf32> to vector<16xf32>
      %mul3A_440 = arith.mulf %get3A_27, %get3A_439 : vector<16xf32>
      %add3A_441 = arith.addf %get3A_435, %mul3A_440 : vector<16xf32>
      %swap3A_442 = arith.index_cast %scan3A_24 : i32 to index
      %swap3A_443 = arith.constant 432 : index
      %swap3A_444 = tpu.vector_load %arg11[%swap3A_442, %swap3A_443] {strides = array<i32>} : memref<64x768xf32, #tpu.memory_space<vmem>>, vector<1x16xf32>,
      %swap3A_445 = vector.shape_cast %swap3A_444 : vector<1x16xf32> to vector<16xf32>
      %swap3A_446 = vector.shape_cast %add3A_441 : vector<16xf32> to vector<1x16xf32>
      tpu.vector_store %arg11[%swap3A_442, %swap3A_443], %swap3A_446 {strides = array<i32>} : memref<64x768xf32, #tpu.memory_space<vmem>>, vector<1x16xf32>,
      %get3A_447 = arith.index_cast %scan3A_24 : i32 to index
      %get3A_448 = arith.constant 448 : index
      %get3A_449 = tpu.vector_load %arg11[%get3A_447, %get3A_448] {strides = array<i32>} : memref<64x768xf32, #tpu.memory_space<vmem>>, vector<1x16xf32>,
      %get3A_450 = vector.shape_cast %get3A_449 : vector<1x16xf32> to vector<16xf32>
      %get3A_451 = arith.index_cast %scan3A_24 : i32 to index
      %get3A_452 = arith.constant 448 : index
      %get3A_453 = tpu.vector_load %arg12[%get3A_451, %get3A_452] {strides = array<i32>} : memref<64x768xf32, #tpu.memory_space<vmem>>, vector<1x16xf32>,
      %get3A_454 = vector.shape_cast %get3A_453 : vector<1x16xf32> to vector<16xf32>
      %mul3A_455 = arith.mulf %get3A_27, %get3A_454 : vector<16xf32>
      %add3A_456 = arith.addf %get3A_450, %mul3A_455 : vector<16xf32>
      %swap3A_457 = arith.index_cast %scan3A_24 : i32 to index
      %swap3A_458 = arith.constant 448 : index
      %swap3A_459 = tpu.vector_load %arg11[%swap3A_457, %swap3A_458] {strides = array<i32>} : memref<64x768xf32, #tpu.memory_space<vmem>>, vector<1x16xf32>,
      %swap3A_460 = vector.shape_cast %swap3A_459 : vector<1x16xf32> to vector<16xf32>
      %swap3A_461 = vector.shape_cast %add3A_456 : vector<16xf32> to vector<1x16xf32>
      tpu.vector_store %arg11[%swap3A_457, %swap3A_458], %swap3A_461 {strides = array<i32>} : memref<64x768xf32, #tpu.memory_space<vmem>>, vector<1x16xf32>,
      %get3A_462 = arith.index_cast %scan3A_24 : i32 to index
      %get3A_463 = arith.constant 464 : index
      %get3A_464 = tpu.vector_load %arg11[%get3A_462, %get3A_463] {strides = array<i32>} : memref<64x768xf32, #tpu.memory_space<vmem>>, vector<1x16xf32>,
      %get3A_465 = vector.shape_cast %get3A_464 : vector<1x16xf32> to vector<16xf32>
      %get3A_466 = arith.index_cast %scan3A_24 : i32 to index
      %get3A_467 = arith.constant 464 : index
      %get3A_468 = tpu.vector_load %arg12[%get3A_466, %get3A_467] {strides = array<i32>} : memref<64x768xf32, #tpu.memory_space<vmem>>, vector<1x16xf32>,
      %get3A_469 = vector.shape_cast %get3A_468 : vector<1x16xf32> to vector<16xf32>
      %mul3A_470 = arith.mulf %get3A_27, %get3A_469 : vector<16xf32>
      %add3A_471 = arith.addf %get3A_465, %mul3A_470 : vector<16xf32>
      %swap3A_472 = arith.index_cast %scan3A_24 : i32 to index
      %swap3A_473 = arith.constant 464 : index
      %swap3A_474 = tpu.vector_load %arg11[%swap3A_472, %swap3A_473] {strides = array<i32>} : memref<64x768xf32, #tpu.memory_space<vmem>>, vector<1x16xf32>,
      %swap3A_475 = vector.shape_cast %swap3A_474 : vector<1x16xf32> to vector<16xf32>
      %swap3A_476 = vector.shape_cast %add3A_471 : vector<16xf32> to vector<1x16xf32>
      tpu.vector_store %arg11[%swap3A_472, %swap3A_473], %swap3A_476 {strides = array<i32>} : memref<64x768xf32, #tpu.memory_space<vmem>>, vector<1x16xf32>,
      %get3A_477 = arith.index_cast %scan3A_24 : i32 to index
      %get3A_478 = arith.constant 480 : index
      %get3A_479 = tpu.vector_load %arg11[%get3A_477, %get3A_478] {strides = array<i32>} : memref<64x768xf32, #tpu.memory_space<vmem>>, vector<1x16xf32>,
      %get3A_480 = vector.shape_cast %get3A_479 : vector<1x16xf32> to vector<16xf32>
      %get3A_481 = arith.index_cast %scan3A_24 : i32 to index
      %get3A_482 = arith.constant 480 : index
      %get3A_483 = tpu.vector_load %arg12[%get3A_481, %get3A_482] {strides = array<i32>} : memref<64x768xf32, #tpu.memory_space<vmem>>, vector<1x16xf32>,
      %get3A_484 = vector.shape_cast %get3A_483 : vector<1x16xf32> to vector<16xf32>
      %mul3A_485 = arith.mulf %get3A_27, %get3A_484 : vector<16xf32>
      %add3A_486 = arith.addf %get3A_480, %mul3A_485 : vector<16xf32>
      %swap3A_487 = arith.index_cast %scan3A_24 : i32 to index
      %swap3A_488 = arith.constant 480 : index
      %swap3A_489 = tpu.vector_load %arg11[%swap3A_487, %swap3A_488] {strides = array<i32>} : memref<64x768xf32, #tpu.memory_space<vmem>>, vector<1x16xf32>,
      %swap3A_490 = vector.shape_cast %swap3A_489 : vector<1x16xf32> to vector<16xf32>
      %swap3A_491 = vector.shape_cast %add3A_486 : vector<16xf32> to vector<1x16xf32>
      tpu.vector_store %arg11[%swap3A_487, %swap3A_488], %swap3A_491 {strides = array<i32>} : memref<64x768xf32, #tpu.memory_space<vmem>>, vector<1x16xf32>,
      %get3A_492 = arith.index_cast %scan3A_24 : i32 to index
      %get3A_493 = arith.constant 496 : index
      %get3A_494 = tpu.vector_load %arg11[%get3A_492, %get3A_493] {strides = array<i32>} : memref<64x768xf32, #tpu.memory_space<vmem>>, vector<1x16xf32>,
      %get3A_495 = vector.shape_cast %get3A_494 : vector<1x16xf32> to vector<16xf32>
      %get3A_496 = arith.index_cast %scan3A_24 : i32 to index
      %get3A_497 = arith.constant 496 : index
      %get3A_498 = tpu.vector_load %arg12[%get3A_496, %get3A_497] {strides = array<i32>} : memref<64x768xf32, #tpu.memory_space<vmem>>, vector<1x16xf32>,
      %get3A_499 = vector.shape_cast %get3A_498 : vector<1x16xf32> to vector<16xf32>
      %mul3A_500 = arith.mulf %get3A_27, %get3A_499 : vector<16xf32>
      %add3A_501 = arith.addf %get3A_495, %mul3A_500 : vector<16xf32>
      %swap3A_502 = arith.index_cast %scan3A_24 : i32 to index
      %swap3A_503 = arith.constant 496 : index
      %swap3A_504 = tpu.vector_load %arg11[%swap3A_502, %swap3A_503] {strides = array<i32>} : memref<64x768xf32, #tpu.memory_space<vmem>>, vector<1x16xf32>,
      %swap3A_505 = vector.shape_cast %swap3A_504 : vector<1x16xf32> to vector<16xf32>
      %swap3A_506 = vector.shape_cast %add3A_501 : vector<16xf32> to vector<1x16xf32>
      tpu.vector_store %arg11[%swap3A_502, %swap3A_503], %swap3A_506 {strides = array<i32>} : memref<64x768xf32, #tpu.memory_space<vmem>>, vector<1x16xf32>,
      %get3A_507 = arith.index_cast %scan3A_24 : i32 to index
      %get3A_508 = arith.constant 512 : index
      %get3A_509 = tpu.vector_load %arg11[%get3A_507, %get3A_508] {strides = array<i32>} : memref<64x768xf32, #tpu.memory_space<vmem>>, vector<1x16xf32>,
      %get3A_510 = vector.shape_cast %get3A_509 : vector<1x16xf32> to vector<16xf32>
      %get3A_511 = arith.index_cast %scan3A_24 : i32 to index
      %get3A_512 = arith.constant 512 : index
      %get3A_513 = tpu.vector_load %arg12[%get3A_511, %get3A_512] {strides = array<i32>} : memref<64x768xf32, #tpu.memory_space<vmem>>, vector<1x16xf32>,
      %get3A_514 = vector.shape_cast %get3A_513 : vector<1x16xf32> to vector<16xf32>
      %mul3A_515 = arith.mulf %get3A_27, %get3A_514 : vector<16xf32>
      %add3A_516 = arith.addf %get3A_510, %mul3A_515 : vector<16xf32>
      %swap3A_517 = arith.index_cast %scan3A_24 : i32 to index
      %swap3A_518 = arith.constant 512 : index
      %swap3A_519 = tpu.vector_load %arg11[%swap3A_517, %swap3A_518] {strides = array<i32>} : memref<64x768xf32, #tpu.memory_space<vmem>>, vector<1x16xf32>,
      %swap3A_520 = vector.shape_cast %swap3A_519 : vector<1x16xf32> to vector<16xf32>
      %swap3A_521 = vector.shape_cast %add3A_516 : vector<16xf32> to vector<1x16xf32>
      tpu.vector_store %arg11[%swap3A_517, %swap3A_518], %swap3A_521 {strides = array<i32>} : memref<64x768xf32, #tpu.memory_space<vmem>>, vector<1x16xf32>,
      %get3A_522 = arith.index_cast %scan3A_24 : i32 to index
      %get3A_523 = arith.constant 528 : index
      %get3A_524 = tpu.vector_load %arg11[%get3A_522, %get3A_523] {strides = array<i32>} : memref<64x768xf32, #tpu.memory_space<vmem>>, vector<1x16xf32>,
      %get3A_525 = vector.shape_cast %get3A_524 : vector<1x16xf32> to vector<16xf32>
      %get3A_526 = arith.index_cast %scan3A_24 : i32 to index
      %get3A_527 = arith.constant 528 : index
      %get3A_528 = tpu.vector_load %arg12[%get3A_526, %get3A_527] {strides = array<i32>} : memref<64x768xf32, #tpu.memory_space<vmem>>, vector<1x16xf32>,
      %get3A_529 = vector.shape_cast %get3A_528 : vector<1x16xf32> to vector<16xf32>
      %mul3A_530 = arith.mulf %get3A_27, %get3A_529 : vector<16xf32>
      %add3A_531 = arith.addf %get3A_525, %mul3A_530 : vector<16xf32>
      %swap3A_532 = arith.index_cast %scan3A_24 : i32 to index
      %swap3A_533 = arith.constant 528 : index
      %swap3A_534 = tpu.vector_load %arg11[%swap3A_532, %swap3A_533] {strides = array<i32>} : memref<64x768xf32, #tpu.memory_space<vmem>>, vector<1x16xf32>,
      %swap3A_535 = vector.shape_cast %swap3A_534 : vector<1x16xf32> to vector<16xf32>
      %swap3A_536 = vector.shape_cast %add3A_531 : vector<16xf32> to vector<1x16xf32>
      tpu.vector_store %arg11[%swap3A_532, %swap3A_533], %swap3A_536 {strides = array<i32>} : memref<64x768xf32, #tpu.memory_space<vmem>>, vector<1x16xf32>,
      %get3A_537 = arith.index_cast %scan3A_24 : i32 to index
      %get3A_538 = arith.constant 544 : index
      %get3A_539 = tpu.vector_load %arg11[%get3A_537, %get3A_538] {strides = array<i32>} : memref<64x768xf32, #tpu.memory_space<vmem>>, vector<1x16xf32>,
      %get3A_540 = vector.shape_cast %get3A_539 : vector<1x16xf32> to vector<16xf32>
      %get3A_541 = arith.index_cast %scan3A_24 : i32 to index
      %get3A_542 = arith.constant 544 : index
      %get3A_543 = tpu.vector_load %arg12[%get3A_541, %get3A_542] {strides = array<i32>} : memref<64x768xf32, #tpu.memory_space<vmem>>, vector<1x16xf32>,
      %get3A_544 = vector.shape_cast %get3A_543 : vector<1x16xf32> to vector<16xf32>
      %mul3A_545 = arith.mulf %get3A_27, %get3A_544 : vector<16xf32>
      %add3A_546 = arith.addf %get3A_540, %mul3A_545 : vector<16xf32>
      %swap3A_547 = arith.index_cast %scan3A_24 : i32 to index
      %swap3A_548 = arith.constant 544 : index
      %swap3A_549 = tpu.vector_load %arg11[%swap3A_547, %swap3A_548] {strides = array<i32>} : memref<64x768xf32, #tpu.memory_space<vmem>>, vector<1x16xf32>,
      %swap3A_550 = vector.shape_cast %swap3A_549 : vector<1x16xf32> to vector<16xf32>
      %swap3A_551 = vector.shape_cast %add3A_546 : vector<16xf32> to vector<1x16xf32>
      tpu.vector_store %arg11[%swap3A_547, %swap3A_548], %swap3A_551 {strides = array<i32>} : memref<64x768xf32, #tpu.memory_space<vmem>>, vector<1x16xf32>,
      %get3A_552 = arith.index_cast %scan3A_24 : i32 to index
      %get3A_553 = arith.constant 560 : index
      %get3A_554 = tpu.vector_load %arg11[%get3A_552, %get3A_553] {strides = array<i32>} : memref<64x768xf32, #tpu.memory_space<vmem>>, vector<1x16xf32>,
      %get3A_555 = vector.shape_cast %get3A_554 : vector<1x16xf32> to vector<16xf32>
      %get3A_556 = arith.index_cast %scan3A_24 : i32 to index
      %get3A_557 = arith.constant 560 : index
      %get3A_558 = tpu.vector_load %arg12[%get3A_556, %get3A_557] {strides = array<i32>} : memref<64x768xf32, #tpu.memory_space<vmem>>, vector<1x16xf32>,
      %get3A_559 = vector.shape_cast %get3A_558 : vector<1x16xf32> to vector<16xf32>
      %mul3A_560 = arith.mulf %get3A_27, %get3A_559 : vector<16xf32>
      %add3A_561 = arith.addf %get3A_555, %mul3A_560 : vector<16xf32>
      %swap3A_562 = arith.index_cast %scan3A_24 : i32 to index
      %swap3A_563 = arith.constant 560 : index
      %swap3A_564 = tpu.vector_load %arg11[%swap3A_562, %swap3A_563] {strides = array<i32>} : memref<64x768xf32, #tpu.memory_space<vmem>>, vector<1x16xf32>,
      %swap3A_565 = vector.shape_cast %swap3A_564 : vector<1x16xf32> to vector<16xf32>
      %swap3A_566 = vector.shape_cast %add3A_561 : vector<16xf32> to vector<1x16xf32>
      tpu.vector_store %arg11[%swap3A_562, %swap3A_563], %swap3A_566 {strides = array<i32>} : memref<64x768xf32, #tpu.memory_space<vmem>>, vector<1x16xf32>,
      %get3A_567 = arith.index_cast %scan3A_24 : i32 to index
      %get3A_568 = arith.constant 576 : index
      %get3A_569 = tpu.vector_load %arg11[%get3A_567, %get3A_568] {strides = array<i32>} : memref<64x768xf32, #tpu.memory_space<vmem>>, vector<1x16xf32>,
      %get3A_570 = vector.shape_cast %get3A_569 : vector<1x16xf32> to vector<16xf32>
      %get3A_571 = arith.index_cast %scan3A_24 : i32 to index
      %get3A_572 = arith.constant 576 : index
      %get3A_573 = tpu.vector_load %arg12[%get3A_571, %get3A_572] {strides = array<i32>} : memref<64x768xf32, #tpu.memory_space<vmem>>, vector<1x16xf32>,
      %get3A_574 = vector.shape_cast %get3A_573 : vector<1x16xf32> to vector<16xf32>
      %mul3A_575 = arith.mulf %get3A_27, %get3A_574 : vector<16xf32>
      %add3A_576 = arith.addf %get3A_570, %mul3A_575 : vector<16xf32>
      %swap3A_577 = arith.index_cast %scan3A_24 : i32 to index
      %swap3A_578 = arith.constant 576 : index
      %swap3A_579 = tpu.vector_load %arg11[%swap3A_577, %swap3A_578] {strides = array<i32>} : memref<64x768xf32, #tpu.memory_space<vmem>>, vector<1x16xf32>,
      %swap3A_580 = vector.shape_cast %swap3A_579 : vector<1x16xf32> to vector<16xf32>
      %swap3A_581 = vector.shape_cast %add3A_576 : vector<16xf32> to vector<1x16xf32>
      tpu.vector_store %arg11[%swap3A_577, %swap3A_578], %swap3A_581 {strides = array<i32>} : memref<64x768xf32, #tpu.memory_space<vmem>>, vector<1x16xf32>,
      %get3A_582 = arith.index_cast %scan3A_24 : i32 to index
      %get3A_583 = arith.constant 592 : index
      %get3A_584 = tpu.vector_load %arg11[%get3A_582, %get3A_583] {strides = array<i32>} : memref<64x768xf32, #tpu.memory_space<vmem>>, vector<1x16xf32>,
      %get3A_585 = vector.shape_cast %get3A_584 : vector<1x16xf32> to vector<16xf32>
      %get3A_586 = arith.index_cast %scan3A_24 : i32 to index
      %get3A_587 = arith.constant 592 : index
      %get3A_588 = tpu.vector_load %arg12[%get3A_586, %get3A_587] {strides = array<i32>} : memref<64x768xf32, #tpu.memory_space<vmem>>, vector<1x16xf32>,
      %get3A_589 = vector.shape_cast %get3A_588 : vector<1x16xf32> to vector<16xf32>
      %mul3A_590 = arith.mulf %get3A_27, %get3A_589 : vector<16xf32>
      %add3A_591 = arith.addf %get3A_585, %mul3A_590 : vector<16xf32>
      %swap3A_592 = arith.index_cast %scan3A_24 : i32 to index
      %swap3A_593 = arith.constant 592 : index
      %swap3A_594 = tpu.vector_load %arg11[%swap3A_592, %swap3A_593] {strides = array<i32>} : memref<64x768xf32, #tpu.memory_space<vmem>>, vector<1x16xf32>,
      %swap3A_595 = vector.shape_cast %swap3A_594 : vector<1x16xf32> to vector<16xf32>
      %swap3A_596 = vector.shape_cast %add3A_591 : vector<16xf32> to vector<1x16xf32>
      tpu.vector_store %arg11[%swap3A_592, %swap3A_593], %swap3A_596 {strides = array<i32>} : memref<64x768xf32, #tpu.memory_space<vmem>>, vector<1x16xf32>,
      %get3A_597 = arith.index_cast %scan3A_24 : i32 to index
      %get3A_598 = arith.constant 608 : index
      %get3A_599 = tpu.vector_load %arg11[%get3A_597, %get3A_598] {strides = array<i32>} : memref<64x768xf32, #tpu.memory_space<vmem>>, vector<1x16xf32>,
      %get3A_600 = vector.shape_cast %get3A_599 : vector<1x16xf32> to vector<16xf32>
      %get3A_601 = arith.index_cast %scan3A_24 : i32 to index
      %get3A_602 = arith.constant 608 : index
      %get3A_603 = tpu.vector_load %arg12[%get3A_601, %get3A_602] {strides = array<i32>} : memref<64x768xf32, #tpu.memory_space<vmem>>, vector<1x16xf32>,
      %get3A_604 = vector.shape_cast %get3A_603 : vector<1x16xf32> to vector<16xf32>
      %mul3A_605 = arith.mulf %get3A_27, %get3A_604 : vector<16xf32>
      %add3A_606 = arith.addf %get3A_600, %mul3A_605 : vector<16xf32>
      %swap3A_607 = arith.index_cast %scan3A_24 : i32 to index
      %swap3A_608 = arith.constant 608 : index
      %swap3A_609 = tpu.vector_load %arg11[%swap3A_607, %swap3A_608] {strides = array<i32>} : memref<64x768xf32, #tpu.memory_space<vmem>>, vector<1x16xf32>,
      %swap3A_610 = vector.shape_cast %swap3A_609 : vector<1x16xf32> to vector<16xf32>
      %swap3A_611 = vector.shape_cast %add3A_606 : vector<16xf32> to vector<1x16xf32>
      tpu.vector_store %arg11[%swap3A_607, %swap3A_608], %swap3A_611 {strides = array<i32>} : memref<64x768xf32, #tpu.memory_space<vmem>>, vector<1x16xf32>,
      %get3A_612 = arith.index_cast %scan3A_24 : i32 to index
      %get3A_613 = arith.constant 624 : index
      %get3A_614 = tpu.vector_load %arg11[%get3A_612, %get3A_613] {strides = array<i32>} : memref<64x768xf32, #tpu.memory_space<vmem>>, vector<1x16xf32>,
      %get3A_615 = vector.shape_cast %get3A_614 : vector<1x16xf32> to vector<16xf32>
      %get3A_616 = arith.index_cast %scan3A_24 : i32 to index
      %get3A_617 = arith.constant 624 : index
      %get3A_618 = tpu.vector_load %arg12[%get3A_616, %get3A_617] {strides = array<i32>} : memref<64x768xf32, #tpu.memory_space<vmem>>, vector<1x16xf32>,
      %get3A_619 = vector.shape_cast %get3A_618 : vector<1x16xf32> to vector<16xf32>
      %mul3A_620 = arith.mulf %get3A_27, %get3A_619 : vector<16xf32>
      %add3A_621 = arith.addf %get3A_615, %mul3A_620 : vector<16xf32>
      %swap3A_622 = arith.index_cast %scan3A_24 : i32 to index
      %swap3A_623 = arith.constant 624 : index
      %swap3A_624 = tpu.vector_load %arg11[%swap3A_622, %swap3A_623] {strides = array<i32>} : memref<64x768xf32, #tpu.memory_space<vmem>>, vector<1x16xf32>,
      %swap3A_625 = vector.shape_cast %swap3A_624 : vector<1x16xf32> to vector<16xf32>
      %swap3A_626 = vector.shape_cast %add3A_621 : vector<16xf32> to vector<1x16xf32>
      tpu.vector_store %arg11[%swap3A_622, %swap3A_623], %swap3A_626 {strides = array<i32>} : memref<64x768xf32, #tpu.memory_space<vmem>>, vector<1x16xf32>,
      %get3A_627 = arith.index_cast %scan3A_24 : i32 to index
      %get3A_628 = arith.constant 640 : index
      %get3A_629 = tpu.vector_load %arg11[%get3A_627, %get3A_628] {strides = array<i32>} : memref<64x768xf32, #tpu.memory_space<vmem>>, vector<1x16xf32>,
      %get3A_630 = vector.shape_cast %get3A_629 : vector<1x16xf32> to vector<16xf32>
      %get3A_631 = arith.index_cast %scan3A_24 : i32 to index
      %get3A_632 = arith.constant 640 : index
      %get3A_633 = tpu.vector_load %arg12[%get3A_631, %get3A_632] {strides = array<i32>} : memref<64x768xf32, #tpu.memory_space<vmem>>, vector<1x16xf32>,
      %get3A_634 = vector.shape_cast %get3A_633 : vector<1x16xf32> to vector<16xf32>
      %mul3A_635 = arith.mulf %get3A_27, %get3A_634 : vector<16xf32>
      %add3A_636 = arith.addf %get3A_630, %mul3A_635 : vector<16xf32>
      %swap3A_637 = arith.index_cast %scan3A_24 : i32 to index
      %swap3A_638 = arith.constant 640 : index
      %swap3A_639 = tpu.vector_load %arg11[%swap3A_637, %swap3A_638] {strides = array<i32>} : memref<64x768xf32, #tpu.memory_space<vmem>>, vector<1x16xf32>,
      %swap3A_640 = vector.shape_cast %swap3A_639 : vector<1x16xf32> to vector<16xf32>
      %swap3A_641 = vector.shape_cast %add3A_636 : vector<16xf32> to vector<1x16xf32>
      tpu.vector_store %arg11[%swap3A_637, %swap3A_638], %swap3A_641 {strides = array<i32>} : memref<64x768xf32, #tpu.memory_space<vmem>>, vector<1x16xf32>,
      %get3A_642 = arith.index_cast %scan3A_24 : i32 to index
      %get3A_643 = arith.constant 656 : index
      %get3A_644 = tpu.vector_load %arg11[%get3A_642, %get3A_643] {strides = array<i32>} : memref<64x768xf32, #tpu.memory_space<vmem>>, vector<1x16xf32>,
      %get3A_645 = vector.shape_cast %get3A_644 : vector<1x16xf32> to vector<16xf32>
      %get3A_646 = arith.index_cast %scan3A_24 : i32 to index
      %get3A_647 = arith.constant 656 : index
      %get3A_648 = tpu.vector_load %arg12[%get3A_646, %get3A_647] {strides = array<i32>} : memref<64x768xf32, #tpu.memory_space<vmem>>, vector<1x16xf32>,
      %get3A_649 = vector.shape_cast %get3A_648 : vector<1x16xf32> to vector<16xf32>
      %mul3A_650 = arith.mulf %get3A_27, %get3A_649 : vector<16xf32>
      %add3A_651 = arith.addf %get3A_645, %mul3A_650 : vector<16xf32>
      %swap3A_652 = arith.index_cast %scan3A_24 : i32 to index
      %swap3A_653 = arith.constant 656 : index
      %swap3A_654 = tpu.vector_load %arg11[%swap3A_652, %swap3A_653] {strides = array<i32>} : memref<64x768xf32, #tpu.memory_space<vmem>>, vector<1x16xf32>,
      %swap3A_655 = vector.shape_cast %swap3A_654 : vector<1x16xf32> to vector<16xf32>
      %swap3A_656 = vector.shape_cast %add3A_651 : vector<16xf32> to vector<1x16xf32>
      tpu.vector_store %arg11[%swap3A_652, %swap3A_653], %swap3A_656 {strides = array<i32>} : memref<64x768xf32, #tpu.memory_space<vmem>>, vector<1x16xf32>,
      %get3A_657 = arith.index_cast %scan3A_24 : i32 to index
      %get3A_658 = arith.constant 672 : index
      %get3A_659 = tpu.vector_load %arg11[%get3A_657, %get3A_658] {strides = array<i32>} : memref<64x768xf32, #tpu.memory_space<vmem>>, vector<1x16xf32>,
      %get3A_660 = vector.shape_cast %get3A_659 : vector<1x16xf32> to vector<16xf32>
      %get3A_661 = arith.index_cast %scan3A_24 : i32 to index
      %get3A_662 = arith.constant 672 : index
      %get3A_663 = tpu.vector_load %arg12[%get3A_661, %get3A_662] {strides = array<i32>} : memref<64x768xf32, #tpu.memory_space<vmem>>, vector<1x16xf32>,
      %get3A_664 = vector.shape_cast %get3A_663 : vector<1x16xf32> to vector<16xf32>
      %mul3A_665 = arith.mulf %get3A_27, %get3A_664 : vector<16xf32>
      %add3A_666 = arith.addf %get3A_660, %mul3A_665 : vector<16xf32>
      %swap3A_667 = arith.index_cast %scan3A_24 : i32 to index
      %swap3A_668 = arith.constant 672 : index
      %swap3A_669 = tpu.vector_load %arg11[%swap3A_667, %swap3A_668] {strides = array<i32>} : memref<64x768xf32, #tpu.memory_space<vmem>>, vector<1x16xf32>,
      %swap3A_670 = vector.shape_cast %swap3A_669 : vector<1x16xf32> to vector<16xf32>
      %swap3A_671 = vector.shape_cast %add3A_666 : vector<16xf32> to vector<1x16xf32>
      tpu.vector_store %arg11[%swap3A_667, %swap3A_668], %swap3A_671 {strides = array<i32>} : memref<64x768xf32, #tpu.memory_space<vmem>>, vector<1x16xf32>,
      %get3A_672 = arith.index_cast %scan3A_24 : i32 to index
      %get3A_673 = arith.constant 688 : index
      %get3A_674 = tpu.vector_load %arg11[%get3A_672, %get3A_673] {strides = array<i32>} : memref<64x768xf32, #tpu.memory_space<vmem>>, vector<1x16xf32>,
      %get3A_675 = vector.shape_cast %get3A_674 : vector<1x16xf32> to vector<16xf32>
      %get3A_676 = arith.index_cast %scan3A_24 : i32 to index
      %get3A_677 = arith.constant 688 : index
      %get3A_678 = tpu.vector_load %arg12[%get3A_676, %get3A_677] {strides = array<i32>} : memref<64x768xf32, #tpu.memory_space<vmem>>, vector<1x16xf32>,
      %get3A_679 = vector.shape_cast %get3A_678 : vector<1x16xf32> to vector<16xf32>
      %mul3A_680 = arith.mulf %get3A_27, %get3A_679 : vector<16xf32>
      %add3A_681 = arith.addf %get3A_675, %mul3A_680 : vector<16xf32>
      %swap3A_682 = arith.index_cast %scan3A_24 : i32 to index
      %swap3A_683 = arith.constant 688 : index
      %swap3A_684 = tpu.vector_load %arg11[%swap3A_682, %swap3A_683] {strides = array<i32>} : memref<64x768xf32, #tpu.memory_space<vmem>>, vector<1x16xf32>,
      %swap3A_685 = vector.shape_cast %swap3A_684 : vector<1x16xf32> to vector<16xf32>
      %swap3A_686 = vector.shape_cast %add3A_681 : vector<16xf32> to vector<1x16xf32>
      tpu.vector_store %arg11[%swap3A_682, %swap3A_683], %swap3A_686 {strides = array<i32>} : memref<64x768xf32, #tpu.memory_space<vmem>>, vector<1x16xf32>,
      %get3A_687 = arith.index_cast %scan3A_24 : i32 to index
      %get3A_688 = arith.constant 704 : index
      %get3A_689 = tpu.vector_load %arg11[%get3A_687, %get3A_688] {strides = array<i32>} : memref<64x768xf32, #tpu.memory_space<vmem>>, vector<1x16xf32>,
      %get3A_690 = vector.shape_cast %get3A_689 : vector<1x16xf32> to vector<16xf32>
      %get3A_691 = arith.index_cast %scan3A_24 : i32 to index
      %get3A_692 = arith.constant 704 : index
      %get3A_693 = tpu.vector_load %arg12[%get3A_691, %get3A_692] {strides = array<i32>} : memref<64x768xf32, #tpu.memory_space<vmem>>, vector<1x16xf32>,
      %get3A_694 = vector.shape_cast %get3A_693 : vector<1x16xf32> to vector<16xf32>
      %mul3A_695 = arith.mulf %get3A_27, %get3A_694 : vector<16xf32>
      %add3A_696 = arith.addf %get3A_690, %mul3A_695 : vector<16xf32>
      %swap3A_697 = arith.index_cast %scan3A_24 : i32 to index
      %swap3A_698 = arith.constant 704 : index
      %swap3A_699 = tpu.vector_load %arg11[%swap3A_697, %swap3A_698] {strides = array<i32>} : memref<64x768xf32, #tpu.memory_space<vmem>>, vector<1x16xf32>,
      %swap3A_700 = vector.shape_cast %swap3A_699 : vector<1x16xf32> to vector<16xf32>
      %swap3A_701 = vector.shape_cast %add3A_696 : vector<16xf32> to vector<1x16xf32>
      tpu.vector_store %arg11[%swap3A_697, %swap3A_698], %swap3A_701 {strides = array<i32>} : memref<64x768xf32, #tpu.memory_space<vmem>>, vector<1x16xf32>,
      %get3A_702 = arith.index_cast %scan3A_24 : i32 to index
      %get3A_703 = arith.constant 720 : index
      %get3A_704 = tpu.vector_load %arg11[%get3A_702, %get3A_703] {strides = array<i32>} : memref<64x768xf32, #tpu.memory_space<vmem>>, vector<1x16xf32>,
      %get3A_705 = vector.shape_cast %get3A_704 : vector<1x16xf32> to vector<16xf32>
      %get3A_706 = arith.index_cast %scan3A_24 : i32 to index
      %get3A_707 = arith.constant 720 : index
      %get3A_708 = tpu.vector_load %arg12[%get3A_706, %get3A_707] {strides = array<i32>} : memref<64x768xf32, #tpu.memory_space<vmem>>, vector<1x16xf32>,
      %get3A_709 = vector.shape_cast %get3A_708 : vector<1x16xf32> to vector<16xf32>
      %mul3A_710 = arith.mulf %get3A_27, %get3A_709 : vector<16xf32>
      %add3A_711 = arith.addf %get3A_705, %mul3A_710 : vector<16xf32>
      %swap3A_712 = arith.index_cast %scan3A_24 : i32 to index
      %swap3A_713 = arith.constant 720 : index
      %swap3A_714 = tpu.vector_load %arg11[%swap3A_712, %swap3A_713] {strides = array<i32>} : memref<64x768xf32, #tpu.memory_space<vmem>>, vector<1x16xf32>,
      %swap3A_715 = vector.shape_cast %swap3A_714 : vector<1x16xf32> to vector<16xf32>
      %swap3A_716 = vector.shape_cast %add3A_711 : vector<16xf32> to vector<1x16xf32>
      tpu.vector_store %arg11[%swap3A_712, %swap3A_713], %swap3A_716 {strides = array<i32>} : memref<64x768xf32, #tpu.memory_space<vmem>>, vector<1x16xf32>,
      %get3A_717 = arith.index_cast %scan3A_24 : i32 to index
      %get3A_718 = arith.constant 736 : index
      %get3A_719 = tpu.vector_load %arg11[%get3A_717, %get3A_718] {strides = array<i32>} : memref<64x768xf32, #tpu.memory_space<vmem>>, vector<1x16xf32>,
      %get3A_720 = vector.shape_cast %get3A_719 : vector<1x16xf32> to vector<16xf32>
      %get3A_721 = arith.index_cast %scan3A_24 : i32 to index
      %get3A_722 = arith.constant 736 : index
      %get3A_723 = tpu.vector_load %arg12[%get3A_721, %get3A_722] {strides = array<i32>} : memref<64x768xf32, #tpu.memory_space<vmem>>, vector<1x16xf32>,
      %get3A_724 = vector.shape_cast %get3A_723 : vector<1x16xf32> to vector<16xf32>
      %mul3A_725 = arith.mulf %get3A_27, %get3A_724 : vector<16xf32>
      %add3A_726 = arith.addf %get3A_720, %mul3A_725 : vector<16xf32>
      %swap3A_727 = arith.index_cast %scan3A_24 : i32 to index
      %swap3A_728 = arith.constant 736 : index
      %swap3A_729 = tpu.vector_load %arg11[%swap3A_727, %swap3A_728] {strides = array<i32>} : memref<64x768xf32, #tpu.memory_space<vmem>>, vector<1x16xf32>,
      %swap3A_730 = vector.shape_cast %swap3A_729 : vector<1x16xf32> to vector<16xf32>
      %swap3A_731 = vector.shape_cast %add3A_726 : vector<16xf32> to vector<1x16xf32>
      tpu.vector_store %arg11[%swap3A_727, %swap3A_728], %swap3A_731 {strides = array<i32>} : memref<64x768xf32, #tpu.memory_space<vmem>>, vector<1x16xf32>,
      %get3A_732 = arith.index_cast %scan3A_24 : i32 to index
      %get3A_733 = arith.constant 752 : index
      %get3A_734 = tpu.vector_load %arg11[%get3A_732, %get3A_733] {strides = array<i32>} : memref<64x768xf32, #tpu.memory_space<vmem>>, vector<1x16xf32>,
      %get3A_735 = vector.shape_cast %get3A_734 : vector<1x16xf32> to vector<16xf32>
      %get3A_736 = arith.index_cast %scan3A_24 : i32 to index
      %get3A_737 = arith.constant 752 : index
      %get3A_738 = tpu.vector_load %arg12[%get3A_736, %get3A_737] {strides = array<i32>} : memref<64x768xf32, #tpu.memory_space<vmem>>, vector<1x16xf32>,
      %get3A_739 = vector.shape_cast %get3A_738 : vector<1x16xf32> to vector<16xf32>
      %mul3A_740 = arith.mulf %get3A_27, %get3A_739 : vector<16xf32>
      %add3A_741 = arith.addf %get3A_735, %mul3A_740 : vector<16xf32>
      %swap3A_742 = arith.index_cast %scan3A_24 : i32 to index
      %swap3A_743 = arith.constant 752 : index
      %swap3A_744 = tpu.vector_load %arg11[%swap3A_742, %swap3A_743] {strides = array<i32>} : memref<64x768xf32, #tpu.memory_space<vmem>>, vector<1x16xf32>,
      %swap3A_745 = vector.shape_cast %swap3A_744 : vector<1x16xf32> to vector<16xf32>
      %swap3A_746 = vector.shape_cast %add3A_741 : vector<16xf32> to vector<1x16xf32>
      tpu.vector_store %arg11[%swap3A_742, %swap3A_743], %swap3A_746 {strides = array<i32>} : memref<64x768xf32, #tpu.memory_space<vmem>>, vector<1x16xf32>,
    }
    %scan3A_11 = arith.constant 64 : i32
    "tpu.region"() ({
      %run_scoped3A = tpu.sem_alloc : memref<!tpu.dma_semaphore, #tpu.memory_space<semaphore_mem>>
      %dma_start3A_24 = tpu.memref_slice %arg5[%mul3A_2] : memref<2048xi32, #tpu.memory_space<hbm>> -> memref<64xi32, #tpu.memory_space<hbm>>
      %dma_start3A_25 = tpu.memref_slice %arg5[%mul3A_2] : memref<2048xi32, #tpu.memory_space<hbm>> -> memref<64xi32, #tpu.memory_space<hbm>>
      tpu.enqueue_dma source(%dma_start3A_25 : memref<64xi32, #tpu.memory_space<hbm>>) target(%arg9 : memref<64xi32, #tpu.memory_space<vmem>>) target_semaphore(%run_scoped3A : memref<!tpu.dma_semaphore, #tpu.memory_space<semaphore_mem>>)
      %dma_wait3A_26 = tpu.memref_slice %arg5[%mul3A_2] : memref<2048xi32, #tpu.memory_space<hbm>> -> memref<64xi32, #tpu.memory_space<hbm>>
      %dma_wait3A_27 = tpu.memref_slice %arg5[%mul3A_2] : memref<2048xi32, #tpu.memory_space<hbm>> -> memref<64xi32, #tpu.memory_space<hbm>>
      tpu.wait_dma2 semaphore(%run_scoped3A : memref<!tpu.dma_semaphore, #tpu.memory_space<semaphore_mem>>) src(%dma_wait3A_27 : memref<64xi32, #tpu.memory_space<hbm>>) dst(%arg9 : memref<64xi32, #tpu.memory_space<vmem>>)
      tpu.yield
    }) : () -> ()
    "tpu.region"() ({
      %run_scoped3A = tpu.sem_alloc : memref<!tpu.dma_semaphore, #tpu.memory_space<semaphore_mem>>
      %dma_start3A_24 = arith.constant 0 : i32
      %dma_start3A_25 = tpu.memref_slice %arg7[%mul3A_2, %dma_start3A_24] : memref<2048x16xf32, #tpu.memory_space<hbm>> -> memref<64x16xf32, #tpu.memory_space<hbm>>
      %dma_start3A_26 = arith.constant 0 : i32
      %dma_start3A_27 = tpu.memref_slice %arg7[%mul3A_2, %dma_start3A_26] : memref<2048x16xf32, #tpu.memory_space<hbm>> -> memref<64x16xf32, #tpu.memory_space<hbm>>
      tpu.enqueue_dma source(%dma_start3A_27 : memref<64x16xf32, #tpu.memory_space<hbm>>) target(%arg10 : memref<64x16xf32, #tpu.memory_space<vmem>>) target_semaphore(%run_scoped3A : memref<!tpu.dma_semaphore, #tpu.memory_space<semaphore_mem>>)
      %dma_wait3A_28 = arith.constant 0 : i32
      %dma_wait3A_29 = tpu.memref_slice %arg7[%mul3A_2, %dma_wait3A_28] : memref<2048x16xf32, #tpu.memory_space<hbm>> -> memref<64x16xf32, #tpu.memory_space<hbm>>
      %dma_wait3A_30 = arith.constant 0 : i32
      %dma_wait3A_31 = tpu.memref_slice %arg7[%mul3A_2, %dma_wait3A_30] : memref<2048x16xf32, #tpu.memory_space<hbm>> -> memref<64x16xf32, #tpu.memory_space<hbm>>
      tpu.wait_dma2 semaphore(%run_scoped3A : memref<!tpu.dma_semaphore, #tpu.memory_space<semaphore_mem>>) src(%dma_wait3A_31 : memref<64x16xf32, #tpu.memory_space<hbm>>) dst(%arg10 : memref<64x16xf32, #tpu.memory_space<vmem>>)
      tpu.yield
    }) : () -> ()
    %dma_start3A_12 = arith.constant 0 : i32
    %dma_start3A_13 = arith.constant 0 : i32
    %dma_start3A_14 = tpu.memref_slice %arg3[%dma_start3A_12, %dma_start3A_13] : memref<6144x768xf32, #tpu.memory_space<hbm>> -> memref<6144x768xf32, #tpu.memory_space<hbm>>
    tpu.enqueue_indirect_dma source(%dma_start3A_14 : memref<6144x768xf32, #tpu.memory_space<hbm>>) target(%arg12 : memref<64x768xf32, #tpu.memory_space<vmem>>) offsets(%arg9 : memref<64xi32, #tpu.memory_space<vmem>>) semaphore(%arg13 : memref<!tpu.dma_semaphore, #tpu.memory_space<semaphore_mem>>)
    %dma_wait3A_15 = arith.constant 0 : i32
    %dma_wait3A_16 = arith.constant 0 : i32
    %dma_wait3A_17 = tpu.memref_slice %arg3[%dma_wait3A_15, %dma_wait3A_16] : memref<6144x768xf32, #tpu.memory_space<hbm>> -> memref<6144x768xf32, #tpu.memory_space<hbm>>
    tpu.wait_indirect_dma semaphore(%arg13 : memref<!tpu.dma_semaphore, #tpu.memory_space<semaphore_mem>>) src(%dma_wait3A_17 : memref<6144x768xf32, #tpu.memory_space<hbm>>) dst(%arg12 : memref<64x768xf32, #tpu.memory_space<vmem>>)
    %scan3A_18 = arith.constant 0 : i32
    %scan3A_19 = arith.constant 0 : i32
    %scan3A_20 = arith.constant 64 : i32
    %scan3A_21 = arith.addi %scan3A_19, %scan3A_20 : i32
    %scan3A_22 = arith.constant 1 : i32
    scf.for %scan3A_24 = %scan3A_19 to %scan3A_21 step %scan3A_22  : i32 {
      %get3A = arith.index_cast %scan3A_24 : i32 to index
      %get3A_25 = arith.constant 0 : index
      %get3A_26 = tpu.vector_load %arg10[%get3A, %get3A_25] {strides = array<i32>} : memref<64x16xf32, #tpu.memory_space<vmem>>, vector<1x16xf32>,
      %get3A_27 = vector.shape_cast %get3A_26 : vector<1x16xf32> to vector<16xf32>
      %get3A_28 = arith.index_cast %scan3A_24 : i32 to index
      %get3A_29 = arith.constant 0 : index
      %get3A_30 = tpu.vector_load %arg11[%get3A_28, %get3A_29] {strides = array<i32>} : memref<64x768xf32, #tpu.memory_space<vmem>>, vector<1x16xf32>,
      %get3A_31 = vector.shape_cast %get3A_30 : vector<1x16xf32> to vector<16xf32>
      %get3A_32 = arith.index_cast %scan3A_24 : i32 to index
      %get3A_33 = arith.constant 0 : index
      %get3A_34 = tpu.vector_load %arg12[%get3A_32, %get3A_33] {strides = array<i32>} : memref<64x768xf32, #tpu.memory_space<vmem>>, vector<1x16xf32>,
      %get3A_35 = vector.shape_cast %get3A_34 : vector<1x16xf32> to vector<16xf32>
      %mul3A_36 = arith.mulf %get3A_27, %get3A_35 : vector<16xf32>
      %add3A_37 = arith.addf %get3A_31, %mul3A_36 : vector<16xf32>
      %swap3A = arith.index_cast %scan3A_24 : i32 to index
      %swap3A_38 = arith.constant 0 : index
      %swap3A_39 = tpu.vector_load %arg11[%swap3A, %swap3A_38] {strides = array<i32>} : memref<64x768xf32, #tpu.memory_space<vmem>>, vector<1x16xf32>,
      %swap3A_40 = vector.shape_cast %swap3A_39 : vector<1x16xf32> to vector<16xf32>
      %swap3A_41 = vector.shape_cast %add3A_37 : vector<16xf32> to vector<1x16xf32>
      tpu.vector_store %arg11[%swap3A, %swap3A_38], %swap3A_41 {strides = array<i32>} : memref<64x768xf32, #tpu.memory_space<vmem>>, vector<1x16xf32>,
      %get3A_42 = arith.index_cast %scan3A_24 : i32 to index
      %get3A_43 = arith.constant 16 : index
      %get3A_44 = tpu.vector_load %arg11[%get3A_42, %get3A_43] {strides = array<i32>} : memref<64x768xf32, #tpu.memory_space<vmem>>, vector<1x16xf32>,
      %get3A_45 = vector.shape_cast %get3A_44 : vector<1x16xf32> to vector<16xf32>
      %get3A_46 = arith.index_cast %scan3A_24 : i32 to index
      %get3A_47 = arith.constant 16 : index
      %get3A_48 = tpu.vector_load %arg12[%get3A_46, %get3A_47] {strides = array<i32>} : memref<64x768xf32, #tpu.memory_space<vmem>>, vector<1x16xf32>,
      %get3A_49 = vector.shape_cast %get3A_48 : vector<1x16xf32> to vector<16xf32>
      %mul3A_50 = arith.mulf %get3A_27, %get3A_49 : vector<16xf32>
      %add3A_51 = arith.addf %get3A_45, %mul3A_50 : vector<16xf32>
      %swap3A_52 = arith.index_cast %scan3A_24 : i32 to index
      %swap3A_53 = arith.constant 16 : index
      %swap3A_54 = tpu.vector_load %arg11[%swap3A_52, %swap3A_53] {strides = array<i32>} : memref<64x768xf32, #tpu.memory_space<vmem>>, vector<1x16xf32>,
      %swap3A_55 = vector.shape_cast %swap3A_54 : vector<1x16xf32> to vector<16xf32>
      %swap3A_56 = vector.shape_cast %add3A_51 : vector<16xf32> to vector<1x16xf32>
      tpu.vector_store %arg11[%swap3A_52, %swap3A_53], %swap3A_56 {strides = array<i32>} : memref<64x768xf32, #tpu.memory_space<vmem>>, vector<1x16xf32>,
      %get3A_57 = arith.index_cast %scan3A_24 : i32 to index
      %get3A_58 = arith.constant 32 : index
      %get3A_59 = tpu.vector_load %arg11[%get3A_57, %get3A_58] {strides = array<i32>} : memref<64x768xf32, #tpu.memory_space<vmem>>, vector<1x16xf32>,
      %get3A_60 = vector.shape_cast %get3A_59 : vector<1x16xf32> to vector<16xf32>
      %get3A_61 = arith.index_cast %scan3A_24 : i32 to index
      %get3A_62 = arith.constant 32 : index
      %get3A_63 = tpu.vector_load %arg12[%get3A_61, %get3A_62] {strides = array<i32>} : memref<64x768xf32, #tpu.memory_space<vmem>>, vector<1x16xf32>,
      %get3A_64 = vector.shape_cast %get3A_63 : vector<1x16xf32> to vector<16xf32>
      %mul3A_65 = arith.mulf %get3A_27, %get3A_64 : vector<16xf32>
      %add3A_66 = arith.addf %get3A_60, %mul3A_65 : vector<16xf32>
      %swap3A_67 = arith.index_cast %scan3A_24 : i32 to index
      %swap3A_68 = arith.constant 32 : index
      %swap3A_69 = tpu.vector_load %arg11[%swap3A_67, %swap3A_68] {strides = array<i32>} : memref<64x768xf32, #tpu.memory_space<vmem>>, vector<1x16xf32>,
      %swap3A_70 = vector.shape_cast %swap3A_69 : vector<1x16xf32> to vector<16xf32>
      %swap3A_71 = vector.shape_cast %add3A_66 : vector<16xf32> to vector<1x16xf32>
      tpu.vector_store %arg11[%swap3A_67, %swap3A_68], %swap3A_71 {strides = array<i32>} : memref<64x768xf32, #tpu.memory_space<vmem>>, vector<1x16xf32>,
      %get3A_72 = arith.index_cast %scan3A_24 : i32 to index
      %get3A_73 = arith.constant 48 : index
      %get3A_74 = tpu.vector_load %arg11[%get3A_72, %get3A_73] {strides = array<i32>} : memref<64x768xf32, #tpu.memory_space<vmem>>, vector<1x16xf32>,
      %get3A_75 = vector.shape_cast %get3A_74 : vector<1x16xf32> to vector<16xf32>
      %get3A_76 = arith.index_cast %scan3A_24 : i32 to index
      %get3A_77 = arith.constant 48 : index
      %get3A_78 = tpu.vector_load %arg12[%get3A_76, %get3A_77] {strides = array<i32>} : memref<64x768xf32, #tpu.memory_space<vmem>>, vector<1x16xf32>,
      %get3A_79 = vector.shape_cast %get3A_78 : vector<1x16xf32> to vector<16xf32>
      %mul3A_80 = arith.mulf %get3A_27, %get3A_79 : vector<16xf32>
      %add3A_81 = arith.addf %get3A_75, %mul3A_80 : vector<16xf32>
      %swap3A_82 = arith.index_cast %scan3A_24 : i32 to index
      %swap3A_83 = arith.constant 48 : index
      %swap3A_84 = tpu.vector_load %arg11[%swap3A_82, %swap3A_83] {strides = array<i32>} : memref<64x768xf32, #tpu.memory_space<vmem>>, vector<1x16xf32>,
      %swap3A_85 = vector.shape_cast %swap3A_84 : vector<1x16xf32> to vector<16xf32>
      %swap3A_86 = vector.shape_cast %add3A_81 : vector<16xf32> to vector<1x16xf32>
      tpu.vector_store %arg11[%swap3A_82, %swap3A_83], %swap3A_86 {strides = array<i32>} : memref<64x768xf32, #tpu.memory_space<vmem>>, vector<1x16xf32>,
      %get3A_87 = arith.index_cast %scan3A_24 : i32 to index
      %get3A_88 = arith.constant 64 : index
      %get3A_89 = tpu.vector_load %arg11[%get3A_87, %get3A_88] {strides = array<i32>} : memref<64x768xf32, #tpu.memory_space<vmem>>, vector<1x16xf32>,
      %get3A_90 = vector.shape_cast %get3A_89 : vector<1x16xf32> to vector<16xf32>
      %get3A_91 = arith.index_cast %scan3A_24 : i32 to index
      %get3A_92 = arith.constant 64 : index
      %get3A_93 = tpu.vector_load %arg12[%get3A_91, %get3A_92] {strides = array<i32>} : memref<64x768xf32, #tpu.memory_space<vmem>>, vector<1x16xf32>,
      %get3A_94 = vector.shape_cast %get3A_93 : vector<1x16xf32> to vector<16xf32>
      %mul3A_95 = arith.mulf %get3A_27, %get3A_94 : vector<16xf32>
      %add3A_96 = arith.addf %get3A_90, %mul3A_95 : vector<16xf32>
      %swap3A_97 = arith.index_cast %scan3A_24 : i32 to index
      %swap3A_98 = arith.constant 64 : index
      %swap3A_99 = tpu.vector_load %arg11[%swap3A_97, %swap3A_98] {strides = array<i32>} : memref<64x768xf32, #tpu.memory_space<vmem>>, vector<1x16xf32>,
      %swap3A_100 = vector.shape_cast %swap3A_99 : vector<1x16xf32> to vector<16xf32>
      %swap3A_101 = vector.shape_cast %add3A_96 : vector<16xf32> to vector<1x16xf32>
      tpu.vector_store %arg11[%swap3A_97, %swap3A_98], %swap3A_101 {strides = array<i32>} : memref<64x768xf32, #tpu.memory_space<vmem>>, vector<1x16xf32>,
      %get3A_102 = arith.index_cast %scan3A_24 : i32 to index
      %get3A_103 = arith.constant 80 : index
      %get3A_104 = tpu.vector_load %arg11[%get3A_102, %get3A_103] {strides = array<i32>} : memref<64x768xf32, #tpu.memory_space<vmem>>, vector<1x16xf32>,
      %get3A_105 = vector.shape_cast %get3A_104 : vector<1x16xf32> to vector<16xf32>
      %get3A_106 = arith.index_cast %scan3A_24 : i32 to index
      %get3A_107 = arith.constant 80 : index
      %get3A_108 = tpu.vector_load %arg12[%get3A_106, %get3A_107] {strides = array<i32>} : memref<64x768xf32, #tpu.memory_space<vmem>>, vector<1x16xf32>,
      %get3A_109 = vector.shape_cast %get3A_108 : vector<1x16xf32> to vector<16xf32>
      %mul3A_110 = arith.mulf %get3A_27, %get3A_109 : vector<16xf32>
      %add3A_111 = arith.addf %get3A_105, %mul3A_110 : vector<16xf32>
      %swap3A_112 = arith.index_cast %scan3A_24 : i32 to index
      %swap3A_113 = arith.constant 80 : index
      %swap3A_114 = tpu.vector_load %arg11[%swap3A_112, %swap3A_113] {strides = array<i32>} : memref<64x768xf32, #tpu.memory_space<vmem>>, vector<1x16xf32>,
      %swap3A_115 = vector.shape_cast %swap3A_114 : vector<1x16xf32> to vector<16xf32>
      %swap3A_116 = vector.shape_cast %add3A_111 : vector<16xf32> to vector<1x16xf32>
      tpu.vector_store %arg11[%swap3A_112, %swap3A_113], %swap3A_116 {strides = array<i32>} : memref<64x768xf32, #tpu.memory_space<vmem>>, vector<1x16xf32>,
      %get3A_117 = arith.index_cast %scan3A_24 : i32 to index
      %get3A_118 = arith.constant 96 : index
      %get3A_119 = tpu.vector_load %arg11[%get3A_117, %get3A_118] {strides = array<i32>} : memref<64x768xf32, #tpu.memory_space<vmem>>, vector<1x16xf32>,
      %get3A_120 = vector.shape_cast %get3A_119 : vector<1x16xf32> to vector<16xf32>
      %get3A_121 = arith.index_cast %scan3A_24 : i32 to index
      %get3A_122 = arith.constant 96 : index
      %get3A_123 = tpu.vector_load %arg12[%get3A_121, %get3A_122] {strides = array<i32>} : memref<64x768xf32, #tpu.memory_space<vmem>>, vector<1x16xf32>,
      %get3A_124 = vector.shape_cast %get3A_123 : vector<1x16xf32> to vector<16xf32>
      %mul3A_125 = arith.mulf %get3A_27, %get3A_124 : vector<16xf32>
      %add3A_126 = arith.addf %get3A_120, %mul3A_125 : vector<16xf32>
      %swap3A_127 = arith.index_cast %scan3A_24 : i32 to index
      %swap3A_128 = arith.constant 96 : index
      %swap3A_129 = tpu.vector_load %arg11[%swap3A_127, %swap3A_128] {strides = array<i32>} : memref<64x768xf32, #tpu.memory_space<vmem>>, vector<1x16xf32>,
      %swap3A_130 = vector.shape_cast %swap3A_129 : vector<1x16xf32> to vector<16xf32>
      %swap3A_131 = vector.shape_cast %add3A_126 : vector<16xf32> to vector<1x16xf32>
      tpu.vector_store %arg11[%swap3A_127, %swap3A_128], %swap3A_131 {strides = array<i32>} : memref<64x768xf32, #tpu.memory_space<vmem>>, vector<1x16xf32>,
      %get3A_132 = arith.index_cast %scan3A_24 : i32 to index
      %get3A_133 = arith.constant 112 : index
      %get3A_134 = tpu.vector_load %arg11[%get3A_132, %get3A_133] {strides = array<i32>} : memref<64x768xf32, #tpu.memory_space<vmem>>, vector<1x16xf32>,
      %get3A_135 = vector.shape_cast %get3A_134 : vector<1x16xf32> to vector<16xf32>
      %get3A_136 = arith.index_cast %scan3A_24 : i32 to index
      %get3A_137 = arith.constant 112 : index
      %get3A_138 = tpu.vector_load %arg12[%get3A_136, %get3A_137] {strides = array<i32>} : memref<64x768xf32, #tpu.memory_space<vmem>>, vector<1x16xf32>,
      %get3A_139 = vector.shape_cast %get3A_138 : vector<1x16xf32> to vector<16xf32>
      %mul3A_140 = arith.mulf %get3A_27, %get3A_139 : vector<16xf32>
      %add3A_141 = arith.addf %get3A_135, %mul3A_140 : vector<16xf32>
      %swap3A_142 = arith.index_cast %scan3A_24 : i32 to index
      %swap3A_143 = arith.constant 112 : index
      %swap3A_144 = tpu.vector_load %arg11[%swap3A_142, %swap3A_143] {strides = array<i32>} : memref<64x768xf32, #tpu.memory_space<vmem>>, vector<1x16xf32>,
      %swap3A_145 = vector.shape_cast %swap3A_144 : vector<1x16xf32> to vector<16xf32>
      %swap3A_146 = vector.shape_cast %add3A_141 : vector<16xf32> to vector<1x16xf32>
      tpu.vector_store %arg11[%swap3A_142, %swap3A_143], %swap3A_146 {strides = array<i32>} : memref<64x768xf32, #tpu.memory_space<vmem>>, vector<1x16xf32>,
      %get3A_147 = arith.index_cast %scan3A_24 : i32 to index
      %get3A_148 = arith.constant 128 : index
      %get3A_149 = tpu.vector_load %arg11[%get3A_147, %get3A_148] {strides = array<i32>} : memref<64x768xf32, #tpu.memory_space<vmem>>, vector<1x16xf32>,
      %get3A_150 = vector.shape_cast %get3A_149 : vector<1x16xf32> to vector<16xf32>
      %get3A_151 = arith.index_cast %scan3A_24 : i32 to index
      %get3A_152 = arith.constant 128 : index
      %get3A_153 = tpu.vector_load %arg12[%get3A_151, %get3A_152] {strides = array<i32>} : memref<64x768xf32, #tpu.memory_space<vmem>>, vector<1x16xf32>,
      %get3A_154 = vector.shape_cast %get3A_153 : vector<1x16xf32> to vector<16xf32>
      %mul3A_155 = arith.mulf %get3A_27, %get3A_154 : vector<16xf32>
      %add3A_156 = arith.addf %get3A_150, %mul3A_155 : vector<16xf32>
      %swap3A_157 = arith.index_cast %scan3A_24 : i32 to index
      %swap3A_158 = arith.constant 128 : index
      %swap3A_159 = tpu.vector_load %arg11[%swap3A_157, %swap3A_158] {strides = array<i32>} : memref<64x768xf32, #tpu.memory_space<vmem>>, vector<1x16xf32>,
      %swap3A_160 = vector.shape_cast %swap3A_159 : vector<1x16xf32> to vector<16xf32>
      %swap3A_161 = vector.shape_cast %add3A_156 : vector<16xf32> to vector<1x16xf32>
      tpu.vector_store %arg11[%swap3A_157, %swap3A_158], %swap3A_161 {strides = array<i32>} : memref<64x768xf32, #tpu.memory_space<vmem>>, vector<1x16xf32>,
      %get3A_162 = arith.index_cast %scan3A_24 : i32 to index
      %get3A_163 = arith.constant 144 : index
      %get3A_164 = tpu.vector_load %arg11[%get3A_162, %get3A_163] {strides = array<i32>} : memref<64x768xf32, #tpu.memory_space<vmem>>, vector<1x16xf32>,
      %get3A_165 = vector.shape_cast %get3A_164 : vector<1x16xf32> to vector<16xf32>
      %get3A_166 = arith.index_cast %scan3A_24 : i32 to index
      %get3A_167 = arith.constant 144 : index
      %get3A_168 = tpu.vector_load %arg12[%get3A_166, %get3A_167] {strides = array<i32>} : memref<64x768xf32, #tpu.memory_space<vmem>>, vector<1x16xf32>,
      %get3A_169 = vector.shape_cast %get3A_168 : vector<1x16xf32> to vector<16xf32>
      %mul3A_170 = arith.mulf %get3A_27, %get3A_169 : vector<16xf32>
      %add3A_171 = arith.addf %get3A_165, %mul3A_170 : vector<16xf32>
      %swap3A_172 = arith.index_cast %scan3A_24 : i32 to index
      %swap3A_173 = arith.constant 144 : index
      %swap3A_174 = tpu.vector_load %arg11[%swap3A_172, %swap3A_173] {strides = array<i32>} : memref<64x768xf32, #tpu.memory_space<vmem>>, vector<1x16xf32>,
      %swap3A_175 = vector.shape_cast %swap3A_174 : vector<1x16xf32> to vector<16xf32>
      %swap3A_176 = vector.shape_cast %add3A_171 : vector<16xf32> to vector<1x16xf32>
      tpu.vector_store %arg11[%swap3A_172, %swap3A_173], %swap3A_176 {strides = array<i32>} : memref<64x768xf32, #tpu.memory_space<vmem>>, vector<1x16xf32>,
      %get3A_177 = arith.index_cast %scan3A_24 : i32 to index
      %get3A_178 = arith.constant 160 : index
      %get3A_179 = tpu.vector_load %arg11[%get3A_177, %get3A_178] {strides = array<i32>} : memref<64x768xf32, #tpu.memory_space<vmem>>, vector<1x16xf32>,
      %get3A_180 = vector.shape_cast %get3A_179 : vector<1x16xf32> to vector<16xf32>
      %get3A_181 = arith.index_cast %scan3A_24 : i32 to index
      %get3A_182 = arith.constant 160 : index
      %get3A_183 = tpu.vector_load %arg12[%get3A_181, %get3A_182] {strides = array<i32>} : memref<64x768xf32, #tpu.memory_space<vmem>>, vector<1x16xf32>,
      %get3A_184 = vector.shape_cast %get3A_183 : vector<1x16xf32> to vector<16xf32>
      %mul3A_185 = arith.mulf %get3A_27, %get3A_184 : vector<16xf32>
      %add3A_186 = arith.addf %get3A_180, %mul3A_185 : vector<16xf32>
      %swap3A_187 = arith.index_cast %scan3A_24 : i32 to index
      %swap3A_188 = arith.constant 160 : index
      %swap3A_189 = tpu.vector_load %arg11[%swap3A_187, %swap3A_188] {strides = array<i32>} : memref<64x768xf32, #tpu.memory_space<vmem>>, vector<1x16xf32>,
      %swap3A_190 = vector.shape_cast %swap3A_189 : vector<1x16xf32> to vector<16xf32>
      %swap3A_191 = vector.shape_cast %add3A_186 : vector<16xf32> to vector<1x16xf32>
      tpu.vector_store %arg11[%swap3A_187, %swap3A_188], %swap3A_191 {strides = array<i32>} : memref<64x768xf32, #tpu.memory_space<vmem>>, vector<1x16xf32>,
      %get3A_192 = arith.index_cast %scan3A_24 : i32 to index
      %get3A_193 = arith.constant 176 : index
      %get3A_194 = tpu.vector_load %arg11[%get3A_192, %get3A_193] {strides = array<i32>} : memref<64x768xf32, #tpu.memory_space<vmem>>, vector<1x16xf32>,
      %get3A_195 = vector.shape_cast %get3A_194 : vector<1x16xf32> to vector<16xf32>
      %get3A_196 = arith.index_cast %scan3A_24 : i32 to index
      %get3A_197 = arith.constant 176 : index
      %get3A_198 = tpu.vector_load %arg12[%get3A_196, %get3A_197] {strides = array<i32>} : memref<64x768xf32, #tpu.memory_space<vmem>>, vector<1x16xf32>,
      %get3A_199 = vector.shape_cast %get3A_198 : vector<1x16xf32> to vector<16xf32>
      %mul3A_200 = arith.mulf %get3A_27, %get3A_199 : vector<16xf32>
      %add3A_201 = arith.addf %get3A_195, %mul3A_200 : vector<16xf32>
      %swap3A_202 = arith.index_cast %scan3A_24 : i32 to index
      %swap3A_203 = arith.constant 176 : index
      %swap3A_204 = tpu.vector_load %arg11[%swap3A_202, %swap3A_203] {strides = array<i32>} : memref<64x768xf32, #tpu.memory_space<vmem>>, vector<1x16xf32>,
      %swap3A_205 = vector.shape_cast %swap3A_204 : vector<1x16xf32> to vector<16xf32>
      %swap3A_206 = vector.shape_cast %add3A_201 : vector<16xf32> to vector<1x16xf32>
      tpu.vector_store %arg11[%swap3A_202, %swap3A_203], %swap3A_206 {strides = array<i32>} : memref<64x768xf32, #tpu.memory_space<vmem>>, vector<1x16xf32>,
      %get3A_207 = arith.index_cast %scan3A_24 : i32 to index
      %get3A_208 = arith.constant 192 : index
      %get3A_209 = tpu.vector_load %arg11[%get3A_207, %get3A_208] {strides = array<i32>} : memref<64x768xf32, #tpu.memory_space<vmem>>, vector<1x16xf32>,
      %get3A_210 = vector.shape_cast %get3A_209 : vector<1x16xf32> to vector<16xf32>
      %get3A_211 = arith.index_cast %scan3A_24 : i32 to index
      %get3A_212 = arith.constant 192 : index
      %get3A_213 = tpu.vector_load %arg12[%get3A_211, %get3A_212] {strides = array<i32>} : memref<64x768xf32, #tpu.memory_space<vmem>>, vector<1x16xf32>,
      %get3A_214 = vector.shape_cast %get3A_213 : vector<1x16xf32> to vector<16xf32>
      %mul3A_215 = arith.mulf %get3A_27, %get3A_214 : vector<16xf32>
      %add3A_216 = arith.addf %get3A_210, %mul3A_215 : vector<16xf32>
      %swap3A_217 = arith.index_cast %scan3A_24 : i32 to index
      %swap3A_218 = arith.constant 192 : index
      %swap3A_219 = tpu.vector_load %arg11[%swap3A_217, %swap3A_218] {strides = array<i32>} : memref<64x768xf32, #tpu.memory_space<vmem>>, vector<1x16xf32>,
      %swap3A_220 = vector.shape_cast %swap3A_219 : vector<1x16xf32> to vector<16xf32>
      %swap3A_221 = vector.shape_cast %add3A_216 : vector<16xf32> to vector<1x16xf32>
      tpu.vector_store %arg11[%swap3A_217, %swap3A_218], %swap3A_221 {strides = array<i32>} : memref<64x768xf32, #tpu.memory_space<vmem>>, vector<1x16xf32>,
      %get3A_222 = arith.index_cast %scan3A_24 : i32 to index
      %get3A_223 = arith.constant 208 : index
      %get3A_224 = tpu.vector_load %arg11[%get3A_222, %get3A_223] {strides = array<i32>} : memref<64x768xf32, #tpu.memory_space<vmem>>, vector<1x16xf32>,
      %get3A_225 = vector.shape_cast %get3A_224 : vector<1x16xf32> to vector<16xf32>
      %get3A_226 = arith.index_cast %scan3A_24 : i32 to index
      %get3A_227 = arith.constant 208 : index
      %get3A_228 = tpu.vector_load %arg12[%get3A_226, %get3A_227] {strides = array<i32>} : memref<64x768xf32, #tpu.memory_space<vmem>>, vector<1x16xf32>,
      %get3A_229 = vector.shape_cast %get3A_228 : vector<1x16xf32> to vector<16xf32>
      %mul3A_230 = arith.mulf %get3A_27, %get3A_229 : vector<16xf32>
      %add3A_231 = arith.addf %get3A_225, %mul3A_230 : vector<16xf32>
      %swap3A_232 = arith.index_cast %scan3A_24 : i32 to index
      %swap3A_233 = arith.constant 208 : index
      %swap3A_234 = tpu.vector_load %arg11[%swap3A_232, %swap3A_233] {strides = array<i32>} : memref<64x768xf32, #tpu.memory_space<vmem>>, vector<1x16xf32>,
      %swap3A_235 = vector.shape_cast %swap3A_234 : vector<1x16xf32> to vector<16xf32>
      %swap3A_236 = vector.shape_cast %add3A_231 : vector<16xf32> to vector<1x16xf32>
      tpu.vector_store %arg11[%swap3A_232, %swap3A_233], %swap3A_236 {strides = array<i32>} : memref<64x768xf32, #tpu.memory_space<vmem>>, vector<1x16xf32>,
      %get3A_237 = arith.index_cast %scan3A_24 : i32 to index
      %get3A_238 = arith.constant 224 : index
      %get3A_239 = tpu.vector_load %arg11[%get3A_237, %get3A_238] {strides = array<i32>} : memref<64x768xf32, #tpu.memory_space<vmem>>, vector<1x16xf32>,
      %get3A_240 = vector.shape_cast %get3A_239 : vector<1x16xf32> to vector<16xf32>
      %get3A_241 = arith.index_cast %scan3A_24 : i32 to index
      %get3A_242 = arith.constant 224 : index
      %get3A_243 = tpu.vector_load %arg12[%get3A_241, %get3A_242] {strides = array<i32>} : memref<64x768xf32, #tpu.memory_space<vmem>>, vector<1x16xf32>,
      %get3A_244 = vector.shape_cast %get3A_243 : vector<1x16xf32> to vector<16xf32>
      %mul3A_245 = arith.mulf %get3A_27, %get3A_244 : vector<16xf32>
      %add3A_246 = arith.addf %get3A_240, %mul3A_245 : vector<16xf32>
      %swap3A_247 = arith.index_cast %scan3A_24 : i32 to index
      %swap3A_248 = arith.constant 224 : index
      %swap3A_249 = tpu.vector_load %arg11[%swap3A_247, %swap3A_248] {strides = array<i32>} : memref<64x768xf32, #tpu.memory_space<vmem>>, vector<1x16xf32>,
      %swap3A_250 = vector.shape_cast %swap3A_249 : vector<1x16xf32> to vector<16xf32>
      %swap3A_251 = vector.shape_cast %add3A_246 : vector<16xf32> to vector<1x16xf32>
      tpu.vector_store %arg11[%swap3A_247, %swap3A_248], %swap3A_251 {strides = array<i32>} : memref<64x768xf32, #tpu.memory_space<vmem>>, vector<1x16xf32>,
      %get3A_252 = arith.index_cast %scan3A_24 : i32 to index
      %get3A_253 = arith.constant 240 : index
      %get3A_254 = tpu.vector_load %arg11[%get3A_252, %get3A_253] {strides = array<i32>} : memref<64x768xf32, #tpu.memory_space<vmem>>, vector<1x16xf32>,
      %get3A_255 = vector.shape_cast %get3A_254 : vector<1x16xf32> to vector<16xf32>
      %get3A_256 = arith.index_cast %scan3A_24 : i32 to index
      %get3A_257 = arith.constant 240 : index
      %get3A_258 = tpu.vector_load %arg12[%get3A_256, %get3A_257] {strides = array<i32>} : memref<64x768xf32, #tpu.memory_space<vmem>>, vector<1x16xf32>,
      %get3A_259 = vector.shape_cast %get3A_258 : vector<1x16xf32> to vector<16xf32>
      %mul3A_260 = arith.mulf %get3A_27, %get3A_259 : vector<16xf32>
      %add3A_261 = arith.addf %get3A_255, %mul3A_260 : vector<16xf32>
      %swap3A_262 = arith.index_cast %scan3A_24 : i32 to index
      %swap3A_263 = arith.constant 240 : index
      %swap3A_264 = tpu.vector_load %arg11[%swap3A_262, %swap3A_263] {strides = array<i32>} : memref<64x768xf32, #tpu.memory_space<vmem>>, vector<1x16xf32>,
      %swap3A_265 = vector.shape_cast %swap3A_264 : vector<1x16xf32> to vector<16xf32>
      %swap3A_266 = vector.shape_cast %add3A_261 : vector<16xf32> to vector<1x16xf32>
      tpu.vector_store %arg11[%swap3A_262, %swap3A_263], %swap3A_266 {strides = array<i32>} : memref<64x768xf32, #tpu.memory_space<vmem>>, vector<1x16xf32>,
      %get3A_267 = arith.index_cast %scan3A_24 : i32 to index
      %get3A_268 = arith.constant 256 : index
      %get3A_269 = tpu.vector_load %arg11[%get3A_267, %get3A_268] {strides = array<i32>} : memref<64x768xf32, #tpu.memory_space<vmem>>, vector<1x16xf32>,
      %get3A_270 = vector.shape_cast %get3A_269 : vector<1x16xf32> to vector<16xf32>
      %get3A_271 = arith.index_cast %scan3A_24 : i32 to index
      %get3A_272 = arith.constant 256 : index
      %get3A_273 = tpu.vector_load %arg12[%get3A_271, %get3A_272] {strides = array<i32>} : memref<64x768xf32, #tpu.memory_space<vmem>>, vector<1x16xf32>,
      %get3A_274 = vector.shape_cast %get3A_273 : vector<1x16xf32> to vector<16xf32>
      %mul3A_275 = arith.mulf %get3A_27, %get3A_274 : vector<16xf32>
      %add3A_276 = arith.addf %get3A_270, %mul3A_275 : vector<16xf32>
      %swap3A_277 = arith.index_cast %scan3A_24 : i32 to index
      %swap3A_278 = arith.constant 256 : index
      %swap3A_279 = tpu.vector_load %arg11[%swap3A_277, %swap3A_278] {strides = array<i32>} : memref<64x768xf32, #tpu.memory_space<vmem>>, vector<1x16xf32>,
      %swap3A_280 = vector.shape_cast %swap3A_279 : vector<1x16xf32> to vector<16xf32>
      %swap3A_281 = vector.shape_cast %add3A_276 : vector<16xf32> to vector<1x16xf32>
      tpu.vector_store %arg11[%swap3A_277, %swap3A_278], %swap3A_281 {strides = array<i32>} : memref<64x768xf32, #tpu.memory_space<vmem>>, vector<1x16xf32>,
      %get3A_282 = arith.index_cast %scan3A_24 : i32 to index
      %get3A_283 = arith.constant 272 : index
      %get3A_284 = tpu.vector_load %arg11[%get3A_282, %get3A_283] {strides = array<i32>} : memref<64x768xf32, #tpu.memory_space<vmem>>, vector<1x16xf32>,
      %get3A_285 = vector.shape_cast %get3A_284 : vector<1x16xf32> to vector<16xf32>
      %get3A_286 = arith.index_cast %scan3A_24 : i32 to index
      %get3A_287 = arith.constant 272 : index
      %get3A_288 = tpu.vector_load %arg12[%get3A_286, %get3A_287] {strides = array<i32>} : memref<64x768xf32, #tpu.memory_space<vmem>>, vector<1x16xf32>,
      %get3A_289 = vector.shape_cast %get3A_288 : vector<1x16xf32> to vector<16xf32>
      %mul3A_290 = arith.mulf %get3A_27, %get3A_289 : vector<16xf32>
      %add3A_291 = arith.addf %get3A_285, %mul3A_290 : vector<16xf32>
      %swap3A_292 = arith.index_cast %scan3A_24 : i32 to index
      %swap3A_293 = arith.constant 272 : index
      %swap3A_294 = tpu.vector_load %arg11[%swap3A_292, %swap3A_293] {strides = array<i32>} : memref<64x768xf32, #tpu.memory_space<vmem>>, vector<1x16xf32>,
      %swap3A_295 = vector.shape_cast %swap3A_294 : vector<1x16xf32> to vector<16xf32>
      %swap3A_296 = vector.shape_cast %add3A_291 : vector<16xf32> to vector<1x16xf32>
      tpu.vector_store %arg11[%swap3A_292, %swap3A_293], %swap3A_296 {strides = array<i32>} : memref<64x768xf32, #tpu.memory_space<vmem>>, vector<1x16xf32>,
      %get3A_297 = arith.index_cast %scan3A_24 : i32 to index
      %get3A_298 = arith.constant 288 : index
      %get3A_299 = tpu.vector_load %arg11[%get3A_297, %get3A_298] {strides = array<i32>} : memref<64x768xf32, #tpu.memory_space<vmem>>, vector<1x16xf32>,
      %get3A_300 = vector.shape_cast %get3A_299 : vector<1x16xf32> to vector<16xf32>
      %get3A_301 = arith.index_cast %scan3A_24 : i32 to index
      %get3A_302 = arith.constant 288 : index
      %get3A_303 = tpu.vector_load %arg12[%get3A_301, %get3A_302] {strides = array<i32>} : memref<64x768xf32, #tpu.memory_space<vmem>>, vector<1x16xf32>,
      %get3A_304 = vector.shape_cast %get3A_303 : vector<1x16xf32> to vector<16xf32>
      %mul3A_305 = arith.mulf %get3A_27, %get3A_304 : vector<16xf32>
      %add3A_306 = arith.addf %get3A_300, %mul3A_305 : vector<16xf32>
      %swap3A_307 = arith.index_cast %scan3A_24 : i32 to index
      %swap3A_308 = arith.constant 288 : index
      %swap3A_309 = tpu.vector_load %arg11[%swap3A_307, %swap3A_308] {strides = array<i32>} : memref<64x768xf32, #tpu.memory_space<vmem>>, vector<1x16xf32>,
      %swap3A_310 = vector.shape_cast %swap3A_309 : vector<1x16xf32> to vector<16xf32>
      %swap3A_311 = vector.shape_cast %add3A_306 : vector<16xf32> to vector<1x16xf32>
      tpu.vector_store %arg11[%swap3A_307, %swap3A_308], %swap3A_311 {strides = array<i32>} : memref<64x768xf32, #tpu.memory_space<vmem>>, vector<1x16xf32>,
      %get3A_312 = arith.index_cast %scan3A_24 : i32 to index
      %get3A_313 = arith.constant 304 : index
      %get3A_314 = tpu.vector_load %arg11[%get3A_312, %get3A_313] {strides = array<i32>} : memref<64x768xf32, #tpu.memory_space<vmem>>, vector<1x16xf32>,
      %get3A_315 = vector.shape_cast %get3A_314 : vector<1x16xf32> to vector<16xf32>
      %get3A_316 = arith.index_cast %scan3A_24 : i32 to index
      %get3A_317 = arith.constant 304 : index
      %get3A_318 = tpu.vector_load %arg12[%get3A_316, %get3A_317] {strides = array<i32>} : memref<64x768xf32, #tpu.memory_space<vmem>>, vector<1x16xf32>,
      %get3A_319 = vector.shape_cast %get3A_318 : vector<1x16xf32> to vector<16xf32>
      %mul3A_320 = arith.mulf %get3A_27, %get3A_319 : vector<16xf32>
      %add3A_321 = arith.addf %get3A_315, %mul3A_320 : vector<16xf32>
      %swap3A_322 = arith.index_cast %scan3A_24 : i32 to index
      %swap3A_323 = arith.constant 304 : index
      %swap3A_324 = tpu.vector_load %arg11[%swap3A_322, %swap3A_323] {strides = array<i32>} : memref<64x768xf32, #tpu.memory_space<vmem>>, vector<1x16xf32>,
      %swap3A_325 = vector.shape_cast %swap3A_324 : vector<1x16xf32> to vector<16xf32>
      %swap3A_326 = vector.shape_cast %add3A_321 : vector<16xf32> to vector<1x16xf32>
      tpu.vector_store %arg11[%swap3A_322, %swap3A_323], %swap3A_326 {strides = array<i32>} : memref<64x768xf32, #tpu.memory_space<vmem>>, vector<1x16xf32>,
      %get3A_327 = arith.index_cast %scan3A_24 : i32 to index
      %get3A_328 = arith.constant 320 : index
      %get3A_329 = tpu.vector_load %arg11[%get3A_327, %get3A_328] {strides = array<i32>} : memref<64x768xf32, #tpu.memory_space<vmem>>, vector<1x16xf32>,
      %get3A_330 = vector.shape_cast %get3A_329 : vector<1x16xf32> to vector<16xf32>
      %get3A_331 = arith.index_cast %scan3A_24 : i32 to index
      %get3A_332 = arith.constant 320 : index
      %get3A_333 = tpu.vector_load %arg12[%get3A_331, %get3A_332] {strides = array<i32>} : memref<64x768xf32, #tpu.memory_space<vmem>>, vector<1x16xf32>,
      %get3A_334 = vector.shape_cast %get3A_333 : vector<1x16xf32> to vector<16xf32>
      %mul3A_335 = arith.mulf %get3A_27, %get3A_334 : vector<16xf32>
      %add3A_336 = arith.addf %get3A_330, %mul3A_335 : vector<16xf32>
      %swap3A_337 = arith.index_cast %scan3A_24 : i32 to index
      %swap3A_338 = arith.constant 320 : index
      %swap3A_339 = tpu.vector_load %arg11[%swap3A_337, %swap3A_338] {strides = array<i32>} : memref<64x768xf32, #tpu.memory_space<vmem>>, vector<1x16xf32>,
      %swap3A_340 = vector.shape_cast %swap3A_339 : vector<1x16xf32> to vector<16xf32>
      %swap3A_341 = vector.shape_cast %add3A_336 : vector<16xf32> to vector<1x16xf32>
      tpu.vector_store %arg11[%swap3A_337, %swap3A_338], %swap3A_341 {strides = array<i32>} : memref<64x768xf32, #tpu.memory_space<vmem>>, vector<1x16xf32>,
      %get3A_342 = arith.index_cast %scan3A_24 : i32 to index
      %get3A_343 = arith.constant 336 : index
      %get3A_344 = tpu.vector_load %arg11[%get3A_342, %get3A_343] {strides = array<i32>} : memref<64x768xf32, #tpu.memory_space<vmem>>, vector<1x16xf32>,
      %get3A_345 = vector.shape_cast %get3A_344 : vector<1x16xf32> to vector<16xf32>
      %get3A_346 = arith.index_cast %scan3A_24 : i32 to index
      %get3A_347 = arith.constant 336 : index
      %get3A_348 = tpu.vector_load %arg12[%get3A_346, %get3A_347] {strides = array<i32>} : memref<64x768xf32, #tpu.memory_space<vmem>>, vector<1x16xf32>,
      %get3A_349 = vector.shape_cast %get3A_348 : vector<1x16xf32> to vector<16xf32>
      %mul3A_350 = arith.mulf %get3A_27, %get3A_349 : vector<16xf32>
      %add3A_351 = arith.addf %get3A_345, %mul3A_350 : vector<16xf32>
      %swap3A_352 = arith.index_cast %scan3A_24 : i32 to index
      %swap3A_353 = arith.constant 336 : index
      %swap3A_354 = tpu.vector_load %arg11[%swap3A_352, %swap3A_353] {strides = array<i32>} : memref<64x768xf32, #tpu.memory_space<vmem>>, vector<1x16xf32>,
      %swap3A_355 = vector.shape_cast %swap3A_354 : vector<1x16xf32> to vector<16xf32>
      %swap3A_356 = vector.shape_cast %add3A_351 : vector<16xf32> to vector<1x16xf32>
      tpu.vector_store %arg11[%swap3A_352, %swap3A_353], %swap3A_356 {strides = array<i32>} : memref<64x768xf32, #tpu.memory_space<vmem>>, vector<1x16xf32>,
      %get3A_357 = arith.index_cast %scan3A_24 : i32 to index
      %get3A_358 = arith.constant 352 : index
      %get3A_359 = tpu.vector_load %arg11[%get3A_357, %get3A_358] {strides = array<i32>} : memref<64x768xf32, #tpu.memory_space<vmem>>, vector<1x16xf32>,
      %get3A_360 = vector.shape_cast %get3A_359 : vector<1x16xf32> to vector<16xf32>
      %get3A_361 = arith.index_cast %scan3A_24 : i32 to index
      %get3A_362 = arith.constant 352 : index
      %get3A_363 = tpu.vector_load %arg12[%get3A_361, %get3A_362] {strides = array<i32>} : memref<64x768xf32, #tpu.memory_space<vmem>>, vector<1x16xf32>,
      %get3A_364 = vector.shape_cast %get3A_363 : vector<1x16xf32> to vector<16xf32>
      %mul3A_365 = arith.mulf %get3A_27, %get3A_364 : vector<16xf32>
      %add3A_366 = arith.addf %get3A_360, %mul3A_365 : vector<16xf32>
      %swap3A_367 = arith.index_cast %scan3A_24 : i32 to index
      %swap3A_368 = arith.constant 352 : index
      %swap3A_369 = tpu.vector_load %arg11[%swap3A_367, %swap3A_368] {strides = array<i32>} : memref<64x768xf32, #tpu.memory_space<vmem>>, vector<1x16xf32>,
      %swap3A_370 = vector.shape_cast %swap3A_369 : vector<1x16xf32> to vector<16xf32>
      %swap3A_371 = vector.shape_cast %add3A_366 : vector<16xf32> to vector<1x16xf32>
      tpu.vector_store %arg11[%swap3A_367, %swap3A_368], %swap3A_371 {strides = array<i32>} : memref<64x768xf32, #tpu.memory_space<vmem>>, vector<1x16xf32>,
      %get3A_372 = arith.index_cast %scan3A_24 : i32 to index
      %get3A_373 = arith.constant 368 : index
      %get3A_374 = tpu.vector_load %arg11[%get3A_372, %get3A_373] {strides = array<i32>} : memref<64x768xf32, #tpu.memory_space<vmem>>, vector<1x16xf32>,
      %get3A_375 = vector.shape_cast %get3A_374 : vector<1x16xf32> to vector<16xf32>
      %get3A_376 = arith.index_cast %scan3A_24 : i32 to index
      %get3A_377 = arith.constant 368 : index
      %get3A_378 = tpu.vector_load %arg12[%get3A_376, %get3A_377] {strides = array<i32>} : memref<64x768xf32, #tpu.memory_space<vmem>>, vector<1x16xf32>,
      %get3A_379 = vector.shape_cast %get3A_378 : vector<1x16xf32> to vector<16xf32>
      %mul3A_380 = arith.mulf %get3A_27, %get3A_379 : vector<16xf32>
      %add3A_381 = arith.addf %get3A_375, %mul3A_380 : vector<16xf32>
      %swap3A_382 = arith.index_cast %scan3A_24 : i32 to index
      %swap3A_383 = arith.constant 368 : index
      %swap3A_384 = tpu.vector_load %arg11[%swap3A_382, %swap3A_383] {strides = array<i32>} : memref<64x768xf32, #tpu.memory_space<vmem>>, vector<1x16xf32>,
      %swap3A_385 = vector.shape_cast %swap3A_384 : vector<1x16xf32> to vector<16xf32>
      %swap3A_386 = vector.shape_cast %add3A_381 : vector<16xf32> to vector<1x16xf32>
      tpu.vector_store %arg11[%swap3A_382, %swap3A_383], %swap3A_386 {strides = array<i32>} : memref<64x768xf32, #tpu.memory_space<vmem>>, vector<1x16xf32>,
      %get3A_387 = arith.index_cast %scan3A_24 : i32 to index
      %get3A_388 = arith.constant 384 : index
      %get3A_389 = tpu.vector_load %arg11[%get3A_387, %get3A_388] {strides = array<i32>} : memref<64x768xf32, #tpu.memory_space<vmem>>, vector<1x16xf32>,
      %get3A_390 = vector.shape_cast %get3A_389 : vector<1x16xf32> to vector<16xf32>
      %get3A_391 = arith.index_cast %scan3A_24 : i32 to index
      %get3A_392 = arith.constant 384 : index
      %get3A_393 = tpu.vector_load %arg12[%get3A_391, %get3A_392] {strides = array<i32>} : memref<64x768xf32, #tpu.memory_space<vmem>>, vector<1x16xf32>,
      %get3A_394 = vector.shape_cast %get3A_393 : vector<1x16xf32> to vector<16xf32>
      %mul3A_395 = arith.mulf %get3A_27, %get3A_394 : vector<16xf32>
      %add3A_396 = arith.addf %get3A_390, %mul3A_395 : vector<16xf32>
      %swap3A_397 = arith.index_cast %scan3A_24 : i32 to index
      %swap3A_398 = arith.constant 384 : index
      %swap3A_399 = tpu.vector_load %arg11[%swap3A_397, %swap3A_398] {strides = array<i32>} : memref<64x768xf32, #tpu.memory_space<vmem>>, vector<1x16xf32>,
      %swap3A_400 = vector.shape_cast %swap3A_399 : vector<1x16xf32> to vector<16xf32>
      %swap3A_401 = vector.shape_cast %add3A_396 : vector<16xf32> to vector<1x16xf32>
      tpu.vector_store %arg11[%swap3A_397, %swap3A_398], %swap3A_401 {strides = array<i32>} : memref<64x768xf32, #tpu.memory_space<vmem>>, vector<1x16xf32>,
      %get3A_402 = arith.index_cast %scan3A_24 : i32 to index
      %get3A_403 = arith.constant 400 : index
      %get3A_404 = tpu.vector_load %arg11[%get3A_402, %get3A_403] {strides = array<i32>} : memref<64x768xf32, #tpu.memory_space<vmem>>, vector<1x16xf32>,
      %get3A_405 = vector.shape_cast %get3A_404 : vector<1x16xf32> to vector<16xf32>
      %get3A_406 = arith.index_cast %scan3A_24 : i32 to index
      %get3A_407 = arith.constant 400 : index
      %get3A_408 = tpu.vector_load %arg12[%get3A_406, %get3A_407] {strides = array<i32>} : memref<64x768xf32, #tpu.memory_space<vmem>>, vector<1x16xf32>,
      %get3A_409 = vector.shape_cast %get3A_408 : vector<1x16xf32> to vector<16xf32>
      %mul3A_410 = arith.mulf %get3A_27, %get3A_409 : vector<16xf32>
      %add3A_411 = arith.addf %get3A_405, %mul3A_410 : vector<16xf32>
      %swap3A_412 = arith.index_cast %scan3A_24 : i32 to index
      %swap3A_413 = arith.constant 400 : index
      %swap3A_414 = tpu.vector_load %arg11[%swap3A_412, %swap3A_413] {strides = array<i32>} : memref<64x768xf32, #tpu.memory_space<vmem>>, vector<1x16xf32>,
      %swap3A_415 = vector.shape_cast %swap3A_414 : vector<1x16xf32> to vector<16xf32>
      %swap3A_416 = vector.shape_cast %add3A_411 : vector<16xf32> to vector<1x16xf32>
      tpu.vector_store %arg11[%swap3A_412, %swap3A_413], %swap3A_416 {strides = array<i32>} : memref<64x768xf32, #tpu.memory_space<vmem>>, vector<1x16xf32>,
      %get3A_417 = arith.index_cast %scan3A_24 : i32 to index
      %get3A_418 = arith.constant 416 : index
      %get3A_419 = tpu.vector_load %arg11[%get3A_417, %get3A_418] {strides = array<i32>} : memref<64x768xf32, #tpu.memory_space<vmem>>, vector<1x16xf32>,
      %get3A_420 = vector.shape_cast %get3A_419 : vector<1x16xf32> to vector<16xf32>
      %get3A_421 = arith.index_cast %scan3A_24 : i32 to index
      %get3A_422 = arith.constant 416 : index
      %get3A_423 = tpu.vector_load %arg12[%get3A_421, %get3A_422] {strides = array<i32>} : memref<64x768xf32, #tpu.memory_space<vmem>>, vector<1x16xf32>,
      %get3A_424 = vector.shape_cast %get3A_423 : vector<1x16xf32> to vector<16xf32>
      %mul3A_425 = arith.mulf %get3A_27, %get3A_424 : vector<16xf32>
      %add3A_426 = arith.addf %get3A_420, %mul3A_425 : vector<16xf32>
      %swap3A_427 = arith.index_cast %scan3A_24 : i32 to index
      %swap3A_428 = arith.constant 416 : index
      %swap3A_429 = tpu.vector_load %arg11[%swap3A_427, %swap3A_428] {strides = array<i32>} : memref<64x768xf32, #tpu.memory_space<vmem>>, vector<1x16xf32>,
      %swap3A_430 = vector.shape_cast %swap3A_429 : vector<1x16xf32> to vector<16xf32>
      %swap3A_431 = vector.shape_cast %add3A_426 : vector<16xf32> to vector<1x16xf32>
      tpu.vector_store %arg11[%swap3A_427, %swap3A_428], %swap3A_431 {strides = array<i32>} : memref<64x768xf32, #tpu.memory_space<vmem>>, vector<1x16xf32>,
      %get3A_432 = arith.index_cast %scan3A_24 : i32 to index
      %get3A_433 = arith.constant 432 : index
      %get3A_434 = tpu.vector_load %arg11[%get3A_432, %get3A_433] {strides = array<i32>} : memref<64x768xf32, #tpu.memory_space<vmem>>, vector<1x16xf32>,
      %get3A_435 = vector.shape_cast %get3A_434 : vector<1x16xf32> to vector<16xf32>
      %get3A_436 = arith.index_cast %scan3A_24 : i32 to index
      %get3A_437 = arith.constant 432 : index
      %get3A_438 = tpu.vector_load %arg12[%get3A_436, %get3A_437] {strides = array<i32>} : memref<64x768xf32, #tpu.memory_space<vmem>>, vector<1x16xf32>,
      %get3A_439 = vector.shape_cast %get3A_438 : vector<1x16xf32> to vector<16xf32>
      %mul3A_440 = arith.mulf %get3A_27, %get3A_439 : vector<16xf32>
      %add3A_441 = arith.addf %get3A_435, %mul3A_440 : vector<16xf32>
      %swap3A_442 = arith.index_cast %scan3A_24 : i32 to index
      %swap3A_443 = arith.constant 432 : index
      %swap3A_444 = tpu.vector_load %arg11[%swap3A_442, %swap3A_443] {strides = array<i32>} : memref<64x768xf32, #tpu.memory_space<vmem>>, vector<1x16xf32>,
      %swap3A_445 = vector.shape_cast %swap3A_444 : vector<1x16xf32> to vector<16xf32>
      %swap3A_446 = vector.shape_cast %add3A_441 : vector<16xf32> to vector<1x16xf32>
      tpu.vector_store %arg11[%swap3A_442, %swap3A_443], %swap3A_446 {strides = array<i32>} : memref<64x768xf32, #tpu.memory_space<vmem>>, vector<1x16xf32>,
      %get3A_447 = arith.index_cast %scan3A_24 : i32 to index
      %get3A_448 = arith.constant 448 : index
      %get3A_449 = tpu.vector_load %arg11[%get3A_447, %get3A_448] {strides = array<i32>} : memref<64x768xf32, #tpu.memory_space<vmem>>, vector<1x16xf32>,
      %get3A_450 = vector.shape_cast %get3A_449 : vector<1x16xf32> to vector<16xf32>
      %get3A_451 = arith.index_cast %scan3A_24 : i32 to index
      %get3A_452 = arith.constant 448 : index
      %get3A_453 = tpu.vector_load %arg12[%get3A_451, %get3A_452] {strides = array<i32>} : memref<64x768xf32, #tpu.memory_space<vmem>>, vector<1x16xf32>,
      %get3A_454 = vector.shape_cast %get3A_453 : vector<1x16xf32> to vector<16xf32>
      %mul3A_455 = arith.mulf %get3A_27, %get3A_454 : vector<16xf32>
      %add3A_456 = arith.addf %get3A_450, %mul3A_455 : vector<16xf32>
      %swap3A_457 = arith.index_cast %scan3A_24 : i32 to index
      %swap3A_458 = arith.constant 448 : index
      %swap3A_459 = tpu.vector_load %arg11[%swap3A_457, %swap3A_458] {strides = array<i32>} : memref<64x768xf32, #tpu.memory_space<vmem>>, vector<1x16xf32>,
      %swap3A_460 = vector.shape_cast %swap3A_459 : vector<1x16xf32> to vector<16xf32>
      %swap3A_461 = vector.shape_cast %add3A_456 : vector<16xf32> to vector<1x16xf32>
      tpu.vector_store %arg11[%swap3A_457, %swap3A_458], %swap3A_461 {strides = array<i32>} : memref<64x768xf32, #tpu.memory_space<vmem>>, vector<1x16xf32>,
      %get3A_462 = arith.index_cast %scan3A_24 : i32 to index
      %get3A_463 = arith.constant 464 : index
      %get3A_464 = tpu.vector_load %arg11[%get3A_462, %get3A_463] {strides = array<i32>} : memref<64x768xf32, #tpu.memory_space<vmem>>, vector<1x16xf32>,
      %get3A_465 = vector.shape_cast %get3A_464 : vector<1x16xf32> to vector<16xf32>
      %get3A_466 = arith.index_cast %scan3A_24 : i32 to index
      %get3A_467 = arith.constant 464 : index
      %get3A_468 = tpu.vector_load %arg12[%get3A_466, %get3A_467] {strides = array<i32>} : memref<64x768xf32, #tpu.memory_space<vmem>>, vector<1x16xf32>,
      %get3A_469 = vector.shape_cast %get3A_468 : vector<1x16xf32> to vector<16xf32>
      %mul3A_470 = arith.mulf %get3A_27, %get3A_469 : vector<16xf32>
      %add3A_471 = arith.addf %get3A_465, %mul3A_470 : vector<16xf32>
      %swap3A_472 = arith.index_cast %scan3A_24 : i32 to index
      %swap3A_473 = arith.constant 464 : index
      %swap3A_474 = tpu.vector_load %arg11[%swap3A_472, %swap3A_473] {strides = array<i32>} : memref<64x768xf32, #tpu.memory_space<vmem>>, vector<1x16xf32>,
      %swap3A_475 = vector.shape_cast %swap3A_474 : vector<1x16xf32> to vector<16xf32>
      %swap3A_476 = vector.shape_cast %add3A_471 : vector<16xf32> to vector<1x16xf32>
      tpu.vector_store %arg11[%swap3A_472, %swap3A_473], %swap3A_476 {strides = array<i32>} : memref<64x768xf32, #tpu.memory_space<vmem>>, vector<1x16xf32>,
      %get3A_477 = arith.index_cast %scan3A_24 : i32 to index
      %get3A_478 = arith.constant 480 : index
      %get3A_479 = tpu.vector_load %arg11[%get3A_477, %get3A_478] {strides = array<i32>} : memref<64x768xf32, #tpu.memory_space<vmem>>, vector<1x16xf32>,
      %get3A_480 = vector.shape_cast %get3A_479 : vector<1x16xf32> to vector<16xf32>
      %get3A_481 = arith.index_cast %scan3A_24 : i32 to index
      %get3A_482 = arith.constant 480 : index
      %get3A_483 = tpu.vector_load %arg12[%get3A_481, %get3A_482] {strides = array<i32>} : memref<64x768xf32, #tpu.memory_space<vmem>>, vector<1x16xf32>,
      %get3A_484 = vector.shape_cast %get3A_483 : vector<1x16xf32> to vector<16xf32>
      %mul3A_485 = arith.mulf %get3A_27, %get3A_484 : vector<16xf32>
      %add3A_486 = arith.addf %get3A_480, %mul3A_485 : vector<16xf32>
      %swap3A_487 = arith.index_cast %scan3A_24 : i32 to index
      %swap3A_488 = arith.constant 480 : index
      %swap3A_489 = tpu.vector_load %arg11[%swap3A_487, %swap3A_488] {strides = array<i32>} : memref<64x768xf32, #tpu.memory_space<vmem>>, vector<1x16xf32>,
      %swap3A_490 = vector.shape_cast %swap3A_489 : vector<1x16xf32> to vector<16xf32>
      %swap3A_491 = vector.shape_cast %add3A_486 : vector<16xf32> to vector<1x16xf32>
      tpu.vector_store %arg11[%swap3A_487, %swap3A_488], %swap3A_491 {strides = array<i32>} : memref<64x768xf32, #tpu.memory_space<vmem>>, vector<1x16xf32>,
      %get3A_492 = arith.index_cast %scan3A_24 : i32 to index
      %get3A_493 = arith.constant 496 : index
      %get3A_494 = tpu.vector_load %arg11[%get3A_492, %get3A_493] {strides = array<i32>} : memref<64x768xf32, #tpu.memory_space<vmem>>, vector<1x16xf32>,
      %get3A_495 = vector.shape_cast %get3A_494 : vector<1x16xf32> to vector<16xf32>
      %get3A_496 = arith.index_cast %scan3A_24 : i32 to index
      %get3A_497 = arith.constant 496 : index
      %get3A_498 = tpu.vector_load %arg12[%get3A_496, %get3A_497] {strides = array<i32>} : memref<64x768xf32, #tpu.memory_space<vmem>>, vector<1x16xf32>,
      %get3A_499 = vector.shape_cast %get3A_498 : vector<1x16xf32> to vector<16xf32>
      %mul3A_500 = arith.mulf %get3A_27, %get3A_499 : vector<16xf32>
      %add3A_501 = arith.addf %get3A_495, %mul3A_500 : vector<16xf32>
      %swap3A_502 = arith.index_cast %scan3A_24 : i32 to index
      %swap3A_503 = arith.constant 496 : index
      %swap3A_504 = tpu.vector_load %arg11[%swap3A_502, %swap3A_503] {strides = array<i32>} : memref<64x768xf32, #tpu.memory_space<vmem>>, vector<1x16xf32>,
      %swap3A_505 = vector.shape_cast %swap3A_504 : vector<1x16xf32> to vector<16xf32>
      %swap3A_506 = vector.shape_cast %add3A_501 : vector<16xf32> to vector<1x16xf32>
      tpu.vector_store %arg11[%swap3A_502, %swap3A_503], %swap3A_506 {strides = array<i32>} : memref<64x768xf32, #tpu.memory_space<vmem>>, vector<1x16xf32>,
      %get3A_507 = arith.index_cast %scan3A_24 : i32 to index
      %get3A_508 = arith.constant 512 : index
      %get3A_509 = tpu.vector_load %arg11[%get3A_507, %get3A_508] {strides = array<i32>} : memref<64x768xf32, #tpu.memory_space<vmem>>, vector<1x16xf32>,
      %get3A_510 = vector.shape_cast %get3A_509 : vector<1x16xf32> to vector<16xf32>
      %get3A_511 = arith.index_cast %scan3A_24 : i32 to index
      %get3A_512 = arith.constant 512 : index
      %get3A_513 = tpu.vector_load %arg12[%get3A_511, %get3A_512] {strides = array<i32>} : memref<64x768xf32, #tpu.memory_space<vmem>>, vector<1x16xf32>,
      %get3A_514 = vector.shape_cast %get3A_513 : vector<1x16xf32> to vector<16xf32>
      %mul3A_515 = arith.mulf %get3A_27, %get3A_514 : vector<16xf32>
      %add3A_516 = arith.addf %get3A_510, %mul3A_515 : vector<16xf32>
      %swap3A_517 = arith.index_cast %scan3A_24 : i32 to index
      %swap3A_518 = arith.constant 512 : index
      %swap3A_519 = tpu.vector_load %arg11[%swap3A_517, %swap3A_518] {strides = array<i32>} : memref<64x768xf32, #tpu.memory_space<vmem>>, vector<1x16xf32>,
      %swap3A_520 = vector.shape_cast %swap3A_519 : vector<1x16xf32> to vector<16xf32>
      %swap3A_521 = vector.shape_cast %add3A_516 : vector<16xf32> to vector<1x16xf32>
      tpu.vector_store %arg11[%swap3A_517, %swap3A_518], %swap3A_521 {strides = array<i32>} : memref<64x768xf32, #tpu.memory_space<vmem>>, vector<1x16xf32>,
      %get3A_522 = arith.index_cast %scan3A_24 : i32 to index
      %get3A_523 = arith.constant 528 : index
      %get3A_524 = tpu.vector_load %arg11[%get3A_522, %get3A_523] {strides = array<i32>} : memref<64x768xf32, #tpu.memory_space<vmem>>, vector<1x16xf32>,
      %get3A_525 = vector.shape_cast %get3A_524 : vector<1x16xf32> to vector<16xf32>
      %get3A_526 = arith.index_cast %scan3A_24 : i32 to index
      %get3A_527 = arith.constant 528 : index
      %get3A_528 = tpu.vector_load %arg12[%get3A_526, %get3A_527] {strides = array<i32>} : memref<64x768xf32, #tpu.memory_space<vmem>>, vector<1x16xf32>,
      %get3A_529 = vector.shape_cast %get3A_528 : vector<1x16xf32> to vector<16xf32>
      %mul3A_530 = arith.mulf %get3A_27, %get3A_529 : vector<16xf32>
      %add3A_531 = arith.addf %get3A_525, %mul3A_530 : vector<16xf32>
      %swap3A_532 = arith.index_cast %scan3A_24 : i32 to index
      %swap3A_533 = arith.constant 528 : index
      %swap3A_534 = tpu.vector_load %arg11[%swap3A_532, %swap3A_533] {strides = array<i32>} : memref<64x768xf32, #tpu.memory_space<vmem>>, vector<1x16xf32>,
      %swap3A_535 = vector.shape_cast %swap3A_534 : vector<1x16xf32> to vector<16xf32>
      %swap3A_536 = vector.shape_cast %add3A_531 : vector<16xf32> to vector<1x16xf32>
      tpu.vector_store %arg11[%swap3A_532, %swap3A_533], %swap3A_536 {strides = array<i32>} : memref<64x768xf32, #tpu.memory_space<vmem>>, vector<1x16xf32>,
      %get3A_537 = arith.index_cast %scan3A_24 : i32 to index
      %get3A_538 = arith.constant 544 : index
      %get3A_539 = tpu.vector_load %arg11[%get3A_537, %get3A_538] {strides = array<i32>} : memref<64x768xf32, #tpu.memory_space<vmem>>, vector<1x16xf32>,
      %get3A_540 = vector.shape_cast %get3A_539 : vector<1x16xf32> to vector<16xf32>
      %get3A_541 = arith.index_cast %scan3A_24 : i32 to index
      %get3A_542 = arith.constant 544 : index
      %get3A_543 = tpu.vector_load %arg12[%get3A_541, %get3A_542] {strides = array<i32>} : memref<64x768xf32, #tpu.memory_space<vmem>>, vector<1x16xf32>,
      %get3A_544 = vector.shape_cast %get3A_543 : vector<1x16xf32> to vector<16xf32>
      %mul3A_545 = arith.mulf %get3A_27, %get3A_544 : vector<16xf32>
      %add3A_546 = arith.addf %get3A_540, %mul3A_545 : vector<16xf32>
      %swap3A_547 = arith.index_cast %scan3A_24 : i32 to index
      %swap3A_548 = arith.constant 544 : index
      %swap3A_549 = tpu.vector_load %arg11[%swap3A_547, %swap3A_548] {strides = array<i32>} : memref<64x768xf32, #tpu.memory_space<vmem>>, vector<1x16xf32>,
      %swap3A_550 = vector.shape_cast %swap3A_549 : vector<1x16xf32> to vector<16xf32>
      %swap3A_551 = vector.shape_cast %add3A_546 : vector<16xf32> to vector<1x16xf32>
      tpu.vector_store %arg11[%swap3A_547, %swap3A_548], %swap3A_551 {strides = array<i32>} : memref<64x768xf32, #tpu.memory_space<vmem>>, vector<1x16xf32>,
      %get3A_552 = arith.index_cast %scan3A_24 : i32 to index
      %get3A_553 = arith.constant 560 : index
      %get3A_554 = tpu.vector_load %arg11[%get3A_552, %get3A_553] {strides = array<i32>} : memref<64x768xf32, #tpu.memory_space<vmem>>, vector<1x16xf32>,
      %get3A_555 = vector.shape_cast %get3A_554 : vector<1x16xf32> to vector<16xf32>
      %get3A_556 = arith.index_cast %scan3A_24 : i32 to index
      %get3A_557 = arith.constant 560 : index
      %get3A_558 = tpu.vector_load %arg12[%get3A_556, %get3A_557] {strides = array<i32>} : memref<64x768xf32, #tpu.memory_space<vmem>>, vector<1x16xf32>,
      %get3A_559 = vector.shape_cast %get3A_558 : vector<1x16xf32> to vector<16xf32>
      %mul3A_560 = arith.mulf %get3A_27, %get3A_559 : vector<16xf32>
      %add3A_561 = arith.addf %get3A_555, %mul3A_560 : vector<16xf32>
      %swap3A_562 = arith.index_cast %scan3A_24 : i32 to index
      %swap3A_563 = arith.constant 560 : index
      %swap3A_564 = tpu.vector_load %arg11[%swap3A_562, %swap3A_563] {strides = array<i32>} : memref<64x768xf32, #tpu.memory_space<vmem>>, vector<1x16xf32>,
      %swap3A_565 = vector.shape_cast %swap3A_564 : vector<1x16xf32> to vector<16xf32>
      %swap3A_566 = vector.shape_cast %add3A_561 : vector<16xf32> to vector<1x16xf32>
      tpu.vector_store %arg11[%swap3A_562, %swap3A_563], %swap3A_566 {strides = array<i32>} : memref<64x768xf32, #tpu.memory_space<vmem>>, vector<1x16xf32>,
      %get3A_567 = arith.index_cast %scan3A_24 : i32 to index
      %get3A_568 = arith.constant 576 : index
      %get3A_569 = tpu.vector_load %arg11[%get3A_567, %get3A_568] {strides = array<i32>} : memref<64x768xf32, #tpu.memory_space<vmem>>, vector<1x16xf32>,
      %get3A_570 = vector.shape_cast %get3A_569 : vector<1x16xf32> to vector<16xf32>
      %get3A_571 = arith.index_cast %scan3A_24 : i32 to index
      %get3A_572 = arith.constant 576 : index
      %get3A_573 = tpu.vector_load %arg12[%get3A_571, %get3A_572] {strides = array<i32>} : memref<64x768xf32, #tpu.memory_space<vmem>>, vector<1x16xf32>,
      %get3A_574 = vector.shape_cast %get3A_573 : vector<1x16xf32> to vector<16xf32>
      %mul3A_575 = arith.mulf %get3A_27, %get3A_574 : vector<16xf32>
      %add3A_576 = arith.addf %get3A_570, %mul3A_575 : vector<16xf32>
      %swap3A_577 = arith.index_cast %scan3A_24 : i32 to index
      %swap3A_578 = arith.constant 576 : index
      %swap3A_579 = tpu.vector_load %arg11[%swap3A_577, %swap3A_578] {strides = array<i32>} : memref<64x768xf32, #tpu.memory_space<vmem>>, vector<1x16xf32>,
      %swap3A_580 = vector.shape_cast %swap3A_579 : vector<1x16xf32> to vector<16xf32>
      %swap3A_581 = vector.shape_cast %add3A_576 : vector<16xf32> to vector<1x16xf32>
      tpu.vector_store %arg11[%swap3A_577, %swap3A_578], %swap3A_581 {strides = array<i32>} : memref<64x768xf32, #tpu.memory_space<vmem>>, vector<1x16xf32>,
      %get3A_582 = arith.index_cast %scan3A_24 : i32 to index
      %get3A_583 = arith.constant 592 : index
      %get3A_584 = tpu.vector_load %arg11[%get3A_582, %get3A_583] {strides = array<i32>} : memref<64x768xf32, #tpu.memory_space<vmem>>, vector<1x16xf32>,
      %get3A_585 = vector.shape_cast %get3A_584 : vector<1x16xf32> to vector<16xf32>
      %get3A_586 = arith.index_cast %scan3A_24 : i32 to index
      %get3A_587 = arith.constant 592 : index
      %get3A_588 = tpu.vector_load %arg12[%get3A_586, %get3A_587] {strides = array<i32>} : memref<64x768xf32, #tpu.memory_space<vmem>>, vector<1x16xf32>,
      %get3A_589 = vector.shape_cast %get3A_588 : vector<1x16xf32> to vector<16xf32>
      %mul3A_590 = arith.mulf %get3A_27, %get3A_589 : vector<16xf32>
      %add3A_591 = arith.addf %get3A_585, %mul3A_590 : vector<16xf32>
      %swap3A_592 = arith.index_cast %scan3A_24 : i32 to index
      %swap3A_593 = arith.constant 592 : index
      %swap3A_594 = tpu.vector_load %arg11[%swap3A_592, %swap3A_593] {strides = array<i32>} : memref<64x768xf32, #tpu.memory_space<vmem>>, vector<1x16xf32>,
      %swap3A_595 = vector.shape_cast %swap3A_594 : vector<1x16xf32> to vector<16xf32>
      %swap3A_596 = vector.shape_cast %add3A_591 : vector<16xf32> to vector<1x16xf32>
      tpu.vector_store %arg11[%swap3A_592, %swap3A_593], %swap3A_596 {strides = array<i32>} : memref<64x768xf32, #tpu.memory_space<vmem>>, vector<1x16xf32>,
      %get3A_597 = arith.index_cast %scan3A_24 : i32 to index
      %get3A_598 = arith.constant 608 : index
      %get3A_599 = tpu.vector_load %arg11[%get3A_597, %get3A_598] {strides = array<i32>} : memref<64x768xf32, #tpu.memory_space<vmem>>, vector<1x16xf32>,
      %get3A_600 = vector.shape_cast %get3A_599 : vector<1x16xf32> to vector<16xf32>
      %get3A_601 = arith.index_cast %scan3A_24 : i32 to index
      %get3A_602 = arith.constant 608 : index
      %get3A_603 = tpu.vector_load %arg12[%get3A_601, %get3A_602] {strides = array<i32>} : memref<64x768xf32, #tpu.memory_space<vmem>>, vector<1x16xf32>,
      %get3A_604 = vector.shape_cast %get3A_603 : vector<1x16xf32> to vector<16xf32>
      %mul3A_605 = arith.mulf %get3A_27, %get3A_604 : vector<16xf32>
      %add3A_606 = arith.addf %get3A_600, %mul3A_605 : vector<16xf32>
      %swap3A_607 = arith.index_cast %scan3A_24 : i32 to index
      %swap3A_608 = arith.constant 608 : index
      %swap3A_609 = tpu.vector_load %arg11[%swap3A_607, %swap3A_608] {strides = array<i32>} : memref<64x768xf32, #tpu.memory_space<vmem>>, vector<1x16xf32>,
      %swap3A_610 = vector.shape_cast %swap3A_609 : vector<1x16xf32> to vector<16xf32>
      %swap3A_611 = vector.shape_cast %add3A_606 : vector<16xf32> to vector<1x16xf32>
      tpu.vector_store %arg11[%swap3A_607, %swap3A_608], %swap3A_611 {strides = array<i32>} : memref<64x768xf32, #tpu.memory_space<vmem>>, vector<1x16xf32>,
      %get3A_612 = arith.index_cast %scan3A_24 : i32 to index
      %get3A_613 = arith.constant 624 : index
      %get3A_614 = tpu.vector_load %arg11[%get3A_612, %get3A_613] {strides = array<i32>} : memref<64x768xf32, #tpu.memory_space<vmem>>, vector<1x16xf32>,
      %get3A_615 = vector.shape_cast %get3A_614 : vector<1x16xf32> to vector<16xf32>
      %get3A_616 = arith.index_cast %scan3A_24 : i32 to index
      %get3A_617 = arith.constant 624 : index
      %get3A_618 = tpu.vector_load %arg12[%get3A_616, %get3A_617] {strides = array<i32>} : memref<64x768xf32, #tpu.memory_space<vmem>>, vector<1x16xf32>,
      %get3A_619 = vector.shape_cast %get3A_618 : vector<1x16xf32> to vector<16xf32>
      %mul3A_620 = arith.mulf %get3A_27, %get3A_619 : vector<16xf32>
      %add3A_621 = arith.addf %get3A_615, %mul3A_620 : vector<16xf32>
      %swap3A_622 = arith.index_cast %scan3A_24 : i32 to index
      %swap3A_623 = arith.constant 624 : index
      %swap3A_624 = tpu.vector_load %arg11[%swap3A_622, %swap3A_623] {strides = array<i32>} : memref<64x768xf32, #tpu.memory_space<vmem>>, vector<1x16xf32>,
      %swap3A_625 = vector.shape_cast %swap3A_624 : vector<1x16xf32> to vector<16xf32>
      %swap3A_626 = vector.shape_cast %add3A_621 : vector<16xf32> to vector<1x16xf32>
      tpu.vector_store %arg11[%swap3A_622, %swap3A_623], %swap3A_626 {strides = array<i32>} : memref<64x768xf32, #tpu.memory_space<vmem>>, vector<1x16xf32>,
      %get3A_627 = arith.index_cast %scan3A_24 : i32 to index
      %get3A_628 = arith.constant 640 : index
      %get3A_629 = tpu.vector_load %arg11[%get3A_627, %get3A_628] {strides = array<i32>} : memref<64x768xf32, #tpu.memory_space<vmem>>, vector<1x16xf32>,
      %get3A_630 = vector.shape_cast %get3A_629 : vector<1x16xf32> to vector<16xf32>
      %get3A_631 = arith.index_cast %scan3A_24 : i32 to index
      %get3A_632 = arith.constant 640 : index
      %get3A_633 = tpu.vector_load %arg12[%get3A_631, %get3A_632] {strides = array<i32>} : memref<64x768xf32, #tpu.memory_space<vmem>>, vector<1x16xf32>,
      %get3A_634 = vector.shape_cast %get3A_633 : vector<1x16xf32> to vector<16xf32>
      %mul3A_635 = arith.mulf %get3A_27, %get3A_634 : vector<16xf32>
      %add3A_636 = arith.addf %get3A_630, %mul3A_635 : vector<16xf32>
      %swap3A_637 = arith.index_cast %scan3A_24 : i32 to index
      %swap3A_638 = arith.constant 640 : index
      %swap3A_639 = tpu.vector_load %arg11[%swap3A_637, %swap3A_638] {strides = array<i32>} : memref<64x768xf32, #tpu.memory_space<vmem>>, vector<1x16xf32>,
      %swap3A_640 = vector.shape_cast %swap3A_639 : vector<1x16xf32> to vector<16xf32>
      %swap3A_641 = vector.shape_cast %add3A_636 : vector<16xf32> to vector<1x16xf32>
      tpu.vector_store %arg11[%swap3A_637, %swap3A_638], %swap3A_641 {strides = array<i32>} : memref<64x768xf32, #tpu.memory_space<vmem>>, vector<1x16xf32>,
      %get3A_642 = arith.index_cast %scan3A_24 : i32 to index
      %get3A_643 = arith.constant 656 : index
      %get3A_644 = tpu.vector_load %arg11[%get3A_642, %get3A_643] {strides = array<i32>} : memref<64x768xf32, #tpu.memory_space<vmem>>, vector<1x16xf32>,
      %get3A_645 = vector.shape_cast %get3A_644 : vector<1x16xf32> to vector<16xf32>
      %get3A_646 = arith.index_cast %scan3A_24 : i32 to index
      %get3A_647 = arith.constant 656 : index
      %get3A_648 = tpu.vector_load %arg12[%get3A_646, %get3A_647] {strides = array<i32>} : memref<64x768xf32, #tpu.memory_space<vmem>>, vector<1x16xf32>,
      %get3A_649 = vector.shape_cast %get3A_648 : vector<1x16xf32> to vector<16xf32>
      %mul3A_650 = arith.mulf %get3A_27, %get3A_649 : vector<16xf32>
      %add3A_651 = arith.addf %get3A_645, %mul3A_650 : vector<16xf32>
      %swap3A_652 = arith.index_cast %scan3A_24 : i32 to index
      %swap3A_653 = arith.constant 656 : index
      %swap3A_654 = tpu.vector_load %arg11[%swap3A_652, %swap3A_653] {strides = array<i32>} : memref<64x768xf32, #tpu.memory_space<vmem>>, vector<1x16xf32>,
      %swap3A_655 = vector.shape_cast %swap3A_654 : vector<1x16xf32> to vector<16xf32>
      %swap3A_656 = vector.shape_cast %add3A_651 : vector<16xf32> to vector<1x16xf32>
      tpu.vector_store %arg11[%swap3A_652, %swap3A_653], %swap3A_656 {strides = array<i32>} : memref<64x768xf32, #tpu.memory_space<vmem>>, vector<1x16xf32>,
      %get3A_657 = arith.index_cast %scan3A_24 : i32 to index
      %get3A_658 = arith.constant 672 : index
      %get3A_659 = tpu.vector_load %arg11[%get3A_657, %get3A_658] {strides = array<i32>} : memref<64x768xf32, #tpu.memory_space<vmem>>, vector<1x16xf32>,
      %get3A_660 = vector.shape_cast %get3A_659 : vector<1x16xf32> to vector<16xf32>
      %get3A_661 = arith.index_cast %scan3A_24 : i32 to index
      %get3A_662 = arith.constant 672 : index
      %get3A_663 = tpu.vector_load %arg12[%get3A_661, %get3A_662] {strides = array<i32>} : memref<64x768xf32, #tpu.memory_space<vmem>>, vector<1x16xf32>,
      %get3A_664 = vector.shape_cast %get3A_663 : vector<1x16xf32> to vector<16xf32>
      %mul3A_665 = arith.mulf %get3A_27, %get3A_664 : vector<16xf32>
      %add3A_666 = arith.addf %get3A_660, %mul3A_665 : vector<16xf32>
      %swap3A_667 = arith.index_cast %scan3A_24 : i32 to index
      %swap3A_668 = arith.constant 672 : index
      %swap3A_669 = tpu.vector_load %arg11[%swap3A_667, %swap3A_668] {strides = array<i32>} : memref<64x768xf32, #tpu.memory_space<vmem>>, vector<1x16xf32>,
      %swap3A_670 = vector.shape_cast %swap3A_669 : vector<1x16xf32> to vector<16xf32>
      %swap3A_671 = vector.shape_cast %add3A_666 : vector<16xf32> to vector<1x16xf32>
      tpu.vector_store %arg11[%swap3A_667, %swap3A_668], %swap3A_671 {strides = array<i32>} : memref<64x768xf32, #tpu.memory_space<vmem>>, vector<1x16xf32>,
      %get3A_672 = arith.index_cast %scan3A_24 : i32 to index
      %get3A_673 = arith.constant 688 : index
      %get3A_674 = tpu.vector_load %arg11[%get3A_672, %get3A_673] {strides = array<i32>} : memref<64x768xf32, #tpu.memory_space<vmem>>, vector<1x16xf32>,
      %get3A_675 = vector.shape_cast %get3A_674 : vector<1x16xf32> to vector<16xf32>
      %get3A_676 = arith.index_cast %scan3A_24 : i32 to index
      %get3A_677 = arith.constant 688 : index
      %get3A_678 = tpu.vector_load %arg12[%get3A_676, %get3A_677] {strides = array<i32>} : memref<64x768xf32, #tpu.memory_space<vmem>>, vector<1x16xf32>,
      %get3A_679 = vector.shape_cast %get3A_678 : vector<1x16xf32> to vector<16xf32>
      %mul3A_680 = arith.mulf %get3A_27, %get3A_679 : vector<16xf32>
      %add3A_681 = arith.addf %get3A_675, %mul3A_680 : vector<16xf32>
      %swap3A_682 = arith.index_cast %scan3A_24 : i32 to index
      %swap3A_683 = arith.constant 688 : index
      %swap3A_684 = tpu.vector_load %arg11[%swap3A_682, %swap3A_683] {strides = array<i32>} : memref<64x768xf32, #tpu.memory_space<vmem>>, vector<1x16xf32>,
      %swap3A_685 = vector.shape_cast %swap3A_684 : vector<1x16xf32> to vector<16xf32>
      %swap3A_686 = vector.shape_cast %add3A_681 : vector<16xf32> to vector<1x16xf32>
      tpu.vector_store %arg11[%swap3A_682, %swap3A_683], %swap3A_686 {strides = array<i32>} : memref<64x768xf32, #tpu.memory_space<vmem>>, vector<1x16xf32>,
      %get3A_687 = arith.index_cast %scan3A_24 : i32 to index
      %get3A_688 = arith.constant 704 : index
      %get3A_689 = tpu.vector_load %arg11[%get3A_687, %get3A_688] {strides = array<i32>} : memref<64x768xf32, #tpu.memory_space<vmem>>, vector<1x16xf32>,
      %get3A_690 = vector.shape_cast %get3A_689 : vector<1x16xf32> to vector<16xf32>
      %get3A_691 = arith.index_cast %scan3A_24 : i32 to index
      %get3A_692 = arith.constant 704 : index
      %get3A_693 = tpu.vector_load %arg12[%get3A_691, %get3A_692] {strides = array<i32>} : memref<64x768xf32, #tpu.memory_space<vmem>>, vector<1x16xf32>,
      %get3A_694 = vector.shape_cast %get3A_693 : vector<1x16xf32> to vector<16xf32>
      %mul3A_695 = arith.mulf %get3A_27, %get3A_694 : vector<16xf32>
      %add3A_696 = arith.addf %get3A_690, %mul3A_695 : vector<16xf32>
      %swap3A_697 = arith.index_cast %scan3A_24 : i32 to index
      %swap3A_698 = arith.constant 704 : index
      %swap3A_699 = tpu.vector_load %arg11[%swap3A_697, %swap3A_698] {strides = array<i32>} : memref<64x768xf32, #tpu.memory_space<vmem>>, vector<1x16xf32>,
      %swap3A_700 = vector.shape_cast %swap3A_699 : vector<1x16xf32> to vector<16xf32>
      %swap3A_701 = vector.shape_cast %add3A_696 : vector<16xf32> to vector<1x16xf32>
      tpu.vector_store %arg11[%swap3A_697, %swap3A_698], %swap3A_701 {strides = array<i32>} : memref<64x768xf32, #tpu.memory_space<vmem>>, vector<1x16xf32>,
      %get3A_702 = arith.index_cast %scan3A_24 : i32 to index
      %get3A_703 = arith.constant 720 : index
      %get3A_704 = tpu.vector_load %arg11[%get3A_702, %get3A_703] {strides = array<i32>} : memref<64x768xf32, #tpu.memory_space<vmem>>, vector<1x16xf32>,
      %get3A_705 = vector.shape_cast %get3A_704 : vector<1x16xf32> to vector<16xf32>
      %get3A_706 = arith.index_cast %scan3A_24 : i32 to index
      %get3A_707 = arith.constant 720 : index
      %get3A_708 = tpu.vector_load %arg12[%get3A_706, %get3A_707] {strides = array<i32>} : memref<64x768xf32, #tpu.memory_space<vmem>>, vector<1x16xf32>,
      %get3A_709 = vector.shape_cast %get3A_708 : vector<1x16xf32> to vector<16xf32>
      %mul3A_710 = arith.mulf %get3A_27, %get3A_709 : vector<16xf32>
      %add3A_711 = arith.addf %get3A_705, %mul3A_710 : vector<16xf32>
      %swap3A_712 = arith.index_cast %scan3A_24 : i32 to index
      %swap3A_713 = arith.constant 720 : index
      %swap3A_714 = tpu.vector_load %arg11[%swap3A_712, %swap3A_713] {strides = array<i32>} : memref<64x768xf32, #tpu.memory_space<vmem>>, vector<1x16xf32>,
      %swap3A_715 = vector.shape_cast %swap3A_714 : vector<1x16xf32> to vector<16xf32>
      %swap3A_716 = vector.shape_cast %add3A_711 : vector<16xf32> to vector<1x16xf32>
      tpu.vector_store %arg11[%swap3A_712, %swap3A_713], %swap3A_716 {strides = array<i32>} : memref<64x768xf32, #tpu.memory_space<vmem>>, vector<1x16xf32>,
      %get3A_717 = arith.index_cast %scan3A_24 : i32 to index
      %get3A_718 = arith.constant 736 : index
      %get3A_719 = tpu.vector_load %arg11[%get3A_717, %get3A_718] {strides = array<i32>} : memref<64x768xf32, #tpu.memory_space<vmem>>, vector<1x16xf32>,
      %get3A_720 = vector.shape_cast %get3A_719 : vector<1x16xf32> to vector<16xf32>
      %get3A_721 = arith.index_cast %scan3A_24 : i32 to index
      %get3A_722 = arith.constant 736 : index
      %get3A_723 = tpu.vector_load %arg12[%get3A_721, %get3A_722] {strides = array<i32>} : memref<64x768xf32, #tpu.memory_space<vmem>>, vector<1x16xf32>,
      %get3A_724 = vector.shape_cast %get3A_723 : vector<1x16xf32> to vector<16xf32>
      %mul3A_725 = arith.mulf %get3A_27, %get3A_724 : vector<16xf32>
      %add3A_726 = arith.addf %get3A_720, %mul3A_725 : vector<16xf32>
      %swap3A_727 = arith.index_cast %scan3A_24 : i32 to index
      %swap3A_728 = arith.constant 736 : index
      %swap3A_729 = tpu.vector_load %arg11[%swap3A_727, %swap3A_728] {strides = array<i32>} : memref<64x768xf32, #tpu.memory_space<vmem>>, vector<1x16xf32>,
      %swap3A_730 = vector.shape_cast %swap3A_729 : vector<1x16xf32> to vector<16xf32>
      %swap3A_731 = vector.shape_cast %add3A_726 : vector<16xf32> to vector<1x16xf32>
      tpu.vector_store %arg11[%swap3A_727, %swap3A_728], %swap3A_731 {strides = array<i32>} : memref<64x768xf32, #tpu.memory_space<vmem>>, vector<1x16xf32>,
      %get3A_732 = arith.index_cast %scan3A_24 : i32 to index
      %get3A_733 = arith.constant 752 : index
      %get3A_734 = tpu.vector_load %arg11[%get3A_732, %get3A_733] {strides = array<i32>} : memref<64x768xf32, #tpu.memory_space<vmem>>, vector<1x16xf32>,
      %get3A_735 = vector.shape_cast %get3A_734 : vector<1x16xf32> to vector<16xf32>
      %get3A_736 = arith.index_cast %scan3A_24 : i32 to index
      %get3A_737 = arith.constant 752 : index
      %get3A_738 = tpu.vector_load %arg12[%get3A_736, %get3A_737] {strides = array<i32>} : memref<64x768xf32, #tpu.memory_space<vmem>>, vector<1x16xf32>,
      %get3A_739 = vector.shape_cast %get3A_738 : vector<1x16xf32> to vector<16xf32>
      %mul3A_740 = arith.mulf %get3A_27, %get3A_739 : vector<16xf32>
      %add3A_741 = arith.addf %get3A_735, %mul3A_740 : vector<16xf32>
      %swap3A_742 = arith.index_cast %scan3A_24 : i32 to index
      %swap3A_743 = arith.constant 752 : index
      %swap3A_744 = tpu.vector_load %arg11[%swap3A_742, %swap3A_743] {strides = array<i32>} : memref<64x768xf32, #tpu.memory_space<vmem>>, vector<1x16xf32>,
      %swap3A_745 = vector.shape_cast %swap3A_744 : vector<1x16xf32> to vector<16xf32>
      %swap3A_746 = vector.shape_cast %add3A_741 : vector<16xf32> to vector<1x16xf32>
      tpu.vector_store %arg11[%swap3A_742, %swap3A_743], %swap3A_746 {strides = array<i32>} : memref<64x768xf32, #tpu.memory_space<vmem>>, vector<1x16xf32>,
    }
    %scan3A_23 = arith.constant 64 : i32
    "tpu.region"() ({
      %run_scoped3A = tpu.sem_alloc : memref<!tpu.dma_semaphore, #tpu.memory_space<semaphore_mem>>
      %dma_start3A_24 = arith.constant 0 : i32
      %dma_start3A_25 = tpu.memref_slice %arg8[%mul3A_2, %dma_start3A_24] : memref<2048x768xf32, #tpu.memory_space<hbm>> -> memref<64x768xf32, #tpu.memory_space<hbm>>
      %dma_start3A_26 = arith.constant 0 : i32
      %dma_start3A_27 = tpu.memref_slice %arg8[%mul3A_2, %dma_start3A_26] : memref<2048x768xf32, #tpu.memory_space<hbm>> -> memref<64x768xf32, #tpu.memory_space<hbm>>
      tpu.enqueue_dma source(%arg11 : memref<64x768xf32, #tpu.memory_space<vmem>>) target(%dma_start3A_27 : memref<64x768xf32, #tpu.memory_space<hbm>>) target_semaphore(%run_scoped3A : memref<!tpu.dma_semaphore, #tpu.memory_space<semaphore_mem>>)
      %dma_wait3A_28 = arith.constant 0 : i32
      %dma_wait3A_29 = tpu.memref_slice %arg8[%mul3A_2, %dma_wait3A_28] : memref<2048x768xf32, #tpu.memory_space<hbm>> -> memref<64x768xf32, #tpu.memory_space<hbm>>
      %dma_wait3A_30 = arith.constant 0 : i32
      %dma_wait3A_31 = tpu.memref_slice %arg8[%mul3A_2, %dma_wait3A_30] : memref<2048x768xf32, #tpu.memory_space<hbm>> -> memref<64x768xf32, #tpu.memory_space<hbm>>
      tpu.wait_dma2 semaphore(%run_scoped3A : memref<!tpu.dma_semaphore, #tpu.memory_space<semaphore_mem>>) src(%arg11 : memref<64x768xf32, #tpu.memory_space<vmem>>) dst(%dma_wait3A_31 : memref<64x768xf32, #tpu.memory_space<hbm>>)
      tpu.yield
    }) : () -> ()
    return
  }
}

module attributes {stable_mosaic.version = 14 : i64} {
  func.func @_router_body(%arg0: memref<2048x768xf32, #tpu.memory_space<vmem>>, %arg1: memref<8x768xf32, #tpu.memory_space<vmem>>, %arg2: memref<2048x8xf32, #tpu.memory_space<vmem>>, %arg3: memref<2048x16xf32, #tpu.memory_space<vmem>>, %arg4: memref<2048x16xf32, #tpu.memory_space<vmem>>, %arg5: memref<2048x1xi32, #tpu.memory_space<vmem>>, %arg6: memref<2048x1xi32, #tpu.memory_space<vmem>>, %arg7: memref<24x1xi32, #tpu.memory_space<vmem>>) attributes {dimension_semantics = [], scalar_prefetch = 0 : i64, scratch_operands = 0 : i64, tpu.core_type = #tpu.core_type<tc>} {
    %get3A = arith.constant 0 : index
    %get3A_0 = arith.constant 0 : index
    %get3A_1 = vector.load %arg0[%get3A, %get3A_0] : memref<2048x768xf32, #tpu.memory_space<vmem>>, vector<2048x768xf32>
    %get3A_2 = arith.constant 0 : index
    %get3A_3 = arith.constant 0 : index
    %get3A_4 = vector.load %arg1[%get3A_2, %get3A_3] : memref<8x768xf32, #tpu.memory_space<vmem>>, vector<8x768xf32>
    %dot_general3A = arith.constant dense<0.000000e+00> : vector<2048x8xf32>
    %dot_general3A_5 = tpu.matmul %get3A_1, %get3A_4, %dot_general3A {dimension_numbers = #tpu.dot_dimension_numbers<[1], [1], [0], [0], [0, 0, 1, 0], [], []>, transpose_lhs_hint = false} : vector<2048x768xf32>, vector<8x768xf32>, vector<2048x8xf32> -> vector<2048x8xf32>
    %reduce_max3A = arith.constant dense<0xFF800000> : vector<2048xf32>
    %reduce_max3A_6 = vector.multi_reduction <maximumf>, %dot_general3A_5, %reduce_max3A [1] : vector<2048x8xf32> to vector<2048xf32>
    %broadcast_in_dim3A = vector.shape_cast %reduce_max3A_6 : vector<2048xf32> to vector<2048x1xf32>
    %sub3A = vector.broadcast %broadcast_in_dim3A : vector<2048x1xf32> to vector<2048x8xf32>
    %sub3A_7 = arith.subf %dot_general3A_5, %sub3A : vector<2048x8xf32>
    %exp3A = math.exp %sub3A_7 : vector<2048x8xf32>
    %reduce_sum3A = arith.constant dense<0.000000e+00> : vector<2048xf32>
    %reduce_sum3A_8 = vector.multi_reduction <add>, %exp3A, %reduce_sum3A [1] : vector<2048x8xf32> to vector<2048xf32>
    %broadcast_in_dim3A_9 = vector.shape_cast %reduce_sum3A_8 : vector<2048xf32> to vector<2048x1xf32>
    %div3A = vector.broadcast %broadcast_in_dim3A_9 : vector<2048x1xf32> to vector<2048x8xf32>
    %div3A_10 = arith.divf %exp3A, %div3A : vector<2048x8xf32>
    %swap3A = arith.constant 0 : index
    %swap3A_11 = arith.constant 0 : index
    %swap3A_12 = vector.load %arg2[%swap3A, %swap3A_11] : memref<2048x8xf32, #tpu.memory_space<vmem>>, vector<2048x8xf32>
    tpu.vector_store %arg2[%swap3A, %swap3A_11], %div3A_10 {strides = array<i32>} : memref<2048x8xf32, #tpu.memory_space<vmem>>, vector<2048x8xf32>,
    %iota3A = tpu.iota {dimensions = array<i32: 1>} : vector<2048x8xi32>
    %reduce_max3A_13 = arith.constant dense<0xFF800000> : vector<2048xf32>
    %reduce_max3A_14 = vector.multi_reduction <maximumf>, %div3A_10, %reduce_max3A_13 [1] : vector<2048x8xf32> to vector<2048xf32>
    %broadcast_in_dim3A_15 = vector.shape_cast %reduce_max3A_14 : vector<2048xf32> to vector<2048x1xf32>
    %eq3A = vector.broadcast %broadcast_in_dim3A_15 : vector<2048x1xf32> to vector<2048x8xf32>
    %eq3A_16 = arith.cmpf oeq, %div3A_10, %eq3A : vector<2048x8xf32>
    %jit3A = arith.constant 8 : i32
    %broadcast_in_dim3A_17 = vector.broadcast %jit3A : i32 to vector<2048x8xi32>
    %select_n3A = arith.select %eq3A_16, %iota3A, %broadcast_in_dim3A_17 : vector<2048x8xi1>, vector<2048x8xi32>
    %reduce_min3A = arith.constant dense<2147483647> : vector<2048xi32>
    %reduce_min3A_18 = vector.multi_reduction <minsi>, %select_n3A, %reduce_min3A [1] : vector<2048x8xi32> to vector<2048xi32>
    %broadcast_in_dim3A_19 = vector.shape_cast %reduce_min3A_18 : vector<2048xi32> to vector<2048x1xi32>
    %eq3A_20 = vector.broadcast %broadcast_in_dim3A_19 : vector<2048x1xi32> to vector<2048x8xi32>
    %eq3A_21 = arith.cmpi eq, %iota3A, %eq3A_20 : vector<2048x8xi32>
    %convert_element_type3A = arith.extui %eq3A_21 : vector<2048x8xi1> to vector<2048x8xi32>
    %convert_element_type3A_22 = arith.sitofp %convert_element_type3A : vector<2048x8xi32> to vector<2048x8xf32>
    %mul3A = arith.constant 2.000000e+00 : f32
    %mul3A_23 = vector.broadcast %mul3A : f32 to vector<2048x8xf32>
    %mul3A_24 = arith.mulf %mul3A_23, %convert_element_type3A_22 : vector<2048x8xf32>
    %sub3A_25 = arith.subf %div3A_10, %mul3A_24 : vector<2048x8xf32>
    %reduce_max3A_26 = arith.constant dense<0xFF800000> : vector<2048xf32>
    %reduce_max3A_27 = vector.multi_reduction <maximumf>, %sub3A_25, %reduce_max3A_26 [1] : vector<2048x8xf32> to vector<2048xf32>
    %broadcast_in_dim3A_28 = vector.shape_cast %reduce_max3A_27 : vector<2048xf32> to vector<2048x1xf32>
    %eq3A_29 = vector.broadcast %broadcast_in_dim3A_28 : vector<2048x1xf32> to vector<2048x8xf32>
    %eq3A_30 = arith.cmpf oeq, %sub3A_25, %eq3A_29 : vector<2048x8xf32>
    %jit3A_31 = arith.constant 8 : i32
    %broadcast_in_dim3A_32 = vector.broadcast %jit3A_31 : i32 to vector<2048x8xi32>
    %select_n3A_33 = arith.select %eq3A_30, %iota3A, %broadcast_in_dim3A_32 : vector<2048x8xi1>, vector<2048x8xi32>
    %reduce_min3A_34 = arith.constant dense<2147483647> : vector<2048xi32>
    %reduce_min3A_35 = vector.multi_reduction <minsi>, %select_n3A_33, %reduce_min3A_34 [1] : vector<2048x8xi32> to vector<2048xi32>
    %broadcast_in_dim3A_36 = vector.shape_cast %reduce_min3A_35 : vector<2048xi32> to vector<2048x1xi32>
    %eq3A_37 = vector.broadcast %broadcast_in_dim3A_36 : vector<2048x1xi32> to vector<2048x8xi32>
    %eq3A_38 = arith.cmpi eq, %iota3A, %eq3A_37 : vector<2048x8xi32>
    %convert_element_type3A_39 = arith.extui %eq3A_38 : vector<2048x8xi1> to vector<2048x8xi32>
    %convert_element_type3A_40 = arith.sitofp %convert_element_type3A_39 : vector<2048x8xi32> to vector<2048x8xf32>
    %add3A = arith.addf %broadcast_in_dim3A_15, %broadcast_in_dim3A_28 : vector<2048x1xf32>
    %broadcast_in_dim3A_41 = arith.constant 1.000000e+00 : f32
    %broadcast_in_dim3A_42 = vector.broadcast %broadcast_in_dim3A_41 : f32 to vector<1x16xf32>
    %div3A_43 = arith.divf %broadcast_in_dim3A_15, %add3A : vector<2048x1xf32>
    %mul3A_44 = vector.broadcast %div3A_43 : vector<2048x1xf32> to vector<2048x16xf32>
    %mul3A_45 = vector.broadcast %broadcast_in_dim3A_42 : vector<1x16xf32> to vector<2048x16xf32>
    %mul3A_46 = arith.mulf %mul3A_44, %mul3A_45 : vector<2048x16xf32>
    %swap3A_47 = arith.constant 0 : index
    %swap3A_48 = arith.constant 0 : index
    %swap3A_49 = vector.load %arg3[%swap3A_47, %swap3A_48] : memref<2048x16xf32, #tpu.memory_space<vmem>>, vector<2048x16xf32>
    tpu.vector_store %arg3[%swap3A_47, %swap3A_48], %mul3A_46 {strides = array<i32>} : memref<2048x16xf32, #tpu.memory_space<vmem>>, vector<2048x16xf32>,
    %div3A_50 = arith.divf %broadcast_in_dim3A_28, %add3A : vector<2048x1xf32>
    %mul3A_51 = vector.broadcast %div3A_50 : vector<2048x1xf32> to vector<2048x16xf32>
    %mul3A_52 = vector.broadcast %broadcast_in_dim3A_42 : vector<1x16xf32> to vector<2048x16xf32>
    %mul3A_53 = arith.mulf %mul3A_51, %mul3A_52 : vector<2048x16xf32>
    %swap3A_54 = arith.constant 0 : index
    %swap3A_55 = arith.constant 0 : index
    %swap3A_56 = vector.load %arg4[%swap3A_54, %swap3A_55] : memref<2048x16xf32, #tpu.memory_space<vmem>>, vector<2048x16xf32>
    tpu.vector_store %arg4[%swap3A_54, %swap3A_55], %mul3A_53 {strides = array<i32>} : memref<2048x16xf32, #tpu.memory_space<vmem>>, vector<2048x16xf32>,
    %reduce_sum3A_57 = arith.constant dense<0.000000e+00> : vector<8xf32>
    %reduce_sum3A_58 = vector.multi_reduction <add>, %convert_element_type3A_22, %reduce_sum3A_57 [0] : vector<2048x8xf32> to vector<8xf32>
    %broadcast_in_dim3A_59 = vector.shape_cast %reduce_sum3A_58 : vector<8xf32> to vector<1x8xf32>
    %reduce_sum3A_60 = arith.constant dense<0.000000e+00> : vector<8xf32>
    %reduce_sum3A_61 = vector.multi_reduction <add>, %convert_element_type3A_40, %reduce_sum3A_60 [0] : vector<2048x8xf32> to vector<8xf32>
    %broadcast_in_dim3A_62 = vector.shape_cast %reduce_sum3A_61 : vector<8xf32> to vector<1x8xf32>
    %add3A_63 = arith.addf %broadcast_in_dim3A_59, %broadcast_in_dim3A_62 : vector<1x8xf32>
    %convert_element_type3A_64 = arith.fptosi %add3A_63 : vector<1x8xf32> to vector<1x8xi32>
    %add3A_65 = arith.constant 255 : i32
    %add3A_66 = vector.broadcast %add3A_65 : i32 to vector<1x8xi32>
    %add3A_67 = arith.addi %convert_element_type3A_64, %add3A_66 : vector<1x8xi32>
    %jit3A_68 = arith.constant 256 : i32
    %div3A_69 = vector.broadcast %jit3A_68 : i32 to vector<1x8xi32>
    %div3A_70 = arith.divsi %add3A_67, %div3A_69 : vector<1x8xi32>
    %sign3A = arith.constant 0 : i32
    %sign3A_71 = vector.broadcast %sign3A : i32 to vector<1x8xi32>
    %sign3A_72 = arith.cmpi sgt, %add3A_67, %sign3A_71 : vector<1x8xi32>
    %sign3A_73 = arith.extui %sign3A_72 : vector<1x8xi1> to vector<1x8xi32>
    %sign3A_74 = arith.constant 0 : i32
    %sign3A_75 = vector.broadcast %sign3A_74 : i32 to vector<1x8xi32>
    %sign3A_76 = arith.cmpi slt, %add3A_67, %sign3A_75 : vector<1x8xi32>
    %sign3A_77 = arith.extui %sign3A_76 : vector<1x8xi1> to vector<1x8xi32>
    %sign3A_78 = arith.subi %sign3A_73, %sign3A_77 : vector<1x8xi32>
    %sign3A_79 = arith.constant 0 : i32
    %sign3A_80 = arith.cmpi sgt, %jit3A_68, %sign3A_79 : i32
    %sign3A_81 = arith.extui %sign3A_80 : i1 to i32
    %sign3A_82 = arith.constant 0 : i32
    %sign3A_83 = arith.cmpi slt, %jit3A_68, %sign3A_82 : i32
    %sign3A_84 = arith.extui %sign3A_83 : i1 to i32
    %sign3A_85 = arith.subi %sign3A_81, %sign3A_84 : i32
    %ne3A = vector.broadcast %sign3A_85 : i32 to vector<1x8xi32>
    %ne3A_86 = arith.cmpi ne, %sign3A_78, %ne3A : vector<1x8xi32>
    %rem3A = vector.broadcast %jit3A_68 : i32 to vector<1x8xi32>
    %rem3A_87 = arith.remsi %add3A_67, %rem3A : vector<1x8xi32>
    %ne3A_88 = arith.constant 0 : i32
    %ne3A_89 = vector.broadcast %ne3A_88 : i32 to vector<1x8xi32>
    %ne3A_90 = arith.cmpi ne, %rem3A_87, %ne3A_89 : vector<1x8xi32>
    %and3A = arith.andi %ne3A_86, %ne3A_90 : vector<1x8xi1>
    %sub3A_91 = arith.constant 1 : i32
    %sub3A_92 = vector.broadcast %sub3A_91 : i32 to vector<1x8xi32>
    %sub3A_93 = arith.subi %div3A_70, %sub3A_92 : vector<1x8xi32>
    %select_n3A_94 = arith.select %and3A, %sub3A_93, %div3A_70 : vector<1x8xi1>, vector<1x8xi32>
    %mul3A_95 = arith.constant 256 : i32
    %mul3A_96 = vector.broadcast %mul3A_95 : i32 to vector<1x8xi32>
    %mul3A_97 = arith.muli %select_n3A_94, %mul3A_96 : vector<1x8xi32>
    %broadcast_in_dim3A_98 = arith.constant 0 : i32
    %broadcast_in_dim3A_99 = vector.broadcast %broadcast_in_dim3A_98 : i32 to vector<1x1xi32>
    %slice3A = vector.extract_strided_slice %mul3A_97 {offsets = [0, 0], sizes = [1, 7], strides = [1, 1]} : vector<1x8xi32> to vector<1x7xi32>
    %concatenate3A = tpu.concatenate %broadcast_in_dim3A_99, %slice3A in 1 : vector<1x1xi32>, vector<1x7xi32> -> vector<1x8xi32>
    %broadcast_in_dim3A_100 = arith.constant 0 : i32
    %broadcast_in_dim3A_101 = vector.broadcast %broadcast_in_dim3A_100 : i32 to vector<1x1xi32>
    %slice3A_102 = vector.extract_strided_slice %concatenate3A {offsets = [0, 0], sizes = [1, 7], strides = [1, 1]} : vector<1x8xi32> to vector<1x7xi32>
    %concatenate3A_103 = tpu.concatenate %broadcast_in_dim3A_101, %slice3A_102 in 1 : vector<1x1xi32>, vector<1x7xi32> -> vector<1x8xi32>
    %add3A_104 = arith.addi %concatenate3A, %concatenate3A_103 : vector<1x8xi32>
    %broadcast_in_dim3A_105 = arith.constant 0 : i32
    %broadcast_in_dim3A_106 = vector.broadcast %broadcast_in_dim3A_105 : i32 to vector<1x2xi32>
    %slice3A_107 = vector.extract_strided_slice %add3A_104 {offsets = [0, 0], sizes = [1, 6], strides = [1, 1]} : vector<1x8xi32> to vector<1x6xi32>
    %concatenate3A_108 = tpu.concatenate %broadcast_in_dim3A_106, %slice3A_107 in 1 : vector<1x2xi32>, vector<1x6xi32> -> vector<1x8xi32>
    %add3A_109 = arith.addi %add3A_104, %concatenate3A_108 : vector<1x8xi32>
    %broadcast_in_dim3A_110 = arith.constant 0 : i32
    %broadcast_in_dim3A_111 = vector.broadcast %broadcast_in_dim3A_110 : i32 to vector<1x4xi32>
    %slice3A_112 = vector.extract_strided_slice %add3A_109 {offsets = [0, 0], sizes = [1, 4], strides = [1, 1]} : vector<1x8xi32> to vector<1x4xi32>
    %concatenate3A_113 = tpu.concatenate %broadcast_in_dim3A_111, %slice3A_112 in 1 : vector<1x4xi32>, vector<1x4xi32> -> vector<1x8xi32>
    %add3A_114 = arith.addi %add3A_109, %concatenate3A_113 : vector<1x8xi32>
    %add3A_115 = arith.addi %add3A_114, %mul3A_97 : vector<1x8xi32>
    %iota3A_116 = tpu.iota {dimensions = array<i32: 0>} : vector<24x8xi32>
    %mul3A_117 = arith.constant 256 : i32
    %mul3A_118 = vector.broadcast %mul3A_117 : i32 to vector<24x8xi32>
    %mul3A_119 = arith.muli %iota3A_116, %mul3A_118 : vector<24x8xi32>
    %ge3A = vector.broadcast %add3A_115 : vector<1x8xi32> to vector<24x8xi32>
    %ge3A_120 = arith.cmpi sge, %mul3A_119, %ge3A : vector<24x8xi32>
    %convert_element_type3A_121 = arith.extui %ge3A_120 : vector<24x8xi1> to vector<24x8xi32>
    %reduce_sum3A_122 = arith.constant dense<0> : vector<24xi32>
    %reduce_sum3A_123 = vector.multi_reduction <add>, %convert_element_type3A_121, %reduce_sum3A_122 [1] : vector<24x8xi32> to vector<24xi32>
    %broadcast_in_dim3A_124 = vector.shape_cast %reduce_sum3A_123 : vector<24xi32> to vector<24x1xi32>
    %min3A = arith.constant 7 : i32
    %min3A_125 = vector.broadcast %min3A : i32 to vector<24x1xi32>
    %min3A_126 = arith.minsi %broadcast_in_dim3A_124, %min3A_125 : vector<24x1xi32>
    %swap3A_127 = arith.constant 0 : index
    %swap3A_128 = arith.constant 0 : index
    %swap3A_129 = vector.load %arg7[%swap3A_127, %swap3A_128] : memref<24x1xi32, #tpu.memory_space<vmem>>, vector<24x1xi32>
    tpu.vector_store %arg7[%swap3A_127, %swap3A_128], %min3A_126 {strides = array<i32>} : memref<24x1xi32, #tpu.memory_space<vmem>>, vector<24x1xi32>,
    %broadcast_in_dim3A_130 = arith.constant 0.000000e+00 : f32
    %broadcast_in_dim3A_131 = vector.broadcast %broadcast_in_dim3A_130 : f32 to vector<1x8xf32>
    %slice3A_132 = vector.extract_strided_slice %convert_element_type3A_22 {offsets = [0, 0], sizes = [2047, 8], strides = [1, 1]} : vector<2048x8xf32> to vector<2047x8xf32>
    %concatenate3A_133 = tpu.concatenate %broadcast_in_dim3A_131, %slice3A_132 in 0 : vector<1x8xf32>, vector<2047x8xf32> -> vector<2048x8xf32>
    %add3A_134 = arith.addf %convert_element_type3A_22, %concatenate3A_133 : vector<2048x8xf32>
    %broadcast_in_dim3A_135 = arith.constant 0.000000e+00 : f32
    %broadcast_in_dim3A_136 = vector.broadcast %broadcast_in_dim3A_135 : f32 to vector<2x8xf32>
    %slice3A_137 = vector.extract_strided_slice %add3A_134 {offsets = [0, 0], sizes = [2046, 8], strides = [1, 1]} : vector<2048x8xf32> to vector<2046x8xf32>
    %concatenate3A_138 = tpu.concatenate %broadcast_in_dim3A_136, %slice3A_137 in 0 : vector<2x8xf32>, vector<2046x8xf32> -> vector<2048x8xf32>
    %add3A_139 = arith.addf %add3A_134, %concatenate3A_138 : vector<2048x8xf32>
    %broadcast_in_dim3A_140 = arith.constant 0.000000e+00 : f32
    %broadcast_in_dim3A_141 = vector.broadcast %broadcast_in_dim3A_140 : f32 to vector<4x8xf32>
    %slice3A_142 = vector.extract_strided_slice %add3A_139 {offsets = [0, 0], sizes = [2044, 8], strides = [1, 1]} : vector<2048x8xf32> to vector<2044x8xf32>
    %concatenate3A_143 = tpu.concatenate %broadcast_in_dim3A_141, %slice3A_142 in 0 : vector<4x8xf32>, vector<2044x8xf32> -> vector<2048x8xf32>
    %add3A_144 = arith.addf %add3A_139, %concatenate3A_143 : vector<2048x8xf32>
    %broadcast_in_dim3A_145 = arith.constant 0.000000e+00 : f32
    %broadcast_in_dim3A_146 = vector.broadcast %broadcast_in_dim3A_145 : f32 to vector<8x8xf32>
    %slice3A_147 = vector.extract_strided_slice %add3A_144 {offsets = [0, 0], sizes = [2040, 8], strides = [1, 1]} : vector<2048x8xf32> to vector<2040x8xf32>
    %concatenate3A_148 = tpu.concatenate %broadcast_in_dim3A_146, %slice3A_147 in 0 : vector<8x8xf32>, vector<2040x8xf32> -> vector<2048x8xf32>
    %add3A_149 = arith.addf %add3A_144, %concatenate3A_148 : vector<2048x8xf32>
    %broadcast_in_dim3A_150 = arith.constant 0.000000e+00 : f32
    %broadcast_in_dim3A_151 = vector.broadcast %broadcast_in_dim3A_150 : f32 to vector<16x8xf32>
    %slice3A_152 = vector.extract_strided_slice %add3A_149 {offsets = [0, 0], sizes = [2032, 8], strides = [1, 1]} : vector<2048x8xf32> to vector<2032x8xf32>
    %concatenate3A_153 = tpu.concatenate %broadcast_in_dim3A_151, %slice3A_152 in 0 : vector<16x8xf32>, vector<2032x8xf32> -> vector<2048x8xf32>
    %add3A_154 = arith.addf %add3A_149, %concatenate3A_153 : vector<2048x8xf32>
    %broadcast_in_dim3A_155 = arith.constant 0.000000e+00 : f32
    %broadcast_in_dim3A_156 = vector.broadcast %broadcast_in_dim3A_155 : f32 to vector<32x8xf32>
    %slice3A_157 = vector.extract_strided_slice %add3A_154 {offsets = [0, 0], sizes = [2016, 8], strides = [1, 1]} : vector<2048x8xf32> to vector<2016x8xf32>
    %concatenate3A_158 = tpu.concatenate %broadcast_in_dim3A_156, %slice3A_157 in 0 : vector<32x8xf32>, vector<2016x8xf32> -> vector<2048x8xf32>
    %add3A_159 = arith.addf %add3A_154, %concatenate3A_158 : vector<2048x8xf32>
    %broadcast_in_dim3A_160 = arith.constant 0.000000e+00 : f32
    %broadcast_in_dim3A_161 = vector.broadcast %broadcast_in_dim3A_160 : f32 to vector<64x8xf32>
    %slice3A_162 = vector.extract_strided_slice %add3A_159 {offsets = [0, 0], sizes = [1984, 8], strides = [1, 1]} : vector<2048x8xf32> to vector<1984x8xf32>
    %concatenate3A_163 = tpu.concatenate %broadcast_in_dim3A_161, %slice3A_162 in 0 : vector<64x8xf32>, vector<1984x8xf32> -> vector<2048x8xf32>
    %add3A_164 = arith.addf %add3A_159, %concatenate3A_163 : vector<2048x8xf32>
    %broadcast_in_dim3A_165 = arith.constant 0.000000e+00 : f32
    %broadcast_in_dim3A_166 = vector.broadcast %broadcast_in_dim3A_165 : f32 to vector<128x8xf32>
    %slice3A_167 = vector.extract_strided_slice %add3A_164 {offsets = [0, 0], sizes = [1920, 8], strides = [1, 1]} : vector<2048x8xf32> to vector<1920x8xf32>
    %concatenate3A_168 = tpu.concatenate %broadcast_in_dim3A_166, %slice3A_167 in 0 : vector<128x8xf32>, vector<1920x8xf32> -> vector<2048x8xf32>
    %add3A_169 = arith.addf %add3A_164, %concatenate3A_168 : vector<2048x8xf32>
    %broadcast_in_dim3A_170 = arith.constant 0.000000e+00 : f32
    %broadcast_in_dim3A_171 = vector.broadcast %broadcast_in_dim3A_170 : f32 to vector<256x8xf32>
    %slice3A_172 = vector.extract_strided_slice %add3A_169 {offsets = [0, 0], sizes = [1792, 8], strides = [1, 1]} : vector<2048x8xf32> to vector<1792x8xf32>
    %concatenate3A_173 = tpu.concatenate %broadcast_in_dim3A_171, %slice3A_172 in 0 : vector<256x8xf32>, vector<1792x8xf32> -> vector<2048x8xf32>
    %add3A_174 = arith.addf %add3A_169, %concatenate3A_173 : vector<2048x8xf32>
    %broadcast_in_dim3A_175 = arith.constant 0.000000e+00 : f32
    %broadcast_in_dim3A_176 = vector.broadcast %broadcast_in_dim3A_175 : f32 to vector<512x8xf32>
    %slice3A_177 = vector.extract_strided_slice %add3A_174 {offsets = [0, 0], sizes = [1536, 8], strides = [1, 1]} : vector<2048x8xf32> to vector<1536x8xf32>
    %concatenate3A_178 = tpu.concatenate %broadcast_in_dim3A_176, %slice3A_177 in 0 : vector<512x8xf32>, vector<1536x8xf32> -> vector<2048x8xf32>
    %add3A_179 = arith.addf %add3A_174, %concatenate3A_178 : vector<2048x8xf32>
    %broadcast_in_dim3A_180 = arith.constant 0.000000e+00 : f32
    %broadcast_in_dim3A_181 = vector.broadcast %broadcast_in_dim3A_180 : f32 to vector<1024x8xf32>
    %slice3A_182 = vector.extract_strided_slice %add3A_179 {offsets = [0, 0], sizes = [1024, 8], strides = [1, 1]} : vector<2048x8xf32> to vector<1024x8xf32>
    %concatenate3A_183 = tpu.concatenate %broadcast_in_dim3A_181, %slice3A_182 in 0 : vector<1024x8xf32>, vector<1024x8xf32> -> vector<2048x8xf32>
    %add3A_184 = arith.addf %add3A_179, %concatenate3A_183 : vector<2048x8xf32>
    %sub3A_185 = arith.subf %add3A_184, %convert_element_type3A_22 : vector<2048x8xf32>
    %broadcast_in_dim3A_186 = arith.constant 0.000000e+00 : f32
    %broadcast_in_dim3A_187 = vector.broadcast %broadcast_in_dim3A_186 : f32 to vector<1x8xf32>
    %slice3A_188 = vector.extract_strided_slice %convert_element_type3A_40 {offsets = [0, 0], sizes = [2047, 8], strides = [1, 1]} : vector<2048x8xf32> to vector<2047x8xf32>
    %concatenate3A_189 = tpu.concatenate %broadcast_in_dim3A_187, %slice3A_188 in 0 : vector<1x8xf32>, vector<2047x8xf32> -> vector<2048x8xf32>
    %add3A_190 = arith.addf %convert_element_type3A_40, %concatenate3A_189 : vector<2048x8xf32>
    %broadcast_in_dim3A_191 = arith.constant 0.000000e+00 : f32
    %broadcast_in_dim3A_192 = vector.broadcast %broadcast_in_dim3A_191 : f32 to vector<2x8xf32>
    %slice3A_193 = vector.extract_strided_slice %add3A_190 {offsets = [0, 0], sizes = [2046, 8], strides = [1, 1]} : vector<2048x8xf32> to vector<2046x8xf32>
    %concatenate3A_194 = tpu.concatenate %broadcast_in_dim3A_192, %slice3A_193 in 0 : vector<2x8xf32>, vector<2046x8xf32> -> vector<2048x8xf32>
    %add3A_195 = arith.addf %add3A_190, %concatenate3A_194 : vector<2048x8xf32>
    %broadcast_in_dim3A_196 = arith.constant 0.000000e+00 : f32
    %broadcast_in_dim3A_197 = vector.broadcast %broadcast_in_dim3A_196 : f32 to vector<4x8xf32>
    %slice3A_198 = vector.extract_strided_slice %add3A_195 {offsets = [0, 0], sizes = [2044, 8], strides = [1, 1]} : vector<2048x8xf32> to vector<2044x8xf32>
    %concatenate3A_199 = tpu.concatenate %broadcast_in_dim3A_197, %slice3A_198 in 0 : vector<4x8xf32>, vector<2044x8xf32> -> vector<2048x8xf32>
    %add3A_200 = arith.addf %add3A_195, %concatenate3A_199 : vector<2048x8xf32>
    %broadcast_in_dim3A_201 = arith.constant 0.000000e+00 : f32
    %broadcast_in_dim3A_202 = vector.broadcast %broadcast_in_dim3A_201 : f32 to vector<8x8xf32>
    %slice3A_203 = vector.extract_strided_slice %add3A_200 {offsets = [0, 0], sizes = [2040, 8], strides = [1, 1]} : vector<2048x8xf32> to vector<2040x8xf32>
    %concatenate3A_204 = tpu.concatenate %broadcast_in_dim3A_202, %slice3A_203 in 0 : vector<8x8xf32>, vector<2040x8xf32> -> vector<2048x8xf32>
    %add3A_205 = arith.addf %add3A_200, %concatenate3A_204 : vector<2048x8xf32>
    %broadcast_in_dim3A_206 = arith.constant 0.000000e+00 : f32
    %broadcast_in_dim3A_207 = vector.broadcast %broadcast_in_dim3A_206 : f32 to vector<16x8xf32>
    %slice3A_208 = vector.extract_strided_slice %add3A_205 {offsets = [0, 0], sizes = [2032, 8], strides = [1, 1]} : vector<2048x8xf32> to vector<2032x8xf32>
    %concatenate3A_209 = tpu.concatenate %broadcast_in_dim3A_207, %slice3A_208 in 0 : vector<16x8xf32>, vector<2032x8xf32> -> vector<2048x8xf32>
    %add3A_210 = arith.addf %add3A_205, %concatenate3A_209 : vector<2048x8xf32>
    %broadcast_in_dim3A_211 = arith.constant 0.000000e+00 : f32
    %broadcast_in_dim3A_212 = vector.broadcast %broadcast_in_dim3A_211 : f32 to vector<32x8xf32>
    %slice3A_213 = vector.extract_strided_slice %add3A_210 {offsets = [0, 0], sizes = [2016, 8], strides = [1, 1]} : vector<2048x8xf32> to vector<2016x8xf32>
    %concatenate3A_214 = tpu.concatenate %broadcast_in_dim3A_212, %slice3A_213 in 0 : vector<32x8xf32>, vector<2016x8xf32> -> vector<2048x8xf32>
    %add3A_215 = arith.addf %add3A_210, %concatenate3A_214 : vector<2048x8xf32>
    %broadcast_in_dim3A_216 = arith.constant 0.000000e+00 : f32
    %broadcast_in_dim3A_217 = vector.broadcast %broadcast_in_dim3A_216 : f32 to vector<64x8xf32>
    %slice3A_218 = vector.extract_strided_slice %add3A_215 {offsets = [0, 0], sizes = [1984, 8], strides = [1, 1]} : vector<2048x8xf32> to vector<1984x8xf32>
    %concatenate3A_219 = tpu.concatenate %broadcast_in_dim3A_217, %slice3A_218 in 0 : vector<64x8xf32>, vector<1984x8xf32> -> vector<2048x8xf32>
    %add3A_220 = arith.addf %add3A_215, %concatenate3A_219 : vector<2048x8xf32>
    %broadcast_in_dim3A_221 = arith.constant 0.000000e+00 : f32
    %broadcast_in_dim3A_222 = vector.broadcast %broadcast_in_dim3A_221 : f32 to vector<128x8xf32>
    %slice3A_223 = vector.extract_strided_slice %add3A_220 {offsets = [0, 0], sizes = [1920, 8], strides = [1, 1]} : vector<2048x8xf32> to vector<1920x8xf32>
    %concatenate3A_224 = tpu.concatenate %broadcast_in_dim3A_222, %slice3A_223 in 0 : vector<128x8xf32>, vector<1920x8xf32> -> vector<2048x8xf32>
    %add3A_225 = arith.addf %add3A_220, %concatenate3A_224 : vector<2048x8xf32>
    %broadcast_in_dim3A_226 = arith.constant 0.000000e+00 : f32
    %broadcast_in_dim3A_227 = vector.broadcast %broadcast_in_dim3A_226 : f32 to vector<256x8xf32>
    %slice3A_228 = vector.extract_strided_slice %add3A_225 {offsets = [0, 0], sizes = [1792, 8], strides = [1, 1]} : vector<2048x8xf32> to vector<1792x8xf32>
    %concatenate3A_229 = tpu.concatenate %broadcast_in_dim3A_227, %slice3A_228 in 0 : vector<256x8xf32>, vector<1792x8xf32> -> vector<2048x8xf32>
    %add3A_230 = arith.addf %add3A_225, %concatenate3A_229 : vector<2048x8xf32>
    %broadcast_in_dim3A_231 = arith.constant 0.000000e+00 : f32
    %broadcast_in_dim3A_232 = vector.broadcast %broadcast_in_dim3A_231 : f32 to vector<512x8xf32>
    %slice3A_233 = vector.extract_strided_slice %add3A_230 {offsets = [0, 0], sizes = [1536, 8], strides = [1, 1]} : vector<2048x8xf32> to vector<1536x8xf32>
    %concatenate3A_234 = tpu.concatenate %broadcast_in_dim3A_232, %slice3A_233 in 0 : vector<512x8xf32>, vector<1536x8xf32> -> vector<2048x8xf32>
    %add3A_235 = arith.addf %add3A_230, %concatenate3A_234 : vector<2048x8xf32>
    %broadcast_in_dim3A_236 = arith.constant 0.000000e+00 : f32
    %broadcast_in_dim3A_237 = vector.broadcast %broadcast_in_dim3A_236 : f32 to vector<1024x8xf32>
    %slice3A_238 = vector.extract_strided_slice %add3A_235 {offsets = [0, 0], sizes = [1024, 8], strides = [1, 1]} : vector<2048x8xf32> to vector<1024x8xf32>
    %concatenate3A_239 = tpu.concatenate %broadcast_in_dim3A_237, %slice3A_238 in 0 : vector<1024x8xf32>, vector<1024x8xf32> -> vector<2048x8xf32>
    %add3A_240 = arith.addf %add3A_235, %concatenate3A_239 : vector<2048x8xf32>
    %sub3A_241 = arith.subf %add3A_240, %convert_element_type3A_40 : vector<2048x8xf32>
    %convert_element_type3A_242 = arith.sitofp %add3A_114 : vector<1x8xi32> to vector<1x8xf32>
    %add3A_243 = vector.broadcast %convert_element_type3A_242 : vector<1x8xf32> to vector<2048x8xf32>
    %add3A_244 = arith.addf %add3A_243, %sub3A_185 : vector<2048x8xf32>
    %mul3A_245 = arith.mulf %add3A_244, %convert_element_type3A_22 : vector<2048x8xf32>
    %reduce_sum3A_246 = arith.constant dense<0.000000e+00> : vector<2048xf32>
    %reduce_sum3A_247 = vector.multi_reduction <add>, %mul3A_245, %reduce_sum3A_246 [1] : vector<2048x8xf32> to vector<2048xf32>
    %broadcast_in_dim3A_248 = vector.shape_cast %reduce_sum3A_247 : vector<2048xf32> to vector<2048x1xf32>
    %add3A_249 = arith.addf %convert_element_type3A_242, %broadcast_in_dim3A_59 : vector<1x8xf32>
    %add3A_250 = vector.broadcast %add3A_249 : vector<1x8xf32> to vector<2048x8xf32>
    %add3A_251 = arith.addf %add3A_250, %sub3A_241 : vector<2048x8xf32>
    %mul3A_252 = arith.mulf %add3A_251, %convert_element_type3A_40 : vector<2048x8xf32>
    %reduce_sum3A_253 = arith.constant dense<0.000000e+00> : vector<2048xf32>
    %reduce_sum3A_254 = vector.multi_reduction <add>, %mul3A_252, %reduce_sum3A_253 [1] : vector<2048x8xf32> to vector<2048xf32>
    %broadcast_in_dim3A_255 = vector.shape_cast %reduce_sum3A_254 : vector<2048xf32> to vector<2048x1xf32>
    %convert_element_type3A_256 = arith.fptosi %broadcast_in_dim3A_248 : vector<2048x1xf32> to vector<2048x1xi32>
    %swap3A_257 = arith.constant 0 : index
    %swap3A_258 = arith.constant 0 : index
    %swap3A_259 = vector.load %arg5[%swap3A_257, %swap3A_258] : memref<2048x1xi32, #tpu.memory_space<vmem>>, vector<2048x1xi32>
    tpu.vector_store %arg5[%swap3A_257, %swap3A_258], %convert_element_type3A_256 {strides = array<i32>} : memref<2048x1xi32, #tpu.memory_space<vmem>>, vector<2048x1xi32>,
    %convert_element_type3A_260 = arith.fptosi %broadcast_in_dim3A_255 : vector<2048x1xf32> to vector<2048x1xi32>
    %swap3A_261 = arith.constant 0 : index
    %swap3A_262 = arith.constant 0 : index
    %swap3A_263 = vector.load %arg6[%swap3A_261, %swap3A_262] : memref<2048x1xi32, #tpu.memory_space<vmem>>, vector<2048x1xi32>
    tpu.vector_store %arg6[%swap3A_261, %swap3A_262], %convert_element_type3A_260 {strides = array<i32>} : memref<2048x1xi32, #tpu.memory_space<vmem>>, vector<2048x1xi32>,
    return
  }
}

module attributes {stable_mosaic.version = 14 : i64} {
  func.func @_mm_body(%arg0: i32, %arg1: memref<24xi32, #tpu.memory_space<smem>>, %arg2: memref<256x768xf32, #tpu.memory_space<vmem>>, %arg3: memref<1x768x768xf32, #tpu.memory_space<vmem>>, %arg4: memref<1x1x768xf32, #tpu.memory_space<vmem>>, %arg5: memref<1x768x768xf32, #tpu.memory_space<vmem>>, %arg6: memref<1x1x768xf32, #tpu.memory_space<vmem>>, %arg7: memref<256x768xf32, #tpu.memory_space<vmem>>, %arg8: memref<768x768xbf16, #tpu.memory_space<vmem>>, %arg9: memref<768x768xbf16, #tpu.memory_space<vmem>>) attributes {dimension_semantics = [#tpu.dimension_semantics<arbitrary>], iteration_bounds = array<i64: 24>, scalar_prefetch = 1 : i64, scratch_operands = 2 : i64, tpu.core_type = #tpu.core_type<tc>, window_params = [{transform_indices = @transform_0, window_bounds = array<i64: 256, 768>}, {transform_indices = @transform_1, window_bounds = array<i64: 1, 768, 768>}, {transform_indices = @transform_2, window_bounds = array<i64: 1, 1, 768>}, {transform_indices = @transform_3, window_bounds = array<i64: 1, 768, 768>}, {transform_indices = @transform_4, window_bounds = array<i64: 1, 1, 768>}, {transform_indices = @transform_5, window_bounds = array<i64: 256, 768>}]} {
    %sub3A = arith.constant 1 : i32
    %sub3A_0 = arith.subi %arg0, %sub3A : i32
    %max3A = arith.constant 0 : i32
    %max3A_1 = arith.maxsi %sub3A_0, %max3A : i32
    %get3A = arith.index_cast %max3A_1 : i32 to index
    %get3A_2 = memref.load %arg1[%get3A] : memref<24xi32, #tpu.memory_space<smem>>
    %eq3A = arith.constant 0 : i32
    %eq3A_3 = arith.cmpi eq, %arg0, %eq3A : i32
    %get3A_4 = arith.index_cast %arg0 : i32 to index
    %get3A_5 = memref.load %arg1[%get3A_4] : memref<24xi32, #tpu.memory_space<smem>>
    %ne3A = arith.cmpi ne, %get3A_5, %get3A_2 : i32
    %or3A = arith.ori %eq3A_3, %ne3A : i1
    %convert_element_type3A = arith.extui %or3A : i1 to i32
    %cond3A = arith.constant 0 : i32
    %cond3A_6 = arith.cmpi ne, %convert_element_type3A, %cond3A : i32
    scf.if %cond3A_6 {
      %get3A_39 = arith.constant 0 : index
      %get3A_40 = arith.constant 0 : index
      %get3A_41 = arith.constant 0 : index
      %get3A_42 = vector.load %arg3[%get3A_39, %get3A_40, %get3A_41] : memref<1x768x768xf32, #tpu.memory_space<vmem>>, vector<1x768x768xf32>
      %get3A_43 = vector.shape_cast %get3A_42 : vector<1x768x768xf32> to vector<768x768xf32>
      %convert_element_type3A_44 = arith.truncf %get3A_43 : vector<768x768xf32> to vector<768x768xbf16>
      %swap3A_45 = arith.constant 0 : index
      %swap3A_46 = arith.constant 0 : index
      %swap3A_47 = vector.load %arg8[%swap3A_45, %swap3A_46] : memref<768x768xbf16, #tpu.memory_space<vmem>>, vector<768x768xbf16>
      tpu.vector_store %arg8[%swap3A_45, %swap3A_46], %convert_element_type3A_44 {strides = array<i32>} : memref<768x768xbf16, #tpu.memory_space<vmem>>, vector<768x768xbf16>,
      %get3A_48 = arith.constant 0 : index
      %get3A_49 = arith.constant 0 : index
      %get3A_50 = arith.constant 0 : index
      %get3A_51 = vector.load %arg5[%get3A_48, %get3A_49, %get3A_50] : memref<1x768x768xf32, #tpu.memory_space<vmem>>, vector<1x768x768xf32>
      %get3A_52 = vector.shape_cast %get3A_51 : vector<1x768x768xf32> to vector<768x768xf32>
      %convert_element_type3A_53 = arith.truncf %get3A_52 : vector<768x768xf32> to vector<768x768xbf16>
      %swap3A_54 = arith.constant 0 : index
      %swap3A_55 = arith.constant 0 : index
      %swap3A_56 = vector.load %arg9[%swap3A_54, %swap3A_55] : memref<768x768xbf16, #tpu.memory_space<vmem>>, vector<768x768xbf16>
      tpu.vector_store %arg9[%swap3A_54, %swap3A_55], %convert_element_type3A_53 {strides = array<i32>} : memref<768x768xbf16, #tpu.memory_space<vmem>>, vector<768x768xbf16>,
    } else {
    }
    %get3A_7 = arith.constant 0 : index
    %get3A_8 = arith.constant 0 : index
    %get3A_9 = vector.load %arg2[%get3A_7, %get3A_8] : memref<256x768xf32, #tpu.memory_space<vmem>>, vector<256x768xf32>
    %convert_element_type3A_10 = arith.truncf %get3A_9 : vector<256x768xf32> to vector<256x768xbf16>
    %get3A_11 = arith.constant 0 : index
    %get3A_12 = arith.constant 0 : index
    %get3A_13 = vector.load %arg8[%get3A_11, %get3A_12] : memref<768x768xbf16, #tpu.memory_space<vmem>>, vector<768x768xbf16>
    %dot_general3A = arith.constant dense<0.000000e+00> : vector<256x768xf32>
    %dot_general3A_14 = tpu.matmul %convert_element_type3A_10, %get3A_13, %dot_general3A {dimension_numbers = #tpu.dot_dimension_numbers<[1], [1], [0], [0], [0, 0, 1, 0], [], []>, transpose_lhs_hint = false} : vector<256x768xbf16>, vector<768x768xbf16>, vector<256x768xf32> -> vector<256x768xf32>
    %get3A_15 = arith.constant 0 : index
    %get3A_16 = arith.constant 0 : index
    %get3A_17 = arith.constant 0 : index
    %get3A_18 = vector.load %arg4[%get3A_15, %get3A_16, %get3A_17] : memref<1x1x768xf32, #tpu.memory_space<vmem>>, vector<1x1x768xf32>
    %get3A_19 = vector.shape_cast %get3A_18 : vector<1x1x768xf32> to vector<1x768xf32>
    %add3A = vector.broadcast %get3A_19 : vector<1x768xf32> to vector<256x768xf32>
    %add3A_20 = arith.addf %dot_general3A_14, %add3A : vector<256x768xf32>
    %max3A_21 = arith.constant 0.000000e+00 : f32
    %max3A_22 = vector.broadcast %max3A_21 : f32 to vector<256x768xf32>
    %max3A_23 = arith.maximumf %add3A_20, %max3A_22 : vector<256x768xf32>
    %convert_element_type3A_24 = arith.truncf %max3A_23 : vector<256x768xf32> to vector<256x768xbf16>
    %get3A_25 = arith.constant 0 : index
    %get3A_26 = arith.constant 0 : index
    %get3A_27 = vector.load %arg9[%get3A_25, %get3A_26] : memref<768x768xbf16, #tpu.memory_space<vmem>>, vector<768x768xbf16>
    %dot_general3A_28 = arith.constant dense<0.000000e+00> : vector<256x768xf32>
    %dot_general3A_29 = tpu.matmul %convert_element_type3A_24, %get3A_27, %dot_general3A_28 {dimension_numbers = #tpu.dot_dimension_numbers<[1], [1], [0], [0], [0, 0, 1, 0], [], []>, transpose_lhs_hint = false} : vector<256x768xbf16>, vector<768x768xbf16>, vector<256x768xf32> -> vector<256x768xf32>
    %get3A_30 = arith.constant 0 : index
    %get3A_31 = arith.constant 0 : index
    %get3A_32 = arith.constant 0 : index
    %get3A_33 = vector.load %arg6[%get3A_30, %get3A_31, %get3A_32] : memref<1x1x768xf32, #tpu.memory_space<vmem>>, vector<1x1x768xf32>
    %get3A_34 = vector.shape_cast %get3A_33 : vector<1x1x768xf32> to vector<1x768xf32>
    %add3A_35 = vector.broadcast %get3A_34 : vector<1x768xf32> to vector<256x768xf32>
    %add3A_36 = arith.addf %dot_general3A_29, %add3A_35 : vector<256x768xf32>
    %swap3A = arith.constant 0 : index
    %swap3A_37 = arith.constant 0 : index
    %swap3A_38 = vector.load %arg7[%swap3A, %swap3A_37] : memref<256x768xf32, #tpu.memory_space<vmem>>, vector<256x768xf32>
    tpu.vector_store %arg7[%swap3A, %swap3A_37], %add3A_36 {strides = array<i32>} : memref<256x768xf32, #tpu.memory_space<vmem>>, vector<256x768xf32>,
    return
  }
  func.func @transform_0(%arg0: i32, %arg1: memref<24xi32, #tpu.memory_space<smem>>) -> (i32, i32) {
    %c0_i32 = arith.constant 0 : i32
    %c0_i32_0 = arith.constant 0 : i32
    return %arg0, %c0_i32 : i32, i32
  }
  func.func @transform_1(%arg0: i32, %arg1: memref<24xi32, #tpu.memory_space<smem>>) -> (i32, i32, i32) {
    %get3A = arith.index_cast %arg0 : i32 to index
    %get3A_0 = memref.load %arg1[%get3A] : memref<24xi32, #tpu.memory_space<smem>>
    %c0_i32 = arith.constant 0 : i32
    %c0_i32_1 = arith.constant 0 : i32
    %c0_i32_2 = arith.constant 0 : i32
    return %get3A_0, %c0_i32, %c0_i32_1 : i32, i32, i32
  }
  func.func @transform_2(%arg0: i32, %arg1: memref<24xi32, #tpu.memory_space<smem>>) -> (i32, i32, i32) {
    %get3A = arith.index_cast %arg0 : i32 to index
    %get3A_0 = memref.load %arg1[%get3A] : memref<24xi32, #tpu.memory_space<smem>>
    %c0_i32 = arith.constant 0 : i32
    %c0_i32_1 = arith.constant 0 : i32
    %c0_i32_2 = arith.constant 0 : i32
    return %get3A_0, %c0_i32, %c0_i32_1 : i32, i32, i32
  }
  func.func @transform_3(%arg0: i32, %arg1: memref<24xi32, #tpu.memory_space<smem>>) -> (i32, i32, i32) {
    %get3A = arith.index_cast %arg0 : i32 to index
    %get3A_0 = memref.load %arg1[%get3A] : memref<24xi32, #tpu.memory_space<smem>>
    %c0_i32 = arith.constant 0 : i32
    %c0_i32_1 = arith.constant 0 : i32
    %c0_i32_2 = arith.constant 0 : i32
    return %get3A_0, %c0_i32, %c0_i32_1 : i32, i32, i32
  }
  func.func @transform_4(%arg0: i32, %arg1: memref<24xi32, #tpu.memory_space<smem>>) -> (i32, i32, i32) {
    %get3A = arith.index_cast %arg0 : i32 to index
    %get3A_0 = memref.load %arg1[%get3A] : memref<24xi32, #tpu.memory_space<smem>>
    %c0_i32 = arith.constant 0 : i32
    %c0_i32_1 = arith.constant 0 : i32
    %c0_i32_2 = arith.constant 0 : i32
    return %get3A_0, %c0_i32, %c0_i32_1 : i32, i32, i32
  }
  func.func @transform_5(%arg0: i32, %arg1: memref<24xi32, #tpu.memory_space<smem>>) -> (i32, i32) {
    %c0_i32 = arith.constant 0 : i32
    %c0_i32_0 = arith.constant 0 : i32
    return %arg0, %c0_i32 : i32, i32
  }
}

</mosaic_0001>

<sc_bundles>
// kernel: kernel.6.cloned.1.call-start
scs
__scs_entry_jumppad:
0x0: {  	(pc) =	sbr.rel $0x88, $3  }
0x1: {  	(tag) =	ssettag $0x0;
	lr =	simm.s32 $0x1  }
0x2: {  	[smem:$0x3F9B] =	sst lr;
	_ =	strace $0xD0000000  }
0x3: {  	_ = 	snop  }
0x4: {  	_ = 	snop  }
0x5: {  	_ = 	snop  }
0x6: {  	_ = 	snop  }
0x7: {  	_ = 	snop  }
__scs_overlays_trampoline_lowered:
0x8: {  	[smem:$0x3FAA] =	sst s0  }
0x9: {  	[smem:$0x3FAB] =	sst s1  }
0xa: {  	[smem:$0x3FAC] =	sst s2  }
0xb: {  	[smem:$0x3FAD] =	sst s3  }
0xc: {  	[smem:$0x3FAE] =	sst s4  }
0xd: {  	[smem:$0x3FAF] =	sst s5  }
0xe: {  	[smem:$0x3FB0] =	sst s6  }
0xf: {  	[smem:$0x3FB1] =	sst s7  }
0x10: {  	[smem:$0x3FB2] =	sst s8  }
0x11: {  	[smem:$0x3FB3] =	sst s9;
	s0 =	simm.s32 @!p0 $0x0  }
0x12: {  	s1 =	sld [smem:$0x3F99];
	s0 =	simm.s32 @p0 $0x1  }
0x13: {  	[smem:$0x3FB4] =	sst s0;
	s0 =	simm.s32 @!p1 $0x0  }
0x14: {  	s2 =	sld [smem:$0x3F98];
	s0 =	simm.s32 @p1 $0x1  }
0x15: {  	[smem:$0x3FB5] =	sst s0;
	s0 =	simm.s32 @!p2 $0x0  }
0x16: {  	s3 =	sld [smem:$0x3FDB];
	s0 =	simm.s32 @p2 $0x1  }
0x17: {  	s4 =	simm.s32 $0x1BF5;
	[smem:$0x3FB7] =	sst s0  }
0x18: {  	s0 =	sld [smem:$0x3F9A];
	_ =	swait.ge [sflag:s4], $0x0  }
0x19: {  	s7 =	sld [smem:$0x3F9B]  }
0x1a: {  	s8 =	sadd.s32 $0xFFFFE003, lr  }
0x1b: {  	s9 =	sadd.s32 $0xFFFFFEF7, lr;
	s5 =	simm.s32 $0xFFFFFFFF;
	p2 =	slt.u32 s8, $0xFFFFF086  }
0x1c: {  	p1 =	slt.u32 s9, $0xF7A;
	s5 =	simm.s32 @!p2 $0x0  }
0x1d: {  	s5 =	simm.s32 @p1 $0x1;
	p0 =	seq.s32 s7, s2  }
0x1e: {  	s7 =	smul.u32 @!p0 $0xF7A, s2;
	p2 =	seq.s32 @!p0 s5, $0x0  }
0x1f: {  	s9 =	smul.u32 $0xF7A, s1;
	s8 =	simm.s32 @!p0 $0x1BF5;
	p2 =	por !p2, p0  }
0x20: {  	[sflag:s8] =	ssyncset.s32 @!p0 $0xFFFFF086;
	s6 =	sadd.s32 @!p0 s3, s7;
	s7 =	simm.s32 @!p0 $0x108  }
0x21: {  	s3 =	sadd.s32 s3, s9;
	s6 =	sadd.s32 @!p0 $0x88, s6;
	s7 =	simm.s32 @p2 $0x1082  }
0x22: {  	[simem:s7], [sflag:s8] =	dma.local @!p0 [hbm:s6], $0xF7A  }
0x23: {  	s9 =	sor.u32 $0xD0000000, s2;
	s6 =	simm.s32 $0x108;
	_ =	swait.ge @!p0 [sflag:s8], $0x0  }
0x24: {  	s3 =	sadd.s32 $0x88, s3;
	s6 =	simm.s32 @!p1 $0x1082;
	[sflag:s4] =	ssyncset.s32 $0xFFFFF086  }
0x25: {  	[simem:s6], [sflag:s4] =	dma.local [hbm:s3], $0xF7A  }
0x26: {  	[smem:$0x3F9B] =	sst s1;
	(tag) =	ssettag s2;
	_ =	strace s9  }
0x27: {  	s1 =	sld [smem:$0x3FAB]  }
0x28: {  	s2 =	sld [smem:$0x3FAC]  }
0x29: {  	s4 =	sld [smem:$0x3FAE]  }
0x2a: {  	p0 =	seq.s32 s5, $0x0;
	s5 =	sld [smem:$0x3FAF]  }
0x2b: {  	s6 =	sld [smem:$0x3FB0]  }
0x2c: {  	s7 =	sld [smem:$0x3FB1]  }
0x2d: {  	s3 =	simm.s32 $0x108;
	s8 =	sld [smem:$0x3FB2]  }
0x2e: {  	s3 =	simm.s32 @!p0 $0x1082;
	s9 =	sld [smem:$0x3FB3]  }
0x2f: {  	lr =	sadd.s32 s0, s3;
	s0 =	sld [smem:$0x3FAA]  }
0x30: {  	s3 =	sld [smem:$0x3FAD]  }
0x31: {  	[smem:$0x3FB6] =	sst s10  }
0x32: {  	s10 =	sld [smem:$0x3FB4];
	_ =	sdelay $0x3  }
0x33: {  	p0 =	seq.s32 s10, $0x1;
	s10 =	sld [smem:$0x3FB6];
	_ =	sdelay $0x3  }
0x34: {  	[smem:$0x3FB6] =	sst s10  }
0x35: {  	s10 =	sld [smem:$0x3FB5];
	_ =	sdelay $0x3  }
0x36: {  	p1 =	seq.s32 s10, $0x1;
	s10 =	sld [smem:$0x3FB6];
	_ =	sdelay $0x3  }
0x37: {  	[smem:$0x3FB6] =	sst s10  }
0x38: {  	s10 =	sld [smem:$0x3FB7]  }
0x39: {  	_ = 	snop;
	(pc) =	sbr.ind lr, $3  }
0x3a: {  	_ = 	snop  }
0x3b: {  	_ = 	snop  }
0x3c: {  	p2 =	seq.s32 s10, $0x1;
	s10 =	sld [smem:$0x3FB6]  }
0x3d: {  	_ =	shalt  }
0x3e: {  	_ =	shalt  }
0x3f: {  	_ =	shalt  }
0x40: {  	_ =	shalt  }
0x41: {  	_ =	shalt  }
0x42: {  	_ =	shalt  }
0x43: {  	_ =	shalt  }
0x44: {  	_ =	shalt  }
0x45: {  	_ =	shalt  }
0x46: {  	_ =	shalt  }
0x47: {  	_ =	shalt  }
0x48: {  	_ =	shalt  }
0x49: {  	_ =	shalt  }
0x4a: {  	_ =	shalt  }
0x4b: {  	_ =	shalt  }
0x4c: {  	_ =	shalt  }
0x4d: {  	_ =	shalt  }
0x4e: {  	_ =	shalt  }
0x4f: {  	_ =	shalt  }
0x50: {  	_ =	shalt  }
0x51: {  	_ =	shalt  }
0x52: {  	_ =	shalt  }
0x53: {  	_ =	shalt  }
0x54: {  	_ =	shalt  }
0x55: {  	_ =	shalt  }
0x56: {  	_ =	shalt  }
0x57: {  	_ =	shalt  }
0x58: {  	_ =	shalt  }
0x59: {  	_ =	shalt  }
0x5a: {  	_ =	shalt  }
0x5b: {  	_ =	shalt  }
0x5c: {  	_ =	shalt  }
0x5d: {  	_ =	shalt  }
0x5e: {  	_ =	shalt  }
0x5f: {  	_ =	shalt  }
0x60: {  	_ =	shalt  }
0x61: {  	_ =	shalt  }
0x62: {  	_ =	shalt  }
0x63: {  	_ =	shalt  }
0x64: {  	_ =	shalt  }
0x65: {  	_ =	shalt  }
0x66: {  	_ =	shalt  }
0x67: {  	_ =	shalt  }
0x68: {  	_ =	shalt  }
0x69: {  	_ =	shalt  }
0x6a: {  	_ =	shalt  }
0x6b: {  	_ =	shalt  }
0x6c: {  	_ =	shalt  }
0x6d: {  	_ =	shalt  }
0x6e: {  	_ =	shalt  }
0x6f: {  	_ =	shalt  }
0x70: {  	_ =	shalt  }
0x71: {  	_ =	shalt  }
0x72: {  	_ =	shalt  }
0x73: {  	_ =	shalt  }
0x74: {  	_ =	shalt  }
0x75: {  	_ =	shalt  }
0x76: {  	_ =	shalt  }
0x77: {  	_ =	shalt  }
0x78: {  	_ =	shalt  }
0x79: {  	_ =	shalt  }
0x7a: {  	_ =	shalt  }
0x7b: {  	_ =	shalt  }
0x7c: {  	_ =	shalt  }
0x7d: {  	_ =	shalt  }
0x7e: {  	_ =	shalt  }
0x7f: {  	_ =	shalt  }
0x80: {  	_ =	shalt  }
0x81: {  	_ =	shalt  }
0x82: {  	_ =	shalt  }
0x83: {  	_ =	shalt  }
0x84: {  	_ =	shalt  }
0x85: {  	_ =	shalt  }
0x86: {  	_ =	shalt  }
0x87: {  	_ =	shalt  }
.Lfunc_end0:
.L_simem_size_0:
called_computation_lowered:
.L_overlay_start_0:
0x88: {  	s2 =	sld [smem:$0x3FD9]  }
0x89: {  	s3 =	sld [smem:$0x3FFE];
	_ =	sdelay $0x1  }
0x8a: {  	s1 =	srdreg.scid  }
0x8b: {  	s0 =	sand.u32 $0x1, s1  }
0x8c: {  	s17 =	sshll.u32 s0, $0xA;
	s2 =	sadd.s32 s3, s2  }
0x8d: {  	s2 =	sadd.s32 s2, s17  }
0x8e: {  	[smem:$0x3FC2] =	sst s2  }
0x8f: {  	_ = 	snop  }
0x90: {  	s2 =	sld [smem:$0x3FC9];
	(tm) =	ssettm $0x1  }
0x91: {  	s18 =	sld [smem:$0x3FFB];
	_ =	sdelay $0x3  }
0x92: {  	_ =	strace s18  }
0x93: {  	s3 =	sld [smem:$0x3FFC];
	_ =	sdelay $0x3  }
0x94: {  	_ =	strace s3  }
0x95: {  	s3 =	sld [smem:$0x3FFD];
	_ =	sdelay $0x3  }
0x96: {  	_ =	strace s3  }
0x97: {  	_ =	strace $0x8FFFFFFF  }
0x98: {  	s19 =	sld [smem:$0x3FDB];
	_ =	sdelay $0x1  }
0x99: {  	s4 =	simm.s32 $_scs_section_size  }
0x9a: {  	s5 =	simm.s32 $_size__tile_overlayer_lowered;
	s6 =	simm.s32 $_tile_overlayer_lowered  }
0x9b: {  	s22 =	simm.s32 $0x1BFF;
	s21 =	sshll.u32 s6, $0x1;
	s3 =	sadd.s32 s4, s19  }
0x9c: {  	s7 =	simm.s32 $0x0;
	s20 =	sshll.u32 s5, $0x1;
	s5 =	sadd.s32 s21, s3  }
0x9d: {  	[timem:s7], [sflag:s22] =	dma.local [hbm:s5], s20  }
0x9e: {  	_ =	swait.ge [sflag:s22], s20  }
0x9f: {  	s4 =	ssub.s32 $0x0, s20;
	[sflag:s22] =	ssyncset.done $0x0  }
0xa0: {  	[sflag:s22] =	ssyncadd.s32 s4;
	_ =	sdelay $0x1  }
0xa1: {  	s23 =	simm.s32 $0x1B8B  }
0xa2: {  	_ =	swait.ge [sflag:s23], $0x1  }
0xa3: {  	[sflag:s23] =	ssyncset.done $0x0  }
0xa4: {  	s25 =	simm.s32 $0x1B8E;
	s24 =	sld [smem:$0x3FFE];
	[sflag:s23] =	ssyncadd.s32 $0xFFFFFFFF  }
0xa5: {  	s26 =	simm.s32 $execute0_lowered;
	[smem:$0x3FD2] =	sst s25  }
0xa6: {  	s5 =	sshll.u32 s26, $0x1;
	_ =	strace $0x80000046;
	[dreg:$0x1] =	wrdreg $0xFFFFFFFF  }
0xa7: {  	s28 =	simm.s32 $_size_execute0_lowered;
	s3 =	sadd.s32 s3, s5;
	[dreg:$0x0] =	wrdreg $0x0  }
0xa8: {  	s5 =	sshll.u32 s28, $0x1;
	[dreg:$0x2] =	wrdreg s3  }
0xa9: {  	[dreg:$0x3] =	wrdreg s5  }
0xaa: {  	[dreg:$0x4] =	wrdreg $0xC0  }
0xab: {  	_ =	task [dreg:s7], $0x5FFFF  }
0xac: {  	[dreg:$0x1] =	wrdreg $0xFFFFFFFF  }
0xad: {  	[dreg:$0x0] =	wrdreg $0x60  }
0xae: {  	[dreg:$0x2] =	wrdreg s2  }
0xaf: {  	[dreg:$0x3] =	wrdreg s24  }
0xb0: {  	[dreg:$0x4] =	wrdreg $0x9  }
0xb1: {  	_ =	task.clear_ibuf [dreg:s7], $0x5FFFF;
	_ =	strace $0x90000046  }
0xb2: {  	s29 =	simm.s32 $0x9;
	_ =	strace $0x80000048  }
0xb3: {  	_ =	swait.ge [sflag:s29], $0x1  }
0xb4: {  	[sflag:s29] =	ssyncadd.s32 $0xFFFFFFFF  }
0xb5: {  	_ =	strace $0x90000048  }
0xb6: {  	_ =	sfence  }
0xb7: {  	s30 =	sld [smem:$0x0];
	_ =	sdelay $0x2  }
0xb8: {  	s31 =	sshll.u32 s1, $0xD;
	s1 =	sshrl.u32 s1, $0x2  }
0xb9: {  	s3 =	sand.u32 $0x4000, s31;
	s1 =	sadd.s32 s1, s30  }
0xba: {  	s0 =	sor.u32 s3, s0;
	s1 =	sshll.u32 s1, $0x11  }
0xbb: {  	s0 =	sor.u32 s1, s0  }
0xbc: {  	s0 =	sadd.s32 $0x8F2B, s0  }
0xbd: {  	[sflag:s0] =	ssyncadd.remote.s32 $0x1  }
0xbe: {  	_ =	sfence.sel $0xFFFF  }
0xbf: {  	[dreg:$0x0] =	wrdreg $0xFFFFFFFF;
	(pc) =	sbr.abs _section_cstart, $3  }
0xc0: {  	[dreg:$0x1] =	wrdreg $0xFFFFFFFF  }
0xc1: {  	_ =	task.clear_ibuf [dreg:s7], $0x2FFFF;
	_ =	strace $0x9FFFFFFF  }
0xc2: {  	(tm) =	ssettm $0x7FFFFFFF  }
0xc3: {  	_ =	shalt  }
tec
execute0_lowered:
.L_overlay_start_1:
0x0: {  	(tag) =	ssettag $0x1  }
0x1: {  	s0 =	srdreg.scid  }
0x2: {  	s1 =	rddreg [dreg:$0x0];
	s2 =	stileid.u32  }
0x3: {  	s5 =	rddreg [dreg:$0x1];
	s26 =	simm.s32 $0x80;
	s8 =	simm.s32 $0x3  }
0x4: {  	s9 =	simm.s32 $0x2;
	s12 =	simm.s32 $0x1900;
	s13 =	simm.s32 $0x2100  }
0x5: {  	s14 =	simm.s32 $0x2900;
	s15 =	simm.s32 $0x3100;
	s16 =	simm.s32 $0x3900  }
0x6: {  	s17 =	simm.s32 $0x4100;
	s18 =	simm.s32 $0x4900;
	s19 =	simm.s32 $0x5100  }
0x7: {  	s20 =	simm.s32 $0x5900;
	s21 =	simm.s32 $0x6100;
	s22 =	simm.s32 $0x6900  }
0x8: {  	s28 =	simm.s32 $0x9100;
	s29 =	simm.s32 $0x9900;
	s30 =	simm.s32 $0xA100  }
0x9: {  	s31 =	simm.s32 $0xA900;
	s7 =	simm.s32 $0xB900;
	s0 =	sand.u32 $0x1, s0  }
0xa: {  	s3 =	sshll.u32 s2, $0x4;
	s2 =	simm.s32 $0x0;
	s4 =	sshll.u32 s0, $0x3  }
0xb: {  	[smem:$0x7FF] =	sst s2;
	s0 =	ssub.s32 $0x2, s0;
	s3 =	sor.u32 s4, s3  }
0xc: {  	_ =	strace $0x80000047;
	s23 =	sshrl.u32 s0, $0x1;
	[dreg:$0x6] =	wrdreg s26  }
0xd: {  	s26 =	simm.s32 $0x8900;
	s4 =	smul.u32 $0x300, s3;
	s6 =	sadd.s32 s3, s5  }
0xe: {  	s3 =	sadd.s32 $0x10C00, s5;
	s0 =	ssub.s32 s0, s23;
	s24 =	sadd.s32 $0x10800, s6  }
0xf: {  	s23 =	simm.s32 $0x7100;
	s25 =	sadd.s32 $0x10A00, s6;
	[dreg:$0x4] =	wrdreg s24  }
0x10: {  	v2 =	vlaneseq.u32;
	s6 =	smax.u32 s0, $0x1;
	s1 =	sadd.s32 s1, s4;
	[dreg:$0x5] =	wrdreg s25  }
0x11: {  	vm0 =	vmmov $0xffff;
	v1 =	vshrl.u32 v2, $0x3;
	s4 =	sadd.s32 $0x10D00, s5;
	s5 =	sadd.s32 $0x10E00, s5;
	s24 =	simm.s32 $0x7900  }
0x12: {  	v0 =	vand.u32 $0x7, v2;
	v2 =	vor.u32 $0x8, v2;
	v1 =	vmul.u32 $0x8, v1;
	s25 =	simm.s32 $0x8100;
	[dreg:$0x3] =	wrdreg s1;
	s1 =	simm.s32 $0xB100  }
.LBB2_1:
0x13: {  	s10 =	rddreg [dreg:$0x3];
	s0 =	simm.s32 $0x100  }
0x14: {  	[tilespmem:s0], [sflag:$0x3] =	stream.linear.gather [hbm4b:s10+s2], $0xC000, $0x38;
	[tilespmem:$0xC100] =	vst v63  }
0x15: {  	_ =	swait.ge [sflag:s8], $0xC000  }
0x16: {  	[sflag:s8] =	ssyncset.done $0x0  }
0x17: {  	s11 =	rddreg [dreg:$0x4];
	[sflag:s8] =	ssyncadd.s32 $0xFFFF4000  }
0x18: {  	[tilespmem:s2], [sflag:$0x3] =	stream.linear.gather [hbm4b:s11+s2], $0x40, $0x38;
	[tilespmem:$0xC100] =	vst v63  }
0x19: {  	_ =	swait.ge [sflag:s8], $0x40  }
0x1a: {  	s10 =	rddreg [dreg:$0x5];
	[sflag:s8] =	ssyncset.done $0x0  }
0x1b: {  	s11 =	rddreg [dreg:$0x6];
	[sflag:s8] =	ssyncadd.s32 $0xFFFFFFC0  }
0x1c: {  	[tilespmem:s11], [sflag:$0x3] =	stream.linear.gather [hbm4b:s10+s2], $0x40, $0x38;
	[tilespmem:$0xC100] =	vst v63  }
0x1d: {  	_ =	swait.ge [sflag:s8], $0x40  }
0x1e: {  	[sflag:s8] =	ssyncset.done $0x0  }
0x1f: {  	[sflag:s8] =	ssyncadd.s32 $0xFFFFFFC0  }
0x20: {  	v3 =	vld [tilespmem:$0x0];
	_ =	sdelay $0x4  }
0x21: {  	v4 =	vshrl.u32 v3, $0x3  }
0x22: {  	v4 =	vmul.u32 $0x30, v4  }
0x23: {  	v3 =	vand.u32 $0x7, v3  }
0x24: {  	v3 =	vor.u32 v3, v4  }
0x25: {  	v4 =	vperm.xlane v3, v0;
	_ =	sdelay $0x1  }
0x26: {  	v4 =	vadd.s32 v1, v4;
	_ =	sdelay $0x3  }
0x27: {  	v3 =	vperm.xlane v3, v2  }
0x28: {  	[hbm4b:s3+s2] =	stream.indirect_vreg.scatter [tilespmem:s0], [sflag:$0x1], $0x80, v4, vm0, $0xb8;
	[tilespmem:$0xC100] =	vst v63  }
0x29: {  	s10 =	simm.s32 $0x900;
	v3 =	vadd.s32 v1, v3  }
0x2a: {  	[hbm4b:s4+s2] =	stream.indirect_vreg.scatter [tilespmem:s10], [sflag:$0x1], $0x80, v4, vm0, $0xb8;
	[tilespmem:$0xC100] =	vst v63  }
0x2b: {  	s11 =	simm.s32 $0x1100  }
0x2c: {  	[hbm4b:s5+s2] =	stream.indirect_vreg.scatter [tilespmem:s11], [sflag:$0x1], $0x80, v4, vm0, $0xb8;
	[tilespmem:$0xC100] =	vst v63  }
0x2d: {  	_ = 	snop  }
0x2e: {  	[hbm4b:s3+s2] =	stream.indirect_vreg.scatter [tilespmem:s12], [sflag:$0x1], $0x80, v3, vm0, $0xb8;
	[tilespmem:$0xC100] =	vst v63  }
0x2f: {  	_ = 	snop  }
0x30: {  	[hbm4b:s4+s2] =	stream.indirect_vreg.scatter [tilespmem:s13], [sflag:$0x1], $0x80, v3, vm0, $0xb8;
	[tilespmem:$0xC100] =	vst v63  }
0x31: {  	_ = 	snop  }
0x32: {  	[hbm4b:s5+s2] =	stream.indirect_vreg.scatter [tilespmem:s14], [sflag:$0x1], $0x80, v3, vm0, $0xb8;
	[tilespmem:$0xC100] =	vst v63  }
0x33: {  	v3 =	vld [tilespmem:$0x10];
	_ =	sdelay $0x4  }
0x34: {  	v57 =	vshrl.u32 v3, $0x3  }
0x35: {  	v4 =	vmul.u32 $0x30, v57  }
0x36: {  	v3 =	vand.u32 $0x7, v3  }
0x37: {  	v3 =	vor.u32 v3, v4  }
0x38: {  	v4 =	vperm.xlane v3, v0;
	_ =	sdelay $0x1  }
0x39: {  	v4 =	vadd.s32 v1, v4;
	_ =	sdelay $0x3  }
0x3a: {  	v3 =	vperm.xlane v3, v2  }
0x3b: {  	[hbm4b:s3+s2] =	stream.indirect_vreg.scatter [tilespmem:s15], [sflag:$0x1], $0x80, v4, vm0, $0xb8;
	[tilespmem:$0xC100] =	vst v63  }
0x3c: {  	v3 =	vadd.s32 v1, v3  }
0x3d: {  	[hbm4b:s4+s2] =	stream.indirect_vreg.scatter [tilespmem:s16], [sflag:$0x1], $0x80, v4, vm0, $0xb8;
	[tilespmem:$0xC100] =	vst v63  }
0x3e: {  	_ = 	snop  }
0x3f: {  	[hbm4b:s5+s2] =	stream.indirect_vreg.scatter [tilespmem:s17], [sflag:$0x1], $0x80, v4, vm0, $0xb8;
	[tilespmem:$0xC100] =	vst v63  }
0x40: {  	_ = 	snop  }
0x41: {  	[hbm4b:s3+s2] =	stream.indirect_vreg.scatter [tilespmem:s18], [sflag:$0x1], $0x80, v3, vm0, $0xb8;
	[tilespmem:$0xC100] =	vst v63  }
0x42: {  	_ = 	snop  }
0x43: {  	[hbm4b:s4+s2] =	stream.indirect_vreg.scatter [tilespmem:s19], [sflag:$0x1], $0x80, v3, vm0, $0xb8;
	[tilespmem:$0xC100] =	vst v63  }
0x44: {  	_ = 	snop  }
0x45: {  	[hbm4b:s5+s2] =	stream.indirect_vreg.scatter [tilespmem:s20], [sflag:$0x1], $0x80, v3, vm0, $0xb8;
	[tilespmem:$0xC100] =	vst v63  }
0x46: {  	v3 =	vld [tilespmem:$0x20];
	_ =	sdelay $0x4  }
0x47: {  	v58 =	vshrl.u32 v3, $0x3  }
0x48: {  	v4 =	vmul.u32 $0x30, v58  }
0x49: {  	v3 =	vand.u32 $0x7, v3  }
0x4a: {  	v3 =	vor.u32 v3, v4  }
0x4b: {  	v4 =	vperm.xlane v3, v0;
	_ =	sdelay $0x1  }
0x4c: {  	v4 =	vadd.s32 v1, v4;
	_ =	sdelay $0x3  }
0x4d: {  	v3 =	vperm.xlane v3, v2  }
0x4e: {  	[hbm4b:s3+s2] =	stream.indirect_vreg.scatter [tilespmem:s21], [sflag:$0x1], $0x80, v4, vm0, $0xb8;
	[tilespmem:$0xC100] =	vst v63  }
0x4f: {  	v3 =	vadd.s32 v1, v3  }
0x50: {  	[hbm4b:s4+s2] =	stream.indirect_vreg.scatter [tilespmem:s22], [sflag:$0x1], $0x80, v4, vm0, $0xb8;
	[tilespmem:$0xC100] =	vst v63  }
0x51: {  	_ = 	snop  }
0x52: {  	[hbm4b:s5+s2] =	stream.indirect_vreg.scatter [tilespmem:s23], [sflag:$0x1], $0x80, v4, vm0, $0xb8;
	[tilespmem:$0xC100] =	vst v63  }
0x53: {  	_ = 	snop  }
0x54: {  	[hbm4b:s3+s2] =	stream.indirect_vreg.scatter [tilespmem:s24], [sflag:$0x1], $0x80, v3, vm0, $0xb8;
	[tilespmem:$0xC100] =	vst v63  }
0x55: {  	_ = 	snop  }
0x56: {  	[hbm4b:s4+s2] =	stream.indirect_vreg.scatter [tilespmem:s25], [sflag:$0x1], $0x80, v3, vm0, $0xb8;
	[tilespmem:$0xC100] =	vst v63  }
0x57: {  	_ = 	snop  }
0x58: {  	[hbm4b:s5+s2] =	stream.indirect_vreg.scatter [tilespmem:s26], [sflag:$0x1], $0x80, v3, vm0, $0xb8;
	[tilespmem:$0xC100] =	vst v63  }
0x59: {  	v3 =	vld [tilespmem:$0x30];
	_ =	sdelay $0x4  }
0x5a: {  	v59 =	vshrl.u32 v3, $0x3  }
0x5b: {  	v4 =	vmul.u32 $0x30, v59  }
0x5c: {  	v3 =	vand.u32 $0x7, v3  }
0x5d: {  	v3 =	vor.u32 v3, v4  }
0x5e: {  	v4 =	vperm.xlane v3, v0;
	_ =	sdelay $0x1  }
0x5f: {  	v4 =	vadd.s32 v1, v4;
	_ =	sdelay $0x3  }
0x60: {  	v3 =	vperm.xlane v3, v2  }
0x61: {  	[hbm4b:s3+s2] =	stream.indirect_vreg.scatter [tilespmem:s28], [sflag:$0x1], $0x80, v4, vm0, $0xb8;
	[tilespmem:$0xC100] =	vst v63  }
0x62: {  	v3 =	vadd.s32 v1, v3  }
0x63: {  	[hbm4b:s4+s2] =	stream.indirect_vreg.scatter [tilespmem:s29], [sflag:$0x1], $0x80, v4, vm0, $0xb8;
	[tilespmem:$0xC100] =	vst v63  }
0x64: {  	_ = 	snop  }
0x65: {  	[hbm4b:s5+s2] =	stream.indirect_vreg.scatter [tilespmem:s30], [sflag:$0x1], $0x80, v4, vm0, $0xb8;
	[tilespmem:$0xC100] =	vst v63  }
0x66: {  	_ = 	snop  }
0x67: {  	[hbm4b:s3+s2] =	stream.indirect_vreg.scatter [tilespmem:s31], [sflag:$0x1], $0x80, v3, vm0, $0xb8;
	[tilespmem:$0xC100] =	vst v63  }
0x68: {  	_ = 	snop  }
0x69: {  	[hbm4b:s4+s2] =	stream.indirect_vreg.scatter [tilespmem:s1], [sflag:$0x1], $0x80, v3, vm0, $0xb8;
	[tilespmem:$0xC100] =	vst v63  }
0x6a: {  	_ = 	snop  }
0x6b: {  	[hbm4b:s5+s2] =	stream.indirect_vreg.scatter [tilespmem:s7], [sflag:$0x1], $0x80, v3, vm0, $0xb8;
	[tilespmem:$0xC100] =	vst v63  }
0x6c: {  	v3 =	vld [tilespmem:$0x80];
	_ =	sdelay $0x4  }
0x6d: {  	v60 =	vshrl.u32 v3, $0x3  }
0x6e: {  	v4 =	vmul.u32 $0x30, v60  }
0x6f: {  	v3 =	vand.u32 $0x7, v3  }
0x70: {  	v3 =	vor.u32 v3, v4  }
0x71: {  	v4 =	vperm.xlane v3, v0;
	_ =	sdelay $0x1  }
0x72: {  	v4 =	vadd.s32 v1, v4;
	_ =	sdelay $0x3  }
0x73: {  	v3 =	vperm.xlane v3, v2  }
0x74: {  	[hbm4b:s3+s2] =	stream.indirect_vreg.scatter [tilespmem:s0], [sflag:$0x2], $0x80, v4, vm0, $0xb8;
	[tilespmem:$0xC100] =	vst v63  }
0x75: {  	v3 =	vadd.s32 v1, v3  }
0x76: {  	[hbm4b:s4+s2] =	stream.indirect_vreg.scatter [tilespmem:s10], [sflag:$0x2], $0x80, v4, vm0, $0xb8;
	[tilespmem:$0xC100] =	vst v63  }
0x77: {  	_ = 	snop  }
0x78: {  	[hbm4b:s5+s2] =	stream.indirect_vreg.scatter [tilespmem:s11], [sflag:$0x2], $0x80, v4, vm0, $0xb8;
	[tilespmem:$0xC100] =	vst v63  }
0x79: {  	_ = 	snop  }
0x7a: {  	[hbm4b:s3+s2] =	stream.indirect_vreg.scatter [tilespmem:s12], [sflag:$0x2], $0x80, v3, vm0, $0xb8;
	[tilespmem:$0xC100] =	vst v63  }
0x7b: {  	_ = 	snop  }
0x7c: {  	[hbm4b:s4+s2] =	stream.indirect_vreg.scatter [tilespmem:s13], [sflag:$0x2], $0x80, v3, vm0, $0xb8;
	[tilespmem:$0xC100] =	vst v63  }
0x7d: {  	_ = 	snop  }
0x7e: {  	[hbm4b:s5+s2] =	stream.indirect_vreg.scatter [tilespmem:s14], [sflag:$0x2], $0x80, v3, vm0, $0xb8;
	[tilespmem:$0xC100] =	vst v63  }
0x7f: {  	v3 =	vld [tilespmem:$0x90];
	_ =	sdelay $0x4  }
0x80: {  	v61 =	vshrl.u32 v3, $0x3  }
0x81: {  	v4 =	vmul.u32 $0x30, v61  }
0x82: {  	v3 =	vand.u32 $0x7, v3  }
0x83: {  	v3 =	vor.u32 v3, v4  }
0x84: {  	v4 =	vperm.xlane v3, v0;
	_ =	sdelay $0x1  }
0x85: {  	v4 =	vadd.s32 v1, v4;
	_ =	sdelay $0x3  }
0x86: {  	v3 =	vperm.xlane v3, v2  }
0x87: {  	[hbm4b:s3+s2] =	stream.indirect_vreg.scatter [tilespmem:s15], [sflag:$0x2], $0x80, v4, vm0, $0xb8;
	[tilespmem:$0xC100] =	vst v63  }
0x88: {  	v3 =	vadd.s32 v1, v3  }
0x89: {  	[hbm4b:s4+s2] =	stream.indirect_vreg.scatter [tilespmem:s16], [sflag:$0x2], $0x80, v4, vm0, $0xb8;
	[tilespmem:$0xC100] =	vst v63  }
0x8a: {  	_ = 	snop  }
0x8b: {  	[hbm4b:s5+s2] =	stream.indirect_vreg.scatter [tilespmem:s17], [sflag:$0x2], $0x80, v4, vm0, $0xb8;
	[tilespmem:$0xC100] =	vst v63  }
0x8c: {  	_ = 	snop  }
0x8d: {  	[hbm4b:s3+s2] =	stream.indirect_vreg.scatter [tilespmem:s18], [sflag:$0x2], $0x80, v3, vm0, $0xb8;
	[tilespmem:$0xC100] =	vst v63  }
0x8e: {  	_ = 	snop  }
0x8f: {  	[hbm4b:s4+s2] =	stream.indirect_vreg.scatter [tilespmem:s19], [sflag:$0x2], $0x80, v3, vm0, $0xb8;
	[tilespmem:$0xC100] =	vst v63  }
0x90: {  	_ = 	snop  }
0x91: {  	[hbm4b:s5+s2] =	stream.indirect_vreg.scatter [tilespmem:s20], [sflag:$0x2], $0x80, v3, vm0, $0xb8;
	[tilespmem:$0xC100] =	vst v63  }
0x92: {  	v3 =	vld [tilespmem:$0xA0];
	_ =	sdelay $0x4  }
0x93: {  	v62 =	vshrl.u32 v3, $0x3  }
0x94: {  	v4 =	vmul.u32 $0x30, v62  }
0x95: {  	v3 =	vand.u32 $0x7, v3  }
0x96: {  	v3 =	vor.u32 v3, v4  }
0x97: {  	v4 =	vperm.xlane v3, v0;
	_ =	sdelay $0x1  }
0x98: {  	v4 =	vadd.s32 v1, v4;
	_ =	sdelay $0x3  }
0x99: {  	v3 =	vperm.xlane v3, v2  }
0x9a: {  	[hbm4b:s3+s2] =	stream.indirect_vreg.scatter [tilespmem:s21], [sflag:$0x2], $0x80, v4, vm0, $0xb8;
	[tilespmem:$0xC100] =	vst v63  }
0x9b: {  	v3 =	vadd.s32 v1, v3  }
0x9c: {  	[hbm4b:s4+s2] =	stream.indirect_vreg.scatter [tilespmem:s22], [sflag:$0x2], $0x80, v4, vm0, $0xb8;
	[tilespmem:$0xC100] =	vst v63  }
0x9d: {  	_ = 	snop  }
0x9e: {  	[hbm4b:s5+s2] =	stream.indirect_vreg.scatter [tilespmem:s23], [sflag:$0x2], $0x80, v4, vm0, $0xb8;
	[tilespmem:$0xC100] =	vst v63  }
0x9f: {  	_ = 	snop  }
0xa0: {  	[hbm4b:s3+s2] =	stream.indirect_vreg.scatter [tilespmem:s24], [sflag:$0x2], $0x80, v3, vm0, $0xb8;
	[tilespmem:$0xC100] =	vst v63  }
0xa1: {  	_ = 	snop  }
0xa2: {  	[hbm4b:s4+s2] =	stream.indirect_vreg.scatter [tilespmem:s25], [sflag:$0x2], $0x80, v3, vm0, $0xb8;
	[tilespmem:$0xC100] =	vst v63  }
0xa3: {  	_ = 	snop  }
0xa4: {  	[hbm4b:s5+s2] =	stream.indirect_vreg.scatter [tilespmem:s26], [sflag:$0x2], $0x80, v3, vm0, $0xb8;
	[tilespmem:$0xC100] =	vst v63  }
0xa5: {  	v3 =	vld [tilespmem:$0xB0];
	_ =	sdelay $0x4  }
0xa6: {  	v63 =	vshrl.u32 v3, $0x3  }
0xa7: {  	v4 =	vmul.u32 $0x30, v63  }
0xa8: {  	v3 =	vand.u32 $0x7, v3  }
0xa9: {  	v3 =	vor.u32 v3, v4  }
0xaa: {  	v4 =	vperm.xlane v3, v0;
	_ =	sdelay $0x1  }
0xab: {  	v4 =	vadd.s32 v1, v4;
	_ =	sdelay $0x3  }
0xac: {  	v3 =	vperm.xlane v3, v2  }
0xad: {  	[hbm4b:s3+s2] =	stream.indirect_vreg.scatter [tilespmem:s28], [sflag:$0x2], $0x80, v4, vm0, $0xb8;
	[tilespmem:$0xC100] =	vst v63  }
0xae: {  	v3 =	vadd.s32 v1, v3  }
0xaf: {  	[hbm4b:s4+s2] =	stream.indirect_vreg.scatter [tilespmem:s29], [sflag:$0x2], $0x80, v4, vm0, $0xb8;
	[tilespmem:$0xC100] =	vst v63  }
0xb0: {  	_ = 	snop  }
0xb1: {  	[hbm4b:s5+s2] =	stream.indirect_vreg.scatter [tilespmem:s30], [sflag:$0x2], $0x80, v4, vm0, $0xb8;
	[tilespmem:$0xC100] =	vst v63  }
0xb2: {  	_ = 	snop  }
0xb3: {  	[hbm4b:s3+s2] =	stream.indirect_vreg.scatter [tilespmem:s31], [sflag:$0x2], $0x80, v3, vm0, $0xb8;
	[tilespmem:$0xC100] =	vst v63  }
0xb4: {  	_ = 	snop  }
0xb5: {  	[hbm4b:s4+s2] =	stream.indirect_vreg.scatter [tilespmem:s1], [sflag:$0x2], $0x80, v3, vm0, $0xb8;
	[tilespmem:$0xC100] =	vst v63  }
0xb6: {  	s11 =	simm.s32 $0x1  }
0xb7: {  	[hbm4b:s5+s2] =	stream.indirect_vreg.scatter [tilespmem:s7], [sflag:$0x2], $0x80, v3, vm0, $0xb8;
	[tilespmem:$0xC100] =	vst v63  }
0xb8: {  	p0 =	sne.s32 s6, $0x1;
	_ =	swait.ge [sflag:s11], $0xC000  }
.Ltmp0:
0xb9: {  	[sflag:s11] =	ssyncset.done $0x0;
	(pc) =	sbr.rel @p0 .LBB2_1-.Ltmp0, $4  }
0xba: {  	[sflag:s11] =	ssyncadd.s32 $0xFFFF4000  }
0xbb: {  	_ =	swait.ge [sflag:s9], $0xC000  }
0xbc: {  	[sflag:s9] =	ssyncset.done $0x0  }
0xbd: {  	s6 =	sadd.s32 $0xFFFFFFFF, s6;
	[sflag:s9] =	ssyncadd.s32 $0xFFFF4000  }
0xbe: {  	_ =	sfence.sel $0x180000  }
0xbf: {  	[bflag:$0x0] =	sbarrier.arrive $0xFFFF  }
0xc0: {  	_ =	strace $0x90000047  }
0xc1: {  	s0 =	stileid.u32;
	[bflag:$0x2] =	sbarrier.arrive $0xFFFF  }
0xc2: {  	p0 =	sne.s32 s0, $0x0;
	s0 =	rddreg [dreg:$0x2]  }
0xc3: {  	s0 =	sadd.s32 @!p0 $0x100000, s0  }
0xc4: {  	[sflag:s0] =	ssyncadd.tile.s32 @!p0 $0x1;
	_ =	shalt  }
.Lfunc_end2:
_tile_overlayer_lowered:
.L_overlay_start_2:
0xc5: {  	(tag) =	ssettag $0x2  }
0xc6: {  	s0 =	rddreg [dreg:$0x0];
	s2 =	stileid.u32  }
0xc7: {  	s1 =	rddreg [dreg:$0x1];
	p0 =	sne.s32 s2, $0x0  }
0xc8: {  	s3 =	rddreg [dreg:$0x2];
	[bflag:$0x3] =	sbarrier.arrive $0xFFFF;
	s2 =	simm.s32 @!p0 $0x1C03  }
0xc9: {  	[timem:s3], [sflag:s2] =	dma.local @!p0 [hbm:s0], s1  }
0xca: {  	s0 =	simm.s32 @!p0 $0x3  }
0xcb: {  	_ =	swait.ge @!p0 [sflag:s0], s1  }
0xcc: {  	s1 =	ssub.s32 @!p0 $0x0, s1;
	[sflag:s0] =	ssyncset.done @!p0 $0x0  }
0xcd: {  	[sflag:s0] =	ssyncadd.s32 @!p0 s1  }
0xce: {  	[bflag:$0x3] =	sbarrier.arrive $0xFFFF  }
0xcf: {  	_ =	shalt  }

// kernel: kernel.9.cloned.1.call-start
scs
__scs_entry_jumppad:
0x0: {  	(pc) =	sbr.rel $0x88, $3  }
0x1: {  	(tag) =	ssettag $0x0;
	lr =	simm.s32 $0x1  }
0x2: {  	[smem:$0x3F9B] =	sst lr;
	_ =	strace $0xD0000000  }
0x3: {  	_ = 	snop  }
0x4: {  	_ = 	snop  }
0x5: {  	_ = 	snop  }
0x6: {  	_ = 	snop  }
0x7: {  	_ = 	snop  }
__scs_overlays_trampoline_lowered:
0x8: {  	[smem:$0x3FAA] =	sst s0  }
0x9: {  	[smem:$0x3FAB] =	sst s1  }
0xa: {  	[smem:$0x3FAC] =	sst s2  }
0xb: {  	[smem:$0x3FAD] =	sst s3  }
0xc: {  	[smem:$0x3FAE] =	sst s4  }
0xd: {  	[smem:$0x3FAF] =	sst s5  }
0xe: {  	[smem:$0x3FB0] =	sst s6  }
0xf: {  	[smem:$0x3FB1] =	sst s7  }
0x10: {  	[smem:$0x3FB2] =	sst s8  }
0x11: {  	[smem:$0x3FB3] =	sst s9;
	s0 =	simm.s32 @!p0 $0x0  }
0x12: {  	s1 =	sld [smem:$0x3F99];
	s0 =	simm.s32 @p0 $0x1  }
0x13: {  	[smem:$0x3FB4] =	sst s0;
	s0 =	simm.s32 @!p1 $0x0  }
0x14: {  	s2 =	sld [smem:$0x3F98];
	s0 =	simm.s32 @p1 $0x1  }
0x15: {  	[smem:$0x3FB5] =	sst s0;
	s0 =	simm.s32 @!p2 $0x0  }
0x16: {  	s3 =	sld [smem:$0x3FDB];
	s0 =	simm.s32 @p2 $0x1  }
0x17: {  	s4 =	simm.s32 $0x1BF5;
	[smem:$0x3FB7] =	sst s0  }
0x18: {  	s0 =	sld [smem:$0x3F9A];
	_ =	swait.ge [sflag:s4], $0x0  }
0x19: {  	s7 =	sld [smem:$0x3F9B]  }
0x1a: {  	s8 =	sadd.s32 $0xFFFFE003, lr  }
0x1b: {  	s9 =	sadd.s32 $0xFFFFFEF7, lr;
	s5 =	simm.s32 $0xFFFFFFFF;
	p2 =	slt.u32 s8, $0xFFFFF086  }
0x1c: {  	p1 =	slt.u32 s9, $0xF7A;
	s5 =	simm.s32 @!p2 $0x0  }
0x1d: {  	s5 =	simm.s32 @p1 $0x1;
	p0 =	seq.s32 s7, s2  }
0x1e: {  	s7 =	smul.u32 @!p0 $0xF7A, s2;
	p2 =	seq.s32 @!p0 s5, $0x0  }
0x1f: {  	s9 =	smul.u32 $0xF7A, s1;
	s8 =	simm.s32 @!p0 $0x1BF5;
	p2 =	por !p2, p0  }
0x20: {  	[sflag:s8] =	ssyncset.s32 @!p0 $0xFFFFF086;
	s6 =	sadd.s32 @!p0 s3, s7;
	s7 =	simm.s32 @!p0 $0x108  }
0x21: {  	s3 =	sadd.s32 s3, s9;
	s6 =	sadd.s32 @!p0 $0x88, s6;
	s7 =	simm.s32 @p2 $0x1082  }
0x22: {  	[simem:s7], [sflag:s8] =	dma.local @!p0 [hbm:s6], $0xF7A  }
0x23: {  	s9 =	sor.u32 $0xD0000000, s2;
	s6 =	simm.s32 $0x108;
	_ =	swait.ge @!p0 [sflag:s8], $0x0  }
0x24: {  	s3 =	sadd.s32 $0x88, s3;
	s6 =	simm.s32 @!p1 $0x1082;
	[sflag:s4] =	ssyncset.s32 $0xFFFFF086  }
0x25: {  	[simem:s6], [sflag:s4] =	dma.local [hbm:s3], $0xF7A  }
0x26: {  	[smem:$0x3F9B] =	sst s1;
	(tag) =	ssettag s2;
	_ =	strace s9  }
0x27: {  	s1 =	sld [smem:$0x3FAB]  }
0x28: {  	s2 =	sld [smem:$0x3FAC]  }
0x29: {  	s4 =	sld [smem:$0x3FAE]  }
0x2a: {  	p0 =	seq.s32 s5, $0x0;
	s5 =	sld [smem:$0x3FAF]  }
0x2b: {  	s6 =	sld [smem:$0x3FB0]  }
0x2c: {  	s7 =	sld [smem:$0x3FB1]  }
0x2d: {  	s3 =	simm.s32 $0x108;
	s8 =	sld [smem:$0x3FB2]  }
0x2e: {  	s3 =	simm.s32 @!p0 $0x1082;
	s9 =	sld [smem:$0x3FB3]  }
0x2f: {  	lr =	sadd.s32 s0, s3;
	s0 =	sld [smem:$0x3FAA]  }
0x30: {  	s3 =	sld [smem:$0x3FAD]  }
0x31: {  	[smem:$0x3FB6] =	sst s10  }
0x32: {  	s10 =	sld [smem:$0x3FB4];
	_ =	sdelay $0x3  }
0x33: {  	p0 =	seq.s32 s10, $0x1;
	s10 =	sld [smem:$0x3FB6];
	_ =	sdelay $0x3  }
0x34: {  	[smem:$0x3FB6] =	sst s10  }
0x35: {  	s10 =	sld [smem:$0x3FB5];
	_ =	sdelay $0x3  }
0x36: {  	p1 =	seq.s32 s10, $0x1;
	s10 =	sld [smem:$0x3FB6];
	_ =	sdelay $0x3  }
0x37: {  	[smem:$0x3FB6] =	sst s10  }
0x38: {  	s10 =	sld [smem:$0x3FB7]  }
0x39: {  	_ = 	snop;
	(pc) =	sbr.ind lr, $3  }
0x3a: {  	_ = 	snop  }
0x3b: {  	_ = 	snop  }
0x3c: {  	p2 =	seq.s32 s10, $0x1;
	s10 =	sld [smem:$0x3FB6]  }
0x3d: {  	_ =	shalt  }
0x3e: {  	_ =	shalt  }
0x3f: {  	_ =	shalt  }
0x40: {  	_ =	shalt  }
0x41: {  	_ =	shalt  }
0x42: {  	_ =	shalt  }
0x43: {  	_ =	shalt  }
0x44: {  	_ =	shalt  }
0x45: {  	_ =	shalt  }
0x46: {  	_ =	shalt  }
0x47: {  	_ =	shalt  }
0x48: {  	_ =	shalt  }
0x49: {  	_ =	shalt  }
0x4a: {  	_ =	shalt  }
0x4b: {  	_ =	shalt  }
0x4c: {  	_ =	shalt  }
0x4d: {  	_ =	shalt  }
0x4e: {  	_ =	shalt  }
0x4f: {  	_ =	shalt  }
0x50: {  	_ =	shalt  }
0x51: {  	_ =	shalt  }
0x52: {  	_ =	shalt  }
0x53: {  	_ =	shalt  }
0x54: {  	_ =	shalt  }
0x55: {  	_ =	shalt  }
0x56: {  	_ =	shalt  }
0x57: {  	_ =	shalt  }
0x58: {  	_ =	shalt  }
0x59: {  	_ =	shalt  }
0x5a: {  	_ =	shalt  }
0x5b: {  	_ =	shalt  }
0x5c: {  	_ =	shalt  }
0x5d: {  	_ =	shalt  }
0x5e: {  	_ =	shalt  }
0x5f: {  	_ =	shalt  }
0x60: {  	_ =	shalt  }
0x61: {  	_ =	shalt  }
0x62: {  	_ =	shalt  }
0x63: {  	_ =	shalt  }
0x64: {  	_ =	shalt  }
0x65: {  	_ =	shalt  }
0x66: {  	_ =	shalt  }
0x67: {  	_ =	shalt  }
0x68: {  	_ =	shalt  }
0x69: {  	_ =	shalt  }
0x6a: {  	_ =	shalt  }
0x6b: {  	_ =	shalt  }
0x6c: {  	_ =	shalt  }
0x6d: {  	_ =	shalt  }
0x6e: {  	_ =	shalt  }
0x6f: {  	_ =	shalt  }
0x70: {  	_ =	shalt  }
0x71: {  	_ =	shalt  }
0x72: {  	_ =	shalt  }
0x73: {  	_ =	shalt  }
0x74: {  	_ =	shalt  }
0x75: {  	_ =	shalt  }
0x76: {  	_ =	shalt  }
0x77: {  	_ =	shalt  }
0x78: {  	_ =	shalt  }
0x79: {  	_ =	shalt  }
0x7a: {  	_ =	shalt  }
0x7b: {  	_ =	shalt  }
0x7c: {  	_ =	shalt  }
0x7d: {  	_ =	shalt  }
0x7e: {  	_ =	shalt  }
0x7f: {  	_ =	shalt  }
0x80: {  	_ =	shalt  }
0x81: {  	_ =	shalt  }
0x82: {  	_ =	shalt  }
0x83: {  	_ =	shalt  }
0x84: {  	_ =	shalt  }
0x85: {  	_ =	shalt  }
0x86: {  	_ =	shalt  }
0x87: {  	_ =	shalt  }
.Lfunc_end0:
.L_simem_size_0:
called_computation.1_lowered:
.L_overlay_start_0:
0x88: {  	s2 =	sld [smem:$0x3FD9]  }
0x89: {  	s3 =	sld [smem:$0x3FFE];
	_ =	sdelay $0x1  }
0x8a: {  	s1 =	srdreg.scid  }
0x8b: {  	s0 =	sand.u32 $0x1, s1  }
0x8c: {  	s14 =	sshll.u32 s0, $0xA;
	s2 =	sadd.s32 s3, s2  }
0x8d: {  	s2 =	sadd.s32 s2, s14  }
0x8e: {  	[smem:$0x3FC2] =	sst s2  }
0x8f: {  	_ = 	snop  }
0x90: {  	s2 =	sld [smem:$0x3FD0];
	_ =	sdelay $0x2  }
0x91: {  	s4 =	simm.s32 $0xA;
	s5 =	simm.s32 $0x10;
	s15 =	sld [smem:$0x3FC9]  }
0x92: {  	[smem:s5], [sflag:s4] =	dma.local [hbm:s2], $0x1  }
0x93: {  	_ =	swait.eq [sflag:s4], $0x1  }
0x94: {  	[sflag:s4] =	ssyncset.done $0x0  }
0x95: {  	[sflag:s4] =	ssyncadd.s32 $0xFFFFFFFF  }
0x96: {  	s16 =	sld [smem:$0x10];
	(tm) =	ssettm $0x1  }
0x97: {  	s17 =	sld [smem:$0x3FFB];
	_ =	sdelay $0x3  }
0x98: {  	_ =	strace s17  }
0x99: {  	s4 =	sld [smem:$0x3FFC];
	_ =	sdelay $0x3  }
0x9a: {  	_ =	strace s4  }
0x9b: {  	s4 =	sld [smem:$0x3FFD];
	_ =	sdelay $0x3  }
0x9c: {  	_ =	strace s4  }
0x9d: {  	_ =	strace $0x8FFFFFFF  }
0x9e: {  	s18 =	sld [smem:$0x3FDB];
	_ =	sdelay $0x1  }
0x9f: {  	s19 =	simm.s32 $_scs_section_size  }
0xa0: {  	s6 =	simm.s32 $_size__tile_overlayer_lowered;
	s7 =	simm.s32 $_tile_overlayer_lowered  }
0xa1: {  	s22 =	simm.s32 $0x1BFF;
	s21 =	sshll.u32 s7, $0x1;
	s4 =	sadd.s32 s19, s18  }
0xa2: {  	s8 =	simm.s32 $0x0;
	s20 =	sshll.u32 s6, $0x1;
	s6 =	sadd.s32 s21, s4  }
0xa3: {  	[timem:s8], [sflag:s22] =	dma.local [hbm:s6], s20  }
0xa4: {  	_ =	swait.ge [sflag:s22], s20  }
0xa5: {  	s5 =	ssub.s32 $0x0, s20;
	[sflag:s22] =	ssyncset.done $0x0  }
0xa6: {  	[sflag:s22] =	ssyncadd.s32 s5;
	_ =	sdelay $0x1  }
0xa7: {  	s23 =	simm.s32 $0x1B8B  }
0xa8: {  	_ =	swait.ge [sflag:s23], $0x1  }
0xa9: {  	[sflag:s23] =	ssyncset.done $0x0  }
0xaa: {  	s25 =	simm.s32 $0x1B8E;
	s24 =	sld [smem:$0x3FFE];
	[sflag:s23] =	ssyncadd.s32 $0xFFFFFFFF  }
0xab: {  	s26 =	simm.s32 $execute0_lowered;
	[smem:$0x3FD2] =	sst s25  }
0xac: {  	s6 =	sshll.u32 s26, $0x1;
	_ =	strace $0x80000049;
	[dreg:$0x1] =	wrdreg $0xFFFFFFFF  }
0xad: {  	s28 =	simm.s32 $_size_execute0_lowered;
	s4 =	sadd.s32 s4, s6;
	[dreg:$0x0] =	wrdreg $0x0  }
0xae: {  	s6 =	sshll.u32 s28, $0x1;
	[dreg:$0x2] =	wrdreg s4  }
0xaf: {  	[dreg:$0x3] =	wrdreg s6  }
0xb0: {  	[dreg:$0x4] =	wrdreg $0xC0  }
0xb1: {  	_ =	task [dreg:s8], $0x5FFFF  }
0xb2: {  	[dreg:$0x1] =	wrdreg $0xFFFFFFFF  }
0xb3: {  	[dreg:$0x0] =	wrdreg $0x60  }
0xb4: {  	[dreg:$0x2] =	wrdreg s15  }
0xb5: {  	[dreg:$0x3] =	wrdreg s24  }
0xb6: {  	[dreg:$0x4] =	wrdreg s16  }
0xb7: {  	[dreg:$0x5] =	wrdreg $0x9  }
0xb8: {  	_ =	task.clear_ibuf [dreg:s8], $0x6FFFF;
	_ =	strace $0x90000049  }
0xb9: {  	s29 =	simm.s32 $0x9;
	_ =	strace $0x8000004B  }
0xba: {  	_ =	swait.ge [sflag:s29], $0x1  }
0xbb: {  	[sflag:s29] =	ssyncadd.s32 $0xFFFFFFFF  }
0xbc: {  	_ =	strace $0x9000004B  }
0xbd: {  	_ =	sfence  }
0xbe: {  	s30 =	sld [smem:$0x0];
	_ =	sdelay $0x2  }
0xbf: {  	s31 =	sshll.u32 s1, $0xD;
	s1 =	sshrl.u32 s1, $0x2  }
0xc0: {  	s3 =	sand.u32 $0x4000, s31;
	s1 =	sadd.s32 s1, s30  }
0xc1: {  	s0 =	sor.u32 s3, s0;
	s1 =	sshll.u32 s1, $0x11  }
0xc2: {  	s0 =	sor.u32 s1, s0  }
0xc3: {  	s0 =	sadd.s32 $0x8F2B, s0  }
0xc4: {  	[sflag:s0] =	ssyncadd.remote.s32 $0x1  }
0xc5: {  	_ =	sfence.sel $0xFFFF  }
0xc6: {  	[dreg:$0x0] =	wrdreg $0xFFFFFFFF;
	(pc) =	sbr.abs _section_cstart, $3  }
0xc7: {  	[dreg:$0x1] =	wrdreg $0xFFFFFFFF  }
0xc8: {  	_ =	task.clear_ibuf [dreg:s8], $0x2FFFF;
	_ =	strace $0x9FFFFFFF  }
0xc9: {  	(tm) =	ssettm $0x7FFFFFFF  }
tec
execute0_lowered:
.L_overlay_start_1:
0x0: {  	(tag) =	ssettag $0x1  }
0x1: {  	s0 =	rddreg [dreg:$0x0]  }
0x2: {  	s1 =	rddreg [dreg:$0x1]  }
0x3: {  	s11 =	rddreg [dreg:$0x2]  }
0x4: {  	s2 =	srdreg.scid;
	s3 =	stileid.u32;
	s22 =	simm.s32 $0x2080  }
0x5: {  	s14 =	simm.s32 $0x2;
	s29 =	simm.s32 $0x14880;
	s30 =	simm.s32 $0x15080  }
0x6: {  	s31 =	simm.s32 $0x15880;
	s15 =	simm.s32 $0x17880;
	s16 =	simm.s32 $0x18080  }
0x7: {  	s17 =	simm.s32 $0x18880;
	s18 =	simm.s32 $0x19080;
	s19 =	simm.s32 $0x19880  }
0x8: {  	s20 =	simm.s32 $0x1;
	s21 =	simm.s32 $0x0;
	s4 =	sand.u32 $0x1, s2  }
0x9: {  	s2 =	simm.s32 $0x0;
	s3 =	sshll.u32 s3, $0x7;
	s7 =	sadd.s32 $0x10D00, s1  }
0xa: {  	s8 =	sadd.s32 $0x10E00, s1;
	s5 =	sshll.u32 s4, $0x6;
	[smem:$0x7FF] =	sst s2  }
0xb: {  	s4 =	ssub.s32 $0x2, s4;
	s5 =	sor.u32 s5, s3;
	_ =	strace $0x8000004A  }
0xc: {  	s3 =	sadd.s32 $0x10C00, s1;
	s28 =	sshrl.u32 s4, $0x1;
	s6 =	sshrl.u32 s5, $0x3  }
0xd: {  	v2 =	vlaneseq.u32;
	s5 =	sshll.u32 s5, $0x4;
	s13 =	ssub.s32 s4, s28;
	s12 =	smul.u32 $0x300, s6  }
0xe: {  	v0 =	vand.u32 $0x7, v2;
	v1 =	vshrl.u32 v2, $0x3;
	s9 =	sadd.s32 s6, s1;
	s10 =	sadd.s32 s5, s1;
	s1 =	simm.s32 $0x16880  }
0xf: {  	v63 =	vor.u32 $0x8, v2;
	v62 =	vmul.u32 $0x8, v1;
	[tilespmem:$0x1FFD0] =	vst v0;
	s5 =	sadd.s32 $0x10800, s9;
	s6 =	sadd.s32 $0x800, s10;
	s9 =	sadd.s32 $0x10A00, s9  }
0x10: {  	[tilespmem:$0x1FFF0] =	vst v63;
	s10 =	sadd.s32 $0x8800, s10;
	s4 =	sadd.s32 s0, s12;
	s11 =	sadd.s32 s11, s12  }
0x11: {  	vm0 =	vmmov $0xffff;
	[tilespmem:$0x1FFE0] =	vst v62;
	s12 =	smax.u32 s13, $0x1;
	s0 =	simm.s32 $0x16080;
	s13 =	simm.s32 $0x17080  }
.LBB2_1:
0x12: {  	[tilespmem:s22], [sflag:$0x2] =	stream.linear.gather [hbm4b:s4+s2], $0xC000, $0x38;
	[tilespmem:$0x1A080] =	vst v63  }
0x13: {  	_ =	swait.ge [sflag:s14], $0xC000  }
0x14: {  	[sflag:s14] =	ssyncset.done $0x0  }
0x15: {  	[sflag:s14] =	ssyncadd.s32 $0xFFFF4000  }
0x16: {  	[tilespmem:s2], [sflag:$0x2] =	stream.linear.gather [hbm4b:s5+s2], $0x40, $0x38;
	[tilespmem:$0x1A080] =	vst v63  }
0x17: {  	_ =	swait.ge [sflag:s14], $0x40  }
0x18: {  	[sflag:s14] =	ssyncset.done $0x0  }
0x19: {  	s22 =	simm.s32 $0x80;
	[sflag:s14] =	ssyncadd.s32 $0xFFFFFFC0  }
0x1a: {  	[tilespmem:s22], [sflag:$0x2] =	stream.linear.gather [hbm4b:s6+s2], $0x2000, $0x38;
	[tilespmem:$0x1A080] =	vst v63  }
0x1b: {  	_ =	swait.ge [sflag:s14], $0x2000  }
0x1c: {  	[sflag:s14] =	ssyncset.done $0x0  }
0x1d: {  	[sflag:s14] =	ssyncadd.s32 $0xFFFFE000  }
0x1e: {  	v3 =	vld [tilespmem:$0x0];
	_ =	sdelay $0x3  }
0x1f: {  	v0 =	vld [tilespmem:$0x1FFD0]  }
0x20: {  	v4 =	vshrl.u32 v3, $0x3  }
0x21: {  	v1 =	vld [tilespmem:$0x1FFE0];
	v4 =	vmul.u32 $0x30, v4  }
0x22: {  	v3 =	vand.u32 $0x7, v3  }
0x23: {  	v3 =	vor.u32 v3, v4  }
0x24: {  	v4 =	vperm.xlane v3, v0  }
0x25: {  	v2 =	vld [tilespmem:$0x1FFF0]  }
0x26: {  	v4 =	vadd.s32 v1, v4;
	_ =	sdelay $0x3  }
0x27: {  	s23 =	simm.s32 $0xE080;
	v3 =	vperm.xlane v3, v2  }
0x28: {  	[tilespmem:s23], [sflag:$0x1] =	stream.indirect_vreg.gather [hbm4b:s3+s2], $0x80, v4, vm0, $0xb8;
	[tilespmem:$0x1A080] =	vst v63  }
0x29: {  	s26 =	simm.s32 $0xE880;
	v3 =	vadd.s32 v1, v3  }
0x2a: {  	[tilespmem:s26], [sflag:$0x1] =	stream.indirect_vreg.gather [hbm4b:s7+s2], $0x80, v4, vm0, $0xb8;
	[tilespmem:$0x1A080] =	vst v63  }
0x2b: {  	s28 =	simm.s32 $0xF080  }
0x2c: {  	[tilespmem:s28], [sflag:$0x1] =	stream.indirect_vreg.gather [hbm4b:s8+s2], $0x80, v4, vm0, $0xb8;
	[tilespmem:$0x1A080] =	vst v63  }
0x2d: {  	s24 =	simm.s32 $0xF880  }
0x2e: {  	[tilespmem:s24], [sflag:$0x1] =	stream.indirect_vreg.gather [hbm4b:s3+s2], $0x80, v3, vm0, $0xb8;
	[tilespmem:$0x1A080] =	vst v63  }
0x2f: {  	s25 =	simm.s32 $0x10080  }
0x30: {  	[tilespmem:s25], [sflag:$0x1] =	stream.indirect_vreg.gather [hbm4b:s7+s2], $0x80, v3, vm0, $0xb8;
	[tilespmem:$0x1A080] =	vst v63  }
0x31: {  	s26 =	simm.s32 $0x10880  }
0x32: {  	[tilespmem:s26], [sflag:$0x1] =	stream.indirect_vreg.gather [hbm4b:s8+s2], $0x80, v3, vm0, $0xb8;
	[tilespmem:$0x1A080] =	vst v63  }
0x33: {  	v3 =	vld [tilespmem:$0x10];
	_ =	sdelay $0x4  }
0x34: {  	v54 =	vshrl.u32 v3, $0x3  }
0x35: {  	v4 =	vmul.u32 $0x30, v54  }
0x36: {  	v3 =	vand.u32 $0x7, v3  }
0x37: {  	v3 =	vor.u32 v3, v4  }
0x38: {  	v4 =	vperm.xlane v3, v0;
	_ =	sdelay $0x1  }
0x39: {  	v4 =	vadd.s32 v1, v4;
	_ =	sdelay $0x3  }
0x3a: {  	s28 =	simm.s32 $0x11080;
	v3 =	vperm.xlane v3, v2  }
0x3b: {  	[tilespmem:s28], [sflag:$0x1] =	stream.indirect_vreg.gather [hbm4b:s3+s2], $0x80, v4, vm0, $0xb8;
	[tilespmem:$0x1A080] =	vst v63  }
0x3c: {  	s24 =	simm.s32 $0x11880;
	v3 =	vadd.s32 v1, v3  }
0x3d: {  	[tilespmem:s24], [sflag:$0x1] =	stream.indirect_vreg.gather [hbm4b:s7+s2], $0x80, v4, vm0, $0xb8;
	[tilespmem:$0x1A080] =	vst v63  }
0x3e: {  	s25 =	simm.s32 $0x12080  }
0x3f: {  	[tilespmem:s25], [sflag:$0x1] =	stream.indirect_vreg.gather [hbm4b:s8+s2], $0x80, v4, vm0, $0xb8;
	[tilespmem:$0x1A080] =	vst v63  }
0x40: {  	s26 =	simm.s32 $0x12880  }
0x41: {  	[tilespmem:s26], [sflag:$0x1] =	stream.indirect_vreg.gather [hbm4b:s3+s2], $0x80, v3, vm0, $0xb8;
	[tilespmem:$0x1A080] =	vst v63  }
0x42: {  	s28 =	simm.s32 $0x13080  }
0x43: {  	[tilespmem:s28], [sflag:$0x1] =	stream.indirect_vreg.gather [hbm4b:s7+s2], $0x80, v3, vm0, $0xb8;
	[tilespmem:$0x1A080] =	vst v63  }
0x44: {  	s24 =	simm.s32 $0x13880  }
0x45: {  	[tilespmem:s24], [sflag:$0x1] =	stream.indirect_vreg.gather [hbm4b:s8+s2], $0x80, v3, vm0, $0xb8;
	[tilespmem:$0x1A080] =	vst v63  }
0x46: {  	v3 =	vld [tilespmem:$0x20];
	_ =	sdelay $0x4  }
0x47: {  	v55 =	vshrl.u32 v3, $0x3  }
0x48: {  	v4 =	vmul.u32 $0x30, v55  }
0x49: {  	v3 =	vand.u32 $0x7, v3  }
0x4a: {  	v3 =	vor.u32 v3, v4  }
0x4b: {  	v4 =	vperm.xlane v3, v0;
	_ =	sdelay $0x1  }
0x4c: {  	v4 =	vadd.s32 v1, v4;
	_ =	sdelay $0x3  }
0x4d: {  	s25 =	simm.s32 $0x14080;
	v3 =	vperm.xlane v3, v2  }
0x4e: {  	[tilespmem:s25], [sflag:$0x1] =	stream.indirect_vreg.gather [hbm4b:s3+s2], $0x80, v4, vm0, $0xb8;
	[tilespmem:$0x1A080] =	vst v63  }
0x4f: {  	v3 =	vadd.s32 v1, v3  }
0x50: {  	[tilespmem:s29], [sflag:$0x1] =	stream.indirect_vreg.gather [hbm4b:s7+s2], $0x80, v4, vm0, $0xb8;
	[tilespmem:$0x1A080] =	vst v63  }
0x51: {  	_ = 	snop  }
0x52: {  	[tilespmem:s30], [sflag:$0x1] =	stream.indirect_vreg.gather [hbm4b:s8+s2], $0x80, v4, vm0, $0xb8;
	[tilespmem:$0x1A080] =	vst v63  }
0x53: {  	_ = 	snop  }
0x54: {  	[tilespmem:s31], [sflag:$0x1] =	stream.indirect_vreg.gather [hbm4b:s3+s2], $0x80, v3, vm0, $0xb8;
	[tilespmem:$0x1A080] =	vst v63  }
0x55: {  	_ = 	snop  }
0x56: {  	[tilespmem:s0], [sflag:$0x1] =	stream.indirect_vreg.gather [hbm4b:s7+s2], $0x80, v3, vm0, $0xb8;
	[tilespmem:$0x1A080] =	vst v63  }
0x57: {  	_ = 	snop  }
0x58: {  	[tilespmem:s1], [sflag:$0x1] =	stream.indirect_vreg.gather [hbm4b:s8+s2], $0x80, v3, vm0, $0xb8;
	[tilespmem:$0x1A080] =	vst v63  }
0x59: {  	v3 =	vld [tilespmem:$0x30];
	_ =	sdelay $0x4  }
0x5a: {  	v56 =	vshrl.u32 v3, $0x3  }
0x5b: {  	v4 =	vmul.u32 $0x30, v56  }
0x5c: {  	v3 =	vand.u32 $0x7, v3  }
0x5d: {  	v3 =	vor.u32 v3, v4  }
0x5e: {  	v4 =	vperm.xlane v3, v0;
	_ =	sdelay $0x1  }
0x5f: {  	v4 =	vadd.s32 v1, v4;
	_ =	sdelay $0x3  }
0x60: {  	v3 =	vperm.xlane v3, v2  }
0x61: {  	[tilespmem:s13], [sflag:$0x1] =	stream.indirect_vreg.gather [hbm4b:s3+s2], $0x80, v4, vm0, $0xb8;
	[tilespmem:$0x1A080] =	vst v63  }
0x62: {  	v3 =	vadd.s32 v1, v3  }
0x63: {  	[tilespmem:s15], [sflag:$0x1] =	stream.indirect_vreg.gather [hbm4b:s7+s2], $0x80, v4, vm0, $0xb8;
	[tilespmem:$0x1A080] =	vst v63  }
0x64: {  	_ = 	snop  }
0x65: {  	[tilespmem:s16], [sflag:$0x1] =	stream.indirect_vreg.gather [hbm4b:s8+s2], $0x80, v4, vm0, $0xb8;
	[tilespmem:$0x1A080] =	vst v63  }
0x66: {  	_ = 	snop  }
0x67: {  	[tilespmem:s17], [sflag:$0x1] =	stream.indirect_vreg.gather [hbm4b:s3+s2], $0x80, v3, vm0, $0xb8;
	[tilespmem:$0x1A080] =	vst v63  }
0x68: {  	_ = 	snop  }
0x69: {  	[tilespmem:s18], [sflag:$0x1] =	stream.indirect_vreg.gather [hbm4b:s7+s2], $0x80, v3, vm0, $0xb8;
	[tilespmem:$0x1A080] =	vst v63  }
0x6a: {  	s26 =	simm.s32 $0x0  }
0x6b: {  	[tilespmem:s19], [sflag:$0x1] =	stream.indirect_vreg.gather [hbm4b:s8+s2], $0x80, v3, vm0, $0xb8;
	[tilespmem:$0x1A080] =	vst v63  }
0x6c: {  	s23 =	smul.u32 $0x1800, s26;
	_ =	swait.ge [sflag:s20], $0xC000  }
0x6d: {  	s24 =	sand.u32 $0x380, s2;
	[sflag:s20] =	ssyncset.done $0x0  }
0x6e: {  	s25 =	sor.u32 s24, s23;
	[sflag:s20] =	ssyncadd.s32 $0xFFFF4000  }
0x6f: {  	v23 =	vld [tilespmem:s25+$0xE080]  }
0x70: {  	v24 =	vld [tilespmem:s25+$0xE090]  }
0x71: {  	v25 =	vld [tilespmem:s25+$0xE0A0]  }
0x72: {  	v26 =	vld [tilespmem:s25+$0xE0B0]  }
0x73: {  	v27 =	vld [tilespmem:s25+$0xE0C0]  }
0x74: {  	v28 =	vld [tilespmem:s25+$0xE0D0]  }
0x75: {  	v29 =	vld [tilespmem:s25+$0xE0E0]  }
0x76: {  	v30 =	vld [tilespmem:s25+$0xE0F0]  }
0x77: {  	v31 =	vld [tilespmem:s25+$0xE480]  }
0x78: {  	v32 =	vld [tilespmem:s25+$0xE490]  }
0x79: {  	v33 =	vld [tilespmem:s25+$0xE4A0]  }
0x7a: {  	v34 =	vld [tilespmem:s25+$0xE4B0]  }
0x7b: {  	v35 =	vld [tilespmem:s25+$0xE4C0]  }
0x7c: {  	v36 =	vld [tilespmem:s25+$0xE4D0]  }
0x7d: {  	v37 =	vld [tilespmem:s25+$0xE4E0]  }
0x7e: {  	v38 =	vld [tilespmem:s25+$0xE4F0]  }
0x7f: {  	v39 =	vld [tilespmem:s25+$0xE880]  }
0x80: {  	v40 =	vld [tilespmem:s25+$0xE890]  }
0x81: {  	v41 =	vld [tilespmem:s25+$0xE8A0]  }
0x82: {  	v42 =	vld [tilespmem:s25+$0xE8B0]  }
0x83: {  	v43 =	vld [tilespmem:s25+$0xE8C0]  }
0x84: {  	v44 =	vld [tilespmem:s25+$0xE8D0]  }
0x85: {  	v45 =	vld [tilespmem:s25+$0xE8E0]  }
0x86: {  	v46 =	vld [tilespmem:s25+$0xE8F0]  }
0x87: {  	v47 =	vld [tilespmem:s25+$0xEC80]  }
0x88: {  	v48 =	vld [tilespmem:s25+$0xEC90]  }
0x89: {  	v22 =	vld [tilespmem:s25+$0xECA0]  }
0x8a: {  	v21 =	vld [tilespmem:s25+$0xECB0]  }
0x8b: {  	v20 =	vld [tilespmem:s25+$0xECC0]  }
0x8c: {  	v19 =	vld [tilespmem:s25+$0xECD0]  }
0x8d: {  	v18 =	vld [tilespmem:s25+$0xECE0]  }
0x8e: {  	v17 =	vld [tilespmem:s25+$0xECF0]  }
0x8f: {  	v16 =	vld [tilespmem:s25+$0xF080]  }
0x90: {  	v15 =	vld [tilespmem:s25+$0xF090]  }
0x91: {  	v14 =	vld [tilespmem:s25+$0xF0A0]  }
0x92: {  	v13 =	vld [tilespmem:s25+$0xF0B0]  }
0x93: {  	v12 =	vld [tilespmem:s25+$0xF0C0]  }
0x94: {  	v11 =	vld [tilespmem:s25+$0xF0D0]  }
0x95: {  	v10 =	vld [tilespmem:s25+$0xF0E0]  }
0x96: {  	v9 =	vld [tilespmem:s25+$0xF0F0]  }
0x97: {  	v8 =	vld [tilespmem:s25+$0xF480]  }
0x98: {  	v7 =	vld [tilespmem:s25+$0xF490]  }
0x99: {  	v6 =	vld [tilespmem:s25+$0xF4A0]  }
0x9a: {  	v5 =	vld [tilespmem:s25+$0xF4B0]  }
0x9b: {  	v3 =	vld [tilespmem:s22+$0x0]  }
0x9c: {  	v57 =	vld [tilespmem:s25+$0xF4C0]  }
0x9d: {  	v49 =	vld [tilespmem:s25+$0x2080]  }
0x9e: {  	v50 =	vld [tilespmem:s25+$0x2090]  }
0x9f: {  	v51 =	vld [tilespmem:s25+$0x20A0]  }
0xa0: {  	v52 =	vld [tilespmem:s25+$0x20B0]  }
0xa1: {  	v53 =	vld [tilespmem:s25+$0x20C0];
	v23 =	vmul.f32 v23, v3  }
0xa2: {  	v54 =	vld [tilespmem:s25+$0x20D0];
	v24 =	vmul.f32 v24, v3  }
0xa3: {  	v58 =	vld [tilespmem:s25+$0x20E0];
	v25 =	vmul.f32 v25, v3;
	v23 =	vadd.f32 v23, v49  }
0xa4: {  	v59 =	vld [tilespmem:s25+$0x20F0];
	v26 =	vmul.f32 v26, v3;
	v24 =	vadd.f32 v24, v50  }
0xa5: {  	v60 =	vld [tilespmem:s25+$0x24C0];
	v27 =	vmul.f32 v27, v3;
	v25 =	vadd.f32 v25, v51;
	[tilespmem:s25+$0x2080] =	vst v23  }
0xa6: {  	v28 =	vmul.f32 v28, v3;
	v26 =	vadd.f32 v26, v52;
	v23 =	vld [tilespmem:s25+$0x2480];
	[tilespmem:s25+$0x2090] =	vst v24  }
0xa7: {  	v29 =	vmul.f32 v29, v3;
	v27 =	vadd.f32 v27, v53;
	v24 =	vld [tilespmem:s25+$0x2490];
	[tilespmem:s25+$0x20A0] =	vst v25  }
0xa8: {  	v30 =	vmul.f32 v30, v3;
	v28 =	vadd.f32 v28, v54;
	v25 =	vld [tilespmem:s25+$0x24A0];
	[tilespmem:s25+$0x20B0] =	vst v26  }
0xa9: {  	v31 =	vmul.f32 v31, v3;
	v29 =	vadd.f32 v29, v58;
	v26 =	vld [tilespmem:s25+$0x24B0];
	[tilespmem:s25+$0x20C0] =	vst v27  }
0xaa: {  	v62 =	vld [tilespmem:s25+$0x28A0];
	v30 =	vadd.f32 v30, v59;
	v27 =	vmul.f32 v32, v3;
	[tilespmem:s25+$0x20D0] =	vst v28  }
0xab: {  	v33 =	vmul.f32 v33, v3;
	v28 =	vld [tilespmem:s25+$0x24D0];
	[tilespmem:s25+$0x20E0] =	vst v29;
	v23 =	vadd.f32 v31, v23  }
0xac: {  	v29 =	vld [tilespmem:s25+$0x24E0];
	[tilespmem:s25+$0x20F0] =	vst v30;
	v24 =	vadd.f32 v27, v24;
	v27 =	vmul.f32 v34, v3  }
0xad: {  	v30 =	vld [tilespmem:s25+$0x24F0];
	v25 =	vadd.f32 v33, v25;
	v31 =	vmul.f32 v35, v3;
	[tilespmem:s25+$0x2480] =	vst v23  }
0xae: {  	v1 =	vld [tilespmem:s25+$0x2C80];
	v61 =	vmul.f32 v36, v3;
	v26 =	vadd.f32 v27, v26;
	[tilespmem:s25+$0x2490] =	vst v24  }
0xaf: {  	v23 =	vld [tilespmem:s25+$0x2880];
	v27 =	vmul.f32 v37, v3;
	v31 =	vadd.f32 v31, v60;
	[tilespmem:s25+$0x24A0] =	vst v25  }
0xb0: {  	v28 =	vadd.f32 v61, v28;
	v24 =	vld [tilespmem:s25+$0x2890];
	v25 =	vmul.f32 v38, v3;
	[tilespmem:s25+$0x24B0] =	vst v26  }
0xb1: {  	v26 =	vld [tilespmem:s25+$0x28B0];
	v27 =	vadd.f32 v27, v29;
	[tilespmem:s25+$0x24C0] =	vst v31;
	v31 =	vmul.f32 v41, v3  }
0xb2: {  	v63 =	vmul.f32 v39, v3;
	[tilespmem:s25+$0x24D0] =	vst v28;
	v29 =	vld [tilespmem:s25+$0x28C0];
	v25 =	vadd.f32 v25, v30  }
0xb3: {  	v33 =	vld [tilespmem:s25+$0x34E0];
	v30 =	vmul.f32 v40, v3;
	[tilespmem:s25+$0x24E0] =	vst v27;
	v31 =	vadd.f32 v31, v62  }
0xb4: {  	v0 =	vmul.f32 v42, v3;
	v28 =	vld [tilespmem:s25+$0x28D0];
	[tilespmem:s25+$0x24F0] =	vst v25;
	v23 =	vadd.f32 v63, v23  }
0xb5: {  	v27 =	vld [tilespmem:s25+$0x28E0];
	v24 =	vadd.f32 v30, v24;
	v30 =	vmul.f32 v43, v3;
	[tilespmem:s25+$0x28A0] =	vst v31  }
0xb6: {  	v25 =	vld [tilespmem:s25+$0x28F0];
	v31 =	vmul.f32 v47, v3;
	[tilespmem:s25+$0x2880] =	vst v23;
	v26 =	vadd.f32 v0, v26  }
0xb7: {  	v23 =	vmul.f32 v44, v3;
	[tilespmem:s25+$0x2890] =	vst v24;
	v24 =	vld [tilespmem:s25+$0xF4D0];
	v29 =	vadd.f32 v30, v29  }
0xb8: {  	v2 =	vmul.f32 v45, v3;
	v30 =	vld [tilespmem:s25+$0x2C90];
	v31 =	vadd.f32 v31, v1;
	[tilespmem:s25+$0x28B0] =	vst v26  }
0xb9: {  	v23 =	vadd.f32 v23, v28;
	v28 =	vmul.f32 v46, v3;
	v26 =	vld [tilespmem:s25+$0xF4E0];
	[tilespmem:s25+$0x28C0] =	vst v29  }
0xba: {  	s28 =	simm.s32 $0x0;
	v27 =	vadd.f32 v2, v27;
	v29 =	vld [tilespmem:s25+$0x2CA0];
	[tilespmem:s25+$0x2C80] =	vst v31  }
0xbb: {  	s23 =	smul.u32 $0x1800, s28;
	s24 =	simm.s32 $0x80;
	v31 =	vld [tilespmem:s25+$0x2CD0];
	v25 =	vadd.f32 v28, v25;
	[tilespmem:s25+$0x28D0] =	vst v23;
	v28 =	vmul.f32 v48, v3  }
0xbc: {  	s26 =	sand.u32 $0x380, s24;
	[tilespmem:s25+$0x28E0] =	vst v27;
	v27 =	vld [tilespmem:s25+$0x2CB0]  }
0xbd: {  	s23 =	sor.u32 s26, s23;
	v22 =	vmul.f32 v22, v3;
	[tilespmem:s25+$0x28F0] =	vst v25;
	v25 =	vld [tilespmem:s25+$0x2CC0];
	v28 =	vadd.f32 v28, v30  }
0xbe: {  	v30 =	vld [tilespmem:s23+$0xE080]  }
0xbf: {  	v21 =	vmul.f32 v21, v3;
	v22 =	vadd.f32 v22, v29;
	[tilespmem:s25+$0x2C90] =	vst v28;
	v28 =	vld [tilespmem:s25+$0x2CE0]  }
0xc0: {  	v32 =	vld [tilespmem:s23+$0xE090]  }
0xc1: {  	v20 =	vmul.f32 v20, v3;
	v21 =	vadd.f32 v21, v27;
	[tilespmem:s25+$0x2CA0] =	vst v22;
	v22 =	vld [tilespmem:s25+$0x2CF0]  }
0xc2: {  	v37 =	vld [tilespmem:s23+$0xE0A0]  }
0xc3: {  	v19 =	vmul.f32 v19, v3;
	v20 =	vadd.f32 v20, v25;
	[tilespmem:s25+$0x2CB0] =	vst v21;
	v21 =	vld [tilespmem:s25+$0x3080]  }
0xc4: {  	v53 =	vld [tilespmem:s23+$0xE0B0]  }
0xc5: {  	v18 =	vmul.f32 v18, v3;
	v19 =	vadd.f32 v19, v31;
	[tilespmem:s25+$0x2CC0] =	vst v20;
	v20 =	vld [tilespmem:s25+$0x3090]  }
0xc6: {  	v54 =	vld [tilespmem:s23+$0xE0C0]  }
0xc7: {  	v17 =	vmul.f32 v17, v3;
	v18 =	vadd.f32 v18, v28;
	[tilespmem:s25+$0x2CD0] =	vst v19;
	v19 =	vld [tilespmem:s25+$0x30A0]  }
0xc8: {  	v51 =	vld [tilespmem:s23+$0xE0D0]  }
0xc9: {  	v16 =	vmul.f32 v16, v3;
	v17 =	vadd.f32 v17, v22;
	[tilespmem:s25+$0x2CE0] =	vst v18;
	v18 =	vld [tilespmem:s25+$0x30B0]  }
0xca: {  	v48 =	vld [tilespmem:s23+$0xE0E0]  }
0xcb: {  	v15 =	vmul.f32 v15, v3;
	v16 =	vadd.f32 v16, v21;
	[tilespmem:s25+$0x2CF0] =	vst v17;
	v17 =	vld [tilespmem:s25+$0x30C0]  }
0xcc: {  	v55 =	vld [tilespmem:s23+$0xE0F0]  }
0xcd: {  	v14 =	vmul.f32 v14, v3;
	v15 =	vadd.f32 v15, v20;
	[tilespmem:s25+$0x3080] =	vst v16;
	v16 =	vld [tilespmem:s25+$0x30D0]  }
0xce: {  	v49 =	vld [tilespmem:s23+$0xE480]  }
0xcf: {  	v13 =	vmul.f32 v13, v3;
	v14 =	vadd.f32 v14, v19;
	[tilespmem:s25+$0x3090] =	vst v15;
	v15 =	vld [tilespmem:s25+$0x30E0]  }
0xd0: {  	v50 =	vld [tilespmem:s23+$0xE490]  }
0xd1: {  	v12 =	vmul.f32 v12, v3;
	v13 =	vadd.f32 v13, v18;
	[tilespmem:s25+$0x30A0] =	vst v14;
	v14 =	vld [tilespmem:s25+$0x30F0]  }
0xd2: {  	v41 =	vld [tilespmem:s23+$0xE4A0]  }
0xd3: {  	v11 =	vmul.f32 v11, v3;
	v12 =	vadd.f32 v12, v17;
	[tilespmem:s25+$0x30B0] =	vst v13;
	v13 =	vld [tilespmem:s25+$0x3480]  }
0xd4: {  	v38 =	vld [tilespmem:s23+$0xE4B0]  }
0xd5: {  	v10 =	vmul.f32 v10, v3;
	v11 =	vadd.f32 v11, v16;
	[tilespmem:s25+$0x30C0] =	vst v12;
	v12 =	vld [tilespmem:s25+$0x3490]  }
0xd6: {  	v35 =	vld [tilespmem:s23+$0xE4C0]  }
0xd7: {  	v9 =	vmul.f32 v9, v3;
	v10 =	vadd.f32 v10, v15;
	[tilespmem:s25+$0x30D0] =	vst v11;
	v11 =	vld [tilespmem:s25+$0x34A0]  }
0xd8: {  	v42 =	vld [tilespmem:s23+$0xE4D0]  }
0xd9: {  	v8 =	vmul.f32 v8, v3;
	v9 =	vadd.f32 v9, v14;
	[tilespmem:s25+$0x30E0] =	vst v10;
	v10 =	vld [tilespmem:s25+$0x34B0]  }
0xda: {  	v40 =	vld [tilespmem:s23+$0xE4E0]  }
0xdb: {  	v8 =	vadd.f32 v8, v13;
	[tilespmem:s25+$0x30F0] =	vst v9;
	v9 =	vld [tilespmem:s25+$0x34C0]  }
0xdc: {  	v7 =	vmul.f32 v7, v3;
	v47 =	vld [tilespmem:s23+$0xE4F0]  }
0xdd: {  	v6 =	vmul.f32 v6, v3;
	[tilespmem:s25+$0x3480] =	vst v8;
	v8 =	vld [tilespmem:s25+$0x34D0]  }
0xde: {  	v5 =	vmul.f32 v5, v3;
	v34 =	vld [tilespmem:s25+$0x34F0];
	v7 =	vadd.f32 v7, v12  }
0xdf: {  	v4 =	vmul.f32 v57, v3;
	v23 =	vld [tilespmem:s25+$0xF4F0];
	v6 =	vadd.f32 v6, v11  }
0xe0: {  	v43 =	vld [tilespmem:s23+$0xE880];
	[tilespmem:s25+$0x3490] =	vst v7;
	v5 =	vadd.f32 v5, v10;
	v10 =	vmul.f32 v24, v3  }
0xe1: {  	v56 =	vmul.f32 v26, v3;
	v39 =	vld [tilespmem:s23+$0xE890];
	[tilespmem:s25+$0x34A0] =	vst v6;
	v4 =	vadd.f32 v4, v9  }
0xe2: {  	v36 =	vld [tilespmem:s23+$0xE8A0];
	[tilespmem:s25+$0x34B0] =	vst v5;
	v8 =	vadd.f32 v10, v8  }
0xe3: {  	v57 =	vadd.f32 v56, v33;
	v44 =	vld [tilespmem:s23+$0xE8B0];
	[tilespmem:s25+$0x34C0] =	vst v4  }
0xe4: {  	v3 =	vmul.f32 v23, v3;
	v45 =	vld [tilespmem:s23+$0xE8C0];
	[tilespmem:s25+$0x34D0] =	vst v8  }
0xe5: {  	v52 =	vld [tilespmem:s23+$0xE8D0];
	[tilespmem:s25+$0x34E0] =	vst v57  }
0xe6: {  	v3 =	vadd.f32 v3, v34;
	v46 =	vld [tilespmem:s23+$0xE8E0]  }
0xe7: {  	v63 =	vld [tilespmem:s23+$0x34B0]  }
0xe8: {  	[tilespmem:s25+$0x34F0] =	vst v3;
	v57 =	vld [tilespmem:s23+$0x2CB0]  }
0xe9: {  	v33 =	vld [tilespmem:s23+$0xE8F0]  }
0xea: {  	v31 =	vld [tilespmem:s23+$0xEC80]  }
0xeb: {  	v29 =	vld [tilespmem:s23+$0xEC90]  }
0xec: {  	v27 =	vld [tilespmem:s23+$0xECA0]  }
0xed: {  	v28 =	vld [tilespmem:s23+$0xECB0]  }
0xee: {  	v26 =	vld [tilespmem:s23+$0xECC0]  }
0xef: {  	v25 =	vld [tilespmem:s23+$0xECD0]  }
0xf0: {  	v23 =	vld [tilespmem:s23+$0xECE0]  }
0xf1: {  	v24 =	vld [tilespmem:s23+$0xECF0]  }
0xf2: {  	v21 =	vld [tilespmem:s23+$0xF080]  }
0xf3: {  	v20 =	vld [tilespmem:s23+$0xF090]  }
0xf4: {  	v19 =	vld [tilespmem:s23+$0xF0A0]  }
0xf5: {  	v17 =	vld [tilespmem:s23+$0xF0B0]  }
0xf6: {  	v15 =	vld [tilespmem:s23+$0xF0C0]  }
0xf7: {  	v16 =	vld [tilespmem:s23+$0xF0D0]  }
0xf8: {  	v14 =	vld [tilespmem:s23+$0xF0E0]  }
0xf9: {  	v13 =	vld [tilespmem:s23+$0xF0F0]  }
0xfa: {  	v12 =	vld [tilespmem:s23+$0xF480]  }
0xfb: {  	v11 =	vld [tilespmem:s23+$0xF490]  }
0xfc: {  	v9 =	vld [tilespmem:s23+$0xF4A0]  }
0xfd: {  	v10 =	vld [tilespmem:s23+$0xF4B0]  }
0xfe: {  	v58 =	vld [tilespmem:s23+$0xF4C0]  }
0xff: {  	v59 =	vld [tilespmem:s23+$0xF4D0]  }
0x100: {  	v60 =	vld [tilespmem:s23+$0xF4E0]  }
0x101: {  	v61 =	vld [tilespmem:s23+$0xF4F0]  }
0x102: {  	v62 =	vld [tilespmem:s23+$0x34D0]  }
0x103: {  	v18 =	vld [tilespmem:s23+$0x30F0]  }
0x104: {  	v22 =	vld [tilespmem:s23+$0x30D0]  }
0x105: {  	v34 =	vld [tilespmem:s23+$0x3090]  }
0x106: {  	v56 =	vld [tilespmem:s23+$0x2CF0];
	[tilespmem:$0x1FFC0] =	vst v63  }
0x107: {  	v63 =	vld [tilespmem:s23+$0x24D0];
	[tilespmem:$0x1FF70] =	vst v58  }
0x108: {  	[tilespmem:$0x1FF80] =	vst v59;
	v58 =	vld [tilespmem:s23+$0x2C90]  }
0x109: {  	[tilespmem:$0x1FF90] =	vst v60;
	v59 =	vld [tilespmem:s23+$0x28D0]  }
0x10a: {  	[tilespmem:$0x1FFA0] =	vst v61;
	v60 =	vld [tilespmem:s23+$0x28B0]  }
0x10b: {  	s25 =	simm.s32 $0x2;
	[tilespmem:$0x1FFB0] =	vst v62;
	v62 =	vld [tilespmem:s23+$0x24F0]  }
.LBB2_2:
0x10c: {  	v0 =	vld [tilespmem:s23+$0x2490]  }
0x10d: {  	v2 =	vld [tilespmem:s23+$0x20F0]  }
0x10e: {  	v1 =	vld [tilespmem:s23+$0x20B0];
	s22 =	sadd.s32 $0x80, s22  }
0x10f: {  	v61 =	vld [tilespmem:s22+$0x0]  }
0x110: {  	v3 =	vld [tilespmem:s23+$0x2090]  }
0x111: {  	v4 =	vld [tilespmem:s23+$0x2080]  }
0x112: {  	v5 =	vld [tilespmem:s23+$0x20A0]  }
0x113: {  	v6 =	vld [tilespmem:s23+$0x20C0]  }
0x114: {  	v7 =	vld [tilespmem:s23+$0x20D0];
	v30 =	vmul.f32 v30, v61;
	v32 =	vmul.f32 v32, v61  }
0x115: {  	v8 =	vld [tilespmem:s23+$0x20E0];
	v37 =	vmul.f32 v37, v61;
	v53 =	vmul.f32 v53, v61  }
0x116: {  	v13 =	vmul.f32 v13, v61;
	v4 =	vadd.f32 v30, v4;
	v3 =	vadd.f32 v32, v3;
	v32 =	vld [tilespmem:s23+$0x2480]  }
0x117: {  	v30 =	vmul.f32 v54, v61;
	v54 =	vmul.f32 v51, v61;
	v51 =	vld [tilespmem:s23+$0x24A0]  }
0x118: {  	v5 =	vadd.f32 v37, v5;
	v1 =	vadd.f32 v53, v1;
	v53 =	vmul.f32 v49, v61;
	v49 =	vld [tilespmem:s23+$0x24C0];
	[tilespmem:s23+$0x2080] =	vst v4  }
0x119: {  	v37 =	vld [tilespmem:s23+$0x2CD0];
	[tilespmem:s23+$0x2090] =	vst v3  }
0x11a: {  	v13 =	vadd.f32 v13, v18;
	v18 =	vld [tilespmem:$0x1FF70];
	v4 =	vadd.f32 v30, v6;
	v6 =	vmul.f32 v48, v61;
	[tilespmem:s23+$0x20A0] =	vst v5  }
0x11b: {  	v38 =	vmul.f32 v38, v61;
	v30 =	vmul.f32 v55, v61;
	v48 =	vld [tilespmem:s23+$0x24B0];
	v3 =	vadd.f32 v54, v7;
	[tilespmem:s23+$0x20B0] =	vst v1  }
0x11c: {  	v42 =	vmul.f32 v42, v61;
	v54 =	vmul.f32 v50, v61;
	v50 =	vld [tilespmem:s23+$0x2890];
	v5 =	vadd.f32 v6, v8;
	[tilespmem:s23+$0x20C0] =	vst v4  }
0x11d: {  	v33 =	vmul.f32 v33, v61;
	v31 =	vmul.f32 v31, v61;
	v2 =	vadd.f32 v30, v2;
	v8 =	vld [tilespmem:s23+$0x24E0];
	[tilespmem:s23+$0x20D0] =	vst v3  }
0x11e: {  	v27 =	vmul.f32 v27, v61;
	v55 =	vmul.f32 v41, v61;
	v0 =	vadd.f32 v54, v0;
	v30 =	vld [tilespmem:s23+$0x2880];
	[tilespmem:s23+$0x20E0] =	vst v5  }
0x11f: {  	v26 =	vmul.f32 v26, v61;
	v41 =	vmul.f32 v35, v61;
	v54 =	vld [tilespmem:s23+$0x28A0];
	v6 =	vadd.f32 v42, v63;
	[tilespmem:s23+$0x20F0] =	vst v2  }
0x120: {  	v63 =	vld [tilespmem:s23+$0x28C0];
	v1 =	vadd.f32 v53, v32;
	v4 =	vadd.f32 v55, v51;
	v51 =	vmul.f32 v40, v61;
	[tilespmem:s23+$0x2490] =	vst v0  }
0x121: {  	v53 =	vmul.f32 v47, v61;
	v55 =	vmul.f32 v43, v61;
	v43 =	vld [tilespmem:s23+$0x28E0];
	[tilespmem:s23+$0x24D0] =	vst v6  }
0x122: {  	v25 =	vmul.f32 v25, v61;
	v5 =	vadd.f32 v41, v49;
	v49 =	vld [tilespmem:s23+$0x28F0];
	v3 =	vadd.f32 v38, v48;
	[tilespmem:s23+$0x2480] =	vst v1  }
0x123: {  	v23 =	vmul.f32 v23, v61;
	v41 =	vld [tilespmem:s23+$0x2CE0];
	v7 =	vadd.f32 v53, v62;
	[tilespmem:s23+$0x24A0] =	vst v4;
	v42 =	vadd.f32 v51, v8  }
0x124: {  	v62 =	vld [tilespmem:s23+$0x2CC0];
	[tilespmem:s23+$0x24C0] =	vst v5;
	v8 =	vmul.f32 v39, v61;
	v47 =	vadd.f32 v55, v30;
	v30 =	vmul.f32 v36, v61  }
0x125: {  	v48 =	vmul.f32 v44, v61;
	v51 =	vmul.f32 v52, v61;
	v52 =	vld [tilespmem:s23+$0x2C80];
	[tilespmem:s23+$0x24B0] =	vst v3  }
0x126: {  	v24 =	vmul.f32 v24, v61;
	v55 =	vld [tilespmem:s23+$0x2CA0];
	[tilespmem:s23+$0x24F0] =	vst v7;
	v50 =	vadd.f32 v8, v50;
	v53 =	vadd.f32 v30, v54  }
0x127: {  	v8 =	vmul.f32 v45, v61;
	v30 =	vadd.f32 v48, v60;
	[tilespmem:s23+$0x24E0] =	vst v42;
	v45 =	vadd.f32 v25, v37;
	v25 =	vld [tilespmem:s23+$0x30C0]  }
0x128: {  	v54 =	vmul.f32 v46, v61;
	[tilespmem:s23+$0x2880] =	vst v47;
	v46 =	vadd.f32 v23, v41;
	v23 =	vadd.f32 v24, v56;
	v24 =	vld [tilespmem:s23+$0x30E0]  }
0x129: {  	v28 =	vmul.f32 v28, v61;
	v40 =	vadd.f32 v33, v49;
	v44 =	vadd.f32 v26, v62;
	v26 =	vld [tilespmem:s23+$0x30B0];
	[tilespmem:s23+$0x2890] =	vst v50  }
0x12a: {  	v15 =	vmul.f32 v15, v61;
	v60 =	vadd.f32 v8, v63;
	v8 =	vadd.f32 v51, v59;
	[tilespmem:s23+$0x28B0] =	vst v30;
	v30 =	vld [tilespmem:s23+$0x3480]  }
0x12b: {  	v16 =	vmul.f32 v16, v61;
	v63 =	vadd.f32 v54, v43;
	[tilespmem:s23+$0x28A0] =	vst v53;
	v42 =	vadd.f32 v31, v52;
	v31 =	vld [tilespmem:s23+$0x3080]  }
0x12c: {  	v14 =	vmul.f32 v14, v61;
	[tilespmem:s23+$0x28F0] =	vst v40;
	v43 =	vadd.f32 v27, v55;
	v27 =	vadd.f32 v28, v57;
	v28 =	vld [tilespmem:s23+$0x30A0]  }
0x12d: {  	s26 =	sshrl.u32 s25, $0x3;
	v17 =	vmul.f32 v17, v61;
	[tilespmem:s23+$0x28C0] =	vst v60;
	v59 =	vadd.f32 v15, v25;
	v15 =	vadd.f32 v16, v22;
	v16 =	vld [tilespmem:s23+$0x34C0]  }
0x12e: {  	s24 =	sadd.s32 $0x80, s24;
	s26 =	smul.u32 $0x1800, s26;
	v29 =	vmul.f32 v29, v61;
	v12 =	vmul.f32 v12, v61;
	[tilespmem:s23+$0x28D0] =	vst v8;
	v60 =	vadd.f32 v14, v24;
	v14 =	vld [tilespmem:s23+$0x34E0]  }
0x12f: {  	s28 =	sand.u32 $0x380, s24;
	[tilespmem:s23+$0x28E0] =	vst v63;
	v8 =	vadd.f32 v17, v26;
	v17 =	vld [tilespmem:s23+$0x34A0]  }
0x130: {  	s26 =	sor.u32 s28, s26;
	v19 =	vmul.f32 v19, v61;
	v29 =	vadd.f32 v29, v58;
	[tilespmem:s23+$0x2C80] =	vst v42;
	v62 =	vadd.f32 v12, v30;
	v12 =	vld [tilespmem:s23+$0x34F0]  }
0x131: {  	v30 =	vld [tilespmem:s26+$0xE080]  }
0x132: {  	[tilespmem:s23+$0x2C90] =	vst v29;
	v47 =	vadd.f32 v19, v28;
	v19 =	vld [tilespmem:s23+$0x3490]  }
0x133: {  	v18 =	vmul.f32 v18, v61;
	v32 =	vld [tilespmem:s26+$0xE090];
	[tilespmem:s23+$0x2CA0] =	vst v43  }
0x134: {  	v37 =	vld [tilespmem:s26+$0xE0A0]  }
0x135: {  	v9 =	vmul.f32 v9, v61;
	[tilespmem:s23+$0x2CB0] =	vst v27;
	v16 =	vadd.f32 v18, v16;
	v18 =	vld [tilespmem:$0x1FFA0]  }
0x136: {  	v53 =	vld [tilespmem:s26+$0xE0B0]  }
0x137: {  	v63 =	vadd.f32 v9, v17;
	v9 =	vld [tilespmem:$0x1FFC0]  }
0x138: {  	[tilespmem:s23+$0x2CC0] =	vst v44;
	v17 =	vld [tilespmem:$0x1FFB0]  }
0x139: {  	v21 =	vmul.f32 v21, v61;
	v11 =	vmul.f32 v11, v61;
	v54 =	vld [tilespmem:s26+$0xE0C0];
	[tilespmem:s23+$0x2CD0] =	vst v45  }
0x13a: {  	v51 =	vld [tilespmem:s26+$0xE0D0]  }
0x13b: {  	v20 =	vmul.f32 v20, v61;
	v21 =	vadd.f32 v21, v31;
	[tilespmem:s23+$0x2CE0] =	vst v46;
	v11 =	vadd.f32 v11, v19;
	v19 =	vld [tilespmem:$0x1FF80]  }
0x13c: {  	v48 =	vld [tilespmem:s26+$0xE0E0];
	[tilespmem:s23+$0x2CF0] =	vst v23  }
0x13d: {  	v10 =	vmul.f32 v10, v61;
	v20 =	vadd.f32 v20, v34;
	v55 =	vld [tilespmem:s26+$0xE0F0];
	[tilespmem:s23+$0x3080] =	vst v21  }
0x13e: {  	v49 =	vld [tilespmem:s26+$0xE480]  }
0x13f: {  	[tilespmem:s23+$0x3090] =	vst v20;
	v9 =	vadd.f32 v10, v9;
	v10 =	vld [tilespmem:$0x1FF90]  }
0x140: {  	v50 =	vld [tilespmem:s26+$0xE490];
	[tilespmem:s23+$0x30A0] =	vst v47  }
0x141: {  	v41 =	vld [tilespmem:s26+$0xE4A0];
	[tilespmem:s23+$0x30B0] =	vst v8  }
0x142: {  	v38 =	vld [tilespmem:s26+$0xE4B0];
	[tilespmem:s23+$0x30C0] =	vst v59  }
0x143: {  	v35 =	vld [tilespmem:s26+$0xE4C0];
	[tilespmem:s23+$0x30D0] =	vst v15  }
0x144: {  	v42 =	vld [tilespmem:s26+$0xE4D0];
	[tilespmem:s23+$0x30E0] =	vst v60  }
0x145: {  	v40 =	vld [tilespmem:s26+$0xE4E0];
	[tilespmem:s23+$0x30F0] =	vst v13  }
0x146: {  	v47 =	vld [tilespmem:s26+$0xE4F0];
	[tilespmem:s23+$0x3480] =	vst v62  }
0x147: {  	v19 =	vmul.f32 v19, v61;
	v43 =	vld [tilespmem:s26+$0xE880];
	[tilespmem:s23+$0x3490] =	vst v11  }
0x148: {  	v10 =	vmul.f32 v10, v61;
	v39 =	vld [tilespmem:s26+$0xE890];
	[tilespmem:s23+$0x34A0] =	vst v63  }
0x149: {  	v18 =	vmul.f32 v18, v61;
	v17 =	vadd.f32 v19, v17;
	v36 =	vld [tilespmem:s26+$0xE8A0];
	[tilespmem:s23+$0x34B0] =	vst v9  }
0x14a: {  	v57 =	vadd.f32 v10, v14;
	v44 =	vld [tilespmem:s26+$0xE8B0];
	[tilespmem:s23+$0x34C0] =	vst v16  }
0x14b: {  	v58 =	vadd.f32 v18, v12;
	v45 =	vld [tilespmem:s26+$0xE8C0];
	[tilespmem:s23+$0x34D0] =	vst v17  }
0x14c: {  	v52 =	vld [tilespmem:s26+$0xE8D0];
	[tilespmem:s23+$0x34E0] =	vst v57  }
0x14d: {  	v46 =	vld [tilespmem:s26+$0xE8E0];
	[tilespmem:s23+$0x34F0] =	vst v58;
	s23 =	smov.u32 s26  }
0x14e: {  	v33 =	vld [tilespmem:s23+$0xE8F0]  }
0x14f: {  	v31 =	vld [tilespmem:s23+$0xEC80]  }
0x150: {  	v29 =	vld [tilespmem:s23+$0xEC90]  }
0x151: {  	v27 =	vld [tilespmem:s23+$0xECA0]  }
0x152: {  	v28 =	vld [tilespmem:s23+$0xECB0]  }
0x153: {  	v26 =	vld [tilespmem:s23+$0xECC0]  }
0x154: {  	v25 =	vld [tilespmem:s23+$0xECD0]  }
0x155: {  	v23 =	vld [tilespmem:s23+$0xECE0]  }
0x156: {  	v24 =	vld [tilespmem:s23+$0xECF0]  }
0x157: {  	v21 =	vld [tilespmem:s23+$0xF080]  }
0x158: {  	v20 =	vld [tilespmem:s23+$0xF090]  }
0x159: {  	v19 =	vld [tilespmem:s23+$0xF0A0]  }
0x15a: {  	v17 =	vld [tilespmem:s23+$0xF0B0]  }
0x15b: {  	v15 =	vld [tilespmem:s23+$0xF0C0]  }
0x15c: {  	v16 =	vld [tilespmem:s23+$0xF0D0]  }
0x15d: {  	v14 =	vld [tilespmem:s23+$0xF0E0]  }
0x15e: {  	v13 =	vld [tilespmem:s23+$0xF0F0]  }
0x15f: {  	v12 =	vld [tilespmem:s23+$0xF480]  }
0x160: {  	v11 =	vld [tilespmem:s23+$0xF490]  }
0x161: {  	v9 =	vld [tilespmem:s23+$0xF4A0]  }
0x162: {  	v10 =	vld [tilespmem:s23+$0xF4B0]  }
0x163: {  	v0 =	vld [tilespmem:s23+$0xF4C0]  }
0x164: {  	v59 =	vld [tilespmem:s23+$0xF4D0]  }
0x165: {  	v60 =	vld [tilespmem:s23+$0xF4E0]  }
0x166: {  	v61 =	vld [tilespmem:s23+$0xF4F0]  }
0x167: {  	v62 =	vld [tilespmem:s23+$0x34D0]  }
0x168: {  	v63 =	vld [tilespmem:s23+$0x34B0]  }
0x169: {  	v18 =	vld [tilespmem:s23+$0x30F0]  }
0x16a: {  	v22 =	vld [tilespmem:s23+$0x30D0]  }
0x16b: {  	v34 =	vld [tilespmem:s23+$0x3090]  }
0x16c: {  	v56 =	vld [tilespmem:s23+$0x2CF0]  }
0x16d: {  	p0 =	sne.s32 s25, $0x3F;
	v57 =	vld [tilespmem:s23+$0x2CB0];
	[tilespmem:$0x1FF70] =	vst v0  }
.Ltmp0:
0x16e: {  	v58 =	vld [tilespmem:s23+$0x2C90];
	[tilespmem:$0x1FF80] =	vst v59;
	(pc) =	sbr.rel @p0 .LBB2_2-.Ltmp0, $4  }
0x16f: {  	[tilespmem:$0x1FF90] =	vst v60;
	v59 =	vld [tilespmem:s23+$0x28D0]  }
0x170: {  	[tilespmem:$0x1FFA0] =	vst v61;
	v60 =	vld [tilespmem:s23+$0x28B0]  }
0x171: {  	[tilespmem:$0x1FFB0] =	vst v62;
	v62 =	vld [tilespmem:s23+$0x24F0]  }
0x172: {  	s25 =	sadd.s32 $0x1, s25;
	[tilespmem:$0x1FFC0] =	vst v63;
	v63 =	vld [tilespmem:s23+$0x24D0]  }
0x173: {  	s22 =	sadd.s32 $0x80, s22  }
0x174: {  	v61 =	vld [tilespmem:s22+$0x0];
	_ =	sdelay $0x1  }
0x175: {  	v0 =	vld [tilespmem:s23+$0x2080]  }
0x176: {  	v1 =	vld [tilespmem:s23+$0x2090]  }
0x177: {  	v2 =	vld [tilespmem:s23+$0x20A0]  }
0x178: {  	v4 =	vld [tilespmem:s23+$0x20B0];
	v3 =	vmul.f32 v30, v61  }
0x179: {  	v6 =	vld [tilespmem:s23+$0x20C0];
	v5 =	vmul.f32 v32, v61  }
0x17a: {  	v7 =	vld [tilespmem:s23+$0x20D0];
	v37 =	vmul.f32 v37, v61;
	v0 =	vadd.f32 v3, v0  }
0x17b: {  	v8 =	vld [tilespmem:s23+$0x20E0];
	v53 =	vmul.f32 v53, v61;
	v1 =	vadd.f32 v5, v1  }
0x17c: {  	v54 =	vmul.f32 v54, v61;
	v32 =	vld [tilespmem:s23+$0x20F0];
	v2 =	vadd.f32 v37, v2;
	[tilespmem:s23+$0x2080] =	vst v0  }
0x17d: {  	v4 =	vadd.f32 v53, v4;
	v37 =	vmul.f32 v51, v61;
	[tilespmem:s23+$0x2090] =	vst v1  }
0x17e: {  	v51 =	vld [tilespmem:s23+$0x2480];
	v53 =	vmul.f32 v48, v61;
	v0 =	vadd.f32 v54, v6;
	[tilespmem:s23+$0x20A0] =	vst v2  }
0x17f: {  	v3 =	vld [tilespmem:s23+$0x2490];
	v5 =	vadd.f32 v37, v7;
	[tilespmem:s23+$0x20B0] =	vst v4;
	v37 =	vmul.f32 v55, v61  }
0x180: {  	v48 =	vld [tilespmem:s23+$0x28A0];
	v6 =	vadd.f32 v53, v8;
	v55 =	vmul.f32 v42, v61;
	[tilespmem:s23+$0x20C0] =	vst v0  }
0x181: {  	v54 =	vld [tilespmem:s23+$0x24A0];
	v8 =	vmul.f32 v49, v61;
	[tilespmem:s23+$0x20D0] =	vst v5;
	v1 =	vadd.f32 v37, v32  }
0x182: {  	v30 =	vmul.f32 v50, v61;
	[tilespmem:s23+$0x20E0] =	vst v6;
	v37 =	vadd.f32 v55, v63  }
0x183: {  	v36 =	vmul.f32 v36, v61;
	v49 =	vld [tilespmem:s23+$0x28C0];
	v2 =	vadd.f32 v8, v51;
	[tilespmem:s23+$0x20F0] =	vst v1  }
0x184: {  	v42 =	vmul.f32 v43, v61;
	v0 =	vld [tilespmem:s23+$0x2880];
	v3 =	vadd.f32 v30, v3;
	v51 =	vmul.f32 v41, v61;
	[tilespmem:s23+$0x24D0] =	vst v37  }
0x185: {  	v43 =	vmul.f32 v44, v61;
	v5 =	vld [tilespmem:s23+$0x2890];
	v41 =	vmul.f32 v47, v61;
	v7 =	vadd.f32 v36, v48;
	[tilespmem:s23+$0x2480] =	vst v2  }
0x186: {  	v44 =	vmul.f32 v45, v61;
	v45 =	vmul.f32 v52, v61;
	v52 =	vld [tilespmem:s23+$0x3490];
	v4 =	vadd.f32 v51, v54;
	[tilespmem:s23+$0x2490] =	vst v3  }
0x187: {  	v53 =	vmul.f32 v38, v61;
	v8 =	vld [tilespmem:s23+$0x24B0];
	v38 =	vadd.f32 v41, v62;
	[tilespmem:s23+$0x28A0] =	vst v7  }
0x188: {  	v39 =	vmul.f32 v39, v61;
	v30 =	vld [tilespmem:s23+$0x24C0];
	v6 =	vadd.f32 v44, v49;
	[tilespmem:s23+$0x24A0] =	vst v4  }
0x189: {  	v47 =	vld [tilespmem:s23+$0x30C0];
	v44 =	vmul.f32 v11, v61;
	v0 =	vadd.f32 v42, v0;
	[tilespmem:s23+$0x24F0] =	vst v38  }
0x18a: {  	v5 =	vadd.f32 v39, v5;
	[tilespmem:s23+$0x28C0] =	vst v6  }
0x18b: {  	v35 =	vmul.f32 v35, v61;
	v6 =	vadd.f32 v44, v52;
	[tilespmem:s23+$0x2880] =	vst v0  }
0x18c: {  	v15 =	vmul.f32 v15, v61;
	v1 =	vld [tilespmem:s23+$0x28E0];
	v8 =	vadd.f32 v53, v8;
	[tilespmem:s23+$0x2890] =	vst v5  }
0x18d: {  	v30 =	vadd.f32 v35, v30;
	[tilespmem:s23+$0x3490] =	vst v6  }
0x18e: {  	v37 =	vld [tilespmem:s23+$0x30A0];
	v42 =	vmul.f32 v14, v61;
	v14 =	vadd.f32 v15, v47;
	[tilespmem:s23+$0x24B0] =	vst v8  }
0x18f: {  	v48 =	vmul.f32 v46, v61;
	v0 =	vadd.f32 v43, v60;
	[tilespmem:s23+$0x24C0] =	vst v30  }
0x190: {  	v29 =	vmul.f32 v29, v61;
	v54 =	vld [tilespmem:s23+$0x24E0];
	v5 =	vadd.f32 v45, v59;
	[tilespmem:s23+$0x30C0] =	vst v14  }
0x191: {  	v19 =	vmul.f32 v19, v61;
	v16 =	vmul.f32 v16, v61;
	v3 =	vld [tilespmem:s23+$0x2C80];
	v1 =	vadd.f32 v48, v1;
	[tilespmem:s23+$0x28B0] =	vst v0  }
0x192: {  	v2 =	vld [tilespmem:s23+$0x28F0];
	v59 =	vmul.f32 v27, v61;
	v27 =	vmul.f32 v28, v61;
	v28 =	vadd.f32 v29, v58;
	[tilespmem:s23+$0x28D0] =	vst v5  }
0x193: {  	v40 =	vmul.f32 v40, v61;
	v41 =	vadd.f32 v19, v37;
	v8 =	vld [tilespmem:s23+$0x2CC0];
	[tilespmem:s23+$0x28E0] =	vst v1  }
0x194: {  	v4 =	vld [tilespmem:s23+$0x2CA0];
	v53 =	vmul.f32 v31, v61;
	v43 =	vmul.f32 v13, v61;
	v13 =	vadd.f32 v16, v22;
	[tilespmem:s23+$0x2C90] =	vst v28  }
0x195: {  	v50 =	vmul.f32 v33, v61;
	v35 =	vld [tilespmem:s23+$0x2CE0];
	v32 =	vadd.f32 v40, v54;
	[tilespmem:s23+$0x30A0] =	vst v41  }
0x196: {  	v55 =	vld [tilespmem:s23+$0x34C0];
	v62 =	vmul.f32 v26, v61;
	v3 =	vadd.f32 v53, v3;
	[tilespmem:s23+$0x30D0] =	vst v13  }
0x197: {  	v30 =	vld [tilespmem:s23+$0x2CD0];
	v0 =	vadd.f32 v50, v2;
	[tilespmem:s23+$0x24E0] =	vst v32  }
0x198: {  	v63 =	vld [tilespmem:s23+$0x34F0];
	v26 =	vadd.f32 v27, v57;
	[tilespmem:s23+$0x2C80] =	vst v3;
	v3 =	vadd.f32 v62, v8;
	v8 =	vmul.f32 v23, v61  }
0x199: {  	v38 =	vld [tilespmem:s23+$0x30B0];
	[tilespmem:s23+$0x28F0] =	vst v0;
	v0 =	vadd.f32 v59, v4  }
0x19a: {  	v25 =	vmul.f32 v25, v61;
	v54 =	vld [tilespmem:s23+$0x34A0];
	[tilespmem:s23+$0x2CB0] =	vst v26;
	v8 =	vadd.f32 v8, v35  }
0x19b: {  	v49 =	vld [tilespmem:s23+$0x30E0];
	v39 =	vmul.f32 v24, v61;
	[tilespmem:s23+$0x2CA0] =	vst v0  }
0x19c: {  	v51 =	vld [tilespmem:s23+$0x3480];
	v23 =	vadd.f32 v25, v30;
	[tilespmem:s23+$0x2CE0] =	vst v8;
	v8 =	vmul.f32 v17, v61  }
0x19d: {  	v9 =	vmul.f32 v9, v61;
	v50 =	vld [tilespmem:$0x1FFA0];
	v0 =	vadd.f32 v39, v56;
	[tilespmem:s23+$0x2CC0] =	vst v3  }
0x19e: {  	v40 =	vmul.f32 v20, v61;
	v32 =	vld [tilespmem:s23+$0x3080];
	[tilespmem:s23+$0x2CD0] =	vst v23;
	v8 =	vadd.f32 v8, v38  }
0x19f: {  	v46 =	vld [tilespmem:$0x1FF70];
	v2 =	vadd.f32 v9, v54;
	[tilespmem:s23+$0x2CF0] =	vst v0  }
0x1a0: {  	v47 =	vld [tilespmem:$0x1FF80];
	v3 =	vadd.f32 v40, v34;
	[tilespmem:s23+$0x30B0] =	vst v8;
	v8 =	vmul.f32 v12, v61  }
0x1a1: {  	v21 =	vmul.f32 v21, v61;
	v48 =	vld [tilespmem:$0x1FF90];
	v0 =	vadd.f32 v43, v18;
	[tilespmem:s23+$0x34A0] =	vst v2  }
0x1a2: {  	[tilespmem:s23+$0x3090] =	vst v3;
	v3 =	vadd.f32 v42, v49;
	v49 =	vld [tilespmem:$0x1FFB0];
	v8 =	vadd.f32 v8, v51  }
0x1a3: {  	v60 =	vld [tilespmem:s23+$0x34E0];
	v20 =	vadd.f32 v21, v32;
	v2 =	vmul.f32 v50, v61;
	[tilespmem:s23+$0x30F0] =	vst v0  }
0x1a4: {  	v0 =	vmul.f32 v46, v61;
	[tilespmem:s23+$0x3480] =	vst v8;
	v8 =	vld [tilespmem:$0x1FFC0]  }
0x1a5: {  	v7 =	vmul.f32 v47, v61;
	[tilespmem:s23+$0x3080] =	vst v20;
	v52 =	vadd.f32 v2, v63  }
0x1a6: {  	v6 =	vmul.f32 v48, v61;
	[tilespmem:s23+$0x30E0] =	vst v3;
	v0 =	vadd.f32 v0, v55  }
0x1a7: {  	v45 =	vmul.f32 v10, v61;
	[tilespmem:s23+$0x34F0] =	vst v52;
	v1 =	vadd.f32 v7, v49  }
0x1a8: {  	[tilespmem:s23+$0x34C0] =	vst v0;
	v51 =	vadd.f32 v6, v60  }
0x1a9: {  	[tilespmem:s23+$0x34D0] =	vst v1;
	v3 =	vadd.f32 v45, v8  }
0x1aa: {  	[tilespmem:s23+$0x34E0] =	vst v51  }
0x1ab: {  	[tilespmem:s23+$0x34B0] =	vst v3;
	s23 =	simm.s32 $0x0  }
0x1ac: {  	[tilespmem:s23], [sflag:$0x2] =	stream.linear.gather [hbm4b:s9+s23], $0x40, $0x38;
	[tilespmem:$0x1A080] =	vst v63  }
0x1ad: {  	_ =	swait.ge [sflag:s14], $0x40  }
0x1ae: {  	[sflag:s14] =	ssyncset.done $0x0  }
0x1af: {  	s22 =	simm.s32 $0x80;
	[sflag:s14] =	ssyncadd.s32 $0xFFFFFFC0  }
0x1b0: {  	[tilespmem:s22], [sflag:$0x2] =	stream.linear.gather [hbm4b:s10+s23], $0x2000, $0x38;
	[tilespmem:$0x1A080] =	vst v63  }
0x1b1: {  	_ =	swait.ge [sflag:s14], $0x2000  }
0x1b2: {  	[sflag:s14] =	ssyncset.done $0x0  }
0x1b3: {  	[sflag:s14] =	ssyncadd.s32 $0xFFFFE000  }
0x1b4: {  	v53 =	vld [tilespmem:$0x0];
	_ =	sdelay $0x3  }
0x1b5: {  	v55 =	vld [tilespmem:$0x1FFD0]  }
0x1b6: {  	v54 =	vshrl.u32 v53, $0x3  }
0x1b7: {  	v56 =	vld [tilespmem:$0x1FFE0];
	v1 =	vmul.u32 $0x30, v54  }
0x1b8: {  	v0 =	vand.u32 $0x7, v53  }
0x1b9: {  	v0 =	vor.u32 v0, v1  }
0x1ba: {  	v1 =	vperm.xlane v0, v55  }
0x1bb: {  	v57 =	vld [tilespmem:$0x1FFF0]  }
0x1bc: {  	v1 =	vadd.s32 v56, v1;
	_ =	sdelay $0x3  }
0x1bd: {  	s24 =	simm.s32 $0xE080;
	v0 =	vperm.xlane v0, v57  }
0x1be: {  	[tilespmem:s24], [sflag:$0x1] =	stream.indirect_vreg.gather [hbm4b:s3+s23], $0x80, v1, vm0, $0xb8;
	[tilespmem:$0x1A080] =	vst v63  }
0x1bf: {  	s26 =	simm.s32 $0xE880;
	v0 =	vadd.s32 v56, v0  }
0x1c0: {  	[tilespmem:s26], [sflag:$0x1] =	stream.indirect_vreg.gather [hbm4b:s7+s23], $0x80, v1, vm0, $0xb8;
	[tilespmem:$0x1A080] =	vst v63  }
0x1c1: {  	s28 =	simm.s32 $0xF080  }
0x1c2: {  	[tilespmem:s28], [sflag:$0x1] =	stream.indirect_vreg.gather [hbm4b:s8+s23], $0x80, v1, vm0, $0xb8;
	[tilespmem:$0x1A080] =	vst v63  }
0x1c3: {  	s25 =	simm.s32 $0xF880  }
0x1c4: {  	[tilespmem:s25], [sflag:$0x1] =	stream.indirect_vreg.gather [hbm4b:s3+s23], $0x80, v0, vm0, $0xb8;
	[tilespmem:$0x1A080] =	vst v63  }
0x1c5: {  	s26 =	simm.s32 $0x10080  }
0x1c6: {  	[tilespmem:s26], [sflag:$0x1] =	stream.indirect_vreg.gather [hbm4b:s7+s23], $0x80, v0, vm0, $0xb8;
	[tilespmem:$0x1A080] =	vst v63  }
0x1c7: {  	s28 =	simm.s32 $0x10880  }
0x1c8: {  	[tilespmem:s28], [sflag:$0x1] =	stream.indirect_vreg.gather [hbm4b:s8+s23], $0x80, v0, vm0, $0xb8;
	[tilespmem:$0x1A080] =	vst v63  }
0x1c9: {  	v0 =	vld [tilespmem:$0x10];
	_ =	sdelay $0x4  }
0x1ca: {  	v58 =	vshrl.u32 v0, $0x3  }
0x1cb: {  	v1 =	vmul.u32 $0x30, v58  }
0x1cc: {  	v0 =	vand.u32 $0x7, v0  }
0x1cd: {  	v0 =	vor.u32 v0, v1  }
0x1ce: {  	v1 =	vperm.xlane v0, v55;
	_ =	sdelay $0x1  }
0x1cf: {  	v1 =	vadd.s32 v56, v1;
	_ =	sdelay $0x3  }
0x1d0: {  	s25 =	simm.s32 $0x11080;
	v0 =	vperm.xlane v0, v57  }
0x1d1: {  	[tilespmem:s25], [sflag:$0x1] =	stream.indirect_vreg.gather [hbm4b:s3+s23], $0x80, v1, vm0, $0xb8;
	[tilespmem:$0x1A080] =	vst v63  }
0x1d2: {  	s26 =	simm.s32 $0x11880;
	v0 =	vadd.s32 v56, v0  }
0x1d3: {  	[tilespmem:s26], [sflag:$0x1] =	stream.indirect_vreg.gather [hbm4b:s7+s23], $0x80, v1, vm0, $0xb8;
	[tilespmem:$0x1A080] =	vst v63  }
0x1d4: {  	s28 =	simm.s32 $0x12080  }
0x1d5: {  	[tilespmem:s28], [sflag:$0x1] =	stream.indirect_vreg.gather [hbm4b:s8+s23], $0x80, v1, vm0, $0xb8;
	[tilespmem:$0x1A080] =	vst v63  }
0x1d6: {  	s25 =	simm.s32 $0x12880  }
0x1d7: {  	[tilespmem:s25], [sflag:$0x1] =	stream.indirect_vreg.gather [hbm4b:s3+s23], $0x80, v0, vm0, $0xb8;
	[tilespmem:$0x1A080] =	vst v63  }
0x1d8: {  	s26 =	simm.s32 $0x13080  }
0x1d9: {  	[tilespmem:s26], [sflag:$0x1] =	stream.indirect_vreg.gather [hbm4b:s7+s23], $0x80, v0, vm0, $0xb8;
	[tilespmem:$0x1A080] =	vst v63  }
0x1da: {  	s28 =	simm.s32 $0x13880  }
0x1db: {  	[tilespmem:s28], [sflag:$0x1] =	stream.indirect_vreg.gather [hbm4b:s8+s23], $0x80, v0, vm0, $0xb8;
	[tilespmem:$0x1A080] =	vst v63  }
0x1dc: {  	v0 =	vld [tilespmem:$0x20];
	_ =	sdelay $0x4  }
0x1dd: {  	v59 =	vshrl.u32 v0, $0x3  }
0x1de: {  	v1 =	vmul.u32 $0x30, v59  }
0x1df: {  	v0 =	vand.u32 $0x7, v0  }
0x1e0: {  	v0 =	vor.u32 v0, v1  }
0x1e1: {  	v1 =	vperm.xlane v0, v55;
	_ =	sdelay $0x1  }
0x1e2: {  	v1 =	vadd.s32 v56, v1;
	_ =	sdelay $0x3  }
0x1e3: {  	s25 =	simm.s32 $0x14080;
	v0 =	vperm.xlane v0, v57  }
0x1e4: {  	[tilespmem:s25], [sflag:$0x1] =	stream.indirect_vreg.gather [hbm4b:s3+s23], $0x80, v1, vm0, $0xb8;
	[tilespmem:$0x1A080] =	vst v63  }
0x1e5: {  	v0 =	vadd.s32 v56, v0  }
0x1e6: {  	[tilespmem:s29], [sflag:$0x1] =	stream.indirect_vreg.gather [hbm4b:s7+s23], $0x80, v1, vm0, $0xb8;
	[tilespmem:$0x1A080] =	vst v63  }
0x1e7: {  	_ = 	snop  }
0x1e8: {  	[tilespmem:s30], [sflag:$0x1] =	stream.indirect_vreg.gather [hbm4b:s8+s23], $0x80, v1, vm0, $0xb8;
	[tilespmem:$0x1A080] =	vst v63  }
0x1e9: {  	_ = 	snop  }
0x1ea: {  	[tilespmem:s31], [sflag:$0x1] =	stream.indirect_vreg.gather [hbm4b:s3+s23], $0x80, v0, vm0, $0xb8;
	[tilespmem:$0x1A080] =	vst v63  }
0x1eb: {  	_ = 	snop  }
0x1ec: {  	[tilespmem:s0], [sflag:$0x1] =	stream.indirect_vreg.gather [hbm4b:s7+s23], $0x80, v0, vm0, $0xb8;
	[tilespmem:$0x1A080] =	vst v63  }
0x1ed: {  	_ = 	snop  }
0x1ee: {  	[tilespmem:s1], [sflag:$0x1] =	stream.indirect_vreg.gather [hbm4b:s8+s23], $0x80, v0, vm0, $0xb8;
	[tilespmem:$0x1A080] =	vst v63  }
0x1ef: {  	v0 =	vld [tilespmem:$0x30];
	_ =	sdelay $0x4  }
0x1f0: {  	v60 =	vshrl.u32 v0, $0x3  }
0x1f1: {  	v1 =	vmul.u32 $0x30, v60  }
0x1f2: {  	v0 =	vand.u32 $0x7, v0  }
0x1f3: {  	v0 =	vor.u32 v0, v1  }
0x1f4: {  	v1 =	vperm.xlane v0, v55;
	_ =	sdelay $0x1  }
0x1f5: {  	v1 =	vadd.s32 v56, v1;
	_ =	sdelay $0x3  }
0x1f6: {  	v0 =	vperm.xlane v0, v57  }
0x1f7: {  	[tilespmem:s13], [sflag:$0x1] =	stream.indirect_vreg.gather [hbm4b:s3+s23], $0x80, v1, vm0, $0xb8;
	[tilespmem:$0x1A080] =	vst v63  }
0x1f8: {  	v0 =	vadd.s32 v56, v0  }
0x1f9: {  	[tilespmem:s15], [sflag:$0x1] =	stream.indirect_vreg.gather [hbm4b:s7+s23], $0x80, v1, vm0, $0xb8;
	[tilespmem:$0x1A080] =	vst v63  }
0x1fa: {  	_ = 	snop  }
0x1fb: {  	[tilespmem:s16], [sflag:$0x1] =	stream.indirect_vreg.gather [hbm4b:s8+s23], $0x80, v1, vm0, $0xb8;
	[tilespmem:$0x1A080] =	vst v63  }
0x1fc: {  	_ = 	snop  }
0x1fd: {  	[tilespmem:s17], [sflag:$0x1] =	stream.indirect_vreg.gather [hbm4b:s3+s23], $0x80, v0, vm0, $0xb8;
	[tilespmem:$0x1A080] =	vst v63  }
0x1fe: {  	_ = 	snop  }
0x1ff: {  	[tilespmem:s18], [sflag:$0x1] =	stream.indirect_vreg.gather [hbm4b:s7+s23], $0x80, v0, vm0, $0xb8;
	[tilespmem:$0x1A080] =	vst v63  }
0x200: {  	s26 =	simm.s32 $0x0  }
0x201: {  	[tilespmem:s19], [sflag:$0x1] =	stream.indirect_vreg.gather [hbm4b:s8+s23], $0x80, v0, vm0, $0xb8;
	[tilespmem:$0x1A080] =	vst v63  }
0x202: {  	s24 =	smul.u32 $0x1800, s26;
	_ =	swait.ge [sflag:s20], $0xC000  }
0x203: {  	s23 =	sand.u32 $0x380, s23;
	[sflag:s20] =	ssyncset.done $0x0  }
0x204: {  	s25 =	sor.u32 s23, s24;
	[sflag:s20] =	ssyncadd.s32 $0xFFFF4000  }
0x205: {  	v61 =	vld [tilespmem:s25+$0xE080]  }
0x206: {  	v62 =	vld [tilespmem:s25+$0xE090]  }
0x207: {  	v63 =	vld [tilespmem:s25+$0xE0A0]  }
0x208: {  	v23 =	vld [tilespmem:s25+$0xE0B0]  }
0x209: {  	v24 =	vld [tilespmem:s25+$0xE0C0]  }
0x20a: {  	v25 =	vld [tilespmem:s25+$0xE0D0]  }
0x20b: {  	v26 =	vld [tilespmem:s25+$0xE0E0]  }
0x20c: {  	v27 =	vld [tilespmem:s25+$0xE0F0]  }
0x20d: {  	v28 =	vld [tilespmem:s25+$0xE480]  }
0x20e: {  	v29 =	vld [tilespmem:s25+$0xE490]  }
0x20f: {  	v30 =	vld [tilespmem:s25+$0xE4A0]  }
0x210: {  	v31 =	vld [tilespmem:s25+$0xE4B0]  }
0x211: {  	v54 =	vld [tilespmem:s25+$0xE4C0]  }
0x212: {  	v55 =	vld [tilespmem:s25+$0xE4D0]  }
0x213: {  	v34 =	vld [tilespmem:s25+$0xE4E0]  }
0x214: {  	v35 =	vld [tilespmem:s25+$0xE4F0]  }
0x215: {  	v36 =	vld [tilespmem:s25+$0xE880]  }
0x216: {  	v37 =	vld [tilespmem:s25+$0xE890]  }
0x217: {  	v38 =	vld [tilespmem:s25+$0xE8A0]  }
0x218: {  	v39 =	vld [tilespmem:s25+$0xE8B0]  }
0x219: {  	v40 =	vld [tilespmem:s25+$0xE8C0]  }
0x21a: {  	v41 =	vld [tilespmem:s25+$0xE8D0]  }
0x21b: {  	v42 =	vld [tilespmem:s25+$0xE8E0]  }
0x21c: {  	v43 =	vld [tilespmem:s25+$0xE8F0]  }
0x21d: {  	v44 =	vld [tilespmem:s25+$0xEC80]  }
0x21e: {  	v45 =	vld [tilespmem:s25+$0xEC90]  }
0x21f: {  	v22 =	vld [tilespmem:s25+$0xECA0]  }
0x220: {  	v21 =	vld [tilespmem:s25+$0xECB0]  }
0x221: {  	v20 =	vld [tilespmem:s25+$0xECC0]  }
0x222: {  	v19 =	vld [tilespmem:s25+$0xECD0]  }
0x223: {  	v18 =	vld [tilespmem:s25+$0xECE0]  }
0x224: {  	v17 =	vld [tilespmem:s25+$0xECF0]  }
0x225: {  	v16 =	vld [tilespmem:s25+$0xF080]  }
0x226: {  	v15 =	vld [tilespmem:s25+$0xF090]  }
0x227: {  	v14 =	vld [tilespmem:s25+$0xF0A0]  }
0x228: {  	v13 =	vld [tilespmem:s25+$0xF0B0]  }
0x229: {  	v12 =	vld [tilespmem:s25+$0xF0C0]  }
0x22a: {  	v11 =	vld [tilespmem:s25+$0xF0D0]  }
0x22b: {  	v10 =	vld [tilespmem:s25+$0xF0E0]  }
0x22c: {  	v9 =	vld [tilespmem:s25+$0xF0F0]  }
0x22d: {  	v8 =	vld [tilespmem:s25+$0xF480]  }
0x22e: {  	v7 =	vld [tilespmem:s25+$0xF490]  }
0x22f: {  	v6 =	vld [tilespmem:s25+$0xF4A0]  }
0x230: {  	v5 =	vld [tilespmem:s25+$0xF4B0]  }
0x231: {  	v3 =	vld [tilespmem:s22+$0x0]  }
0x232: {  	v4 =	vld [tilespmem:s25+$0xF4C0]  }
0x233: {  	v56 =	vld [tilespmem:s25+$0x2080]  }
0x234: {  	v57 =	vld [tilespmem:s25+$0x2090]  }
0x235: {  	v58 =	vld [tilespmem:s25+$0x20A0]  }
0x236: {  	v59 =	vld [tilespmem:s25+$0x20B0]  }
0x237: {  	v60 =	vld [tilespmem:s25+$0x20C0]  }
0x238: {  	v48 =	vld [tilespmem:s25+$0x2480]  }
0x239: {  	v52 =	vld [tilespmem:s25+$0x2490]  }
0x23a: {  	v53 =	vld [tilespmem:s25+$0x24A0]  }
0x23b: {  	v0 =	vmul.f32 v61, v3;
	v61 =	vld [tilespmem:s25+$0x20D0]  }
0x23c: {  	v1 =	vmul.f32 v62, v3;
	v62 =	vld [tilespmem:s25+$0x20E0]  }
0x23d: {  	v2 =	vmul.f32 v63, v3;
	v23 =	vmul.f32 v23, v3;
	v63 =	vld [tilespmem:s25+$0x20F0];
	v0 =	vadd.f32 v0, v56  }
0x23e: {  	v24 =	vmul.f32 v24, v3;
	v1 =	vadd.f32 v1, v57;
	v57 =	vld [tilespmem:s25+$0x28F0]  }
0x23f: {  	v23 =	vadd.f32 v23, v59;
	v59 =	vld [tilespmem:s25+$0xF4D0];
	[tilespmem:s25+$0x2080] =	vst v0  }
0x240: {  	v28 =	vmul.f32 v28, v3;
	v24 =	vadd.f32 v24, v60;
	v60 =	vld [tilespmem:s25+$0xF4F0];
	[tilespmem:s25+$0x2090] =	vst v1  }
0x241: {  	v25 =	vmul.f32 v25, v3;
	v26 =	vmul.f32 v26, v3;
	v2 =	vadd.f32 v2, v58;
	[tilespmem:s25+$0x20B0] =	vst v23;
	v23 =	vld [tilespmem:s25+$0x24B0]  }
0x242: {  	v30 =	vmul.f32 v30, v3;
	[tilespmem:s25+$0x20C0] =	vst v24;
	v24 =	vmul.f32 v29, v3;
	v29 =	vld [tilespmem:s25+$0x24C0];
	v0 =	vadd.f32 v28, v48  }
0x243: {  	v27 =	vmul.f32 v27, v3;
	[tilespmem:s25+$0x20A0] =	vst v2;
	v28 =	vmul.f32 v54, v3;
	v54 =	vld [tilespmem:s25+$0x2880];
	v25 =	vadd.f32 v25, v61  }
0x244: {  	v2 =	vadd.f32 v30, v53;
	v30 =	vmul.f32 v55, v3;
	v55 =	vld [tilespmem:s25+$0x2890];
	v26 =	vadd.f32 v26, v62;
	[tilespmem:s25+$0x2480] =	vst v0  }
0x245: {  	v27 =	vadd.f32 v27, v63;
	[tilespmem:s25+$0x20D0] =	vst v25;
	v25 =	vld [tilespmem:s25+$0x24D0]  }
0x246: {  	v1 =	vadd.f32 v24, v52;
	v24 =	vmul.f32 v31, v3;
	[tilespmem:s25+$0x20E0] =	vst v26;
	v26 =	vld [tilespmem:s25+$0x24E0]  }
0x247: {  	[tilespmem:s25+$0x20F0] =	vst v27;
	v27 =	vld [tilespmem:s25+$0x24F0]  }
0x248: {  	v61 =	vld [tilespmem:s25+$0x2CC0];
	[tilespmem:s25+$0x24A0] =	vst v2;
	v23 =	vadd.f32 v24, v23  }
0x249: {  	v62 =	vld [tilespmem:s25+$0x3090];
	[tilespmem:s25+$0x2490] =	vst v1;
	v24 =	vmul.f32 v34, v3;
	v28 =	vadd.f32 v28, v29  }
0x24a: {  	v56 =	vmul.f32 v35, v3;
	v29 =	vld [tilespmem:s25+$0x28A0];
	[tilespmem:s25+$0x24B0] =	vst v23;
	v25 =	vadd.f32 v30, v25  }
0x24b: {  	v23 =	vld [tilespmem:s25+$0x28B0];
	[tilespmem:s25+$0x24C0] =	vst v28;
	v30 =	vmul.f32 v36, v3;
	v24 =	vadd.f32 v24, v26  }
0x24c: {  	v26 =	vld [tilespmem:s25+$0x28C0];
	v2 =	vadd.f32 v56, v27;
	v27 =	vmul.f32 v37, v3;
	[tilespmem:s25+$0x24D0] =	vst v25  }
0x24d: {  	v28 =	vmul.f32 v38, v3;
	v25 =	vld [tilespmem:s25+$0x28D0];
	v0 =	vadd.f32 v30, v54;
	[tilespmem:s25+$0x24E0] =	vst v24  }
0x24e: {  	v24 =	vld [tilespmem:s25+$0x28E0];
	v30 =	vmul.f32 v39, v3;
	v1 =	vadd.f32 v27, v55;
	[tilespmem:s25+$0x24F0] =	vst v2  }
0x24f: {  	v27 =	vmul.f32 v40, v3;
	v28 =	vadd.f32 v28, v29;
	v29 =	vld [tilespmem:s25+$0x2C80];
	[tilespmem:s25+$0x2880] =	vst v0  }
0x250: {  	v58 =	vmul.f32 v41, v3;
	v63 =	vld [tilespmem:s25+$0x30E0];
	v23 =	vadd.f32 v30, v23;
	[tilespmem:s25+$0x2890] =	vst v1  }
0x251: {  	v30 =	vmul.f32 v42, v3;
	[tilespmem:s25+$0x28A0] =	vst v28;
	v26 =	vadd.f32 v27, v26;
	v27 =	vld [tilespmem:s25+$0x2C90]  }
0x252: {  	v52 =	vld [tilespmem:s25+$0x34B0];
	v28 =	vmul.f32 v44, v3;
	[tilespmem:s25+$0x28B0] =	vst v23;
	v0 =	vadd.f32 v58, v25;
	v25 =	vmul.f32 v43, v3  }
0x253: {  	v23 =	vld [tilespmem:s25+$0xF4E0];
	v24 =	vadd.f32 v30, v24;
	[tilespmem:s25+$0x28C0] =	vst v26  }
0x254: {  	s28 =	simm.s32 $0x0;
	v26 =	vld [tilespmem:s25+$0x2CA0];
	v28 =	vadd.f32 v28, v29;
	v2 =	vadd.f32 v25, v57;
	[tilespmem:s25+$0x28D0] =	vst v0;
	v25 =	vmul.f32 v45, v3  }
0x255: {  	s23 =	smul.u32 $0x1800, s28;
	s24 =	simm.s32 $0x80;
	v20 =	vmul.f32 v20, v3;
	[tilespmem:s25+$0x28E0] =	vst v24;
	v24 =	vld [tilespmem:s25+$0x2CB0]  }
0x256: {  	s26 =	sand.u32 $0x380, s24;
	[tilespmem:s25+$0x2C80] =	vst v28;
	v25 =	vadd.f32 v25, v27;
	v27 =	vld [tilespmem:s25+$0x2CD0]  }
0x257: {  	s23 =	sor.u32 s26, s23;
	v22 =	vmul.f32 v22, v3;
	[tilespmem:s25+$0x28F0] =	vst v2;
	v2 =	vadd.f32 v20, v61;
	v20 =	vld [tilespmem:s25+$0x3080]  }
0x258: {  	v21 =	vmul.f32 v21, v3;
	v30 =	vld [tilespmem:s23+$0xE080]  }
0x259: {  	v22 =	vadd.f32 v22, v26;
	[tilespmem:s25+$0x2C90] =	vst v25;
	v25 =	vld [tilespmem:s25+$0x2CE0]  }
0x25a: {  	v32 =	vld [tilespmem:s23+$0xE090];
	v21 =	vadd.f32 v21, v24  }
0x25b: {  	[tilespmem:s25+$0x2CA0] =	vst v22;
	v22 =	vld [tilespmem:s25+$0x2CF0]  }
0x25c: {  	v19 =	vmul.f32 v19, v3;
	v15 =	vmul.f32 v15, v3;
	v38 =	vld [tilespmem:s23+$0xE0A0];
	[tilespmem:s25+$0x2CB0] =	vst v21  }
0x25d: {  	v53 =	vld [tilespmem:s23+$0xE0B0]  }
0x25e: {  	v18 =	vmul.f32 v18, v3;
	v19 =	vadd.f32 v19, v27;
	[tilespmem:s25+$0x2CC0] =	vst v2;
	v2 =	vadd.f32 v15, v62;
	v15 =	vld [tilespmem:s25+$0x30D0]  }
0x25f: {  	v54 =	vld [tilespmem:s23+$0xE0C0]  }
0x260: {  	v17 =	vmul.f32 v17, v3;
	v18 =	vadd.f32 v18, v25;
	[tilespmem:s25+$0x2CD0] =	vst v19;
	v19 =	vld [tilespmem:s25+$0x30A0]  }
0x261: {  	v16 =	vmul.f32 v16, v3;
	v51 =	vld [tilespmem:s23+$0xE0D0]  }
0x262: {  	v17 =	vadd.f32 v17, v22;
	[tilespmem:s25+$0x2CE0] =	vst v18;
	v18 =	vld [tilespmem:s25+$0x30B0]  }
0x263: {  	v16 =	vadd.f32 v16, v20;
	v48 =	vld [tilespmem:s23+$0xE0E0]  }
0x264: {  	[tilespmem:s25+$0x2CF0] =	vst v17;
	v17 =	vld [tilespmem:s25+$0x30C0]  }
0x265: {  	v14 =	vmul.f32 v14, v3;
	v10 =	vmul.f32 v10, v3;
	v55 =	vld [tilespmem:s23+$0xE0F0];
	[tilespmem:s25+$0x3080] =	vst v16  }
0x266: {  	v49 =	vld [tilespmem:s23+$0xE480]  }
0x267: {  	v13 =	vmul.f32 v13, v3;
	v14 =	vadd.f32 v14, v19;
	[tilespmem:s25+$0x3090] =	vst v2;
	v2 =	vadd.f32 v10, v63;
	v10 =	vld [tilespmem:s25+$0x34A0]  }
0x268: {  	v50 =	vld [tilespmem:s23+$0xE490]  }
0x269: {  	v12 =	vmul.f32 v12, v3;
	v13 =	vadd.f32 v13, v18;
	[tilespmem:s25+$0x30A0] =	vst v14;
	v14 =	vld [tilespmem:s25+$0x30F0]  }
0x26a: {  	v11 =	vmul.f32 v11, v3;
	v44 =	vld [tilespmem:s23+$0xE4A0]  }
0x26b: {  	v12 =	vadd.f32 v12, v17;
	[tilespmem:s25+$0x30B0] =	vst v13;
	v13 =	vld [tilespmem:s25+$0x3480]  }
0x26c: {  	v11 =	vadd.f32 v11, v15;
	v39 =	vld [tilespmem:s23+$0xE4B0]  }
0x26d: {  	v9 =	vmul.f32 v9, v3;
	[tilespmem:s25+$0x30C0] =	vst v12;
	v12 =	vld [tilespmem:s25+$0x3490]  }
0x26e: {  	v35 =	vld [tilespmem:s23+$0xE4C0];
	[tilespmem:s25+$0x30D0] =	vst v11  }
0x26f: {  	v8 =	vmul.f32 v8, v3;
	v41 =	vld [tilespmem:s23+$0xE4D0];
	v9 =	vadd.f32 v9, v14;
	[tilespmem:s25+$0x30E0] =	vst v2  }
0x270: {  	v40 =	vld [tilespmem:s23+$0xE4E0]  }
0x271: {  	v8 =	vadd.f32 v8, v13;
	[tilespmem:s25+$0x30F0] =	vst v9;
	v9 =	vld [tilespmem:s25+$0x34C0]  }
0x272: {  	v7 =	vmul.f32 v7, v3;
	v46 =	vld [tilespmem:s23+$0xE4F0]  }
0x273: {  	v6 =	vmul.f32 v6, v3;
	[tilespmem:s25+$0x3480] =	vst v8;
	v8 =	vld [tilespmem:s25+$0x34D0]  }
0x274: {  	v5 =	vmul.f32 v5, v3;
	v56 =	vld [tilespmem:s25+$0x34E0];
	v7 =	vadd.f32 v7, v12  }
0x275: {  	v4 =	vmul.f32 v4, v3;
	v57 =	vld [tilespmem:s25+$0x34F0];
	v6 =	vadd.f32 v6, v10  }
0x276: {  	v1 =	vmul.f32 v59, v3;
	v2 =	vadd.f32 v5, v52;
	v42 =	vld [tilespmem:s23+$0xE880];
	[tilespmem:s25+$0x3490] =	vst v7  }
0x277: {  	v58 =	vmul.f32 v23, v3;
	v37 =	vld [tilespmem:s23+$0xE890];
	[tilespmem:s25+$0x34A0] =	vst v6;
	v4 =	vadd.f32 v4, v9  }
0x278: {  	v36 =	vld [tilespmem:s23+$0xE8A0];
	[tilespmem:s25+$0x34B0] =	vst v2;
	v1 =	vadd.f32 v1, v8  }
0x279: {  	v2 =	vadd.f32 v58, v56;
	v47 =	vld [tilespmem:s23+$0xE8B0];
	[tilespmem:s25+$0x34C0] =	vst v4  }
0x27a: {  	v0 =	vmul.f32 v60, v3;
	v43 =	vld [tilespmem:s23+$0xE8C0];
	[tilespmem:s25+$0x34D0] =	vst v1  }
0x27b: {  	v52 =	vld [tilespmem:s23+$0xE8D0];
	[tilespmem:s25+$0x34E0] =	vst v2  }
0x27c: {  	v0 =	vadd.f32 v0, v57;
	v45 =	vld [tilespmem:s23+$0xE8E0]  }
0x27d: {  	v10 =	vld [tilespmem:s23+$0x34B0]  }
0x27e: {  	[tilespmem:s25+$0x34F0] =	vst v0;
	v57 =	vld [tilespmem:s23+$0x2CB0]  }
0x27f: {  	v33 =	vld [tilespmem:s23+$0xE8F0]  }
0x280: {  	v31 =	vld [tilespmem:s23+$0xEC80]  }
0x281: {  	v29 =	vld [tilespmem:s23+$0xEC90]  }
0x282: {  	v28 =	vld [tilespmem:s23+$0xECA0]  }
0x283: {  	v27 =	vld [tilespmem:s23+$0xECB0]  }
0x284: {  	v26 =	vld [tilespmem:s23+$0xECC0]  }
0x285: {  	v25 =	vld [tilespmem:s23+$0xECD0]  }
0x286: {  	v23 =	vld [tilespmem:s23+$0xECE0]  }
0x287: {  	v22 =	vld [tilespmem:s23+$0xECF0]  }
0x288: {  	v21 =	vld [tilespmem:s23+$0xF080]  }
0x289: {  	v20 =	vld [tilespmem:s23+$0xF090]  }
0x28a: {  	v19 =	vld [tilespmem:s23+$0xF0A0]  }
0x28b: {  	v17 =	vld [tilespmem:s23+$0xF0B0]  }
0x28c: {  	v16 =	vld [tilespmem:s23+$0xF0C0]  }
0x28d: {  	v15 =	vld [tilespmem:s23+$0xF0D0]  }
0x28e: {  	v14 =	vld [tilespmem:s23+$0xF0E0]  }
0x28f: {  	v13 =	vld [tilespmem:s23+$0xF0F0]  }
0x290: {  	v12 =	vld [tilespmem:s23+$0xF480]  }
0x291: {  	v11 =	vld [tilespmem:s23+$0xF490]  }
0x292: {  	v9 =	vld [tilespmem:s23+$0xF4A0]  }
0x293: {  	v0 =	vld [tilespmem:s23+$0xF4B0]  }
0x294: {  	v59 =	vld [tilespmem:s23+$0xF4C0]  }
0x295: {  	v60 =	vld [tilespmem:s23+$0xF4D0]  }
0x296: {  	v61 =	vld [tilespmem:s23+$0xF4E0]  }
0x297: {  	v62 =	vld [tilespmem:s23+$0xF4F0]  }
0x298: {  	v63 =	vld [tilespmem:s23+$0x34D0]  }
0x299: {  	v18 =	vld [tilespmem:s23+$0x30F0]  }
0x29a: {  	v24 =	vld [tilespmem:s23+$0x30D0]  }
0x29b: {  	v34 =	vld [tilespmem:s23+$0x3090]  }
0x29c: {  	v56 =	vld [tilespmem:s23+$0x2CF0];
	[tilespmem:$0x1FF10] =	vst v0  }
0x29d: {  	v58 =	vld [tilespmem:s23+$0x2C90];
	[tilespmem:$0x1FF20] =	vst v59  }
0x29e: {  	[tilespmem:$0x1FF30] =	vst v60;
	v59 =	vld [tilespmem:s23+$0x28D0]  }
0x29f: {  	[tilespmem:$0x1FF40] =	vst v61;
	v60 =	vld [tilespmem:s23+$0x28B0]  }
0x2a0: {  	[tilespmem:$0x1FF50] =	vst v62;
	v62 =	vld [tilespmem:s23+$0x24F0]  }
0x2a1: {  	s25 =	simm.s32 $0x2;
	[tilespmem:$0x1FF60] =	vst v63;
	v63 =	vld [tilespmem:s23+$0x24D0]  }
.LBB2_4:
0x2a2: {  	v0 =	vld [tilespmem:s23+$0x2490]  }
0x2a3: {  	v1 =	vld [tilespmem:s23+$0x20F0]  }
0x2a4: {  	v2 =	vld [tilespmem:s23+$0x20B0];
	s22 =	sadd.s32 $0x80, s22  }
0x2a5: {  	v61 =	vld [tilespmem:s22+$0x0]  }
0x2a6: {  	v3 =	vld [tilespmem:s23+$0x2090]  }
0x2a7: {  	v4 =	vld [tilespmem:s23+$0x2080]  }
0x2a8: {  	v5 =	vld [tilespmem:s23+$0x20A0]  }
0x2a9: {  	v6 =	vld [tilespmem:s23+$0x20C0]  }
0x2aa: {  	v7 =	vld [tilespmem:s23+$0x20D0];
	v32 =	vmul.f32 v32, v61  }
0x2ab: {  	v8 =	vld [tilespmem:s23+$0x20E0];
	v30 =	vmul.f32 v30, v61;
	v38 =	vmul.f32 v38, v61  }
0x2ac: {  	v53 =	vmul.f32 v53, v61;
	v13 =	vmul.f32 v13, v61;
	v3 =	vadd.f32 v32, v3;
	v32 =	vld [tilespmem:s23+$0x2480]  }
0x2ad: {  	v4 =	vadd.f32 v30, v4;
	v30 =	vmul.f32 v54, v61;
	v54 =	vmul.f32 v51, v61;
	v51 =	vld [tilespmem:s23+$0x24A0]  }
0x2ae: {  	v2 =	vadd.f32 v53, v2;
	v53 =	vmul.f32 v48, v61;
	v48 =	vld [tilespmem:s23+$0x24B0]  }
0x2af: {  	v5 =	vadd.f32 v38, v5;
	v13 =	vadd.f32 v13, v18;
	v18 =	vld [tilespmem:s23+$0x34F0]  }
0x2b0: {  	[tilespmem:s23+$0x2090] =	vst v3;
	v3 =	vadd.f32 v54, v7;
	v54 =	vmul.f32 v49, v61;
	v49 =	vld [tilespmem:s23+$0x24C0]  }
0x2b1: {  	[tilespmem:s23+$0x20A0] =	vst v5;
	v5 =	vadd.f32 v53, v8;
	v8 =	vld [tilespmem:s23+$0x24E0]  }
0x2b2: {  	[tilespmem:s23+$0x2080] =	vst v4;
	v4 =	vadd.f32 v30, v6;
	v30 =	vmul.f32 v55, v61;
	v55 =	vmul.f32 v50, v61;
	v50 =	vld [tilespmem:s23+$0x2890]  }
0x2b3: {  	v53 =	vmul.f32 v44, v61;
	[tilespmem:s23+$0x20B0] =	vst v2;
	v44 =	vmul.f32 v41, v61;
	v41 =	vld [tilespmem:s23+$0x2CE0]  }
0x2b4: {  	v1 =	vadd.f32 v30, v1;
	v30 =	vld [tilespmem:s23+$0x2880];
	[tilespmem:s23+$0x20C0] =	vst v4  }
0x2b5: {  	[tilespmem:s23+$0x20D0] =	vst v3;
	v6 =	vadd.f32 v44, v63;
	v63 =	vld [tilespmem:s23+$0x28C0];
	v2 =	vadd.f32 v54, v32;
	v54 =	vmul.f32 v39, v61  }
0x2b6: {  	v0 =	vadd.f32 v55, v0;
	v55 =	vmul.f32 v35, v61;
	[tilespmem:s23+$0x20E0] =	vst v5;
	v44 =	vld [tilespmem:s23+$0x28E0]  }
0x2b7: {  	v4 =	vadd.f32 v53, v51;
	v51 =	vmul.f32 v40, v61;
	[tilespmem:s23+$0x20F0] =	vst v1;
	v3 =	vadd.f32 v54, v48;
	v54 =	vld [tilespmem:s23+$0x28A0]  }
0x2b8: {  	v31 =	vmul.f32 v31, v61;
	v28 =	vmul.f32 v28, v61;
	[tilespmem:s23+$0x2490] =	vst v0;
	v5 =	vadd.f32 v55, v49;
	v49 =	vld [tilespmem:s23+$0x28F0]  }
0x2b9: {  	[tilespmem:s23+$0x24D0] =	vst v6;
	v55 =	vmul.f32 v42, v61;
	v42 =	vadd.f32 v51, v8;
	v51 =	vmul.f32 v52, v61;
	v52 =	vld [tilespmem:s23+$0x2C80]  }
0x2ba: {  	v53 =	vmul.f32 v46, v61;
	v8 =	vmul.f32 v37, v61;
	[tilespmem:s23+$0x2480] =	vst v2;
	v37 =	vld [tilespmem:s23+$0x2CD0]  }
0x2bb: {  	v26 =	vmul.f32 v26, v61;
	v23 =	vmul.f32 v23, v61;
	[tilespmem:s23+$0x24A0] =	vst v4;
	v46 =	vadd.f32 v55, v30;
	v55 =	vld [tilespmem:s23+$0x2CA0]  }
0x2bc: {  	v25 =	vmul.f32 v25, v61;
	v7 =	vadd.f32 v53, v62;
	v62 =	vld [tilespmem:s23+$0x2CC0];
	v30 =	vmul.f32 v36, v61;
	[tilespmem:s23+$0x24B0] =	vst v3  }
0x2bd: {  	v48 =	vmul.f32 v47, v61;
	v50 =	vadd.f32 v8, v50;
	[tilespmem:s23+$0x2880] =	vst v46;
	v46 =	vadd.f32 v23, v41;
	v23 =	vld [tilespmem:s23+$0x30E0]  }
0x2be: {  	v8 =	vmul.f32 v43, v61;
	[tilespmem:s23+$0x24E0] =	vst v42;
	v53 =	vadd.f32 v30, v54;
	v42 =	vadd.f32 v31, v52;
	v31 =	vld [tilespmem:s23+$0x3080]  }
0x2bf: {  	[tilespmem:s23+$0x24C0] =	vst v5;
	v30 =	vadd.f32 v48, v60;
	v54 =	vmul.f32 v45, v61;
	v45 =	vadd.f32 v25, v37;
	v25 =	vld [tilespmem:s23+$0x30C0]  }
0x2c0: {  	[tilespmem:s23+$0x24F0] =	vst v7;
	v60 =	vadd.f32 v8, v63;
	v43 =	vadd.f32 v28, v55;
	v28 =	vld [tilespmem:s23+$0x30A0]  }
0x2c1: {  	v14 =	vmul.f32 v14, v61;
	[tilespmem:s23+$0x2890] =	vst v50;
	v63 =	vadd.f32 v54, v44;
	v44 =	vadd.f32 v26, v62;
	v26 =	vld [tilespmem:s23+$0x30B0]  }
0x2c2: {  	v33 =	vmul.f32 v33, v61;
	[tilespmem:s23+$0x28B0] =	vst v30;
	v30 =	vld [tilespmem:s23+$0x3480]  }
0x2c3: {  	v16 =	vmul.f32 v16, v61;
	v8 =	vadd.f32 v51, v59;
	[tilespmem:s23+$0x28C0] =	vst v60;
	v60 =	vadd.f32 v14, v23;
	v14 =	vld [tilespmem:s23+$0x34E0]  }
0x2c4: {  	v19 =	vmul.f32 v19, v61;
	v40 =	vadd.f32 v33, v49;
	[tilespmem:s23+$0x28A0] =	vst v53;
	v23 =	vld [tilespmem:$0x1FF30]  }
0x2c5: {  	s26 =	sshrl.u32 s25, $0x3;
	v29 =	vmul.f32 v29, v61;
	v17 =	vmul.f32 v17, v61;
	[tilespmem:s23+$0x28D0] =	vst v8;
	v59 =	vadd.f32 v16, v25;
	v16 =	vld [tilespmem:s23+$0x34C0]  }
0x2c6: {  	s24 =	sadd.s32 $0x80, s24;
	s26 =	smul.u32 $0x1800, s26;
	v12 =	vmul.f32 v12, v61;
	[tilespmem:s23+$0x28F0] =	vst v40;
	v47 =	vadd.f32 v19, v28;
	v19 =	vld [tilespmem:s23+$0x3490]  }
0x2c7: {  	s28 =	sand.u32 $0x380, s24;
	v27 =	vmul.f32 v27, v61;
	v29 =	vadd.f32 v29, v58;
	[tilespmem:s23+$0x2C80] =	vst v42;
	v8 =	vadd.f32 v17, v26;
	v17 =	vld [tilespmem:s23+$0x34A0]  }
0x2c8: {  	s26 =	sor.u32 s28, s26;
	[tilespmem:s23+$0x28E0] =	vst v63;
	v62 =	vadd.f32 v12, v30;
	v12 =	vld [tilespmem:$0x1FF10]  }
0x2c9: {  	v27 =	vadd.f32 v27, v57;
	v30 =	vld [tilespmem:s26+$0xE080];
	[tilespmem:s23+$0x2C90] =	vst v29  }
0x2ca: {  	v32 =	vld [tilespmem:s26+$0xE090];
	[tilespmem:s23+$0x2CA0] =	vst v43  }
0x2cb: {  	v38 =	vld [tilespmem:s26+$0xE0A0];
	[tilespmem:s23+$0x2CB0] =	vst v27  }
0x2cc: {  	v11 =	vmul.f32 v11, v61;
	v53 =	vld [tilespmem:s26+$0xE0B0];
	[tilespmem:s23+$0x2CC0] =	vst v44  }
0x2cd: {  	v9 =	vmul.f32 v9, v61;
	v54 =	vld [tilespmem:s26+$0xE0C0]  }
0x2ce: {  	v22 =	vmul.f32 v22, v61;
	v11 =	vadd.f32 v11, v19;
	v19 =	vld [tilespmem:$0x1FF20]  }
0x2cf: {  	v21 =	vmul.f32 v21, v61;
	[tilespmem:s23+$0x2CD0] =	vst v45;
	v63 =	vadd.f32 v9, v17;
	v17 =	vld [tilespmem:$0x1FF50]  }
0x2d0: {  	v20 =	vmul.f32 v20, v61;
	v22 =	vadd.f32 v22, v56;
	v12 =	vmul.f32 v12, v61;
	v51 =	vld [tilespmem:s26+$0xE0D0];
	[tilespmem:s23+$0x2CE0] =	vst v46  }
0x2d1: {  	v21 =	vadd.f32 v21, v31;
	v48 =	vld [tilespmem:s26+$0xE0E0]  }
0x2d2: {  	v20 =	vadd.f32 v20, v34;
	[tilespmem:s23+$0x2CF0] =	vst v22;
	v9 =	vadd.f32 v12, v10;
	v10 =	vld [tilespmem:$0x1FF40]  }
0x2d3: {  	v55 =	vld [tilespmem:s26+$0xE0F0];
	[tilespmem:s23+$0x3080] =	vst v21  }
0x2d4: {  	v49 =	vld [tilespmem:s26+$0xE480];
	[tilespmem:s23+$0x3090] =	vst v20  }
0x2d5: {  	v15 =	vmul.f32 v15, v61;
	v50 =	vld [tilespmem:s26+$0xE490];
	[tilespmem:s23+$0x30A0] =	vst v47  }
0x2d6: {  	v19 =	vmul.f32 v19, v61;
	v44 =	vld [tilespmem:s26+$0xE4A0];
	[tilespmem:s23+$0x30B0] =	vst v8  }
0x2d7: {  	v15 =	vadd.f32 v15, v24;
	v39 =	vld [tilespmem:s26+$0xE4B0]  }
0x2d8: {  	[tilespmem:s23+$0x30C0] =	vst v59;
	v12 =	vadd.f32 v19, v16;
	v16 =	vld [tilespmem:$0x1FF60]  }
0x2d9: {  	v35 =	vld [tilespmem:s26+$0xE4C0];
	[tilespmem:s23+$0x30D0] =	vst v15  }
0x2da: {  	v41 =	vld [tilespmem:s26+$0xE4D0];
	[tilespmem:s23+$0x30E0] =	vst v60  }
0x2db: {  	v40 =	vld [tilespmem:s26+$0xE4E0];
	[tilespmem:s23+$0x30F0] =	vst v13  }
0x2dc: {  	v46 =	vld [tilespmem:s26+$0xE4F0];
	[tilespmem:s23+$0x3480] =	vst v62  }
0x2dd: {  	v23 =	vmul.f32 v23, v61;
	v42 =	vld [tilespmem:s26+$0xE880];
	[tilespmem:s23+$0x3490] =	vst v11  }
0x2de: {  	v10 =	vmul.f32 v10, v61;
	v37 =	vld [tilespmem:s26+$0xE890];
	[tilespmem:s23+$0x34A0] =	vst v63  }
0x2df: {  	v17 =	vmul.f32 v17, v61;
	v16 =	vadd.f32 v23, v16;
	v36 =	vld [tilespmem:s26+$0xE8A0];
	[tilespmem:s23+$0x34B0] =	vst v9  }
0x2e0: {  	v57 =	vadd.f32 v10, v14;
	v47 =	vld [tilespmem:s26+$0xE8B0];
	[tilespmem:s23+$0x34C0] =	vst v12  }
0x2e1: {  	v58 =	vadd.f32 v17, v18;
	v43 =	vld [tilespmem:s26+$0xE8C0];
	[tilespmem:s23+$0x34D0] =	vst v16  }
0x2e2: {  	v52 =	vld [tilespmem:s26+$0xE8D0];
	[tilespmem:s23+$0x34E0] =	vst v57  }
0x2e3: {  	v45 =	vld [tilespmem:s26+$0xE8E0];
	[tilespmem:s23+$0x34F0] =	vst v58;
	s23 =	smov.u32 s26  }
0x2e4: {  	v33 =	vld [tilespmem:s23+$0xE8F0]  }
0x2e5: {  	v31 =	vld [tilespmem:s23+$0xEC80]  }
0x2e6: {  	v29 =	vld [tilespmem:s23+$0xEC90]  }
0x2e7: {  	v28 =	vld [tilespmem:s23+$0xECA0]  }
0x2e8: {  	v27 =	vld [tilespmem:s23+$0xECB0]  }
0x2e9: {  	v26 =	vld [tilespmem:s23+$0xECC0]  }
0x2ea: {  	v25 =	vld [tilespmem:s23+$0xECD0]  }
0x2eb: {  	v23 =	vld [tilespmem:s23+$0xECE0]  }
0x2ec: {  	v22 =	vld [tilespmem:s23+$0xECF0]  }
0x2ed: {  	v21 =	vld [tilespmem:s23+$0xF080]  }
0x2ee: {  	v20 =	vld [tilespmem:s23+$0xF090]  }
0x2ef: {  	v19 =	vld [tilespmem:s23+$0xF0A0]  }
0x2f0: {  	v17 =	vld [tilespmem:s23+$0xF0B0]  }
0x2f1: {  	v16 =	vld [tilespmem:s23+$0xF0C0]  }
0x2f2: {  	v15 =	vld [tilespmem:s23+$0xF0D0]  }
0x2f3: {  	v14 =	vld [tilespmem:s23+$0xF0E0]  }
0x2f4: {  	v13 =	vld [tilespmem:s23+$0xF0F0]  }
0x2f5: {  	v12 =	vld [tilespmem:s23+$0xF480]  }
0x2f6: {  	v11 =	vld [tilespmem:s23+$0xF490]  }
0x2f7: {  	v9 =	vld [tilespmem:s23+$0xF4A0]  }
0x2f8: {  	v0 =	vld [tilespmem:s23+$0xF4B0]  }
0x2f9: {  	v59 =	vld [tilespmem:s23+$0xF4C0]  }
0x2fa: {  	v60 =	vld [tilespmem:s23+$0xF4D0]  }
0x2fb: {  	v61 =	vld [tilespmem:s23+$0xF4E0]  }
0x2fc: {  	v62 =	vld [tilespmem:s23+$0xF4F0]  }
0x2fd: {  	v63 =	vld [tilespmem:s23+$0x34D0]  }
0x2fe: {  	v10 =	vld [tilespmem:s23+$0x34B0]  }
0x2ff: {  	v18 =	vld [tilespmem:s23+$0x30F0]  }
0x300: {  	v24 =	vld [tilespmem:s23+$0x30D0]  }
0x301: {  	v34 =	vld [tilespmem:s23+$0x3090]  }
0x302: {  	v56 =	vld [tilespmem:s23+$0x2CF0]  }
0x303: {  	p0 =	sne.s32 s25, $0x3F;
	v57 =	vld [tilespmem:s23+$0x2CB0];
	[tilespmem:$0x1FF10] =	vst v0  }
.Ltmp1:
0x304: {  	v58 =	vld [tilespmem:s23+$0x2C90];
	[tilespmem:$0x1FF20] =	vst v59;
	(pc) =	sbr.rel @p0 .LBB2_4-.Ltmp1, $4  }
0x305: {  	[tilespmem:$0x1FF30] =	vst v60;
	v59 =	vld [tilespmem:s23+$0x28D0]  }
0x306: {  	[tilespmem:$0x1FF40] =	vst v61;
	v60 =	vld [tilespmem:s23+$0x28B0]  }
0x307: {  	[tilespmem:$0x1FF50] =	vst v62;
	v62 =	vld [tilespmem:s23+$0x24F0]  }
0x308: {  	s25 =	sadd.s32 $0x1, s25;
	[tilespmem:$0x1FF60] =	vst v63;
	v63 =	vld [tilespmem:s23+$0x24D0]  }
0x309: {  	s22 =	sadd.s32 $0x80, s22  }
0x30a: {  	v61 =	vld [tilespmem:s22+$0x0];
	_ =	sdelay $0x1  }
0x30b: {  	v0 =	vld [tilespmem:s23+$0x2080]  }
0x30c: {  	v1 =	vld [tilespmem:s23+$0x2090]  }
0x30d: {  	v2 =	vld [tilespmem:s23+$0x20A0]  }
0x30e: {  	v4 =	vld [tilespmem:s23+$0x20B0];
	v3 =	vmul.f32 v30, v61  }
0x30f: {  	v5 =	vmul.f32 v32, v61  }
0x310: {  	v6 =	vld [tilespmem:s23+$0x20C0];
	v38 =	vmul.f32 v38, v61;
	v0 =	vadd.f32 v3, v0  }
0x311: {  	v7 =	vld [tilespmem:s23+$0x20D0];
	v53 =	vmul.f32 v53, v61;
	v1 =	vadd.f32 v5, v1  }
0x312: {  	v8 =	vld [tilespmem:s23+$0x20E0];
	v29 =	vmul.f32 v29, v61;
	v2 =	vadd.f32 v38, v2;
	[tilespmem:s23+$0x2080] =	vst v0  }
0x313: {  	v30 =	vmul.f32 v54, v61;
	v32 =	vld [tilespmem:s23+$0x20F0];
	v4 =	vadd.f32 v53, v4;
	[tilespmem:s23+$0x2090] =	vst v1  }
0x314: {  	v54 =	vld [tilespmem:s23+$0x24A0];
	v38 =	vmul.f32 v51, v61;
	v29 =	vadd.f32 v29, v58;
	[tilespmem:s23+$0x20A0] =	vst v2  }
0x315: {  	v51 =	vld [tilespmem:s23+$0x2480];
	v53 =	vmul.f32 v48, v61;
	v0 =	vadd.f32 v30, v6;
	[tilespmem:s23+$0x20B0] =	vst v4  }
0x316: {  	v3 =	vld [tilespmem:s23+$0x2490];
	v5 =	vadd.f32 v38, v7;
	v38 =	vmul.f32 v55, v61;
	[tilespmem:s23+$0x2C90] =	vst v29  }
0x317: {  	v6 =	vadd.f32 v53, v8;
	v53 =	vmul.f32 v44, v61;
	[tilespmem:s23+$0x20C0] =	vst v0  }
0x318: {  	v48 =	vmul.f32 v49, v61;
	v49 =	vld [tilespmem:s23+$0x24B0];
	[tilespmem:s23+$0x20D0] =	vst v5;
	v1 =	vadd.f32 v38, v32  }
0x319: {  	v50 =	vmul.f32 v50, v61;
	[tilespmem:s23+$0x20E0] =	vst v6;
	v4 =	vadd.f32 v53, v54  }
0x31a: {  	v20 =	vmul.f32 v20, v61;
	v55 =	vld [tilespmem:s23+$0x24E0];
	v2 =	vadd.f32 v48, v51;
	[tilespmem:s23+$0x20F0] =	vst v1  }
0x31b: {  	v7 =	vld [tilespmem:s23+$0x28A0];
	v54 =	vmul.f32 v39, v61;
	v39 =	vmul.f32 v41, v61;
	v3 =	vadd.f32 v50, v3;
	[tilespmem:s23+$0x24A0] =	vst v4  }
0x31c: {  	v41 =	vmul.f32 v46, v61;
	v48 =	vmul.f32 v47, v61;
	v47 =	vadd.f32 v20, v34;
	[tilespmem:s23+$0x2480] =	vst v2  }
0x31d: {  	v40 =	vmul.f32 v40, v61;
	v0 =	vld [tilespmem:s23+$0x2880];
	v8 =	vadd.f32 v54, v49;
	[tilespmem:s23+$0x2490] =	vst v3  }
0x31e: {  	v36 =	vmul.f32 v36, v61;
	v5 =	vld [tilespmem:s23+$0x2890];
	v38 =	vadd.f32 v41, v62;
	[tilespmem:s23+$0x3090] =	vst v47  }
0x31f: {  	v51 =	vld [tilespmem:s23+$0x24C0];
	v50 =	vmul.f32 v52, v61;
	v32 =	vadd.f32 v40, v55;
	[tilespmem:s23+$0x24B0] =	vst v8  }
0x320: {  	v44 =	vmul.f32 v42, v61;
	v7 =	vadd.f32 v36, v7;
	[tilespmem:s23+$0x24F0] =	vst v38  }
0x321: {  	v37 =	vmul.f32 v37, v61;
	v36 =	vadd.f32 v50, v59;
	[tilespmem:s23+$0x24E0] =	vst v32  }
0x322: {  	v35 =	vmul.f32 v35, v61;
	v6 =	vld [tilespmem:s23+$0x28C0];
	v0 =	vadd.f32 v44, v0;
	[tilespmem:s23+$0x28A0] =	vst v7  }
0x323: {  	v1 =	vld [tilespmem:s23+$0x28E0];
	v5 =	vadd.f32 v37, v5;
	[tilespmem:s23+$0x28D0] =	vst v36  }
0x324: {  	v2 =	vld [tilespmem:s23+$0x28F0];
	v30 =	vadd.f32 v35, v51;
	[tilespmem:s23+$0x2880] =	vst v0  }
0x325: {  	v49 =	vmul.f32 v43, v61;
	v3 =	vld [tilespmem:s23+$0x2C80];
	v35 =	vadd.f32 v39, v63;
	[tilespmem:s23+$0x2890] =	vst v5  }
0x326: {  	v52 =	vmul.f32 v45, v61;
	v8 =	vld [tilespmem:s23+$0x2CC0];
	v0 =	vadd.f32 v48, v60;
	[tilespmem:s23+$0x24C0] =	vst v30  }
0x327: {  	v4 =	vld [tilespmem:s23+$0x2CA0];
	v55 =	vmul.f32 v33, v61;
	v5 =	vadd.f32 v49, v6;
	[tilespmem:s23+$0x24D0] =	vst v35  }
0x328: {  	v31 =	vmul.f32 v31, v61;
	v58 =	vld [tilespmem:$0x1FF30];
	v54 =	vadd.f32 v52, v1;
	[tilespmem:s23+$0x28B0] =	vst v0  }
0x329: {  	v26 =	vmul.f32 v26, v61;
	v46 =	vld [tilespmem:s23+$0x3080];
	v1 =	vadd.f32 v55, v2;
	[tilespmem:s23+$0x28C0] =	vst v5  }
0x32a: {  	v53 =	vld [tilespmem:s23+$0x30E0];
	v33 =	vmul.f32 v28, v61;
	v3 =	vadd.f32 v31, v3;
	[tilespmem:s23+$0x28E0] =	vst v54  }
0x32b: {  	v40 =	vmul.f32 v27, v61;
	v60 =	vld [tilespmem:s23+$0x3490];
	v8 =	vadd.f32 v26, v8;
	[tilespmem:s23+$0x28F0] =	vst v1  }
0x32c: {  	v45 =	vmul.f32 v21, v61;
	v35 =	vld [tilespmem:s23+$0x2CE0];
	[tilespmem:s23+$0x2C80] =	vst v3;
	v1 =	vadd.f32 v33, v4  }
0x32d: {  	v44 =	vmul.f32 v22, v61;
	v30 =	vld [tilespmem:s23+$0x2CD0];
	v3 =	vadd.f32 v40, v57;
	[tilespmem:s23+$0x2CC0] =	vst v8  }
0x32e: {  	v38 =	vld [tilespmem:s23+$0x30A0];
	v54 =	vmul.f32 v11, v61;
	v8 =	vadd.f32 v45, v46;
	[tilespmem:s23+$0x2CA0] =	vst v1  }
0x32f: {  	v42 =	vmul.f32 v23, v61;
	v51 =	vld [tilespmem:s23+$0x30C0];
	[tilespmem:s23+$0x2CB0] =	vst v3;
	v3 =	vadd.f32 v44, v56  }
0x330: {  	v25 =	vmul.f32 v25, v61;
	v37 =	vld [tilespmem:s23+$0x30B0];
	v6 =	vadd.f32 v54, v60;
	[tilespmem:s23+$0x3080] =	vst v8  }
0x331: {  	v62 =	vld [tilespmem:s23+$0x34A0];
	v46 =	vmul.f32 v19, v61;
	v1 =	vadd.f32 v42, v35;
	[tilespmem:s23+$0x2CF0] =	vst v3  }
0x332: {  	v59 =	vld [tilespmem:s23+$0x3480];
	v49 =	vmul.f32 v16, v61;
	v43 =	vadd.f32 v25, v30;
	[tilespmem:s23+$0x3490] =	vst v6  }
0x333: {  	v50 =	vmul.f32 v14, v61;
	v63 =	vld [tilespmem:s23+$0x34C0];
	v48 =	vmul.f32 v17, v61;
	[tilespmem:s23+$0x2CE0] =	vst v1;
	v1 =	vadd.f32 v46, v38  }
0x334: {  	v15 =	vmul.f32 v15, v61;
	v57 =	vld [tilespmem:$0x1FF20];
	v8 =	vadd.f32 v49, v51;
	[tilespmem:s23+$0x2CD0] =	vst v43  }
0x335: {  	v56 =	vld [tilespmem:$0x1FF10];
	v3 =	vadd.f32 v48, v37;
	[tilespmem:s23+$0x30A0] =	vst v1;
	v1 =	vadd.f32 v50, v53;
	v53 =	vmul.f32 v12, v61  }
0x336: {  	v52 =	vmul.f32 v13, v61;
	v55 =	vmul.f32 v9, v61;
	v60 =	vld [tilespmem:$0x1FF60];
	[tilespmem:s23+$0x30C0] =	vst v8  }
0x337: {  	v51 =	vadd.f32 v15, v24;
	[tilespmem:s23+$0x30B0] =	vst v3;
	v5 =	vadd.f32 v53, v59;
	v59 =	vld [tilespmem:$0x1FF40]  }
0x338: {  	v3 =	vadd.f32 v52, v18;
	[tilespmem:s23+$0x30E0] =	vst v1;
	v1 =	vadd.f32 v55, v62;
	v62 =	vld [tilespmem:$0x1FF50]  }
0x339: {  	v36 =	vld [tilespmem:s23+$0x34E0];
	[tilespmem:s23+$0x30D0] =	vst v51;
	v2 =	vmul.f32 v57, v61  }
0x33a: {  	v41 =	vld [tilespmem:s23+$0x34F0];
	[tilespmem:s23+$0x30F0] =	vst v3;
	v3 =	vmul.f32 v56, v61  }
0x33b: {  	v0 =	vadd.f32 v2, v63;
	[tilespmem:s23+$0x3480] =	vst v5;
	v5 =	vmul.f32 v58, v61  }
0x33c: {  	v3 =	vadd.f32 v3, v10;
	[tilespmem:s23+$0x34A0] =	vst v1;
	v1 =	vmul.f32 v59, v61  }
0x33d: {  	[tilespmem:s23+$0x34C0] =	vst v0;
	v2 =	vadd.f32 v5, v60;
	v5 =	vmul.f32 v62, v61  }
0x33e: {  	[tilespmem:s23+$0x34B0] =	vst v3;
	v1 =	vadd.f32 v1, v36  }
0x33f: {  	s21 =	sadd.s32 $0x1, s21;
	[tilespmem:s23+$0x34D0] =	vst v2;
	v63 =	vadd.f32 v5, v41  }
0x340: {  	p0 =	sne.s32 s21, s12;
	[tilespmem:s23+$0x34E0] =	vst v1  }
.Ltmp2:
0x341: {  	s22 =	simm.s32 $0x2080;
	[tilespmem:s23+$0x34F0] =	vst v63;
	(pc) =	sbr.rel @p0 .LBB2_1-.Ltmp2, $4  }
0x342: {  	[hbm4b:s11+s2] =	stream.linear.scatter [tilespmem:s22], [sflag:$0x2], $0xC000, $0x38;
	[tilespmem:$0x1A080] =	vst v63  }
0x343: {  	_ =	swait.ge [sflag:s14], $0xC000  }
0x344: {  	[sflag:s14] =	ssyncset.done $0x0  }
0x345: {  	[sflag:s14] =	ssyncadd.s32 $0xFFFF4000  }
0x346: {  	_ =	sfence.sel $0x180000  }
0x347: {  	[bflag:$0x0] =	sbarrier.arrive $0xFFFF  }
0x348: {  	_ =	strace $0x9000004A  }
0x349: {  	s0 =	stileid.u32;
	[bflag:$0x2] =	sbarrier.arrive $0xFFFF  }
0x34a: {  	p0 =	sne.s32 s0, $0x0;
	s0 =	rddreg [dreg:$0x3]  }
0x34b: {  	s0 =	sadd.s32 @!p0 $0x100000, s0  }
0x34c: {  	[sflag:s0] =	ssyncadd.tile.s32 @!p0 $0x1;
	_ =	shalt  }
.Lfunc_end2:
_tile_overlayer_lowered:
.L_overlay_start_2:
0x34d: {  	(tag) =	ssettag $0x2  }
0x34e: {  	s0 =	rddreg [dreg:$0x0];
	s2 =	stileid.u32  }
0x34f: {  	s1 =	rddreg [dreg:$0x1];
	p0 =	sne.s32 s2, $0x0  }
0x350: {  	s3 =	rddreg [dreg:$0x2];
	[bflag:$0x3] =	sbarrier.arrive $0xFFFF;
	s2 =	simm.s32 @!p0 $0x1C02  }
0x351: {  	[timem:s3], [sflag:s2] =	dma.local @!p0 [hbm:s0], s1  }
0x352: {  	s0 =	simm.s32 @!p0 $0x2  }
0x353: {  	_ =	swait.ge @!p0 [sflag:s0], s1  }
0x354: {  	s1 =	ssub.s32 @!p0 $0x0, s1;
	[sflag:s0] =	ssyncset.done @!p0 $0x0  }
0x355: {  	[sflag:s0] =	ssyncadd.s32 @!p0 s1  }
0x356: {  	[bflag:$0x3] =	sbarrier.arrive $0xFFFF  }
0x357: {  	_ =	shalt  }

</sc_bundles>
